<compile_context>
chip_gen: v7x
topology: tpu7x:2x2x1
jax: 0.10.2.dev20260603
libtpu: 0.0.44.dev20260713+nightly
codegen_flags: <defaults>
</compile_context>

<pallas_src>
import functools

import jax
import jax.numpy as jnp
from jax import lax
from jax.experimental import pallas as pl
from jax.experimental.pallas import tpu as pltpu
from jax.experimental.pallas import tpu_sc as plsc

_INFO = plsc.get_sparse_core_info()
_NC = _INFO.num_cores
_NS = _INFO.num_subcores
_NW = _NC * _NS


def _sc_gather_fn(B, F, V, D):
    rows_w = B // _NW
    q_per_w = rows_w // 128
    n_chunks = F * q_per_w
    n_fo = rows_w // 16

    mesh = plsc.VectorSubcoreMesh(core_axis_name="c", subcore_axis_name="s")

    SUB = 2 if q_per_w % 2 == 0 else 1
    h_per_w = q_per_w // SUB
    n_super = F * h_per_w
    CR = SUB * 128

    NB = 3

    def body(idx_hbm, fo_hbm, so_hbm, flat_out, fo_out,
             idx_v, rows_v, val_v, acc_v, sem_so, sem_fo, sem_wr):
        wid = lax.axis_index("s") * _NC + lax.axis_index("c")
        pltpu.sync_copy(idx_hbm.at[wid], idx_v)
        base = wid * rows_w

        def fire(u, b):
            f = u // h_per_w
            h = lax.rem(u, h_per_w)
            for j in range(SUB):
                q = h * SUB + j
                pltpu.async_copy(so_hbm.at[idx_v.at[f, q]],
                                 rows_v.at[b, pl.ds(j * 128, 128)],
                                 sem_so.at[b])
                pltpu.async_copy(fo_hbm.at[idx_v.at[f, q]],
                                 val_v.at[b, j], sem_fo.at[b])

        def wait_write(b):
            pltpu.make_async_copy(rows_v.at[b],
                                  flat_out.at[0, pl.ds(0, CR)],
                                  sem_wr.at[b]).wait()

        def zinit(j, carry):
            acc_v[pl.ds(j * 16, 16)] = jnp.zeros((16,), jnp.float32)
            return carry
        lax.fori_loop(0, n_fo, zinit, 0)

        for u0 in range(2):
            fire(u0, u0)

        def chunk(u, carry):
            b = lax.rem(u, NB)
            f = u // h_per_w
            h = lax.rem(u, h_per_w)

            for j in range(SUB):
                pltpu.make_async_copy(so_hbm.at[pl.ds(0, 128)],
                                      rows_v.at[b, pl.ds(j * 128, 128)],
                                      sem_so.at[b]).wait()
            pltpu.async_copy(rows_v.at[b],
                             flat_out.at[f, pl.ds(base + h * CR, CR)],
                             sem_wr.at[b])

            @pl.when(u + 2 < n_super)
            def _():
                b2 = lax.rem(u + 2, NB)

                @pl.when(u >= 1)
                def _():
                    wait_write(b2)
                fire(u + 2, b2)

            for j in range(SUB):
                pltpu.make_async_copy(fo_hbm.at[pl.ds(0, 128)],
                                      val_v.at[b, j], sem_fo.at[b]).wait()
            for j in range(SUB):
                for k in range(8):
                    sl = pl.ds(h * CR + j * 128 + k * 16, 16)
                    acc_v[sl] = acc_v[sl] + val_v[b, j, pl.ds(k * 16, 16)]
            return carry
        lax.fori_loop(0, n_super, chunk, 0)

        for t in range(NB):
            u = n_super - NB + t
            if u >= 0:
                wait_write(u % NB)

        pltpu.sync_copy(acc_v, fo_out.at[pl.ds(base, rows_w)])

    return pl.kernel(
        body,
        mesh=mesh,
        out_type=(
            jax.ShapeDtypeStruct((F, B, D), jnp.float32),
            jax.ShapeDtypeStruct((B,), jnp.float32),
        ),
        scratch_types=[
            pltpu.VMEM((F, q_per_w, 128), jnp.int32),
            pltpu.VMEM((NB, CR, D), jnp.float32),
            pltpu.VMEM((NB, SUB, 128), jnp.float32),
            pltpu.VMEM((rows_w,), jnp.float32),
            pltpu.SemaphoreType.DMA((NB,)),
            pltpu.SemaphoreType.DMA((NB,)),
            pltpu.SemaphoreType.DMA((NB,)),
        ],
    )


def _tc_body(F, D, flat_ref, fo_ref, num_ref, wnum_ref, bnum_ref,
             w0e_ref, w0n_ref, b0_ref, w1_ref, b1_ref, w2_ref, b2_ref,
             wh_ref, wfm_ref, bout_ref, out_ref):
    x3 = flat_ref[...]
    xs = [x3[f] for f in range(F)]
    x2 = jnp.concatenate(xs, axis=1)

    s = xs[0]
    sq = xs[0] * xs[0]
    for f in range(1, F):
        s = s + xs[f]
        sq = sq + xs[f] * xs[f]
    fm2 = 0.5 * jnp.sum(s * s - sq, axis=1, keepdims=True)

    numeric = num_ref[...]
    fm1 = jnp.dot(numeric, wnum_ref[...]) + bnum_ref[...] + fo_ref[...]
    fm = fm1 + fm2

    def bdot(a, w):
        return jax.lax.dot_general(
            a.astype(jnp.bfloat16), w,
            (((1,), (0,)), ((), ())),
            preferred_element_type=jnp.float32)

    h = bdot(x2, w0e_ref[...]) + jnp.dot(numeric, w0n_ref[...]) + b0_ref[...]
    h = jnp.maximum(h, 0.0)
    h = jnp.maximum(bdot(h, w1_ref[...]) + b1_ref[...], 0.0)
    h = jnp.maximum(bdot(h, w2_ref[...]) + b2_ref[...], 0.0)

    total = fm * wfm_ref[...] + jnp.dot(h, wh_ref[...]) + bout_ref[...]
    out_ref[...] = 1.0 / (1.0 + jnp.exp(-total))


def kernel(numeric, categorical, W_num, b_num, fo_tables, so_tables,
           W0, b0, W1, b1, W2, b2, Wout, bout):
    B, ND = numeric.shape
    _, F = categorical.shape
    _, V, D = so_tables.shape
    H1 = W0.shape[1]
    H2 = W1.shape[1]
    H3 = W2.shape[1]

    NSPLIT = 4
    Bh = B // NSPLIT

    cidx = categorical.astype(jnp.int32) + (jnp.arange(F, dtype=jnp.int32) * V)[None, :]
    fo_flat = fo_tables.reshape(F * V)
    fo_pad_len = ((F * V + 7) // 8) * 8
    fo_flat = jnp.concatenate(
        [fo_flat, jnp.zeros((fo_pad_len - F * V,), jnp.float32)])
    so_flat = so_tables.reshape(F * V, D)

    rows_w = Bh // _NW
    idx_all = (cidx.T.reshape(F, NSPLIT, _NW, rows_w // 128, 128)
               .transpose(1, 2, 0, 3, 4))
    sc_fn = _sc_gather_fn(Bh, F, V, D)
    halves = []
    for p in range(NSPLIT):
        halves.append(sc_fn(idx_all[p], fo_flat, so_flat))

    w0n = W0[:ND]
    w0e = W0[ND:].astype(jnp.bfloat16)
    W1b = W1.astype(jnp.bfloat16)
    W2b = W2.astype(jnp.bfloat16)
    wh = Wout[1:]
    wfm = Wout[0:1]
    bnum = b_num.reshape(1, 1)
    boutr = bout.reshape(1, 1)
    b0r = b0.reshape(1, H1)
    b1r = b1.reshape(1, H2)
    b2r = b2.reshape(1, H3)

    BR = 256
    grid = (Bh // BR,)

    def full(shape):
        return pl.BlockSpec(shape, lambda i: (0,) * len(shape))

    tc_call = pl.pallas_call(
        functools.partial(_tc_body, F, D),
        grid=grid,
        in_specs=[
            pl.BlockSpec((F, BR, D), lambda i: (0, i, 0)),
            pl.BlockSpec((BR, 1), lambda i: (i, 0)),
            pl.BlockSpec((BR, ND), lambda i: (i, 0)),
            full((ND, 1)),
            full((1, 1)),
            full((F * D, H1)),
            full((ND, H1)),
            full((1, H1)),
            full((H1, H2)),
            full((1, H2)),
            full((H2, H3)),
            full((1, H3)),
            full((H3, 1)),
            full((1, 1)),
            full((1, 1)),
        ],
        out_specs=pl.BlockSpec((BR, 1), lambda i: (i, 0)),
        out_shape=jax.ShapeDtypeStruct((Bh, 1), jnp.float32),
    )

    outs = []
    for p in range(NSPLIT):
        flat3, fo_sum = halves[p]
        fo2 = fo_sum.reshape(Bh, 1)
        numeric_h = numeric[p * Bh:(p + 1) * Bh]
        outs.append(tc_call(
            flat3, fo2, numeric_h, W_num, bnum, w0e, w0n, b0r, W1b, b1r,
            W2b, b2r, wh, wfm, boutr))

    return jnp.concatenate(outs, axis=0).reshape(B)

# --- scband reference (transcript-rebuilt; emitter-appended) ---
"""Pipeline reference for scband-deep-fm-28424093565130 (READ-ONLY COPY).

The authoritative reference and input builder live on the scoring server;
editing this copy changes nothing except your own understanding.
"""

import jax, jax.numpy as jnp
import numpy as np

B = 16384
F = 26
V = 1001
D = 128
ND = 13
MLP = [1024, 512, 256]

def setup_inputs(seed: int = 0) -> dict:
    key = jax.random.key(seed)
    ks = jax.random.split(key, 20)
    numeric = jax.random.normal(ks[0], (B, ND), dtype=jnp.float32)
    categorical = jax.random.randint(ks[1], (B, F), 0, 1000).astype(jnp.int32)
    W_num = jax.random.normal(ks[2], (ND, 1), dtype=jnp.float32) * 0.05
    b_num = jnp.zeros((1,), dtype=jnp.float32)
    fo_tables = jax.random.normal(ks[3], (F, V, 1), dtype=jnp.float32) * 0.05
    so_tables = jax.random.normal(ks[4], (F, V, D), dtype=jnp.float32) * 0.05
    dims = [ND + F * D] + MLP
    W0 = jax.random.normal(ks[5], (dims[0], dims[1]), dtype=jnp.float32) * (1.0 / np.sqrt(dims[0]))
    b0 = jnp.zeros((dims[1],), dtype=jnp.float32)
    W1 = jax.random.normal(ks[6], (dims[1], dims[2]), dtype=jnp.float32) * (1.0 / np.sqrt(dims[1]))
    b1 = jnp.zeros((dims[2],), dtype=jnp.float32)
    W2 = jax.random.normal(ks[7], (dims[2], dims[3]), dtype=jnp.float32) * (1.0 / np.sqrt(dims[2]))
    b2 = jnp.zeros((dims[3],), dtype=jnp.float32)
    Wout = jax.random.normal(ks[8], (dims[3] + 1, 1), dtype=jnp.float32) * (1.0 / np.sqrt(dims[3] + 1))
    bout = jnp.zeros((1,), dtype=jnp.float32)
    return {"numeric": numeric, "categorical": categorical, "W_num": W_num, "b_num": b_num,
            "fo_tables": fo_tables, "so_tables": so_tables,
            "W0": W0, "b0": b0, "W1": W1, "b1": b1, "W2": W2, "b2": b2,
            "Wout": Wout, "bout": bout}

def reference(numeric, categorical, W_num, b_num, fo_tables, so_tables, W0, b0, W1, b1, W2, b2, Wout, bout):
    field_idx = jnp.arange(F)[None, :]
    # FM first order
    first_order_num = numeric @ W_num + b_num  # [B, 1]
    fo_emb = fo_tables[field_idx, categorical]  # gather -> [B, F, 1]
    first_order_cat = jnp.sum(fo_emb, axis=1)  # [B, 1]
    fm_first = first_order_num + first_order_cat
    # FM second order
    so_emb = so_tables[field_idx, categorical]  # gather -> [B, F, D]
    s = jnp.sum(so_emb, axis=1)
    sum_square = s * s
    square_sum = jnp.sum(so_emb * so_emb, axis=1)
    fm_second = 0.5 * jnp.sum(sum_square - square_sum, axis=1, keepdims=True)
    fm_out = fm_first + fm_second
    # Deep part (dropout p=0.0 -> identity)
    flat = so_emb.reshape(so_emb.shape[0], -1)
    h = jnp.concatenate([numeric, flat], axis=1)
    h = jax.nn.relu(h @ W0 + b0)
    h = jax.nn.relu(h @ W1 + b1)
    h = jax.nn.relu(h @ W2 + b2)
    total = jnp.concatenate([fm_out, h], axis=1) @ Wout + bout
    return jax.nn.sigmoid(total).squeeze(1)

if __name__ == "__main__":
    import jax
    _d = setup_inputs()
    print(jax.jit(kernel)(*tuple(_d.values())))

</pallas_src>

<mosaic_0001>
#map = affine_map<(d0, d1) -> (0, 0, 0, 0)>
#map1 = affine_map<(d0, d1) -> (0)>
#map2 = affine_map<(d0, d1) -> (0, 0)>
#map3 = affine_map<(d0, d1) -> (0, 0, 0)>
module attributes {stable_mosaic.version = 14 : i64} {
  func.func @body(%arg0: i32, %arg1: i32, %arg2: memref<32x26x1x128xi32, #tpu.memory_space<hbm>>, %arg3: memref<26032xf32, #tpu.memory_space<hbm>>, %arg4: memref<26026x128xf32, #tpu.memory_space<hbm>>, %arg5: memref<26x4096x128xf32, #tpu.memory_space<hbm>>, %arg6: memref<4096xf32, #tpu.memory_space<hbm>>, %arg7: memref<26x1x128xi32, #tpu.memory_space<vmem>>, %arg8: memref<3x128x128xf32, #tpu.memory_space<vmem>>, %arg9: memref<3x1x128xf32, #tpu.memory_space<vmem>>, %arg10: memref<128xf32, #tpu.memory_space<vmem>>, %arg11: memref<3x!tpu.dma_semaphore, #tpu.memory_space<semaphore_mem>>, %arg12: memref<3x!tpu.dma_semaphore, #tpu.memory_space<semaphore_mem>>, %arg13: memref<3x!tpu.dma_semaphore, #tpu.memory_space<semaphore_mem>>) attributes {dimension_semantics = [#tpu.dimension_semantics<core_parallel>, #tpu.dimension_semantics<subcore_parallel>], iteration_bounds = array<i64: 2, 16>, scalar_prefetch = 0 : i64, scratch_operands = 7 : i64, tpu.core_type = #tpu.core_type<sc_vector_subcore>, window_params = [{transform_indices = #map}, {transform_indices = #map1}, {transform_indices = #map2}, {transform_indices = #map3}, {transform_indices = #map1}]} {
    %mul3A = arith.constant 2 : i32
    %mul3A_0 = arith.muli %arg1, %mul3A : i32
    %add3A = arith.addi %mul3A_0, %arg0 : i32
    "tpu.region"() ({
      %run_scoped3A = tpu.sem_alloc : memref<!tpu.dma_semaphore, #tpu.memory_space<semaphore_mem>>
      %dma_start3A_146 = arith.constant 0 : i32
      %dma_start3A_147 = arith.constant 0 : i32
      %dma_start3A_148 = arith.constant 0 : i32
      %dma_start3A_149 = tpu.memref_slice %arg2[%add3A, %dma_start3A_146, %dma_start3A_147, %dma_start3A_148] : memref<32x26x1x128xi32, #tpu.memory_space<hbm>> -> memref<1x26x1x128xi32, #tpu.memory_space<hbm>>
      %dma_start3A_150 = tpu.memref_squeeze %dma_start3A_149 : memref<1x26x1x128xi32, #tpu.memory_space<hbm>> -> memref<26x1x128xi32, #tpu.memory_space<hbm>>
      %dma_start3A_151 = arith.constant 0 : i32
      %dma_start3A_152 = arith.constant 0 : i32
      %dma_start3A_153 = arith.constant 0 : i32
      %dma_start3A_154 = tpu.memref_slice %arg2[%add3A, %dma_start3A_151, %dma_start3A_152, %dma_start3A_153] : memref<32x26x1x128xi32, #tpu.memory_space<hbm>> -> memref<1x26x1x128xi32, #tpu.memory_space<hbm>>
      %dma_start3A_155 = tpu.memref_squeeze %dma_start3A_154 : memref<1x26x1x128xi32, #tpu.memory_space<hbm>> -> memref<26x1x128xi32, #tpu.memory_space<hbm>>
      tpu.enqueue_dma source(%dma_start3A_155 : memref<26x1x128xi32, #tpu.memory_space<hbm>>) target(%arg7 : memref<26x1x128xi32, #tpu.memory_space<vmem>>) target_semaphore(%run_scoped3A : memref<!tpu.dma_semaphore, #tpu.memory_space<semaphore_mem>>)
      %dma_wait3A_156 = arith.constant 0 : i32
      %dma_wait3A_157 = arith.constant 0 : i32
      %dma_wait3A_158 = arith.constant 0 : i32
      %dma_wait3A_159 = tpu.memref_slice %arg2[%add3A, %dma_wait3A_156, %dma_wait3A_157, %dma_wait3A_158] : memref<32x26x1x128xi32, #tpu.memory_space<hbm>> -> memref<1x26x1x128xi32, #tpu.memory_space<hbm>>
      %dma_wait3A_160 = tpu.memref_squeeze %dma_wait3A_159 : memref<1x26x1x128xi32, #tpu.memory_space<hbm>> -> memref<26x1x128xi32, #tpu.memory_space<hbm>>
      %dma_wait3A_161 = arith.constant 0 : i32
      %dma_wait3A_162 = arith.constant 0 : i32
      %dma_wait3A_163 = arith.constant 0 : i32
      %dma_wait3A_164 = tpu.memref_slice %arg2[%add3A, %dma_wait3A_161, %dma_wait3A_162, %dma_wait3A_163] : memref<32x26x1x128xi32, #tpu.memory_space<hbm>> -> memref<1x26x1x128xi32, #tpu.memory_space<hbm>>
      %dma_wait3A_165 = tpu.memref_squeeze %dma_wait3A_164 : memref<1x26x1x128xi32, #tpu.memory_space<hbm>> -> memref<26x1x128xi32, #tpu.memory_space<hbm>>
      tpu.wait_dma2 semaphore(%run_scoped3A : memref<!tpu.dma_semaphore, #tpu.memory_space<semaphore_mem>>) src(%dma_wait3A_165 : memref<26x1x128xi32, #tpu.memory_space<hbm>>) dst(%arg7 : memref<26x1x128xi32, #tpu.memory_space<vmem>>)
      tpu.yield
    }) : () -> ()
    %mul3A_1 = arith.constant 128 : i32
    %mul3A_2 = arith.muli %add3A, %mul3A_1 : i32
    %scan3A = arith.constant 0 : i32
    %scan3A_3 = arith.constant 0 : i32
    %scan3A_4 = arith.constant 8 : i32
    %scan3A_5 = arith.addi %scan3A_3, %scan3A_4 : i32
    %scan3A_6 = arith.constant 1 : i32
    scf.for %scan3A_146 = %scan3A_3 to %scan3A_5 step %scan3A_6  : i32 {
      %broadcast_in_dim3A = arith.constant 0.000000e+00 : f32
      %broadcast_in_dim3A_147 = vector.broadcast %broadcast_in_dim3A : f32 to vector<16xf32>
      %mul3A_148 = arith.constant 16 : i32
      %mul3A_149 = arith.muli %scan3A_146, %mul3A_148 : i32
      %swap3A = arith.index_cast %mul3A_149 : i32 to index
      %swap3A_150 = tpu.vector_load %arg10[%swap3A] {strides = array<i32>} : memref<128xf32, #tpu.memory_space<vmem>>, vector<16xf32>,
      %swap3A_151 = vector.shape_cast %swap3A_150 : vector<16xf32> to vector<16xf32>
      %swap3A_152 = vector.shape_cast %broadcast_in_dim3A_147 : vector<16xf32> to vector<16xf32>
      tpu.vector_store %arg10[%swap3A], %swap3A_152 {strides = array<i32>} : memref<128xf32, #tpu.memory_space<vmem>>, vector<16xf32>,
    }
    %scan3A_7 = arith.constant 8 : i32
    %rem3A = arith.constant 0 : i32
    %rem3A_8 = arith.constant 1 : i32
    %rem3A_9 = arith.remsi %rem3A, %rem3A_8 : i32
    %mul3A_10 = arith.constant 1 : i32
    %mul3A_11 = arith.muli %rem3A_9, %mul3A_10 : i32
    %add3A_12 = arith.constant 0 : i32
    %add3A_13 = arith.addi %mul3A_11, %add3A_12 : i32
    %dma_start3A = arith.constant 0 : i32
    %dma_start3A_14 = arith.constant 0 : i32
    %dma_start3A_15 = arith.constant 0 : i32
    %dma_start3A_16 = arith.constant 0 : i32
    %dma_start3A_17 = arith.constant 0 : i32
    %dma_start3A_18 = tpu.memref_slice %arg8[%dma_start3A_14, %dma_start3A_16, %dma_start3A_17] : memref<3x128x128xf32, #tpu.memory_space<vmem>> -> memref<1x128x128xf32, #tpu.memory_space<vmem>>
    %dma_start3A_19 = tpu.memref_squeeze %dma_start3A_18 : memref<1x128x128xf32, #tpu.memory_space<vmem>> -> memref<128x128xf32, #tpu.memory_space<vmem>>
    %dma_start3A_20 = arith.constant 0 : i32
    %dma_start3A_21 = tpu.memref_slice %arg7[%dma_start3A, %add3A_13, %dma_start3A_20] : memref<26x1x128xi32, #tpu.memory_space<vmem>> -> memref<1x1x128xi32, #tpu.memory_space<vmem>>
    %dma_start3A_22 = tpu.memref_squeeze %dma_start3A_21 : memref<1x1x128xi32, #tpu.memory_space<vmem>> -> memref<128xi32, #tpu.memory_space<vmem>>
    %dma_start3A_23 = arith.constant 0 : i32
    %dma_start3A_24 = arith.constant 0 : i32
    %dma_start3A_25 = tpu.memref_slice %arg4[%dma_start3A_23, %dma_start3A_24] : memref<26026x128xf32, #tpu.memory_space<hbm>> -> memref<26026x128xf32, #tpu.memory_space<hbm>>
    %dma_start3A_26 = tpu.memref_slice %arg11[%dma_start3A_15] : memref<3x!tpu.dma_semaphore, #tpu.memory_space<semaphore_mem>> -> memref<1x!tpu.dma_semaphore, #tpu.memory_space<semaphore_mem>>
    %dma_start3A_27 = tpu.memref_squeeze %dma_start3A_26 : memref<1x!tpu.dma_semaphore, #tpu.memory_space<semaphore_mem>> -> memref<!tpu.dma_semaphore, #tpu.memory_space<semaphore_mem>>
    tpu.enqueue_indirect_dma source(%dma_start3A_25 : memref<26026x128xf32, #tpu.memory_space<hbm>>) target(%dma_start3A_19 : memref<128x128xf32, #tpu.memory_space<vmem>>) offsets(%dma_start3A_22 : memref<128xi32, #tpu.memory_space<vmem>>) semaphore(%dma_start3A_27 : memref<!tpu.dma_semaphore, #tpu.memory_space<semaphore_mem>>)
    %dma_start3A_28 = arith.constant 0 : i32
    %dma_start3A_29 = arith.constant 0 : i32
    %dma_start3A_30 = arith.constant 0 : i32
    %dma_start3A_31 = arith.constant 0 : i32
    %dma_start3A_32 = arith.constant 0 : i32
    %dma_start3A_33 = tpu.memref_slice %arg9[%dma_start3A_29, %dma_start3A_30, %dma_start3A_32] : memref<3x1x128xf32, #tpu.memory_space<vmem>> -> memref<1x1x128xf32, #tpu.memory_space<vmem>>
    %dma_start3A_34 = tpu.memref_squeeze %dma_start3A_33 : memref<1x1x128xf32, #tpu.memory_space<vmem>> -> memref<128xf32, #tpu.memory_space<vmem>>
    %dma_start3A_35 = arith.constant 0 : i32
    %dma_start3A_36 = tpu.memref_slice %arg7[%dma_start3A_28, %add3A_13, %dma_start3A_35] : memref<26x1x128xi32, #tpu.memory_space<vmem>> -> memref<1x1x128xi32, #tpu.memory_space<vmem>>
    %dma_start3A_37 = tpu.memref_squeeze %dma_start3A_36 : memref<1x1x128xi32, #tpu.memory_space<vmem>> -> memref<128xi32, #tpu.memory_space<vmem>>
    %dma_start3A_38 = arith.constant 0 : i32
    %dma_start3A_39 = tpu.memref_slice %arg3[%dma_start3A_38] : memref<26032xf32, #tpu.memory_space<hbm>> -> memref<26032xf32, #tpu.memory_space<hbm>>
    %dma_start3A_40 = tpu.memref_slice %arg12[%dma_start3A_31] : memref<3x!tpu.dma_semaphore, #tpu.memory_space<semaphore_mem>> -> memref<1x!tpu.dma_semaphore, #tpu.memory_space<semaphore_mem>>
    %dma_start3A_41 = tpu.memref_squeeze %dma_start3A_40 : memref<1x!tpu.dma_semaphore, #tpu.memory_space<semaphore_mem>> -> memref<!tpu.dma_semaphore, #tpu.memory_space<semaphore_mem>>
    tpu.enqueue_indirect_dma source(%dma_start3A_39 : memref<26032xf32, #tpu.memory_space<hbm>>) target(%dma_start3A_34 : memref<128xf32, #tpu.memory_space<vmem>>) offsets(%dma_start3A_37 : memref<128xi32, #tpu.memory_space<vmem>>) semaphore(%dma_start3A_41 : memref<!tpu.dma_semaphore, #tpu.memory_space<semaphore_mem>>)
    %rem3A_42 = arith.constant 1 : i32
    %rem3A_43 = arith.constant 1 : i32
    %rem3A_44 = arith.remsi %rem3A_42, %rem3A_43 : i32
    %mul3A_45 = arith.constant 1 : i32
    %mul3A_46 = arith.muli %rem3A_44, %mul3A_45 : i32
    %add3A_47 = arith.constant 0 : i32
    %add3A_48 = arith.addi %mul3A_46, %add3A_47 : i32
    %dma_start3A_49 = arith.constant 1 : i32
    %dma_start3A_50 = arith.constant 1 : i32
    %dma_start3A_51 = arith.constant 1 : i32
    %dma_start3A_52 = arith.constant 0 : i32
    %dma_start3A_53 = arith.constant 0 : i32
    %dma_start3A_54 = tpu.memref_slice %arg8[%dma_start3A_50, %dma_start3A_52, %dma_start3A_53] : memref<3x128x128xf32, #tpu.memory_space<vmem>> -> memref<1x128x128xf32, #tpu.memory_space<vmem>>
    %dma_start3A_55 = tpu.memref_squeeze %dma_start3A_54 : memref<1x128x128xf32, #tpu.memory_space<vmem>> -> memref<128x128xf32, #tpu.memory_space<vmem>>
    %dma_start3A_56 = arith.constant 0 : i32
    %dma_start3A_57 = tpu.memref_slice %arg7[%dma_start3A_49, %add3A_48, %dma_start3A_56] : memref<26x1x128xi32, #tpu.memory_space<vmem>> -> memref<1x1x128xi32, #tpu.memory_space<vmem>>
    %dma_start3A_58 = tpu.memref_squeeze %dma_start3A_57 : memref<1x1x128xi32, #tpu.memory_space<vmem>> -> memref<128xi32, #tpu.memory_space<vmem>>
    %dma_start3A_59 = arith.constant 0 : i32
    %dma_start3A_60 = arith.constant 0 : i32
    %dma_start3A_61 = tpu.memref_slice %arg4[%dma_start3A_59, %dma_start3A_60] : memref<26026x128xf32, #tpu.memory_space<hbm>> -> memref<26026x128xf32, #tpu.memory_space<hbm>>
    %dma_start3A_62 = tpu.memref_slice %arg11[%dma_start3A_51] : memref<3x!tpu.dma_semaphore, #tpu.memory_space<semaphore_mem>> -> memref<1x!tpu.dma_semaphore, #tpu.memory_space<semaphore_mem>>
    %dma_start3A_63 = tpu.memref_squeeze %dma_start3A_62 : memref<1x!tpu.dma_semaphore, #tpu.memory_space<semaphore_mem>> -> memref<!tpu.dma_semaphore, #tpu.memory_space<semaphore_mem>>
    tpu.enqueue_indirect_dma source(%dma_start3A_61 : memref<26026x128xf32, #tpu.memory_space<hbm>>) target(%dma_start3A_55 : memref<128x128xf32, #tpu.memory_space<vmem>>) offsets(%dma_start3A_58 : memref<128xi32, #tpu.memory_space<vmem>>) semaphore(%dma_start3A_63 : memref<!tpu.dma_semaphore, #tpu.memory_space<semaphore_mem>>)
    %dma_start3A_64 = arith.constant 1 : i32
    %dma_start3A_65 = arith.constant 1 : i32
    %dma_start3A_66 = arith.constant 0 : i32
    %dma_start3A_67 = arith.constant 1 : i32
    %dma_start3A_68 = arith.constant 0 : i32
    %dma_start3A_69 = tpu.memref_slice %arg9[%dma_start3A_65, %dma_start3A_66, %dma_start3A_68] : memref<3x1x128xf32, #tpu.memory_space<vmem>> -> memref<1x1x128xf32, #tpu.memory_space<vmem>>
    %dma_start3A_70 = tpu.memref_squeeze %dma_start3A_69 : memref<1x1x128xf32, #tpu.memory_space<vmem>> -> memref<128xf32, #tpu.memory_space<vmem>>
    %dma_start3A_71 = arith.constant 0 : i32
    %dma_start3A_72 = tpu.memref_slice %arg7[%dma_start3A_64, %add3A_48, %dma_start3A_71] : memref<26x1x128xi32, #tpu.memory_space<vmem>> -> memref<1x1x128xi32, #tpu.memory_space<vmem>>
    %dma_start3A_73 = tpu.memref_squeeze %dma_start3A_72 : memref<1x1x128xi32, #tpu.memory_space<vmem>> -> memref<128xi32, #tpu.memory_space<vmem>>
    %dma_start3A_74 = arith.constant 0 : i32
    %dma_start3A_75 = tpu.memref_slice %arg3[%dma_start3A_74] : memref<26032xf32, #tpu.memory_space<hbm>> -> memref<26032xf32, #tpu.memory_space<hbm>>
    %dma_start3A_76 = tpu.memref_slice %arg12[%dma_start3A_67] : memref<3x!tpu.dma_semaphore, #tpu.memory_space<semaphore_mem>> -> memref<1x!tpu.dma_semaphore, #tpu.memory_space<semaphore_mem>>
    %dma_start3A_77 = tpu.memref_squeeze %dma_start3A_76 : memref<1x!tpu.dma_semaphore, #tpu.memory_space<semaphore_mem>> -> memref<!tpu.dma_semaphore, #tpu.memory_space<semaphore_mem>>
    tpu.enqueue_indirect_dma source(%dma_start3A_75 : memref<26032xf32, #tpu.memory_space<hbm>>) target(%dma_start3A_70 : memref<128xf32, #tpu.memory_space<vmem>>) offsets(%dma_start3A_73 : memref<128xi32, #tpu.memory_space<vmem>>) semaphore(%dma_start3A_77 : memref<!tpu.dma_semaphore, #tpu.memory_space<semaphore_mem>>)
    %scan3A_78 = arith.constant 0 : i32
    %scan3A_79 = arith.constant 0 : i32
    %scan3A_80 = arith.constant 26 : i32
    %scan3A_81 = arith.addi %scan3A_79, %scan3A_80 : i32
    %scan3A_82 = arith.constant 1 : i32
    scf.for %scan3A_146 = %scan3A_79 to %scan3A_81 step %scan3A_82  : i32 {
      %rem3A_147 = arith.constant 3 : i32
      %rem3A_148 = arith.remsi %scan3A_146, %rem3A_147 : i32
      %jit3A = arith.constant 1 : i32
      %div3A = arith.divsi %scan3A_146, %jit3A : i32
      %sign3A = arith.constant 0 : i32
      %sign3A_149 = arith.cmpi sgt, %scan3A_146, %sign3A : i32
      %sign3A_150 = arith.extui %sign3A_149 : i1 to i32
      %sign3A_151 = arith.constant 0 : i32
      %sign3A_152 = arith.cmpi slt, %scan3A_146, %sign3A_151 : i32
      %sign3A_153 = arith.extui %sign3A_152 : i1 to i32
      %sign3A_154 = arith.subi %sign3A_150, %sign3A_153 : i32
      %sign3A_155 = arith.constant 0 : i32
      %sign3A_156 = arith.cmpi sgt, %jit3A, %sign3A_155 : i32
      %sign3A_157 = arith.extui %sign3A_156 : i1 to i32
      %sign3A_158 = arith.constant 0 : i32
      %sign3A_159 = arith.cmpi slt, %jit3A, %sign3A_158 : i32
      %sign3A_160 = arith.extui %sign3A_159 : i1 to i32
      %sign3A_161 = arith.subi %sign3A_157, %sign3A_160 : i32
      %ne3A = arith.cmpi ne, %sign3A_154, %sign3A_161 : i32
      %rem3A_162 = arith.remsi %scan3A_146, %jit3A : i32
      %ne3A_163 = arith.constant 0 : i32
      %ne3A_164 = arith.cmpi ne, %rem3A_162, %ne3A_163 : i32
      %and3A = arith.andi %ne3A, %ne3A_164 : i1
      %sub3A = arith.constant 1 : i32
      %sub3A_165 = arith.subi %div3A, %sub3A : i32
      %select_n3A = arith.select %and3A, %sub3A_165, %div3A : i32
      %rem3A_166 = arith.constant 1 : i32
      %rem3A_167 = arith.remsi %scan3A_146, %rem3A_166 : i32
      %dma_wait3A_168 = arith.constant 0 : i32
      %dma_wait3A_169 = arith.constant 0 : i32
      %dma_wait3A_170 = tpu.memref_slice %arg8[%rem3A_148, %dma_wait3A_168, %dma_wait3A_169] : memref<3x128x128xf32, #tpu.memory_space<vmem>> -> memref<1x128x128xf32, #tpu.memory_space<vmem>>
      %dma_wait3A_171 = tpu.memref_squeeze %dma_wait3A_170 : memref<1x128x128xf32, #tpu.memory_space<vmem>> -> memref<128x128xf32, #tpu.memory_space<vmem>>
      %dma_wait3A_172 = arith.constant 0 : i32
      %dma_wait3A_173 = arith.constant 0 : i32
      %dma_wait3A_174 = tpu.memref_slice %arg4[%dma_wait3A_172, %dma_wait3A_173] : memref<26026x128xf32, #tpu.memory_space<hbm>> -> memref<128x128xf32, #tpu.memory_space<hbm>>
      %dma_wait3A_175 = tpu.memref_slice %arg11[%rem3A_148] : memref<3x!tpu.dma_semaphore, #tpu.memory_space<semaphore_mem>> -> memref<1x!tpu.dma_semaphore, #tpu.memory_space<semaphore_mem>>
      %dma_wait3A_176 = tpu.memref_squeeze %dma_wait3A_175 : memref<1x!tpu.dma_semaphore, #tpu.memory_space<semaphore_mem>> -> memref<!tpu.dma_semaphore, #tpu.memory_space<semaphore_mem>>
      %dma_wait3A_177 = arith.constant 0 : i32
      %dma_wait3A_178 = arith.constant 0 : i32
      %dma_wait3A_179 = tpu.memref_slice %arg8[%rem3A_148, %dma_wait3A_177, %dma_wait3A_178] : memref<3x128x128xf32, #tpu.memory_space<vmem>> -> memref<1x128x128xf32, #tpu.memory_space<vmem>>
      %dma_wait3A_180 = tpu.memref_squeeze %dma_wait3A_179 : memref<1x128x128xf32, #tpu.memory_space<vmem>> -> memref<128x128xf32, #tpu.memory_space<vmem>>
      %dma_wait3A_181 = arith.constant 0 : i32
      %dma_wait3A_182 = arith.constant 0 : i32
      %dma_wait3A_183 = tpu.memref_slice %arg4[%dma_wait3A_181, %dma_wait3A_182] : memref<26026x128xf32, #tpu.memory_space<hbm>> -> memref<128x128xf32, #tpu.memory_space<hbm>>
      tpu.wait_dma2 semaphore(%dma_wait3A_176 : memref<!tpu.dma_semaphore, #tpu.memory_space<semaphore_mem>>) src(%dma_wait3A_183 : memref<128x128xf32, #tpu.memory_space<hbm>>) dst(%dma_wait3A_180 : memref<128x128xf32, #tpu.memory_space<vmem>>)
      %mul3A_184 = arith.constant 128 : i32
      %mul3A_185 = arith.muli %rem3A_167, %mul3A_184 : i32
      %add3A_186 = arith.addi %mul3A_2, %mul3A_185 : i32
      %dma_start3A_187 = arith.constant 0 : i32
      %dma_start3A_188 = arith.constant 0 : i32
      %dma_start3A_189 = tpu.memref_slice %arg8[%rem3A_148, %dma_start3A_187, %dma_start3A_188] : memref<3x128x128xf32, #tpu.memory_space<vmem>> -> memref<1x128x128xf32, #tpu.memory_space<vmem>>
      %dma_start3A_190 = tpu.memref_squeeze %dma_start3A_189 : memref<1x128x128xf32, #tpu.memory_space<vmem>> -> memref<128x128xf32, #tpu.memory_space<vmem>>
      %dma_start3A_191 = arith.constant 0 : i32
      %dma_start3A_192 = tpu.memref_slice %arg5[%select_n3A, %add3A_186, %dma_start3A_191] : memref<26x4096x128xf32, #tpu.memory_space<hbm>> -> memref<1x128x128xf32, #tpu.memory_space<hbm>>
      %dma_start3A_193 = tpu.memref_squeeze %dma_start3A_192 : memref<1x128x128xf32, #tpu.memory_space<hbm>> -> memref<128x128xf32, #tpu.memory_space<hbm>>
      %dma_start3A_194 = tpu.memref_slice %arg13[%rem3A_148] : memref<3x!tpu.dma_semaphore, #tpu.memory_space<semaphore_mem>> -> memref<1x!tpu.dma_semaphore, #tpu.memory_space<semaphore_mem>>
      %dma_start3A_195 = tpu.memref_squeeze %dma_start3A_194 : memref<1x!tpu.dma_semaphore, #tpu.memory_space<semaphore_mem>> -> memref<!tpu.dma_semaphore, #tpu.memory_space<semaphore_mem>>
      %dma_start3A_196 = arith.constant 0 : i32
      %dma_start3A_197 = tpu.memref_slice %arg5[%select_n3A, %add3A_186, %dma_start3A_196] : memref<26x4096x128xf32, #tpu.memory_space<hbm>> -> memref<1x128x128xf32, #tpu.memory_space<hbm>>
      %dma_start3A_198 = tpu.memref_squeeze %dma_start3A_197 : memref<1x128x128xf32, #tpu.memory_space<hbm>> -> memref<128x128xf32, #tpu.memory_space<hbm>>
      %dma_start3A_199 = arith.constant 0 : i32
      %dma_start3A_200 = arith.constant 0 : i32
      %dma_start3A_201 = tpu.memref_slice %arg8[%rem3A_148, %dma_start3A_199, %dma_start3A_200] : memref<3x128x128xf32, #tpu.memory_space<vmem>> -> memref<1x128x128xf32, #tpu.memory_space<vmem>>
      %dma_start3A_202 = tpu.memref_squeeze %dma_start3A_201 : memref<1x128x128xf32, #tpu.memory_space<vmem>> -> memref<128x128xf32, #tpu.memory_space<vmem>>
      tpu.enqueue_dma source(%dma_start3A_202 : memref<128x128xf32, #tpu.memory_space<vmem>>) target(%dma_start3A_198 : memref<128x128xf32, #tpu.memory_space<hbm>>) target_semaphore(%dma_start3A_195 : memref<!tpu.dma_semaphore, #tpu.memory_space<semaphore_mem>>)
      %add3A_203 = arith.constant 2 : i32
      %add3A_204 = arith.addi %scan3A_146, %add3A_203 : i32
      %lt3A = arith.constant 26 : i32
      %lt3A_205 = arith.cmpi slt, %add3A_204, %lt3A : i32
      %convert_element_type3A = arith.extui %lt3A_205 : i1 to i32
      %cond3A = arith.constant 0 : i32
      %cond3A_206 = arith.cmpi ne, %convert_element_type3A, %cond3A : i32
      scf.if %cond3A_206 {
        %add3A_378 = arith.constant 2 : i32
        %add3A_379 = arith.addi %scan3A_146, %add3A_378 : i32
        %rem3A_380 = arith.constant 3 : i32
        %rem3A_381 = arith.remsi %add3A_379, %rem3A_380 : i32
        %ge3A = arith.constant 1 : i32
        %ge3A_382 = arith.cmpi sge, %scan3A_146, %ge3A : i32
        %convert_element_type3A_383 = arith.extui %ge3A_382 : i1 to i32
        %cond3A_384 = arith.constant 0 : i32
        %cond3A_385 = arith.cmpi ne, %convert_element_type3A_383, %cond3A_384 : i32
        scf.if %cond3A_385 {
          %dma_wait3A_441 = arith.constant 0 : i32
          %dma_wait3A_442 = arith.constant 0 : i32
          %dma_wait3A_443 = arith.constant 0 : i32
          %dma_wait3A_444 = tpu.memref_slice %arg8[%rem3A_381, %dma_wait3A_442, %dma_wait3A_443] : memref<3x128x128xf32, #tpu.memory_space<vmem>> -> memref<1x128x128xf32, #tpu.memory_space<vmem>>
          %dma_wait3A_445 = tpu.memref_squeeze %dma_wait3A_444 : memref<1x128x128xf32, #tpu.memory_space<vmem>> -> memref<128x128xf32, #tpu.memory_space<vmem>>
          %dma_wait3A_446 = arith.constant 0 : i32
          %dma_wait3A_447 = arith.constant 0 : i32
          %dma_wait3A_448 = tpu.memref_slice %arg5[%dma_wait3A_441, %dma_wait3A_446, %dma_wait3A_447] : memref<26x4096x128xf32, #tpu.memory_space<hbm>> -> memref<1x128x128xf32, #tpu.memory_space<hbm>>
          %dma_wait3A_449 = tpu.memref_squeeze %dma_wait3A_448 : memref<1x128x128xf32, #tpu.memory_space<hbm>> -> memref<128x128xf32, #tpu.memory_space<hbm>>
          %dma_wait3A_450 = tpu.memref_slice %arg13[%rem3A_381] : memref<3x!tpu.dma_semaphore, #tpu.memory_space<semaphore_mem>> -> memref<1x!tpu.dma_semaphore, #tpu.memory_space<semaphore_mem>>
          %dma_wait3A_451 = tpu.memref_squeeze %dma_wait3A_450 : memref<1x!tpu.dma_semaphore, #tpu.memory_space<semaphore_mem>> -> memref<!tpu.dma_semaphore, #tpu.memory_space<semaphore_mem>>
          %dma_wait3A_452 = arith.constant 0 : i32
          %dma_wait3A_453 = arith.constant 0 : i32
          %dma_wait3A_454 = tpu.memref_slice %arg5[%dma_wait3A_441, %dma_wait3A_452, %dma_wait3A_453] : memref<26x4096x128xf32, #tpu.memory_space<hbm>> -> memref<1x128x128xf32, #tpu.memory_space<hbm>>
          %dma_wait3A_455 = tpu.memref_squeeze %dma_wait3A_454 : memref<1x128x128xf32, #tpu.memory_space<hbm>> -> memref<128x128xf32, #tpu.memory_space<hbm>>
          %dma_wait3A_456 = arith.constant 0 : i32
          %dma_wait3A_457 = arith.constant 0 : i32
          %dma_wait3A_458 = tpu.memref_slice %arg8[%rem3A_381, %dma_wait3A_456, %dma_wait3A_457] : memref<3x128x128xf32, #tpu.memory_space<vmem>> -> memref<1x128x128xf32, #tpu.memory_space<vmem>>
          %dma_wait3A_459 = tpu.memref_squeeze %dma_wait3A_458 : memref<1x128x128xf32, #tpu.memory_space<vmem>> -> memref<128x128xf32, #tpu.memory_space<vmem>>
          tpu.wait_dma2 semaphore(%dma_wait3A_451 : memref<!tpu.dma_semaphore, #tpu.memory_space<semaphore_mem>>) src(%dma_wait3A_459 : memref<128x128xf32, #tpu.memory_space<vmem>>) dst(%dma_wait3A_455 : memref<128x128xf32, #tpu.memory_space<hbm>>)
        } else {
        }
        %add3A_386 = arith.constant 2 : i32
        %add3A_387 = arith.addi %scan3A_146, %add3A_386 : i32
        %jit3A_388 = arith.constant 1 : i32
        %div3A_389 = arith.divsi %add3A_387, %jit3A_388 : i32
        %sign3A_390 = arith.constant 0 : i32
        %sign3A_391 = arith.cmpi sgt, %add3A_387, %sign3A_390 : i32
        %sign3A_392 = arith.extui %sign3A_391 : i1 to i32
        %sign3A_393 = arith.constant 0 : i32
        %sign3A_394 = arith.cmpi slt, %add3A_387, %sign3A_393 : i32
        %sign3A_395 = arith.extui %sign3A_394 : i1 to i32
        %sign3A_396 = arith.subi %sign3A_392, %sign3A_395 : i32
        %sign3A_397 = arith.constant 0 : i32
        %sign3A_398 = arith.cmpi sgt, %jit3A_388, %sign3A_397 : i32
        %sign3A_399 = arith.extui %sign3A_398 : i1 to i32
        %sign3A_400 = arith.constant 0 : i32
        %sign3A_401 = arith.cmpi slt, %jit3A_388, %sign3A_400 : i32
        %sign3A_402 = arith.extui %sign3A_401 : i1 to i32
        %sign3A_403 = arith.subi %sign3A_399, %sign3A_402 : i32
        %ne3A_404 = arith.cmpi ne, %sign3A_396, %sign3A_403 : i32
        %rem3A_405 = arith.remsi %add3A_387, %jit3A_388 : i32
        %ne3A_406 = arith.constant 0 : i32
        %ne3A_407 = arith.cmpi ne, %rem3A_405, %ne3A_406 : i32
        %and3A_408 = arith.andi %ne3A_404, %ne3A_407 : i1
        %sub3A_409 = arith.constant 1 : i32
        %sub3A_410 = arith.subi %div3A_389, %sub3A_409 : i32
        %select_n3A_411 = arith.select %and3A_408, %sub3A_410, %div3A_389 : i32
        %rem3A_412 = arith.constant 1 : i32
        %rem3A_413 = arith.remsi %add3A_387, %rem3A_412 : i32
        %mul3A_414 = arith.constant 1 : i32
        %mul3A_415 = arith.muli %rem3A_413, %mul3A_414 : i32
        %add3A_416 = arith.constant 0 : i32
        %add3A_417 = arith.addi %mul3A_415, %add3A_416 : i32
        %dma_start3A_418 = arith.constant 0 : i32
        %dma_start3A_419 = arith.constant 0 : i32
        %dma_start3A_420 = tpu.memref_slice %arg8[%rem3A_381, %dma_start3A_418, %dma_start3A_419] : memref<3x128x128xf32, #tpu.memory_space<vmem>> -> memref<1x128x128xf32, #tpu.memory_space<vmem>>
        %dma_start3A_421 = tpu.memref_squeeze %dma_start3A_420 : memref<1x128x128xf32, #tpu.memory_space<vmem>> -> memref<128x128xf32, #tpu.memory_space<vmem>>
        %dma_start3A_422 = arith.constant 0 : i32
        %dma_start3A_423 = tpu.memref_slice %arg7[%select_n3A_411, %add3A_417, %dma_start3A_422] : memref<26x1x128xi32, #tpu.memory_space<vmem>> -> memref<1x1x128xi32, #tpu.memory_space<vmem>>
        %dma_start3A_424 = tpu.memref_squeeze %dma_start3A_423 : memref<1x1x128xi32, #tpu.memory_space<vmem>> -> memref<128xi32, #tpu.memory_space<vmem>>
        %dma_start3A_425 = arith.constant 0 : i32
        %dma_start3A_426 = arith.constant 0 : i32
        %dma_start3A_427 = tpu.memref_slice %arg4[%dma_start3A_425, %dma_start3A_426] : memref<26026x128xf32, #tpu.memory_space<hbm>> -> memref<26026x128xf32, #tpu.memory_space<hbm>>
        %dma_start3A_428 = tpu.memref_slice %arg11[%rem3A_381] : memref<3x!tpu.dma_semaphore, #tpu.memory_space<semaphore_mem>> -> memref<1x!tpu.dma_semaphore, #tpu.memory_space<semaphore_mem>>
        %dma_start3A_429 = tpu.memref_squeeze %dma_start3A_428 : memref<1x!tpu.dma_semaphore, #tpu.memory_space<semaphore_mem>> -> memref<!tpu.dma_semaphore, #tpu.memory_space<semaphore_mem>>
        tpu.enqueue_indirect_dma source(%dma_start3A_427 : memref<26026x128xf32, #tpu.memory_space<hbm>>) target(%dma_start3A_421 : memref<128x128xf32, #tpu.memory_space<vmem>>) offsets(%dma_start3A_424 : memref<128xi32, #tpu.memory_space<vmem>>) semaphore(%dma_start3A_429 : memref<!tpu.dma_semaphore, #tpu.memory_space<semaphore_mem>>)
        %dma_start3A_430 = arith.constant 0 : i32
        %dma_start3A_431 = arith.constant 0 : i32
        %dma_start3A_432 = tpu.memref_slice %arg9[%rem3A_381, %dma_start3A_430, %dma_start3A_431] : memref<3x1x128xf32, #tpu.memory_space<vmem>> -> memref<1x1x128xf32, #tpu.memory_space<vmem>>
        %dma_start3A_433 = tpu.memref_squeeze %dma_start3A_432 : memref<1x1x128xf32, #tpu.memory_space<vmem>> -> memref<128xf32, #tpu.memory_space<vmem>>
        %dma_start3A_434 = arith.constant 0 : i32
        %dma_start3A_435 = tpu.memref_slice %arg7[%select_n3A_411, %add3A_417, %dma_start3A_434] : memref<26x1x128xi32, #tpu.memory_space<vmem>> -> memref<1x1x128xi32, #tpu.memory_space<vmem>>
        %dma_start3A_436 = tpu.memref_squeeze %dma_start3A_435 : memref<1x1x128xi32, #tpu.memory_space<vmem>> -> memref<128xi32, #tpu.memory_space<vmem>>
        %dma_start3A_437 = arith.constant 0 : i32
        %dma_start3A_438 = tpu.memref_slice %arg3[%dma_start3A_437] : memref<26032xf32, #tpu.memory_space<hbm>> -> memref<26032xf32, #tpu.memory_space<hbm>>
        %dma_start3A_439 = tpu.memref_slice %arg12[%rem3A_381] : memref<3x!tpu.dma_semaphore, #tpu.memory_space<semaphore_mem>> -> memref<1x!tpu.dma_semaphore, #tpu.memory_space<semaphore_mem>>
        %dma_start3A_440 = tpu.memref_squeeze %dma_start3A_439 : memref<1x!tpu.dma_semaphore, #tpu.memory_space<semaphore_mem>> -> memref<!tpu.dma_semaphore, #tpu.memory_space<semaphore_mem>>
        tpu.enqueue_indirect_dma source(%dma_start3A_438 : memref<26032xf32, #tpu.memory_space<hbm>>) target(%dma_start3A_433 : memref<128xf32, #tpu.memory_space<vmem>>) offsets(%dma_start3A_436 : memref<128xi32, #tpu.memory_space<vmem>>) semaphore(%dma_start3A_440 : memref<!tpu.dma_semaphore, #tpu.memory_space<semaphore_mem>>)
      } else {
      }
      %dma_wait3A_207 = arith.constant 0 : i32
      %dma_wait3A_208 = arith.constant 0 : i32
      %dma_wait3A_209 = tpu.memref_slice %arg9[%rem3A_148, %dma_wait3A_207, %dma_wait3A_208] : memref<3x1x128xf32, #tpu.memory_space<vmem>> -> memref<1x1x128xf32, #tpu.memory_space<vmem>>
      %dma_wait3A_210 = tpu.memref_squeeze %dma_wait3A_209 : memref<1x1x128xf32, #tpu.memory_space<vmem>> -> memref<128xf32, #tpu.memory_space<vmem>>
      %dma_wait3A_211 = arith.constant 0 : i32
      %dma_wait3A_212 = tpu.memref_slice %arg3[%dma_wait3A_211] : memref<26032xf32, #tpu.memory_space<hbm>> -> memref<128xf32, #tpu.memory_space<hbm>>
      %dma_wait3A_213 = tpu.memref_slice %arg12[%rem3A_148] : memref<3x!tpu.dma_semaphore, #tpu.memory_space<semaphore_mem>> -> memref<1x!tpu.dma_semaphore, #tpu.memory_space<semaphore_mem>>
      %dma_wait3A_214 = tpu.memref_squeeze %dma_wait3A_213 : memref<1x!tpu.dma_semaphore, #tpu.memory_space<semaphore_mem>> -> memref<!tpu.dma_semaphore, #tpu.memory_space<semaphore_mem>>
      %dma_wait3A_215 = arith.constant 0 : i32
      %dma_wait3A_216 = tpu.memref_slice %arg9[%rem3A_148, %dma_wait3A_207, %dma_wait3A_215] : memref<3x1x128xf32, #tpu.memory_space<vmem>> -> memref<1x1x128xf32, #tpu.memory_space<vmem>>
      %dma_wait3A_217 = tpu.memref_squeeze %dma_wait3A_216 : memref<1x1x128xf32, #tpu.memory_space<vmem>> -> memref<128xf32, #tpu.memory_space<vmem>>
      %dma_wait3A_218 = arith.constant 0 : i32
      %dma_wait3A_219 = tpu.memref_slice %arg3[%dma_wait3A_218] : memref<26032xf32, #tpu.memory_space<hbm>> -> memref<128xf32, #tpu.memory_space<hbm>>
      tpu.wait_dma2 semaphore(%dma_wait3A_214 : memref<!tpu.dma_semaphore, #tpu.memory_space<semaphore_mem>>) src(%dma_wait3A_219 : memref<128xf32, #tpu.memory_space<hbm>>) dst(%dma_wait3A_217 : memref<128xf32, #tpu.memory_space<vmem>>)
      %mul3A_220 = arith.constant 128 : i32
      %mul3A_221 = arith.muli %rem3A_167, %mul3A_220 : i32
      %add3A_222 = arith.constant 0 : i32
      %add3A_223 = arith.addi %mul3A_221, %add3A_222 : i32
      %add3A_224 = arith.constant 0 : i32
      %add3A_225 = arith.addi %add3A_223, %add3A_224 : i32
      %get3A = arith.index_cast %add3A_225 : i32 to index
      %get3A_226 = tpu.vector_load %arg10[%get3A] {strides = array<i32>} : memref<128xf32, #tpu.memory_space<vmem>>, vector<16xf32>,
      %get3A_227 = vector.shape_cast %get3A_226 : vector<16xf32> to vector<16xf32>
      %get3A_228 = arith.constant 0 : i32
      %get3A_229 = arith.index_cast %rem3A_148 : i32 to index
      %get3A_230 = arith.index_cast %get3A_228 : i32 to index
      %get3A_231 = arith.constant 0 : index
      %get3A_232 = tpu.vector_load %arg9[%get3A_229, %get3A_230, %get3A_231] {strides = array<i32>} : memref<3x1x128xf32, #tpu.memory_space<vmem>>, vector<1x1x16xf32>,
      %get3A_233 = vector.shape_cast %get3A_232 : vector<1x1x16xf32> to vector<16xf32>
      %add3A_234 = arith.addf %get3A_227, %get3A_233 : vector<16xf32>
      %swap3A = arith.index_cast %add3A_225 : i32 to index
      %swap3A_235 = tpu.vector_load %arg10[%swap3A] {strides = array<i32>} : memref<128xf32, #tpu.memory_space<vmem>>, vector<16xf32>,
      %swap3A_236 = vector.shape_cast %swap3A_235 : vector<16xf32> to vector<16xf32>
      %swap3A_237 = vector.shape_cast %add3A_234 : vector<16xf32> to vector<16xf32>
      tpu.vector_store %arg10[%swap3A], %swap3A_237 {strides = array<i32>} : memref<128xf32, #tpu.memory_space<vmem>>, vector<16xf32>,
      %mul3A_238 = arith.constant 128 : i32
      %mul3A_239 = arith.muli %rem3A_167, %mul3A_238 : i32
      %add3A_240 = arith.constant 0 : i32
      %add3A_241 = arith.addi %mul3A_239, %add3A_240 : i32
      %add3A_242 = arith.constant 16 : i32
      %add3A_243 = arith.addi %add3A_241, %add3A_242 : i32
      %get3A_244 = arith.index_cast %add3A_243 : i32 to index
      %get3A_245 = tpu.vector_load %arg10[%get3A_244] {strides = array<i32>} : memref<128xf32, #tpu.memory_space<vmem>>, vector<16xf32>,
      %get3A_246 = vector.shape_cast %get3A_245 : vector<16xf32> to vector<16xf32>
      %get3A_247 = arith.constant 0 : i32
      %get3A_248 = arith.index_cast %rem3A_148 : i32 to index
      %get3A_249 = arith.index_cast %get3A_247 : i32 to index
      %get3A_250 = arith.constant 16 : index
      %get3A_251 = tpu.vector_load %arg9[%get3A_248, %get3A_249, %get3A_250] {strides = array<i32>} : memref<3x1x128xf32, #tpu.memory_space<vmem>>, vector<1x1x16xf32>,
      %get3A_252 = vector.shape_cast %get3A_251 : vector<1x1x16xf32> to vector<16xf32>
      %add3A_253 = arith.addf %get3A_246, %get3A_252 : vector<16xf32>
      %swap3A_254 = arith.index_cast %add3A_243 : i32 to index
      %swap3A_255 = tpu.vector_load %arg10[%swap3A_254] {strides = array<i32>} : memref<128xf32, #tpu.memory_space<vmem>>, vector<16xf32>,
      %swap3A_256 = vector.shape_cast %swap3A_255 : vector<16xf32> to vector<16xf32>
      %swap3A_257 = vector.shape_cast %add3A_253 : vector<16xf32> to vector<16xf32>
      tpu.vector_store %arg10[%swap3A_254], %swap3A_257 {strides = array<i32>} : memref<128xf32, #tpu.memory_space<vmem>>, vector<16xf32>,
      %mul3A_258 = arith.constant 128 : i32
      %mul3A_259 = arith.muli %rem3A_167, %mul3A_258 : i32
      %add3A_260 = arith.constant 0 : i32
      %add3A_261 = arith.addi %mul3A_259, %add3A_260 : i32
      %add3A_262 = arith.constant 32 : i32
      %add3A_263 = arith.addi %add3A_261, %add3A_262 : i32
      %get3A_264 = arith.index_cast %add3A_263 : i32 to index
      %get3A_265 = tpu.vector_load %arg10[%get3A_264] {strides = array<i32>} : memref<128xf32, #tpu.memory_space<vmem>>, vector<16xf32>,
      %get3A_266 = vector.shape_cast %get3A_265 : vector<16xf32> to vector<16xf32>
      %get3A_267 = arith.constant 0 : i32
      %get3A_268 = arith.index_cast %rem3A_148 : i32 to index
      %get3A_269 = arith.index_cast %get3A_267 : i32 to index
      %get3A_270 = arith.constant 32 : index
      %get3A_271 = tpu.vector_load %arg9[%get3A_268, %get3A_269, %get3A_270] {strides = array<i32>} : memref<3x1x128xf32, #tpu.memory_space<vmem>>, vector<1x1x16xf32>,
      %get3A_272 = vector.shape_cast %get3A_271 : vector<1x1x16xf32> to vector<16xf32>
      %add3A_273 = arith.addf %get3A_266, %get3A_272 : vector<16xf32>
      %swap3A_274 = arith.index_cast %add3A_263 : i32 to index
      %swap3A_275 = tpu.vector_load %arg10[%swap3A_274] {strides = array<i32>} : memref<128xf32, #tpu.memory_space<vmem>>, vector<16xf32>,
      %swap3A_276 = vector.shape_cast %swap3A_275 : vector<16xf32> to vector<16xf32>
      %swap3A_277 = vector.shape_cast %add3A_273 : vector<16xf32> to vector<16xf32>
      tpu.vector_store %arg10[%swap3A_274], %swap3A_277 {strides = array<i32>} : memref<128xf32, #tpu.memory_space<vmem>>, vector<16xf32>,
      %mul3A_278 = arith.constant 128 : i32
      %mul3A_279 = arith.muli %rem3A_167, %mul3A_278 : i32
      %add3A_280 = arith.constant 0 : i32
      %add3A_281 = arith.addi %mul3A_279, %add3A_280 : i32
      %add3A_282 = arith.constant 48 : i32
      %add3A_283 = arith.addi %add3A_281, %add3A_282 : i32
      %get3A_284 = arith.index_cast %add3A_283 : i32 to index
      %get3A_285 = tpu.vector_load %arg10[%get3A_284] {strides = array<i32>} : memref<128xf32, #tpu.memory_space<vmem>>, vector<16xf32>,
      %get3A_286 = vector.shape_cast %get3A_285 : vector<16xf32> to vector<16xf32>
      %get3A_287 = arith.constant 0 : i32
      %get3A_288 = arith.index_cast %rem3A_148 : i32 to index
      %get3A_289 = arith.index_cast %get3A_287 : i32 to index
      %get3A_290 = arith.constant 48 : index
      %get3A_291 = tpu.vector_load %arg9[%get3A_288, %get3A_289, %get3A_290] {strides = array<i32>} : memref<3x1x128xf32, #tpu.memory_space<vmem>>, vector<1x1x16xf32>,
      %get3A_292 = vector.shape_cast %get3A_291 : vector<1x1x16xf32> to vector<16xf32>
      %add3A_293 = arith.addf %get3A_286, %get3A_292 : vector<16xf32>
      %swap3A_294 = arith.index_cast %add3A_283 : i32 to index
      %swap3A_295 = tpu.vector_load %arg10[%swap3A_294] {strides = array<i32>} : memref<128xf32, #tpu.memory_space<vmem>>, vector<16xf32>,
      %swap3A_296 = vector.shape_cast %swap3A_295 : vector<16xf32> to vector<16xf32>
      %swap3A_297 = vector.shape_cast %add3A_293 : vector<16xf32> to vector<16xf32>
      tpu.vector_store %arg10[%swap3A_294], %swap3A_297 {strides = array<i32>} : memref<128xf32, #tpu.memory_space<vmem>>, vector<16xf32>,
      %mul3A_298 = arith.constant 128 : i32
      %mul3A_299 = arith.muli %rem3A_167, %mul3A_298 : i32
      %add3A_300 = arith.constant 0 : i32
      %add3A_301 = arith.addi %mul3A_299, %add3A_300 : i32
      %add3A_302 = arith.constant 64 : i32
      %add3A_303 = arith.addi %add3A_301, %add3A_302 : i32
      %get3A_304 = arith.index_cast %add3A_303 : i32 to index
      %get3A_305 = tpu.vector_load %arg10[%get3A_304] {strides = array<i32>} : memref<128xf32, #tpu.memory_space<vmem>>, vector<16xf32>,
      %get3A_306 = vector.shape_cast %get3A_305 : vector<16xf32> to vector<16xf32>
      %get3A_307 = arith.constant 0 : i32
      %get3A_308 = arith.index_cast %rem3A_148 : i32 to index
      %get3A_309 = arith.index_cast %get3A_307 : i32 to index
      %get3A_310 = arith.constant 64 : index
      %get3A_311 = tpu.vector_load %arg9[%get3A_308, %get3A_309, %get3A_310] {strides = array<i32>} : memref<3x1x128xf32, #tpu.memory_space<vmem>>, vector<1x1x16xf32>,
      %get3A_312 = vector.shape_cast %get3A_311 : vector<1x1x16xf32> to vector<16xf32>
      %add3A_313 = arith.addf %get3A_306, %get3A_312 : vector<16xf32>
      %swap3A_314 = arith.index_cast %add3A_303 : i32 to index
      %swap3A_315 = tpu.vector_load %arg10[%swap3A_314] {strides = array<i32>} : memref<128xf32, #tpu.memory_space<vmem>>, vector<16xf32>,
      %swap3A_316 = vector.shape_cast %swap3A_315 : vector<16xf32> to vector<16xf32>
      %swap3A_317 = vector.shape_cast %add3A_313 : vector<16xf32> to vector<16xf32>
      tpu.vector_store %arg10[%swap3A_314], %swap3A_317 {strides = array<i32>} : memref<128xf32, #tpu.memory_space<vmem>>, vector<16xf32>,
      %mul3A_318 = arith.constant 128 : i32
      %mul3A_319 = arith.muli %rem3A_167, %mul3A_318 : i32
      %add3A_320 = arith.constant 0 : i32
      %add3A_321 = arith.addi %mul3A_319, %add3A_320 : i32
      %add3A_322 = arith.constant 80 : i32
      %add3A_323 = arith.addi %add3A_321, %add3A_322 : i32
      %get3A_324 = arith.index_cast %add3A_323 : i32 to index
      %get3A_325 = tpu.vector_load %arg10[%get3A_324] {strides = array<i32>} : memref<128xf32, #tpu.memory_space<vmem>>, vector<16xf32>,
      %get3A_326 = vector.shape_cast %get3A_325 : vector<16xf32> to vector<16xf32>
      %get3A_327 = arith.constant 0 : i32
      %get3A_328 = arith.index_cast %rem3A_148 : i32 to index
      %get3A_329 = arith.index_cast %get3A_327 : i32 to index
      %get3A_330 = arith.constant 80 : index
      %get3A_331 = tpu.vector_load %arg9[%get3A_328, %get3A_329, %get3A_330] {strides = array<i32>} : memref<3x1x128xf32, #tpu.memory_space<vmem>>, vector<1x1x16xf32>,
      %get3A_332 = vector.shape_cast %get3A_331 : vector<1x1x16xf32> to vector<16xf32>
      %add3A_333 = arith.addf %get3A_326, %get3A_332 : vector<16xf32>
      %swap3A_334 = arith.index_cast %add3A_323 : i32 to index
      %swap3A_335 = tpu.vector_load %arg10[%swap3A_334] {strides = array<i32>} : memref<128xf32, #tpu.memory_space<vmem>>, vector<16xf32>,
      %swap3A_336 = vector.shape_cast %swap3A_335 : vector<16xf32> to vector<16xf32>
      %swap3A_337 = vector.shape_cast %add3A_333 : vector<16xf32> to vector<16xf32>
      tpu.vector_store %arg10[%swap3A_334], %swap3A_337 {strides = array<i32>} : memref<128xf32, #tpu.memory_space<vmem>>, vector<16xf32>,
      %mul3A_338 = arith.constant 128 : i32
      %mul3A_339 = arith.muli %rem3A_167, %mul3A_338 : i32
      %add3A_340 = arith.constant 0 : i32
      %add3A_341 = arith.addi %mul3A_339, %add3A_340 : i32
      %add3A_342 = arith.constant 96 : i32
      %add3A_343 = arith.addi %add3A_341, %add3A_342 : i32
      %get3A_344 = arith.index_cast %add3A_343 : i32 to index
      %get3A_345 = tpu.vector_load %arg10[%get3A_344] {strides = array<i32>} : memref<128xf32, #tpu.memory_space<vmem>>, vector<16xf32>,
      %get3A_346 = vector.shape_cast %get3A_345 : vector<16xf32> to vector<16xf32>
      %get3A_347 = arith.constant 0 : i32
      %get3A_348 = arith.index_cast %rem3A_148 : i32 to index
      %get3A_349 = arith.index_cast %get3A_347 : i32 to index
      %get3A_350 = arith.constant 96 : index
      %get3A_351 = tpu.vector_load %arg9[%get3A_348, %get3A_349, %get3A_350] {strides = array<i32>} : memref<3x1x128xf32, #tpu.memory_space<vmem>>, vector<1x1x16xf32>,
      %get3A_352 = vector.shape_cast %get3A_351 : vector<1x1x16xf32> to vector<16xf32>
      %add3A_353 = arith.addf %get3A_346, %get3A_352 : vector<16xf32>
      %swap3A_354 = arith.index_cast %add3A_343 : i32 to index
      %swap3A_355 = tpu.vector_load %arg10[%swap3A_354] {strides = array<i32>} : memref<128xf32, #tpu.memory_space<vmem>>, vector<16xf32>,
      %swap3A_356 = vector.shape_cast %swap3A_355 : vector<16xf32> to vector<16xf32>
      %swap3A_357 = vector.shape_cast %add3A_353 : vector<16xf32> to vector<16xf32>
      tpu.vector_store %arg10[%swap3A_354], %swap3A_357 {strides = array<i32>} : memref<128xf32, #tpu.memory_space<vmem>>, vector<16xf32>,
      %mul3A_358 = arith.constant 128 : i32
      %mul3A_359 = arith.muli %rem3A_167, %mul3A_358 : i32
      %add3A_360 = arith.constant 0 : i32
      %add3A_361 = arith.addi %mul3A_359, %add3A_360 : i32
      %add3A_362 = arith.constant 112 : i32
      %add3A_363 = arith.addi %add3A_361, %add3A_362 : i32
      %get3A_364 = arith.index_cast %add3A_363 : i32 to index
      %get3A_365 = tpu.vector_load %arg10[%get3A_364] {strides = array<i32>} : memref<128xf32, #tpu.memory_space<vmem>>, vector<16xf32>,
      %get3A_366 = vector.shape_cast %get3A_365 : vector<16xf32> to vector<16xf32>
      %get3A_367 = arith.constant 0 : i32
      %get3A_368 = arith.index_cast %rem3A_148 : i32 to index
      %get3A_369 = arith.index_cast %get3A_367 : i32 to index
      %get3A_370 = arith.constant 112 : index
      %get3A_371 = tpu.vector_load %arg9[%get3A_368, %get3A_369, %get3A_370] {strides = array<i32>} : memref<3x1x128xf32, #tpu.memory_space<vmem>>, vector<1x1x16xf32>,
      %get3A_372 = vector.shape_cast %get3A_371 : vector<1x1x16xf32> to vector<16xf32>
      %add3A_373 = arith.addf %get3A_366, %get3A_372 : vector<16xf32>
      %swap3A_374 = arith.index_cast %add3A_363 : i32 to index
      %swap3A_375 = tpu.vector_load %arg10[%swap3A_374] {strides = array<i32>} : memref<128xf32, #tpu.memory_space<vmem>>, vector<16xf32>,
      %swap3A_376 = vector.shape_cast %swap3A_375 : vector<16xf32> to vector<16xf32>
      %swap3A_377 = vector.shape_cast %add3A_373 : vector<16xf32> to vector<16xf32>
      tpu.vector_store %arg10[%swap3A_374], %swap3A_377 {strides = array<i32>} : memref<128xf32, #tpu.memory_space<vmem>>, vector<16xf32>,
    }
    %scan3A_83 = arith.constant 26 : i32
    %dma_wait3A = arith.constant 2 : i32
    %dma_wait3A_84 = arith.constant 0 : i32
    %dma_wait3A_85 = arith.constant 2 : i32
    %dma_wait3A_86 = arith.constant 0 : i32
    %dma_wait3A_87 = arith.constant 0 : i32
    %dma_wait3A_88 = tpu.memref_slice %arg8[%dma_wait3A, %dma_wait3A_86, %dma_wait3A_87] : memref<3x128x128xf32, #tpu.memory_space<vmem>> -> memref<1x128x128xf32, #tpu.memory_space<vmem>>
    %dma_wait3A_89 = tpu.memref_squeeze %dma_wait3A_88 : memref<1x128x128xf32, #tpu.memory_space<vmem>> -> memref<128x128xf32, #tpu.memory_space<vmem>>
    %dma_wait3A_90 = arith.constant 0 : i32
    %dma_wait3A_91 = arith.constant 0 : i32
    %dma_wait3A_92 = tpu.memref_slice %arg5[%dma_wait3A_84, %dma_wait3A_90, %dma_wait3A_91] : memref<26x4096x128xf32, #tpu.memory_space<hbm>> -> memref<1x128x128xf32, #tpu.memory_space<hbm>>
    %dma_wait3A_93 = tpu.memref_squeeze %dma_wait3A_92 : memref<1x128x128xf32, #tpu.memory_space<hbm>> -> memref<128x128xf32, #tpu.memory_space<hbm>>
    %dma_wait3A_94 = tpu.memref_slice %arg13[%dma_wait3A_85] : memref<3x!tpu.dma_semaphore, #tpu.memory_space<semaphore_mem>> -> memref<1x!tpu.dma_semaphore, #tpu.memory_space<semaphore_mem>>
    %dma_wait3A_95 = tpu.memref_squeeze %dma_wait3A_94 : memref<1x!tpu.dma_semaphore, #tpu.memory_space<semaphore_mem>> -> memref<!tpu.dma_semaphore, #tpu.memory_space<semaphore_mem>>
    %dma_wait3A_96 = arith.constant 0 : i32
    %dma_wait3A_97 = arith.constant 0 : i32
    %dma_wait3A_98 = tpu.memref_slice %arg5[%dma_wait3A_84, %dma_wait3A_96, %dma_wait3A_97] : memref<26x4096x128xf32, #tpu.memory_space<hbm>> -> memref<1x128x128xf32, #tpu.memory_space<hbm>>
    %dma_wait3A_99 = tpu.memref_squeeze %dma_wait3A_98 : memref<1x128x128xf32, #tpu.memory_space<hbm>> -> memref<128x128xf32, #tpu.memory_space<hbm>>
    %dma_wait3A_100 = arith.constant 0 : i32
    %dma_wait3A_101 = arith.constant 0 : i32
    %dma_wait3A_102 = tpu.memref_slice %arg8[%dma_wait3A, %dma_wait3A_100, %dma_wait3A_101] : memref<3x128x128xf32, #tpu.memory_space<vmem>> -> memref<1x128x128xf32, #tpu.memory_space<vmem>>
    %dma_wait3A_103 = tpu.memref_squeeze %dma_wait3A_102 : memref<1x128x128xf32, #tpu.memory_space<vmem>> -> memref<128x128xf32, #tpu.memory_space<vmem>>
    tpu.wait_dma2 semaphore(%dma_wait3A_95 : memref<!tpu.dma_semaphore, #tpu.memory_space<semaphore_mem>>) src(%dma_wait3A_103 : memref<128x128xf32, #tpu.memory_space<vmem>>) dst(%dma_wait3A_99 : memref<128x128xf32, #tpu.memory_space<hbm>>)
    %dma_wait3A_104 = arith.constant 0 : i32
    %dma_wait3A_105 = arith.constant 0 : i32
    %dma_wait3A_106 = arith.constant 0 : i32
    %dma_wait3A_107 = arith.constant 0 : i32
    %dma_wait3A_108 = arith.constant 0 : i32
    %dma_wait3A_109 = tpu.memref_slice %arg8[%dma_wait3A_104, %dma_wait3A_107, %dma_wait3A_108] : memref<3x128x128xf32, #tpu.memory_space<vmem>> -> memref<1x128x128xf32, #tpu.memory_space<vmem>>
    %dma_wait3A_110 = tpu.memref_squeeze %dma_wait3A_109 : memref<1x128x128xf32, #tpu.memory_space<vmem>> -> memref<128x128xf32, #tpu.memory_space<vmem>>
    %dma_wait3A_111 = arith.constant 0 : i32
    %dma_wait3A_112 = arith.constant 0 : i32
    %dma_wait3A_113 = tpu.memref_slice %arg5[%dma_wait3A_105, %dma_wait3A_111, %dma_wait3A_112] : memref<26x4096x128xf32, #tpu.memory_space<hbm>> -> memref<1x128x128xf32, #tpu.memory_space<hbm>>
    %dma_wait3A_114 = tpu.memref_squeeze %dma_wait3A_113 : memref<1x128x128xf32, #tpu.memory_space<hbm>> -> memref<128x128xf32, #tpu.memory_space<hbm>>
    %dma_wait3A_115 = tpu.memref_slice %arg13[%dma_wait3A_106] : memref<3x!tpu.dma_semaphore, #tpu.memory_space<semaphore_mem>> -> memref<1x!tpu.dma_semaphore, #tpu.memory_space<semaphore_mem>>
    %dma_wait3A_116 = tpu.memref_squeeze %dma_wait3A_115 : memref<1x!tpu.dma_semaphore, #tpu.memory_space<semaphore_mem>> -> memref<!tpu.dma_semaphore, #tpu.memory_space<semaphore_mem>>
    %dma_wait3A_117 = arith.constant 0 : i32
    %dma_wait3A_118 = arith.constant 0 : i32
    %dma_wait3A_119 = tpu.memref_slice %arg5[%dma_wait3A_105, %dma_wait3A_117, %dma_wait3A_118] : memref<26x4096x128xf32, #tpu.memory_space<hbm>> -> memref<1x128x128xf32, #tpu.memory_space<hbm>>
    %dma_wait3A_120 = tpu.memref_squeeze %dma_wait3A_119 : memref<1x128x128xf32, #tpu.memory_space<hbm>> -> memref<128x128xf32, #tpu.memory_space<hbm>>
    %dma_wait3A_121 = arith.constant 0 : i32
    %dma_wait3A_122 = arith.constant 0 : i32
    %dma_wait3A_123 = tpu.memref_slice %arg8[%dma_wait3A_104, %dma_wait3A_121, %dma_wait3A_122] : memref<3x128x128xf32, #tpu.memory_space<vmem>> -> memref<1x128x128xf32, #tpu.memory_space<vmem>>
    %dma_wait3A_124 = tpu.memref_squeeze %dma_wait3A_123 : memref<1x128x128xf32, #tpu.memory_space<vmem>> -> memref<128x128xf32, #tpu.memory_space<vmem>>
    tpu.wait_dma2 semaphore(%dma_wait3A_116 : memref<!tpu.dma_semaphore, #tpu.memory_space<semaphore_mem>>) src(%dma_wait3A_124 : memref<128x128xf32, #tpu.memory_space<vmem>>) dst(%dma_wait3A_120 : memref<128x128xf32, #tpu.memory_space<hbm>>)
    %dma_wait3A_125 = arith.constant 1 : i32
    %dma_wait3A_126 = arith.constant 0 : i32
    %dma_wait3A_127 = arith.constant 1 : i32
    %dma_wait3A_128 = arith.constant 0 : i32
    %dma_wait3A_129 = arith.constant 0 : i32
    %dma_wait3A_130 = tpu.memref_slice %arg8[%dma_wait3A_125, %dma_wait3A_128, %dma_wait3A_129] : memref<3x128x128xf32, #tpu.memory_space<vmem>> -> memref<1x128x128xf32, #tpu.memory_space<vmem>>
    %dma_wait3A_131 = tpu.memref_squeeze %dma_wait3A_130 : memref<1x128x128xf32, #tpu.memory_space<vmem>> -> memref<128x128xf32, #tpu.memory_space<vmem>>
    %dma_wait3A_132 = arith.constant 0 : i32
    %dma_wait3A_133 = arith.constant 0 : i32
    %dma_wait3A_134 = tpu.memref_slice %arg5[%dma_wait3A_126, %dma_wait3A_132, %dma_wait3A_133] : memref<26x4096x128xf32, #tpu.memory_space<hbm>> -> memref<1x128x128xf32, #tpu.memory_space<hbm>>
    %dma_wait3A_135 = tpu.memref_squeeze %dma_wait3A_134 : memref<1x128x128xf32, #tpu.memory_space<hbm>> -> memref<128x128xf32, #tpu.memory_space<hbm>>
    %dma_wait3A_136 = tpu.memref_slice %arg13[%dma_wait3A_127] : memref<3x!tpu.dma_semaphore, #tpu.memory_space<semaphore_mem>> -> memref<1x!tpu.dma_semaphore, #tpu.memory_space<semaphore_mem>>
    %dma_wait3A_137 = tpu.memref_squeeze %dma_wait3A_136 : memref<1x!tpu.dma_semaphore, #tpu.memory_space<semaphore_mem>> -> memref<!tpu.dma_semaphore, #tpu.memory_space<semaphore_mem>>
    %dma_wait3A_138 = arith.constant 0 : i32
    %dma_wait3A_139 = arith.constant 0 : i32
    %dma_wait3A_140 = tpu.memref_slice %arg5[%dma_wait3A_126, %dma_wait3A_138, %dma_wait3A_139] : memref<26x4096x128xf32, #tpu.memory_space<hbm>> -> memref<1x128x128xf32, #tpu.memory_space<hbm>>
    %dma_wait3A_141 = tpu.memref_squeeze %dma_wait3A_140 : memref<1x128x128xf32, #tpu.memory_space<hbm>> -> memref<128x128xf32, #tpu.memory_space<hbm>>
    %dma_wait3A_142 = arith.constant 0 : i32
    %dma_wait3A_143 = arith.constant 0 : i32
    %dma_wait3A_144 = tpu.memref_slice %arg8[%dma_wait3A_125, %dma_wait3A_142, %dma_wait3A_143] : memref<3x128x128xf32, #tpu.memory_space<vmem>> -> memref<1x128x128xf32, #tpu.memory_space<vmem>>
    %dma_wait3A_145 = tpu.memref_squeeze %dma_wait3A_144 : memref<1x128x128xf32, #tpu.memory_space<vmem>> -> memref<128x128xf32, #tpu.memory_space<vmem>>
    tpu.wait_dma2 semaphore(%dma_wait3A_137 : memref<!tpu.dma_semaphore, #tpu.memory_space<semaphore_mem>>) src(%dma_wait3A_145 : memref<128x128xf32, #tpu.memory_space<vmem>>) dst(%dma_wait3A_141 : memref<128x128xf32, #tpu.memory_space<hbm>>)
    "tpu.region"() ({
      %run_scoped3A = tpu.sem_alloc : memref<!tpu.dma_semaphore, #tpu.memory_space<semaphore_mem>>
      %dma_start3A_146 = tpu.memref_slice %arg6[%mul3A_2] : memref<4096xf32, #tpu.memory_space<hbm>> -> memref<128xf32, #tpu.memory_space<hbm>>
      %dma_start3A_147 = tpu.memref_slice %arg6[%mul3A_2] : memref<4096xf32, #tpu.memory_space<hbm>> -> memref<128xf32, #tpu.memory_space<hbm>>
      tpu.enqueue_dma source(%arg10 : memref<128xf32, #tpu.memory_space<vmem>>) target(%dma_start3A_147 : memref<128xf32, #tpu.memory_space<hbm>>) target_semaphore(%run_scoped3A : memref<!tpu.dma_semaphore, #tpu.memory_space<semaphore_mem>>)
      %dma_wait3A_148 = tpu.memref_slice %arg6[%mul3A_2] : memref<4096xf32, #tpu.memory_space<hbm>> -> memref<128xf32, #tpu.memory_space<hbm>>
      %dma_wait3A_149 = tpu.memref_slice %arg6[%mul3A_2] : memref<4096xf32, #tpu.memory_space<hbm>> -> memref<128xf32, #tpu.memory_space<hbm>>
      tpu.wait_dma2 semaphore(%run_scoped3A : memref<!tpu.dma_semaphore, #tpu.memory_space<semaphore_mem>>) src(%arg10 : memref<128xf32, #tpu.memory_space<vmem>>) dst(%dma_wait3A_149 : memref<128xf32, #tpu.memory_space<hbm>>)
      tpu.yield
    }) : () -> ()
    return
  }
}

#map = affine_map<(d0, d1) -> (0, 0, 0, 0)>
#map1 = affine_map<(d0, d1) -> (0)>
#map2 = affine_map<(d0, d1) -> (0, 0)>
#map3 = affine_map<(d0, d1) -> (0, 0, 0)>
module attributes {stable_mosaic.version = 14 : i64} {
  func.func @body(%arg0: i32, %arg1: i32, %arg2: memref<32x26x1x128xi32, #tpu.memory_space<hbm>>, %arg3: memref<26032xf32, #tpu.memory_space<hbm>>, %arg4: memref<26026x128xf32, #tpu.memory_space<hbm>>, %arg5: memref<26x4096x128xf32, #tpu.memory_space<hbm>>, %arg6: memref<4096xf32, #tpu.memory_space<hbm>>, %arg7: memref<26x1x128xi32, #tpu.memory_space<vmem>>, %arg8: memref<3x128x128xf32, #tpu.memory_space<vmem>>, %arg9: memref<3x1x128xf32, #tpu.memory_space<vmem>>, %arg10: memref<128xf32, #tpu.memory_space<vmem>>, %arg11: memref<3x!tpu.dma_semaphore, #tpu.memory_space<semaphore_mem>>, %arg12: memref<3x!tpu.dma_semaphore, #tpu.memory_space<semaphore_mem>>, %arg13: memref<3x!tpu.dma_semaphore, #tpu.memory_space<semaphore_mem>>) attributes {dimension_semantics = [#tpu.dimension_semantics<core_parallel>, #tpu.dimension_semantics<subcore_parallel>], iteration_bounds = array<i64: 2, 16>, scalar_prefetch = 0 : i64, scratch_operands = 7 : i64, tpu.core_type = #tpu.core_type<sc_vector_subcore>, window_params = [{transform_indices = #map}, {transform_indices = #map1}, {transform_indices = #map2}, {transform_indices = #map3}, {transform_indices = #map1}]} {
    %mul3A = arith.constant 2 : i32
    %mul3A_0 = arith.muli %arg1, %mul3A : i32
    %add3A = arith.addi %mul3A_0, %arg0 : i32
    "tpu.region"() ({
      %run_scoped3A = tpu.sem_alloc : memref<!tpu.dma_semaphore, #tpu.memory_space<semaphore_mem>>
      %dma_start3A_146 = arith.constant 0 : i32
      %dma_start3A_147 = arith.constant 0 : i32
      %dma_start3A_148 = arith.constant 0 : i32
      %dma_start3A_149 = tpu.memref_slice %arg2[%add3A, %dma_start3A_146, %dma_start3A_147, %dma_start3A_148] : memref<32x26x1x128xi32, #tpu.memory_space<hbm>> -> memref<1x26x1x128xi32, #tpu.memory_space<hbm>>
      %dma_start3A_150 = tpu.memref_squeeze %dma_start3A_149 : memref<1x26x1x128xi32, #tpu.memory_space<hbm>> -> memref<26x1x128xi32, #tpu.memory_space<hbm>>
      %dma_start3A_151 = arith.constant 0 : i32
      %dma_start3A_152 = arith.constant 0 : i32
      %dma_start3A_153 = arith.constant 0 : i32
      %dma_start3A_154 = tpu.memref_slice %arg2[%add3A, %dma_start3A_151, %dma_start3A_152, %dma_start3A_153] : memref<32x26x1x128xi32, #tpu.memory_space<hbm>> -> memref<1x26x1x128xi32, #tpu.memory_space<hbm>>
      %dma_start3A_155 = tpu.memref_squeeze %dma_start3A_154 : memref<1x26x1x128xi32, #tpu.memory_space<hbm>> -> memref<26x1x128xi32, #tpu.memory_space<hbm>>
      tpu.enqueue_dma source(%dma_start3A_155 : memref<26x1x128xi32, #tpu.memory_space<hbm>>) target(%arg7 : memref<26x1x128xi32, #tpu.memory_space<vmem>>) target_semaphore(%run_scoped3A : memref<!tpu.dma_semaphore, #tpu.memory_space<semaphore_mem>>)
      %dma_wait3A_156 = arith.constant 0 : i32
      %dma_wait3A_157 = arith.constant 0 : i32
      %dma_wait3A_158 = arith.constant 0 : i32
      %dma_wait3A_159 = tpu.memref_slice %arg2[%add3A, %dma_wait3A_156, %dma_wait3A_157, %dma_wait3A_158] : memref<32x26x1x128xi32, #tpu.memory_space<hbm>> -> memref<1x26x1x128xi32, #tpu.memory_space<hbm>>
      %dma_wait3A_160 = tpu.memref_squeeze %dma_wait3A_159 : memref<1x26x1x128xi32, #tpu.memory_space<hbm>> -> memref<26x1x128xi32, #tpu.memory_space<hbm>>
      %dma_wait3A_161 = arith.constant 0 : i32
      %dma_wait3A_162 = arith.constant 0 : i32
      %dma_wait3A_163 = arith.constant 0 : i32
      %dma_wait3A_164 = tpu.memref_slice %arg2[%add3A, %dma_wait3A_161, %dma_wait3A_162, %dma_wait3A_163] : memref<32x26x1x128xi32, #tpu.memory_space<hbm>> -> memref<1x26x1x128xi32, #tpu.memory_space<hbm>>
      %dma_wait3A_165 = tpu.memref_squeeze %dma_wait3A_164 : memref<1x26x1x128xi32, #tpu.memory_space<hbm>> -> memref<26x1x128xi32, #tpu.memory_space<hbm>>
      tpu.wait_dma2 semaphore(%run_scoped3A : memref<!tpu.dma_semaphore, #tpu.memory_space<semaphore_mem>>) src(%dma_wait3A_165 : memref<26x1x128xi32, #tpu.memory_space<hbm>>) dst(%arg7 : memref<26x1x128xi32, #tpu.memory_space<vmem>>)
      tpu.yield
    }) : () -> ()
    %mul3A_1 = arith.constant 128 : i32
    %mul3A_2 = arith.muli %add3A, %mul3A_1 : i32
    %scan3A = arith.constant 0 : i32
    %scan3A_3 = arith.constant 0 : i32
    %scan3A_4 = arith.constant 8 : i32
    %scan3A_5 = arith.addi %scan3A_3, %scan3A_4 : i32
    %scan3A_6 = arith.constant 1 : i32
    scf.for %scan3A_146 = %scan3A_3 to %scan3A_5 step %scan3A_6  : i32 {
      %broadcast_in_dim3A = arith.constant 0.000000e+00 : f32
      %broadcast_in_dim3A_147 = vector.broadcast %broadcast_in_dim3A : f32 to vector<16xf32>
      %mul3A_148 = arith.constant 16 : i32
      %mul3A_149 = arith.muli %scan3A_146, %mul3A_148 : i32
      %swap3A = arith.index_cast %mul3A_149 : i32 to index
      %swap3A_150 = tpu.vector_load %arg10[%swap3A] {strides = array<i32>} : memref<128xf32, #tpu.memory_space<vmem>>, vector<16xf32>,
      %swap3A_151 = vector.shape_cast %swap3A_150 : vector<16xf32> to vector<16xf32>
      %swap3A_152 = vector.shape_cast %broadcast_in_dim3A_147 : vector<16xf32> to vector<16xf32>
      tpu.vector_store %arg10[%swap3A], %swap3A_152 {strides = array<i32>} : memref<128xf32, #tpu.memory_space<vmem>>, vector<16xf32>,
    }
    %scan3A_7 = arith.constant 8 : i32
    %rem3A = arith.constant 0 : i32
    %rem3A_8 = arith.constant 1 : i32
    %rem3A_9 = arith.remsi %rem3A, %rem3A_8 : i32
    %mul3A_10 = arith.constant 1 : i32
    %mul3A_11 = arith.muli %rem3A_9, %mul3A_10 : i32
    %add3A_12 = arith.constant 0 : i32
    %add3A_13 = arith.addi %mul3A_11, %add3A_12 : i32
    %dma_start3A = arith.constant 0 : i32
    %dma_start3A_14 = arith.constant 0 : i32
    %dma_start3A_15 = arith.constant 0 : i32
    %dma_start3A_16 = arith.constant 0 : i32
    %dma_start3A_17 = arith.constant 0 : i32
    %dma_start3A_18 = tpu.memref_slice %arg8[%dma_start3A_14, %dma_start3A_16, %dma_start3A_17] : memref<3x128x128xf32, #tpu.memory_space<vmem>> -> memref<1x128x128xf32, #tpu.memory_space<vmem>>
    %dma_start3A_19 = tpu.memref_squeeze %dma_start3A_18 : memref<1x128x128xf32, #tpu.memory_space<vmem>> -> memref<128x128xf32, #tpu.memory_space<vmem>>
    %dma_start3A_20 = arith.constant 0 : i32
    %dma_start3A_21 = tpu.memref_slice %arg7[%dma_start3A, %add3A_13, %dma_start3A_20] : memref<26x1x128xi32, #tpu.memory_space<vmem>> -> memref<1x1x128xi32, #tpu.memory_space<vmem>>
    %dma_start3A_22 = tpu.memref_squeeze %dma_start3A_21 : memref<1x1x128xi32, #tpu.memory_space<vmem>> -> memref<128xi32, #tpu.memory_space<vmem>>
    %dma_start3A_23 = arith.constant 0 : i32
    %dma_start3A_24 = arith.constant 0 : i32
    %dma_start3A_25 = tpu.memref_slice %arg4[%dma_start3A_23, %dma_start3A_24] : memref<26026x128xf32, #tpu.memory_space<hbm>> -> memref<26026x128xf32, #tpu.memory_space<hbm>>
    %dma_start3A_26 = tpu.memref_slice %arg11[%dma_start3A_15] : memref<3x!tpu.dma_semaphore, #tpu.memory_space<semaphore_mem>> -> memref<1x!tpu.dma_semaphore, #tpu.memory_space<semaphore_mem>>
    %dma_start3A_27 = tpu.memref_squeeze %dma_start3A_26 : memref<1x!tpu.dma_semaphore, #tpu.memory_space<semaphore_mem>> -> memref<!tpu.dma_semaphore, #tpu.memory_space<semaphore_mem>>
    tpu.enqueue_indirect_dma source(%dma_start3A_25 : memref<26026x128xf32, #tpu.memory_space<hbm>>) target(%dma_start3A_19 : memref<128x128xf32, #tpu.memory_space<vmem>>) offsets(%dma_start3A_22 : memref<128xi32, #tpu.memory_space<vmem>>) semaphore(%dma_start3A_27 : memref<!tpu.dma_semaphore, #tpu.memory_space<semaphore_mem>>)
    %dma_start3A_28 = arith.constant 0 : i32
    %dma_start3A_29 = arith.constant 0 : i32
    %dma_start3A_30 = arith.constant 0 : i32
    %dma_start3A_31 = arith.constant 0 : i32
    %dma_start3A_32 = arith.constant 0 : i32
    %dma_start3A_33 = tpu.memref_slice %arg9[%dma_start3A_29, %dma_start3A_30, %dma_start3A_32] : memref<3x1x128xf32, #tpu.memory_space<vmem>> -> memref<1x1x128xf32, #tpu.memory_space<vmem>>
    %dma_start3A_34 = tpu.memref_squeeze %dma_start3A_33 : memref<1x1x128xf32, #tpu.memory_space<vmem>> -> memref<128xf32, #tpu.memory_space<vmem>>
    %dma_start3A_35 = arith.constant 0 : i32
    %dma_start3A_36 = tpu.memref_slice %arg7[%dma_start3A_28, %add3A_13, %dma_start3A_35] : memref<26x1x128xi32, #tpu.memory_space<vmem>> -> memref<1x1x128xi32, #tpu.memory_space<vmem>>
    %dma_start3A_37 = tpu.memref_squeeze %dma_start3A_36 : memref<1x1x128xi32, #tpu.memory_space<vmem>> -> memref<128xi32, #tpu.memory_space<vmem>>
    %dma_start3A_38 = arith.constant 0 : i32
    %dma_start3A_39 = tpu.memref_slice %arg3[%dma_start3A_38] : memref<26032xf32, #tpu.memory_space<hbm>> -> memref<26032xf32, #tpu.memory_space<hbm>>
    %dma_start3A_40 = tpu.memref_slice %arg12[%dma_start3A_31] : memref<3x!tpu.dma_semaphore, #tpu.memory_space<semaphore_mem>> -> memref<1x!tpu.dma_semaphore, #tpu.memory_space<semaphore_mem>>
    %dma_start3A_41 = tpu.memref_squeeze %dma_start3A_40 : memref<1x!tpu.dma_semaphore, #tpu.memory_space<semaphore_mem>> -> memref<!tpu.dma_semaphore, #tpu.memory_space<semaphore_mem>>
    tpu.enqueue_indirect_dma source(%dma_start3A_39 : memref<26032xf32, #tpu.memory_space<hbm>>) target(%dma_start3A_34 : memref<128xf32, #tpu.memory_space<vmem>>) offsets(%dma_start3A_37 : memref<128xi32, #tpu.memory_space<vmem>>) semaphore(%dma_start3A_41 : memref<!tpu.dma_semaphore, #tpu.memory_space<semaphore_mem>>)
    %rem3A_42 = arith.constant 1 : i32
    %rem3A_43 = arith.constant 1 : i32
    %rem3A_44 = arith.remsi %rem3A_42, %rem3A_43 : i32
    %mul3A_45 = arith.constant 1 : i32
    %mul3A_46 = arith.muli %rem3A_44, %mul3A_45 : i32
    %add3A_47 = arith.constant 0 : i32
    %add3A_48 = arith.addi %mul3A_46, %add3A_47 : i32
    %dma_start3A_49 = arith.constant 1 : i32
    %dma_start3A_50 = arith.constant 1 : i32
    %dma_start3A_51 = arith.constant 1 : i32
    %dma_start3A_52 = arith.constant 0 : i32
    %dma_start3A_53 = arith.constant 0 : i32
    %dma_start3A_54 = tpu.memref_slice %arg8[%dma_start3A_50, %dma_start3A_52, %dma_start3A_53] : memref<3x128x128xf32, #tpu.memory_space<vmem>> -> memref<1x128x128xf32, #tpu.memory_space<vmem>>
    %dma_start3A_55 = tpu.memref_squeeze %dma_start3A_54 : memref<1x128x128xf32, #tpu.memory_space<vmem>> -> memref<128x128xf32, #tpu.memory_space<vmem>>
    %dma_start3A_56 = arith.constant 0 : i32
    %dma_start3A_57 = tpu.memref_slice %arg7[%dma_start3A_49, %add3A_48, %dma_start3A_56] : memref<26x1x128xi32, #tpu.memory_space<vmem>> -> memref<1x1x128xi32, #tpu.memory_space<vmem>>
    %dma_start3A_58 = tpu.memref_squeeze %dma_start3A_57 : memref<1x1x128xi32, #tpu.memory_space<vmem>> -> memref<128xi32, #tpu.memory_space<vmem>>
    %dma_start3A_59 = arith.constant 0 : i32
    %dma_start3A_60 = arith.constant 0 : i32
    %dma_start3A_61 = tpu.memref_slice %arg4[%dma_start3A_59, %dma_start3A_60] : memref<26026x128xf32, #tpu.memory_space<hbm>> -> memref<26026x128xf32, #tpu.memory_space<hbm>>
    %dma_start3A_62 = tpu.memref_slice %arg11[%dma_start3A_51] : memref<3x!tpu.dma_semaphore, #tpu.memory_space<semaphore_mem>> -> memref<1x!tpu.dma_semaphore, #tpu.memory_space<semaphore_mem>>
    %dma_start3A_63 = tpu.memref_squeeze %dma_start3A_62 : memref<1x!tpu.dma_semaphore, #tpu.memory_space<semaphore_mem>> -> memref<!tpu.dma_semaphore, #tpu.memory_space<semaphore_mem>>
    tpu.enqueue_indirect_dma source(%dma_start3A_61 : memref<26026x128xf32, #tpu.memory_space<hbm>>) target(%dma_start3A_55 : memref<128x128xf32, #tpu.memory_space<vmem>>) offsets(%dma_start3A_58 : memref<128xi32, #tpu.memory_space<vmem>>) semaphore(%dma_start3A_63 : memref<!tpu.dma_semaphore, #tpu.memory_space<semaphore_mem>>)
    %dma_start3A_64 = arith.constant 1 : i32
    %dma_start3A_65 = arith.constant 1 : i32
    %dma_start3A_66 = arith.constant 0 : i32
    %dma_start3A_67 = arith.constant 1 : i32
    %dma_start3A_68 = arith.constant 0 : i32
    %dma_start3A_69 = tpu.memref_slice %arg9[%dma_start3A_65, %dma_start3A_66, %dma_start3A_68] : memref<3x1x128xf32, #tpu.memory_space<vmem>> -> memref<1x1x128xf32, #tpu.memory_space<vmem>>
    %dma_start3A_70 = tpu.memref_squeeze %dma_start3A_69 : memref<1x1x128xf32, #tpu.memory_space<vmem>> -> memref<128xf32, #tpu.memory_space<vmem>>
    %dma_start3A_71 = arith.constant 0 : i32
    %dma_start3A_72 = tpu.memref_slice %arg7[%dma_start3A_64, %add3A_48, %dma_start3A_71] : memref<26x1x128xi32, #tpu.memory_space<vmem>> -> memref<1x1x128xi32, #tpu.memory_space<vmem>>
    %dma_start3A_73 = tpu.memref_squeeze %dma_start3A_72 : memref<1x1x128xi32, #tpu.memory_space<vmem>> -> memref<128xi32, #tpu.memory_space<vmem>>
    %dma_start3A_74 = arith.constant 0 : i32
    %dma_start3A_75 = tpu.memref_slice %arg3[%dma_start3A_74] : memref<26032xf32, #tpu.memory_space<hbm>> -> memref<26032xf32, #tpu.memory_space<hbm>>
    %dma_start3A_76 = tpu.memref_slice %arg12[%dma_start3A_67] : memref<3x!tpu.dma_semaphore, #tpu.memory_space<semaphore_mem>> -> memref<1x!tpu.dma_semaphore, #tpu.memory_space<semaphore_mem>>
    %dma_start3A_77 = tpu.memref_squeeze %dma_start3A_76 : memref<1x!tpu.dma_semaphore, #tpu.memory_space<semaphore_mem>> -> memref<!tpu.dma_semaphore, #tpu.memory_space<semaphore_mem>>
    tpu.enqueue_indirect_dma source(%dma_start3A_75 : memref<26032xf32, #tpu.memory_space<hbm>>) target(%dma_start3A_70 : memref<128xf32, #tpu.memory_space<vmem>>) offsets(%dma_start3A_73 : memref<128xi32, #tpu.memory_space<vmem>>) semaphore(%dma_start3A_77 : memref<!tpu.dma_semaphore, #tpu.memory_space<semaphore_mem>>)
    %scan3A_78 = arith.constant 0 : i32
    %scan3A_79 = arith.constant 0 : i32
    %scan3A_80 = arith.constant 26 : i32
    %scan3A_81 = arith.addi %scan3A_79, %scan3A_80 : i32
    %scan3A_82 = arith.constant 1 : i32
    scf.for %scan3A_146 = %scan3A_79 to %scan3A_81 step %scan3A_82  : i32 {
      %rem3A_147 = arith.constant 3 : i32
      %rem3A_148 = arith.remsi %scan3A_146, %rem3A_147 : i32
      %jit3A = arith.constant 1 : i32
      %div3A = arith.divsi %scan3A_146, %jit3A : i32
      %sign3A = arith.constant 0 : i32
      %sign3A_149 = arith.cmpi sgt, %scan3A_146, %sign3A : i32
      %sign3A_150 = arith.extui %sign3A_149 : i1 to i32
      %sign3A_151 = arith.constant 0 : i32
      %sign3A_152 = arith.cmpi slt, %scan3A_146, %sign3A_151 : i32
      %sign3A_153 = arith.extui %sign3A_152 : i1 to i32
      %sign3A_154 = arith.subi %sign3A_150, %sign3A_153 : i32
      %sign3A_155 = arith.constant 0 : i32
      %sign3A_156 = arith.cmpi sgt, %jit3A, %sign3A_155 : i32
      %sign3A_157 = arith.extui %sign3A_156 : i1 to i32
      %sign3A_158 = arith.constant 0 : i32
      %sign3A_159 = arith.cmpi slt, %jit3A, %sign3A_158 : i32
      %sign3A_160 = arith.extui %sign3A_159 : i1 to i32
      %sign3A_161 = arith.subi %sign3A_157, %sign3A_160 : i32
      %ne3A = arith.cmpi ne, %sign3A_154, %sign3A_161 : i32
      %rem3A_162 = arith.remsi %scan3A_146, %jit3A : i32
      %ne3A_163 = arith.constant 0 : i32
      %ne3A_164 = arith.cmpi ne, %rem3A_162, %ne3A_163 : i32
      %and3A = arith.andi %ne3A, %ne3A_164 : i1
      %sub3A = arith.constant 1 : i32
      %sub3A_165 = arith.subi %div3A, %sub3A : i32
      %select_n3A = arith.select %and3A, %sub3A_165, %div3A : i32
      %rem3A_166 = arith.constant 1 : i32
      %rem3A_167 = arith.remsi %scan3A_146, %rem3A_166 : i32
      %dma_wait3A_168 = arith.constant 0 : i32
      %dma_wait3A_169 = arith.constant 0 : i32
      %dma_wait3A_170 = tpu.memref_slice %arg8[%rem3A_148, %dma_wait3A_168, %dma_wait3A_169] : memref<3x128x128xf32, #tpu.memory_space<vmem>> -> memref<1x128x128xf32, #tpu.memory_space<vmem>>
      %dma_wait3A_171 = tpu.memref_squeeze %dma_wait3A_170 : memref<1x128x128xf32, #tpu.memory_space<vmem>> -> memref<128x128xf32, #tpu.memory_space<vmem>>
      %dma_wait3A_172 = arith.constant 0 : i32
      %dma_wait3A_173 = arith.constant 0 : i32
      %dma_wait3A_174 = tpu.memref_slice %arg4[%dma_wait3A_172, %dma_wait3A_173] : memref<26026x128xf32, #tpu.memory_space<hbm>> -> memref<128x128xf32, #tpu.memory_space<hbm>>
      %dma_wait3A_175 = tpu.memref_slice %arg11[%rem3A_148] : memref<3x!tpu.dma_semaphore, #tpu.memory_space<semaphore_mem>> -> memref<1x!tpu.dma_semaphore, #tpu.memory_space<semaphore_mem>>
      %dma_wait3A_176 = tpu.memref_squeeze %dma_wait3A_175 : memref<1x!tpu.dma_semaphore, #tpu.memory_space<semaphore_mem>> -> memref<!tpu.dma_semaphore, #tpu.memory_space<semaphore_mem>>
      %dma_wait3A_177 = arith.constant 0 : i32
      %dma_wait3A_178 = arith.constant 0 : i32
      %dma_wait3A_179 = tpu.memref_slice %arg8[%rem3A_148, %dma_wait3A_177, %dma_wait3A_178] : memref<3x128x128xf32, #tpu.memory_space<vmem>> -> memref<1x128x128xf32, #tpu.memory_space<vmem>>
      %dma_wait3A_180 = tpu.memref_squeeze %dma_wait3A_179 : memref<1x128x128xf32, #tpu.memory_space<vmem>> -> memref<128x128xf32, #tpu.memory_space<vmem>>
      %dma_wait3A_181 = arith.constant 0 : i32
      %dma_wait3A_182 = arith.constant 0 : i32
      %dma_wait3A_183 = tpu.memref_slice %arg4[%dma_wait3A_181, %dma_wait3A_182] : memref<26026x128xf32, #tpu.memory_space<hbm>> -> memref<128x128xf32, #tpu.memory_space<hbm>>
      tpu.wait_dma2 semaphore(%dma_wait3A_176 : memref<!tpu.dma_semaphore, #tpu.memory_space<semaphore_mem>>) src(%dma_wait3A_183 : memref<128x128xf32, #tpu.memory_space<hbm>>) dst(%dma_wait3A_180 : memref<128x128xf32, #tpu.memory_space<vmem>>)
      %mul3A_184 = arith.constant 128 : i32
      %mul3A_185 = arith.muli %rem3A_167, %mul3A_184 : i32
      %add3A_186 = arith.addi %mul3A_2, %mul3A_185 : i32
      %dma_start3A_187 = arith.constant 0 : i32
      %dma_start3A_188 = arith.constant 0 : i32
      %dma_start3A_189 = tpu.memref_slice %arg8[%rem3A_148, %dma_start3A_187, %dma_start3A_188] : memref<3x128x128xf32, #tpu.memory_space<vmem>> -> memref<1x128x128xf32, #tpu.memory_space<vmem>>
      %dma_start3A_190 = tpu.memref_squeeze %dma_start3A_189 : memref<1x128x128xf32, #tpu.memory_space<vmem>> -> memref<128x128xf32, #tpu.memory_space<vmem>>
      %dma_start3A_191 = arith.constant 0 : i32
      %dma_start3A_192 = tpu.memref_slice %arg5[%select_n3A, %add3A_186, %dma_start3A_191] : memref<26x4096x128xf32, #tpu.memory_space<hbm>> -> memref<1x128x128xf32, #tpu.memory_space<hbm>>
      %dma_start3A_193 = tpu.memref_squeeze %dma_start3A_192 : memref<1x128x128xf32, #tpu.memory_space<hbm>> -> memref<128x128xf32, #tpu.memory_space<hbm>>
      %dma_start3A_194 = tpu.memref_slice %arg13[%rem3A_148] : memref<3x!tpu.dma_semaphore, #tpu.memory_space<semaphore_mem>> -> memref<1x!tpu.dma_semaphore, #tpu.memory_space<semaphore_mem>>
      %dma_start3A_195 = tpu.memref_squeeze %dma_start3A_194 : memref<1x!tpu.dma_semaphore, #tpu.memory_space<semaphore_mem>> -> memref<!tpu.dma_semaphore, #tpu.memory_space<semaphore_mem>>
      %dma_start3A_196 = arith.constant 0 : i32
      %dma_start3A_197 = tpu.memref_slice %arg5[%select_n3A, %add3A_186, %dma_start3A_196] : memref<26x4096x128xf32, #tpu.memory_space<hbm>> -> memref<1x128x128xf32, #tpu.memory_space<hbm>>
      %dma_start3A_198 = tpu.memref_squeeze %dma_start3A_197 : memref<1x128x128xf32, #tpu.memory_space<hbm>> -> memref<128x128xf32, #tpu.memory_space<hbm>>
      %dma_start3A_199 = arith.constant 0 : i32
      %dma_start3A_200 = arith.constant 0 : i32
      %dma_start3A_201 = tpu.memref_slice %arg8[%rem3A_148, %dma_start3A_199, %dma_start3A_200] : memref<3x128x128xf32, #tpu.memory_space<vmem>> -> memref<1x128x128xf32, #tpu.memory_space<vmem>>
      %dma_start3A_202 = tpu.memref_squeeze %dma_start3A_201 : memref<1x128x128xf32, #tpu.memory_space<vmem>> -> memref<128x128xf32, #tpu.memory_space<vmem>>
      tpu.enqueue_dma source(%dma_start3A_202 : memref<128x128xf32, #tpu.memory_space<vmem>>) target(%dma_start3A_198 : memref<128x128xf32, #tpu.memory_space<hbm>>) target_semaphore(%dma_start3A_195 : memref<!tpu.dma_semaphore, #tpu.memory_space<semaphore_mem>>)
      %add3A_203 = arith.constant 2 : i32
      %add3A_204 = arith.addi %scan3A_146, %add3A_203 : i32
      %lt3A = arith.constant 26 : i32
      %lt3A_205 = arith.cmpi slt, %add3A_204, %lt3A : i32
      %convert_element_type3A = arith.extui %lt3A_205 : i1 to i32
      %cond3A = arith.constant 0 : i32
      %cond3A_206 = arith.cmpi ne, %convert_element_type3A, %cond3A : i32
      scf.if %cond3A_206 {
        %add3A_378 = arith.constant 2 : i32
        %add3A_379 = arith.addi %scan3A_146, %add3A_378 : i32
        %rem3A_380 = arith.constant 3 : i32
        %rem3A_381 = arith.remsi %add3A_379, %rem3A_380 : i32
        %ge3A = arith.constant 1 : i32
        %ge3A_382 = arith.cmpi sge, %scan3A_146, %ge3A : i32
        %convert_element_type3A_383 = arith.extui %ge3A_382 : i1 to i32
        %cond3A_384 = arith.constant 0 : i32
        %cond3A_385 = arith.cmpi ne, %convert_element_type3A_383, %cond3A_384 : i32
        scf.if %cond3A_385 {
          %dma_wait3A_441 = arith.constant 0 : i32
          %dma_wait3A_442 = arith.constant 0 : i32
          %dma_wait3A_443 = arith.constant 0 : i32
          %dma_wait3A_444 = tpu.memref_slice %arg8[%rem3A_381, %dma_wait3A_442, %dma_wait3A_443] : memref<3x128x128xf32, #tpu.memory_space<vmem>> -> memref<1x128x128xf32, #tpu.memory_space<vmem>>
          %dma_wait3A_445 = tpu.memref_squeeze %dma_wait3A_444 : memref<1x128x128xf32, #tpu.memory_space<vmem>> -> memref<128x128xf32, #tpu.memory_space<vmem>>
          %dma_wait3A_446 = arith.constant 0 : i32
          %dma_wait3A_447 = arith.constant 0 : i32
          %dma_wait3A_448 = tpu.memref_slice %arg5[%dma_wait3A_441, %dma_wait3A_446, %dma_wait3A_447] : memref<26x4096x128xf32, #tpu.memory_space<hbm>> -> memref<1x128x128xf32, #tpu.memory_space<hbm>>
          %dma_wait3A_449 = tpu.memref_squeeze %dma_wait3A_448 : memref<1x128x128xf32, #tpu.memory_space<hbm>> -> memref<128x128xf32, #tpu.memory_space<hbm>>
          %dma_wait3A_450 = tpu.memref_slice %arg13[%rem3A_381] : memref<3x!tpu.dma_semaphore, #tpu.memory_space<semaphore_mem>> -> memref<1x!tpu.dma_semaphore, #tpu.memory_space<semaphore_mem>>
          %dma_wait3A_451 = tpu.memref_squeeze %dma_wait3A_450 : memref<1x!tpu.dma_semaphore, #tpu.memory_space<semaphore_mem>> -> memref<!tpu.dma_semaphore, #tpu.memory_space<semaphore_mem>>
          %dma_wait3A_452 = arith.constant 0 : i32
          %dma_wait3A_453 = arith.constant 0 : i32
          %dma_wait3A_454 = tpu.memref_slice %arg5[%dma_wait3A_441, %dma_wait3A_452, %dma_wait3A_453] : memref<26x4096x128xf32, #tpu.memory_space<hbm>> -> memref<1x128x128xf32, #tpu.memory_space<hbm>>
          %dma_wait3A_455 = tpu.memref_squeeze %dma_wait3A_454 : memref<1x128x128xf32, #tpu.memory_space<hbm>> -> memref<128x128xf32, #tpu.memory_space<hbm>>
          %dma_wait3A_456 = arith.constant 0 : i32
          %dma_wait3A_457 = arith.constant 0 : i32
          %dma_wait3A_458 = tpu.memref_slice %arg8[%rem3A_381, %dma_wait3A_456, %dma_wait3A_457] : memref<3x128x128xf32, #tpu.memory_space<vmem>> -> memref<1x128x128xf32, #tpu.memory_space<vmem>>
          %dma_wait3A_459 = tpu.memref_squeeze %dma_wait3A_458 : memref<1x128x128xf32, #tpu.memory_space<vmem>> -> memref<128x128xf32, #tpu.memory_space<vmem>>
          tpu.wait_dma2 semaphore(%dma_wait3A_451 : memref<!tpu.dma_semaphore, #tpu.memory_space<semaphore_mem>>) src(%dma_wait3A_459 : memref<128x128xf32, #tpu.memory_space<vmem>>) dst(%dma_wait3A_455 : memref<128x128xf32, #tpu.memory_space<hbm>>)
        } else {
        }
        %add3A_386 = arith.constant 2 : i32
        %add3A_387 = arith.addi %scan3A_146, %add3A_386 : i32
        %jit3A_388 = arith.constant 1 : i32
        %div3A_389 = arith.divsi %add3A_387, %jit3A_388 : i32
        %sign3A_390 = arith.constant 0 : i32
        %sign3A_391 = arith.cmpi sgt, %add3A_387, %sign3A_390 : i32
        %sign3A_392 = arith.extui %sign3A_391 : i1 to i32
        %sign3A_393 = arith.constant 0 : i32
        %sign3A_394 = arith.cmpi slt, %add3A_387, %sign3A_393 : i32
        %sign3A_395 = arith.extui %sign3A_394 : i1 to i32
        %sign3A_396 = arith.subi %sign3A_392, %sign3A_395 : i32
        %sign3A_397 = arith.constant 0 : i32
        %sign3A_398 = arith.cmpi sgt, %jit3A_388, %sign3A_397 : i32
        %sign3A_399 = arith.extui %sign3A_398 : i1 to i32
        %sign3A_400 = arith.constant 0 : i32
        %sign3A_401 = arith.cmpi slt, %jit3A_388, %sign3A_400 : i32
        %sign3A_402 = arith.extui %sign3A_401 : i1 to i32
        %sign3A_403 = arith.subi %sign3A_399, %sign3A_402 : i32
        %ne3A_404 = arith.cmpi ne, %sign3A_396, %sign3A_403 : i32
        %rem3A_405 = arith.remsi %add3A_387, %jit3A_388 : i32
        %ne3A_406 = arith.constant 0 : i32
        %ne3A_407 = arith.cmpi ne, %rem3A_405, %ne3A_406 : i32
        %and3A_408 = arith.andi %ne3A_404, %ne3A_407 : i1
        %sub3A_409 = arith.constant 1 : i32
        %sub3A_410 = arith.subi %div3A_389, %sub3A_409 : i32
        %select_n3A_411 = arith.select %and3A_408, %sub3A_410, %div3A_389 : i32
        %rem3A_412 = arith.constant 1 : i32
        %rem3A_413 = arith.remsi %add3A_387, %rem3A_412 : i32
        %mul3A_414 = arith.constant 1 : i32
        %mul3A_415 = arith.muli %rem3A_413, %mul3A_414 : i32
        %add3A_416 = arith.constant 0 : i32
        %add3A_417 = arith.addi %mul3A_415, %add3A_416 : i32
        %dma_start3A_418 = arith.constant 0 : i32
        %dma_start3A_419 = arith.constant 0 : i32
        %dma_start3A_420 = tpu.memref_slice %arg8[%rem3A_381, %dma_start3A_418, %dma_start3A_419] : memref<3x128x128xf32, #tpu.memory_space<vmem>> -> memref<1x128x128xf32, #tpu.memory_space<vmem>>
        %dma_start3A_421 = tpu.memref_squeeze %dma_start3A_420 : memref<1x128x128xf32, #tpu.memory_space<vmem>> -> memref<128x128xf32, #tpu.memory_space<vmem>>
        %dma_start3A_422 = arith.constant 0 : i32
        %dma_start3A_423 = tpu.memref_slice %arg7[%select_n3A_411, %add3A_417, %dma_start3A_422] : memref<26x1x128xi32, #tpu.memory_space<vmem>> -> memref<1x1x128xi32, #tpu.memory_space<vmem>>
        %dma_start3A_424 = tpu.memref_squeeze %dma_start3A_423 : memref<1x1x128xi32, #tpu.memory_space<vmem>> -> memref<128xi32, #tpu.memory_space<vmem>>
        %dma_start3A_425 = arith.constant 0 : i32
        %dma_start3A_426 = arith.constant 0 : i32
        %dma_start3A_427 = tpu.memref_slice %arg4[%dma_start3A_425, %dma_start3A_426] : memref<26026x128xf32, #tpu.memory_space<hbm>> -> memref<26026x128xf32, #tpu.memory_space<hbm>>
        %dma_start3A_428 = tpu.memref_slice %arg11[%rem3A_381] : memref<3x!tpu.dma_semaphore, #tpu.memory_space<semaphore_mem>> -> memref<1x!tpu.dma_semaphore, #tpu.memory_space<semaphore_mem>>
        %dma_start3A_429 = tpu.memref_squeeze %dma_start3A_428 : memref<1x!tpu.dma_semaphore, #tpu.memory_space<semaphore_mem>> -> memref<!tpu.dma_semaphore, #tpu.memory_space<semaphore_mem>>
        tpu.enqueue_indirect_dma source(%dma_start3A_427 : memref<26026x128xf32, #tpu.memory_space<hbm>>) target(%dma_start3A_421 : memref<128x128xf32, #tpu.memory_space<vmem>>) offsets(%dma_start3A_424 : memref<128xi32, #tpu.memory_space<vmem>>) semaphore(%dma_start3A_429 : memref<!tpu.dma_semaphore, #tpu.memory_space<semaphore_mem>>)
        %dma_start3A_430 = arith.constant 0 : i32
        %dma_start3A_431 = arith.constant 0 : i32
        %dma_start3A_432 = tpu.memref_slice %arg9[%rem3A_381, %dma_start3A_430, %dma_start3A_431] : memref<3x1x128xf32, #tpu.memory_space<vmem>> -> memref<1x1x128xf32, #tpu.memory_space<vmem>>
        %dma_start3A_433 = tpu.memref_squeeze %dma_start3A_432 : memref<1x1x128xf32, #tpu.memory_space<vmem>> -> memref<128xf32, #tpu.memory_space<vmem>>
        %dma_start3A_434 = arith.constant 0 : i32
        %dma_start3A_435 = tpu.memref_slice %arg7[%select_n3A_411, %add3A_417, %dma_start3A_434] : memref<26x1x128xi32, #tpu.memory_space<vmem>> -> memref<1x1x128xi32, #tpu.memory_space<vmem>>
        %dma_start3A_436 = tpu.memref_squeeze %dma_start3A_435 : memref<1x1x128xi32, #tpu.memory_space<vmem>> -> memref<128xi32, #tpu.memory_space<vmem>>
        %dma_start3A_437 = arith.constant 0 : i32
        %dma_start3A_438 = tpu.memref_slice %arg3[%dma_start3A_437] : memref<26032xf32, #tpu.memory_space<hbm>> -> memref<26032xf32, #tpu.memory_space<hbm>>
        %dma_start3A_439 = tpu.memref_slice %arg12[%rem3A_381] : memref<3x!tpu.dma_semaphore, #tpu.memory_space<semaphore_mem>> -> memref<1x!tpu.dma_semaphore, #tpu.memory_space<semaphore_mem>>
        %dma_start3A_440 = tpu.memref_squeeze %dma_start3A_439 : memref<1x!tpu.dma_semaphore, #tpu.memory_space<semaphore_mem>> -> memref<!tpu.dma_semaphore, #tpu.memory_space<semaphore_mem>>
        tpu.enqueue_indirect_dma source(%dma_start3A_438 : memref<26032xf32, #tpu.memory_space<hbm>>) target(%dma_start3A_433 : memref<128xf32, #tpu.memory_space<vmem>>) offsets(%dma_start3A_436 : memref<128xi32, #tpu.memory_space<vmem>>) semaphore(%dma_start3A_440 : memref<!tpu.dma_semaphore, #tpu.memory_space<semaphore_mem>>)
      } else {
      }
      %dma_wait3A_207 = arith.constant 0 : i32
      %dma_wait3A_208 = arith.constant 0 : i32
      %dma_wait3A_209 = tpu.memref_slice %arg9[%rem3A_148, %dma_wait3A_207, %dma_wait3A_208] : memref<3x1x128xf32, #tpu.memory_space<vmem>> -> memref<1x1x128xf32, #tpu.memory_space<vmem>>
      %dma_wait3A_210 = tpu.memref_squeeze %dma_wait3A_209 : memref<1x1x128xf32, #tpu.memory_space<vmem>> -> memref<128xf32, #tpu.memory_space<vmem>>
      %dma_wait3A_211 = arith.constant 0 : i32
      %dma_wait3A_212 = tpu.memref_slice %arg3[%dma_wait3A_211] : memref<26032xf32, #tpu.memory_space<hbm>> -> memref<128xf32, #tpu.memory_space<hbm>>
      %dma_wait3A_213 = tpu.memref_slice %arg12[%rem3A_148] : memref<3x!tpu.dma_semaphore, #tpu.memory_space<semaphore_mem>> -> memref<1x!tpu.dma_semaphore, #tpu.memory_space<semaphore_mem>>
      %dma_wait3A_214 = tpu.memref_squeeze %dma_wait3A_213 : memref<1x!tpu.dma_semaphore, #tpu.memory_space<semaphore_mem>> -> memref<!tpu.dma_semaphore, #tpu.memory_space<semaphore_mem>>
      %dma_wait3A_215 = arith.constant 0 : i32
      %dma_wait3A_216 = tpu.memref_slice %arg9[%rem3A_148, %dma_wait3A_207, %dma_wait3A_215] : memref<3x1x128xf32, #tpu.memory_space<vmem>> -> memref<1x1x128xf32, #tpu.memory_space<vmem>>
      %dma_wait3A_217 = tpu.memref_squeeze %dma_wait3A_216 : memref<1x1x128xf32, #tpu.memory_space<vmem>> -> memref<128xf32, #tpu.memory_space<vmem>>
      %dma_wait3A_218 = arith.constant 0 : i32
      %dma_wait3A_219 = tpu.memref_slice %arg3[%dma_wait3A_218] : memref<26032xf32, #tpu.memory_space<hbm>> -> memref<128xf32, #tpu.memory_space<hbm>>
      tpu.wait_dma2 semaphore(%dma_wait3A_214 : memref<!tpu.dma_semaphore, #tpu.memory_space<semaphore_mem>>) src(%dma_wait3A_219 : memref<128xf32, #tpu.memory_space<hbm>>) dst(%dma_wait3A_217 : memref<128xf32, #tpu.memory_space<vmem>>)
      %mul3A_220 = arith.constant 128 : i32
      %mul3A_221 = arith.muli %rem3A_167, %mul3A_220 : i32
      %add3A_222 = arith.constant 0 : i32
      %add3A_223 = arith.addi %mul3A_221, %add3A_222 : i32
      %add3A_224 = arith.constant 0 : i32
      %add3A_225 = arith.addi %add3A_223, %add3A_224 : i32
      %get3A = arith.index_cast %add3A_225 : i32 to index
      %get3A_226 = tpu.vector_load %arg10[%get3A] {strides = array<i32>} : memref<128xf32, #tpu.memory_space<vmem>>, vector<16xf32>,
      %get3A_227 = vector.shape_cast %get3A_226 : vector<16xf32> to vector<16xf32>
      %get3A_228 = arith.constant 0 : i32
      %get3A_229 = arith.index_cast %rem3A_148 : i32 to index
      %get3A_230 = arith.index_cast %get3A_228 : i32 to index
      %get3A_231 = arith.constant 0 : index
      %get3A_232 = tpu.vector_load %arg9[%get3A_229, %get3A_230, %get3A_231] {strides = array<i32>} : memref<3x1x128xf32, #tpu.memory_space<vmem>>, vector<1x1x16xf32>,
      %get3A_233 = vector.shape_cast %get3A_232 : vector<1x1x16xf32> to vector<16xf32>
      %add3A_234 = arith.addf %get3A_227, %get3A_233 : vector<16xf32>
      %swap3A = arith.index_cast %add3A_225 : i32 to index
      %swap3A_235 = tpu.vector_load %arg10[%swap3A] {strides = array<i32>} : memref<128xf32, #tpu.memory_space<vmem>>, vector<16xf32>,
      %swap3A_236 = vector.shape_cast %swap3A_235 : vector<16xf32> to vector<16xf32>
      %swap3A_237 = vector.shape_cast %add3A_234 : vector<16xf32> to vector<16xf32>
      tpu.vector_store %arg10[%swap3A], %swap3A_237 {strides = array<i32>} : memref<128xf32, #tpu.memory_space<vmem>>, vector<16xf32>,
      %mul3A_238 = arith.constant 128 : i32
      %mul3A_239 = arith.muli %rem3A_167, %mul3A_238 : i32
      %add3A_240 = arith.constant 0 : i32
      %add3A_241 = arith.addi %mul3A_239, %add3A_240 : i32
      %add3A_242 = arith.constant 16 : i32
      %add3A_243 = arith.addi %add3A_241, %add3A_242 : i32
      %get3A_244 = arith.index_cast %add3A_243 : i32 to index
      %get3A_245 = tpu.vector_load %arg10[%get3A_244] {strides = array<i32>} : memref<128xf32, #tpu.memory_space<vmem>>, vector<16xf32>,
      %get3A_246 = vector.shape_cast %get3A_245 : vector<16xf32> to vector<16xf32>
      %get3A_247 = arith.constant 0 : i32
      %get3A_248 = arith.index_cast %rem3A_148 : i32 to index
      %get3A_249 = arith.index_cast %get3A_247 : i32 to index
      %get3A_250 = arith.constant 16 : index
      %get3A_251 = tpu.vector_load %arg9[%get3A_248, %get3A_249, %get3A_250] {strides = array<i32>} : memref<3x1x128xf32, #tpu.memory_space<vmem>>, vector<1x1x16xf32>,
      %get3A_252 = vector.shape_cast %get3A_251 : vector<1x1x16xf32> to vector<16xf32>
      %add3A_253 = arith.addf %get3A_246, %get3A_252 : vector<16xf32>
      %swap3A_254 = arith.index_cast %add3A_243 : i32 to index
      %swap3A_255 = tpu.vector_load %arg10[%swap3A_254] {strides = array<i32>} : memref<128xf32, #tpu.memory_space<vmem>>, vector<16xf32>,
      %swap3A_256 = vector.shape_cast %swap3A_255 : vector<16xf32> to vector<16xf32>
      %swap3A_257 = vector.shape_cast %add3A_253 : vector<16xf32> to vector<16xf32>
      tpu.vector_store %arg10[%swap3A_254], %swap3A_257 {strides = array<i32>} : memref<128xf32, #tpu.memory_space<vmem>>, vector<16xf32>,
      %mul3A_258 = arith.constant 128 : i32
      %mul3A_259 = arith.muli %rem3A_167, %mul3A_258 : i32
      %add3A_260 = arith.constant 0 : i32
      %add3A_261 = arith.addi %mul3A_259, %add3A_260 : i32
      %add3A_262 = arith.constant 32 : i32
      %add3A_263 = arith.addi %add3A_261, %add3A_262 : i32
      %get3A_264 = arith.index_cast %add3A_263 : i32 to index
      %get3A_265 = tpu.vector_load %arg10[%get3A_264] {strides = array<i32>} : memref<128xf32, #tpu.memory_space<vmem>>, vector<16xf32>,
      %get3A_266 = vector.shape_cast %get3A_265 : vector<16xf32> to vector<16xf32>
      %get3A_267 = arith.constant 0 : i32
      %get3A_268 = arith.index_cast %rem3A_148 : i32 to index
      %get3A_269 = arith.index_cast %get3A_267 : i32 to index
      %get3A_270 = arith.constant 32 : index
      %get3A_271 = tpu.vector_load %arg9[%get3A_268, %get3A_269, %get3A_270] {strides = array<i32>} : memref<3x1x128xf32, #tpu.memory_space<vmem>>, vector<1x1x16xf32>,
      %get3A_272 = vector.shape_cast %get3A_271 : vector<1x1x16xf32> to vector<16xf32>
      %add3A_273 = arith.addf %get3A_266, %get3A_272 : vector<16xf32>
      %swap3A_274 = arith.index_cast %add3A_263 : i32 to index
      %swap3A_275 = tpu.vector_load %arg10[%swap3A_274] {strides = array<i32>} : memref<128xf32, #tpu.memory_space<vmem>>, vector<16xf32>,
      %swap3A_276 = vector.shape_cast %swap3A_275 : vector<16xf32> to vector<16xf32>
      %swap3A_277 = vector.shape_cast %add3A_273 : vector<16xf32> to vector<16xf32>
      tpu.vector_store %arg10[%swap3A_274], %swap3A_277 {strides = array<i32>} : memref<128xf32, #tpu.memory_space<vmem>>, vector<16xf32>,
      %mul3A_278 = arith.constant 128 : i32
      %mul3A_279 = arith.muli %rem3A_167, %mul3A_278 : i32
      %add3A_280 = arith.constant 0 : i32
      %add3A_281 = arith.addi %mul3A_279, %add3A_280 : i32
      %add3A_282 = arith.constant 48 : i32
      %add3A_283 = arith.addi %add3A_281, %add3A_282 : i32
      %get3A_284 = arith.index_cast %add3A_283 : i32 to index
      %get3A_285 = tpu.vector_load %arg10[%get3A_284] {strides = array<i32>} : memref<128xf32, #tpu.memory_space<vmem>>, vector<16xf32>,
      %get3A_286 = vector.shape_cast %get3A_285 : vector<16xf32> to vector<16xf32>
      %get3A_287 = arith.constant 0 : i32
      %get3A_288 = arith.index_cast %rem3A_148 : i32 to index
      %get3A_289 = arith.index_cast %get3A_287 : i32 to index
      %get3A_290 = arith.constant 48 : index
      %get3A_291 = tpu.vector_load %arg9[%get3A_288, %get3A_289, %get3A_290] {strides = array<i32>} : memref<3x1x128xf32, #tpu.memory_space<vmem>>, vector<1x1x16xf32>,
      %get3A_292 = vector.shape_cast %get3A_291 : vector<1x1x16xf32> to vector<16xf32>
      %add3A_293 = arith.addf %get3A_286, %get3A_292 : vector<16xf32>
      %swap3A_294 = arith.index_cast %add3A_283 : i32 to index
      %swap3A_295 = tpu.vector_load %arg10[%swap3A_294] {strides = array<i32>} : memref<128xf32, #tpu.memory_space<vmem>>, vector<16xf32>,
      %swap3A_296 = vector.shape_cast %swap3A_295 : vector<16xf32> to vector<16xf32>
      %swap3A_297 = vector.shape_cast %add3A_293 : vector<16xf32> to vector<16xf32>
      tpu.vector_store %arg10[%swap3A_294], %swap3A_297 {strides = array<i32>} : memref<128xf32, #tpu.memory_space<vmem>>, vector<16xf32>,
      %mul3A_298 = arith.constant 128 : i32
      %mul3A_299 = arith.muli %rem3A_167, %mul3A_298 : i32
      %add3A_300 = arith.constant 0 : i32
      %add3A_301 = arith.addi %mul3A_299, %add3A_300 : i32
      %add3A_302 = arith.constant 64 : i32
      %add3A_303 = arith.addi %add3A_301, %add3A_302 : i32
      %get3A_304 = arith.index_cast %add3A_303 : i32 to index
      %get3A_305 = tpu.vector_load %arg10[%get3A_304] {strides = array<i32>} : memref<128xf32, #tpu.memory_space<vmem>>, vector<16xf32>,
      %get3A_306 = vector.shape_cast %get3A_305 : vector<16xf32> to vector<16xf32>
      %get3A_307 = arith.constant 0 : i32
      %get3A_308 = arith.index_cast %rem3A_148 : i32 to index
      %get3A_309 = arith.index_cast %get3A_307 : i32 to index
      %get3A_310 = arith.constant 64 : index
      %get3A_311 = tpu.vector_load %arg9[%get3A_308, %get3A_309, %get3A_310] {strides = array<i32>} : memref<3x1x128xf32, #tpu.memory_space<vmem>>, vector<1x1x16xf32>,
      %get3A_312 = vector.shape_cast %get3A_311 : vector<1x1x16xf32> to vector<16xf32>
      %add3A_313 = arith.addf %get3A_306, %get3A_312 : vector<16xf32>
      %swap3A_314 = arith.index_cast %add3A_303 : i32 to index
      %swap3A_315 = tpu.vector_load %arg10[%swap3A_314] {strides = array<i32>} : memref<128xf32, #tpu.memory_space<vmem>>, vector<16xf32>,
      %swap3A_316 = vector.shape_cast %swap3A_315 : vector<16xf32> to vector<16xf32>
      %swap3A_317 = vector.shape_cast %add3A_313 : vector<16xf32> to vector<16xf32>
      tpu.vector_store %arg10[%swap3A_314], %swap3A_317 {strides = array<i32>} : memref<128xf32, #tpu.memory_space<vmem>>, vector<16xf32>,
      %mul3A_318 = arith.constant 128 : i32
      %mul3A_319 = arith.muli %rem3A_167, %mul3A_318 : i32
      %add3A_320 = arith.constant 0 : i32
      %add3A_321 = arith.addi %mul3A_319, %add3A_320 : i32
      %add3A_322 = arith.constant 80 : i32
      %add3A_323 = arith.addi %add3A_321, %add3A_322 : i32
      %get3A_324 = arith.index_cast %add3A_323 : i32 to index
      %get3A_325 = tpu.vector_load %arg10[%get3A_324] {strides = array<i32>} : memref<128xf32, #tpu.memory_space<vmem>>, vector<16xf32>,
      %get3A_326 = vector.shape_cast %get3A_325 : vector<16xf32> to vector<16xf32>
      %get3A_327 = arith.constant 0 : i32
      %get3A_328 = arith.index_cast %rem3A_148 : i32 to index
      %get3A_329 = arith.index_cast %get3A_327 : i32 to index
      %get3A_330 = arith.constant 80 : index
      %get3A_331 = tpu.vector_load %arg9[%get3A_328, %get3A_329, %get3A_330] {strides = array<i32>} : memref<3x1x128xf32, #tpu.memory_space<vmem>>, vector<1x1x16xf32>,
      %get3A_332 = vector.shape_cast %get3A_331 : vector<1x1x16xf32> to vector<16xf32>
      %add3A_333 = arith.addf %get3A_326, %get3A_332 : vector<16xf32>
      %swap3A_334 = arith.index_cast %add3A_323 : i32 to index
      %swap3A_335 = tpu.vector_load %arg10[%swap3A_334] {strides = array<i32>} : memref<128xf32, #tpu.memory_space<vmem>>, vector<16xf32>,
      %swap3A_336 = vector.shape_cast %swap3A_335 : vector<16xf32> to vector<16xf32>
      %swap3A_337 = vector.shape_cast %add3A_333 : vector<16xf32> to vector<16xf32>
      tpu.vector_store %arg10[%swap3A_334], %swap3A_337 {strides = array<i32>} : memref<128xf32, #tpu.memory_space<vmem>>, vector<16xf32>,
      %mul3A_338 = arith.constant 128 : i32
      %mul3A_339 = arith.muli %rem3A_167, %mul3A_338 : i32
      %add3A_340 = arith.constant 0 : i32
      %add3A_341 = arith.addi %mul3A_339, %add3A_340 : i32
      %add3A_342 = arith.constant 96 : i32
      %add3A_343 = arith.addi %add3A_341, %add3A_342 : i32
      %get3A_344 = arith.index_cast %add3A_343 : i32 to index
      %get3A_345 = tpu.vector_load %arg10[%get3A_344] {strides = array<i32>} : memref<128xf32, #tpu.memory_space<vmem>>, vector<16xf32>,
      %get3A_346 = vector.shape_cast %get3A_345 : vector<16xf32> to vector<16xf32>
      %get3A_347 = arith.constant 0 : i32
      %get3A_348 = arith.index_cast %rem3A_148 : i32 to index
      %get3A_349 = arith.index_cast %get3A_347 : i32 to index
      %get3A_350 = arith.constant 96 : index
      %get3A_351 = tpu.vector_load %arg9[%get3A_348, %get3A_349, %get3A_350] {strides = array<i32>} : memref<3x1x128xf32, #tpu.memory_space<vmem>>, vector<1x1x16xf32>,
      %get3A_352 = vector.shape_cast %get3A_351 : vector<1x1x16xf32> to vector<16xf32>
      %add3A_353 = arith.addf %get3A_346, %get3A_352 : vector<16xf32>
      %swap3A_354 = arith.index_cast %add3A_343 : i32 to index
      %swap3A_355 = tpu.vector_load %arg10[%swap3A_354] {strides = array<i32>} : memref<128xf32, #tpu.memory_space<vmem>>, vector<16xf32>,
      %swap3A_356 = vector.shape_cast %swap3A_355 : vector<16xf32> to vector<16xf32>
      %swap3A_357 = vector.shape_cast %add3A_353 : vector<16xf32> to vector<16xf32>
      tpu.vector_store %arg10[%swap3A_354], %swap3A_357 {strides = array<i32>} : memref<128xf32, #tpu.memory_space<vmem>>, vector<16xf32>,
      %mul3A_358 = arith.constant 128 : i32
      %mul3A_359 = arith.muli %rem3A_167, %mul3A_358 : i32
      %add3A_360 = arith.constant 0 : i32
      %add3A_361 = arith.addi %mul3A_359, %add3A_360 : i32
      %add3A_362 = arith.constant 112 : i32
      %add3A_363 = arith.addi %add3A_361, %add3A_362 : i32
      %get3A_364 = arith.index_cast %add3A_363 : i32 to index
      %get3A_365 = tpu.vector_load %arg10[%get3A_364] {strides = array<i32>} : memref<128xf32, #tpu.memory_space<vmem>>, vector<16xf32>,
      %get3A_366 = vector.shape_cast %get3A_365 : vector<16xf32> to vector<16xf32>
      %get3A_367 = arith.constant 0 : i32
      %get3A_368 = arith.index_cast %rem3A_148 : i32 to index
      %get3A_369 = arith.index_cast %get3A_367 : i32 to index
      %get3A_370 = arith.constant 112 : index
      %get3A_371 = tpu.vector_load %arg9[%get3A_368, %get3A_369, %get3A_370] {strides = array<i32>} : memref<3x1x128xf32, #tpu.memory_space<vmem>>, vector<1x1x16xf32>,
      %get3A_372 = vector.shape_cast %get3A_371 : vector<1x1x16xf32> to vector<16xf32>
      %add3A_373 = arith.addf %get3A_366, %get3A_372 : vector<16xf32>
      %swap3A_374 = arith.index_cast %add3A_363 : i32 to index
      %swap3A_375 = tpu.vector_load %arg10[%swap3A_374] {strides = array<i32>} : memref<128xf32, #tpu.memory_space<vmem>>, vector<16xf32>,
      %swap3A_376 = vector.shape_cast %swap3A_375 : vector<16xf32> to vector<16xf32>
      %swap3A_377 = vector.shape_cast %add3A_373 : vector<16xf32> to vector<16xf32>
      tpu.vector_store %arg10[%swap3A_374], %swap3A_377 {strides = array<i32>} : memref<128xf32, #tpu.memory_space<vmem>>, vector<16xf32>,
    }
    %scan3A_83 = arith.constant 26 : i32
    %dma_wait3A = arith.constant 2 : i32
    %dma_wait3A_84 = arith.constant 0 : i32
    %dma_wait3A_85 = arith.constant 2 : i32
    %dma_wait3A_86 = arith.constant 0 : i32
    %dma_wait3A_87 = arith.constant 0 : i32
    %dma_wait3A_88 = tpu.memref_slice %arg8[%dma_wait3A, %dma_wait3A_86, %dma_wait3A_87] : memref<3x128x128xf32, #tpu.memory_space<vmem>> -> memref<1x128x128xf32, #tpu.memory_space<vmem>>
    %dma_wait3A_89 = tpu.memref_squeeze %dma_wait3A_88 : memref<1x128x128xf32, #tpu.memory_space<vmem>> -> memref<128x128xf32, #tpu.memory_space<vmem>>
    %dma_wait3A_90 = arith.constant 0 : i32
    %dma_wait3A_91 = arith.constant 0 : i32
    %dma_wait3A_92 = tpu.memref_slice %arg5[%dma_wait3A_84, %dma_wait3A_90, %dma_wait3A_91] : memref<26x4096x128xf32, #tpu.memory_space<hbm>> -> memref<1x128x128xf32, #tpu.memory_space<hbm>>
    %dma_wait3A_93 = tpu.memref_squeeze %dma_wait3A_92 : memref<1x128x128xf32, #tpu.memory_space<hbm>> -> memref<128x128xf32, #tpu.memory_space<hbm>>
    %dma_wait3A_94 = tpu.memref_slice %arg13[%dma_wait3A_85] : memref<3x!tpu.dma_semaphore, #tpu.memory_space<semaphore_mem>> -> memref<1x!tpu.dma_semaphore, #tpu.memory_space<semaphore_mem>>
    %dma_wait3A_95 = tpu.memref_squeeze %dma_wait3A_94 : memref<1x!tpu.dma_semaphore, #tpu.memory_space<semaphore_mem>> -> memref<!tpu.dma_semaphore, #tpu.memory_space<semaphore_mem>>
    %dma_wait3A_96 = arith.constant 0 : i32
    %dma_wait3A_97 = arith.constant 0 : i32
    %dma_wait3A_98 = tpu.memref_slice %arg5[%dma_wait3A_84, %dma_wait3A_96, %dma_wait3A_97] : memref<26x4096x128xf32, #tpu.memory_space<hbm>> -> memref<1x128x128xf32, #tpu.memory_space<hbm>>
    %dma_wait3A_99 = tpu.memref_squeeze %dma_wait3A_98 : memref<1x128x128xf32, #tpu.memory_space<hbm>> -> memref<128x128xf32, #tpu.memory_space<hbm>>
    %dma_wait3A_100 = arith.constant 0 : i32
    %dma_wait3A_101 = arith.constant 0 : i32
    %dma_wait3A_102 = tpu.memref_slice %arg8[%dma_wait3A, %dma_wait3A_100, %dma_wait3A_101] : memref<3x128x128xf32, #tpu.memory_space<vmem>> -> memref<1x128x128xf32, #tpu.memory_space<vmem>>
    %dma_wait3A_103 = tpu.memref_squeeze %dma_wait3A_102 : memref<1x128x128xf32, #tpu.memory_space<vmem>> -> memref<128x128xf32, #tpu.memory_space<vmem>>
    tpu.wait_dma2 semaphore(%dma_wait3A_95 : memref<!tpu.dma_semaphore, #tpu.memory_space<semaphore_mem>>) src(%dma_wait3A_103 : memref<128x128xf32, #tpu.memory_space<vmem>>) dst(%dma_wait3A_99 : memref<128x128xf32, #tpu.memory_space<hbm>>)
    %dma_wait3A_104 = arith.constant 0 : i32
    %dma_wait3A_105 = arith.constant 0 : i32
    %dma_wait3A_106 = arith.constant 0 : i32
    %dma_wait3A_107 = arith.constant 0 : i32
    %dma_wait3A_108 = arith.constant 0 : i32
    %dma_wait3A_109 = tpu.memref_slice %arg8[%dma_wait3A_104, %dma_wait3A_107, %dma_wait3A_108] : memref<3x128x128xf32, #tpu.memory_space<vmem>> -> memref<1x128x128xf32, #tpu.memory_space<vmem>>
    %dma_wait3A_110 = tpu.memref_squeeze %dma_wait3A_109 : memref<1x128x128xf32, #tpu.memory_space<vmem>> -> memref<128x128xf32, #tpu.memory_space<vmem>>
    %dma_wait3A_111 = arith.constant 0 : i32
    %dma_wait3A_112 = arith.constant 0 : i32
    %dma_wait3A_113 = tpu.memref_slice %arg5[%dma_wait3A_105, %dma_wait3A_111, %dma_wait3A_112] : memref<26x4096x128xf32, #tpu.memory_space<hbm>> -> memref<1x128x128xf32, #tpu.memory_space<hbm>>
    %dma_wait3A_114 = tpu.memref_squeeze %dma_wait3A_113 : memref<1x128x128xf32, #tpu.memory_space<hbm>> -> memref<128x128xf32, #tpu.memory_space<hbm>>
    %dma_wait3A_115 = tpu.memref_slice %arg13[%dma_wait3A_106] : memref<3x!tpu.dma_semaphore, #tpu.memory_space<semaphore_mem>> -> memref<1x!tpu.dma_semaphore, #tpu.memory_space<semaphore_mem>>
    %dma_wait3A_116 = tpu.memref_squeeze %dma_wait3A_115 : memref<1x!tpu.dma_semaphore, #tpu.memory_space<semaphore_mem>> -> memref<!tpu.dma_semaphore, #tpu.memory_space<semaphore_mem>>
    %dma_wait3A_117 = arith.constant 0 : i32
    %dma_wait3A_118 = arith.constant 0 : i32
    %dma_wait3A_119 = tpu.memref_slice %arg5[%dma_wait3A_105, %dma_wait3A_117, %dma_wait3A_118] : memref<26x4096x128xf32, #tpu.memory_space<hbm>> -> memref<1x128x128xf32, #tpu.memory_space<hbm>>
    %dma_wait3A_120 = tpu.memref_squeeze %dma_wait3A_119 : memref<1x128x128xf32, #tpu.memory_space<hbm>> -> memref<128x128xf32, #tpu.memory_space<hbm>>
    %dma_wait3A_121 = arith.constant 0 : i32
    %dma_wait3A_122 = arith.constant 0 : i32
    %dma_wait3A_123 = tpu.memref_slice %arg8[%dma_wait3A_104, %dma_wait3A_121, %dma_wait3A_122] : memref<3x128x128xf32, #tpu.memory_space<vmem>> -> memref<1x128x128xf32, #tpu.memory_space<vmem>>
    %dma_wait3A_124 = tpu.memref_squeeze %dma_wait3A_123 : memref<1x128x128xf32, #tpu.memory_space<vmem>> -> memref<128x128xf32, #tpu.memory_space<vmem>>
    tpu.wait_dma2 semaphore(%dma_wait3A_116 : memref<!tpu.dma_semaphore, #tpu.memory_space<semaphore_mem>>) src(%dma_wait3A_124 : memref<128x128xf32, #tpu.memory_space<vmem>>) dst(%dma_wait3A_120 : memref<128x128xf32, #tpu.memory_space<hbm>>)
    %dma_wait3A_125 = arith.constant 1 : i32
    %dma_wait3A_126 = arith.constant 0 : i32
    %dma_wait3A_127 = arith.constant 1 : i32
    %dma_wait3A_128 = arith.constant 0 : i32
    %dma_wait3A_129 = arith.constant 0 : i32
    %dma_wait3A_130 = tpu.memref_slice %arg8[%dma_wait3A_125, %dma_wait3A_128, %dma_wait3A_129] : memref<3x128x128xf32, #tpu.memory_space<vmem>> -> memref<1x128x128xf32, #tpu.memory_space<vmem>>
    %dma_wait3A_131 = tpu.memref_squeeze %dma_wait3A_130 : memref<1x128x128xf32, #tpu.memory_space<vmem>> -> memref<128x128xf32, #tpu.memory_space<vmem>>
    %dma_wait3A_132 = arith.constant 0 : i32
    %dma_wait3A_133 = arith.constant 0 : i32
    %dma_wait3A_134 = tpu.memref_slice %arg5[%dma_wait3A_126, %dma_wait3A_132, %dma_wait3A_133] : memref<26x4096x128xf32, #tpu.memory_space<hbm>> -> memref<1x128x128xf32, #tpu.memory_space<hbm>>
    %dma_wait3A_135 = tpu.memref_squeeze %dma_wait3A_134 : memref<1x128x128xf32, #tpu.memory_space<hbm>> -> memref<128x128xf32, #tpu.memory_space<hbm>>
    %dma_wait3A_136 = tpu.memref_slice %arg13[%dma_wait3A_127] : memref<3x!tpu.dma_semaphore, #tpu.memory_space<semaphore_mem>> -> memref<1x!tpu.dma_semaphore, #tpu.memory_space<semaphore_mem>>
    %dma_wait3A_137 = tpu.memref_squeeze %dma_wait3A_136 : memref<1x!tpu.dma_semaphore, #tpu.memory_space<semaphore_mem>> -> memref<!tpu.dma_semaphore, #tpu.memory_space<semaphore_mem>>
    %dma_wait3A_138 = arith.constant 0 : i32
    %dma_wait3A_139 = arith.constant 0 : i32
    %dma_wait3A_140 = tpu.memref_slice %arg5[%dma_wait3A_126, %dma_wait3A_138, %dma_wait3A_139] : memref<26x4096x128xf32, #tpu.memory_space<hbm>> -> memref<1x128x128xf32, #tpu.memory_space<hbm>>
    %dma_wait3A_141 = tpu.memref_squeeze %dma_wait3A_140 : memref<1x128x128xf32, #tpu.memory_space<hbm>> -> memref<128x128xf32, #tpu.memory_space<hbm>>
    %dma_wait3A_142 = arith.constant 0 : i32
    %dma_wait3A_143 = arith.constant 0 : i32
    %dma_wait3A_144 = tpu.memref_slice %arg8[%dma_wait3A_125, %dma_wait3A_142, %dma_wait3A_143] : memref<3x128x128xf32, #tpu.memory_space<vmem>> -> memref<1x128x128xf32, #tpu.memory_space<vmem>>
    %dma_wait3A_145 = tpu.memref_squeeze %dma_wait3A_144 : memref<1x128x128xf32, #tpu.memory_space<vmem>> -> memref<128x128xf32, #tpu.memory_space<vmem>>
    tpu.wait_dma2 semaphore(%dma_wait3A_137 : memref<!tpu.dma_semaphore, #tpu.memory_space<semaphore_mem>>) src(%dma_wait3A_145 : memref<128x128xf32, #tpu.memory_space<vmem>>) dst(%dma_wait3A_141 : memref<128x128xf32, #tpu.memory_space<hbm>>)
    "tpu.region"() ({
      %run_scoped3A = tpu.sem_alloc : memref<!tpu.dma_semaphore, #tpu.memory_space<semaphore_mem>>
      %dma_start3A_146 = tpu.memref_slice %arg6[%mul3A_2] : memref<4096xf32, #tpu.memory_space<hbm>> -> memref<128xf32, #tpu.memory_space<hbm>>
      %dma_start3A_147 = tpu.memref_slice %arg6[%mul3A_2] : memref<4096xf32, #tpu.memory_space<hbm>> -> memref<128xf32, #tpu.memory_space<hbm>>
      tpu.enqueue_dma source(%arg10 : memref<128xf32, #tpu.memory_space<vmem>>) target(%dma_start3A_147 : memref<128xf32, #tpu.memory_space<hbm>>) target_semaphore(%run_scoped3A : memref<!tpu.dma_semaphore, #tpu.memory_space<semaphore_mem>>)
      %dma_wait3A_148 = tpu.memref_slice %arg6[%mul3A_2] : memref<4096xf32, #tpu.memory_space<hbm>> -> memref<128xf32, #tpu.memory_space<hbm>>
      %dma_wait3A_149 = tpu.memref_slice %arg6[%mul3A_2] : memref<4096xf32, #tpu.memory_space<hbm>> -> memref<128xf32, #tpu.memory_space<hbm>>
      tpu.wait_dma2 semaphore(%run_scoped3A : memref<!tpu.dma_semaphore, #tpu.memory_space<semaphore_mem>>) src(%arg10 : memref<128xf32, #tpu.memory_space<vmem>>) dst(%dma_wait3A_149 : memref<128xf32, #tpu.memory_space<hbm>>)
      tpu.yield
    }) : () -> ()
    return
  }
}

#map = affine_map<(d0, d1) -> (0, 0, 0, 0)>
#map1 = affine_map<(d0, d1) -> (0)>
#map2 = affine_map<(d0, d1) -> (0, 0)>
#map3 = affine_map<(d0, d1) -> (0, 0, 0)>
module attributes {stable_mosaic.version = 14 : i64} {
  func.func @body(%arg0: i32, %arg1: i32, %arg2: memref<32x26x1x128xi32, #tpu.memory_space<hbm>>, %arg3: memref<26032xf32, #tpu.memory_space<hbm>>, %arg4: memref<26026x128xf32, #tpu.memory_space<hbm>>, %arg5: memref<26x4096x128xf32, #tpu.memory_space<hbm>>, %arg6: memref<4096xf32, #tpu.memory_space<hbm>>, %arg7: memref<26x1x128xi32, #tpu.memory_space<vmem>>, %arg8: memref<3x128x128xf32, #tpu.memory_space<vmem>>, %arg9: memref<3x1x128xf32, #tpu.memory_space<vmem>>, %arg10: memref<128xf32, #tpu.memory_space<vmem>>, %arg11: memref<3x!tpu.dma_semaphore, #tpu.memory_space<semaphore_mem>>, %arg12: memref<3x!tpu.dma_semaphore, #tpu.memory_space<semaphore_mem>>, %arg13: memref<3x!tpu.dma_semaphore, #tpu.memory_space<semaphore_mem>>) attributes {dimension_semantics = [#tpu.dimension_semantics<core_parallel>, #tpu.dimension_semantics<subcore_parallel>], iteration_bounds = array<i64: 2, 16>, scalar_prefetch = 0 : i64, scratch_operands = 7 : i64, tpu.core_type = #tpu.core_type<sc_vector_subcore>, window_params = [{transform_indices = #map}, {transform_indices = #map1}, {transform_indices = #map2}, {transform_indices = #map3}, {transform_indices = #map1}]} {
    %mul3A = arith.constant 2 : i32
    %mul3A_0 = arith.muli %arg1, %mul3A : i32
    %add3A = arith.addi %mul3A_0, %arg0 : i32
    "tpu.region"() ({
      %run_scoped3A = tpu.sem_alloc : memref<!tpu.dma_semaphore, #tpu.memory_space<semaphore_mem>>
      %dma_start3A_146 = arith.constant 0 : i32
      %dma_start3A_147 = arith.constant 0 : i32
      %dma_start3A_148 = arith.constant 0 : i32
      %dma_start3A_149 = tpu.memref_slice %arg2[%add3A, %dma_start3A_146, %dma_start3A_147, %dma_start3A_148] : memref<32x26x1x128xi32, #tpu.memory_space<hbm>> -> memref<1x26x1x128xi32, #tpu.memory_space<hbm>>
      %dma_start3A_150 = tpu.memref_squeeze %dma_start3A_149 : memref<1x26x1x128xi32, #tpu.memory_space<hbm>> -> memref<26x1x128xi32, #tpu.memory_space<hbm>>
      %dma_start3A_151 = arith.constant 0 : i32
      %dma_start3A_152 = arith.constant 0 : i32
      %dma_start3A_153 = arith.constant 0 : i32
      %dma_start3A_154 = tpu.memref_slice %arg2[%add3A, %dma_start3A_151, %dma_start3A_152, %dma_start3A_153] : memref<32x26x1x128xi32, #tpu.memory_space<hbm>> -> memref<1x26x1x128xi32, #tpu.memory_space<hbm>>
      %dma_start3A_155 = tpu.memref_squeeze %dma_start3A_154 : memref<1x26x1x128xi32, #tpu.memory_space<hbm>> -> memref<26x1x128xi32, #tpu.memory_space<hbm>>
      tpu.enqueue_dma source(%dma_start3A_155 : memref<26x1x128xi32, #tpu.memory_space<hbm>>) target(%arg7 : memref<26x1x128xi32, #tpu.memory_space<vmem>>) target_semaphore(%run_scoped3A : memref<!tpu.dma_semaphore, #tpu.memory_space<semaphore_mem>>)
      %dma_wait3A_156 = arith.constant 0 : i32
      %dma_wait3A_157 = arith.constant 0 : i32
      %dma_wait3A_158 = arith.constant 0 : i32
      %dma_wait3A_159 = tpu.memref_slice %arg2[%add3A, %dma_wait3A_156, %dma_wait3A_157, %dma_wait3A_158] : memref<32x26x1x128xi32, #tpu.memory_space<hbm>> -> memref<1x26x1x128xi32, #tpu.memory_space<hbm>>
      %dma_wait3A_160 = tpu.memref_squeeze %dma_wait3A_159 : memref<1x26x1x128xi32, #tpu.memory_space<hbm>> -> memref<26x1x128xi32, #tpu.memory_space<hbm>>
      %dma_wait3A_161 = arith.constant 0 : i32
      %dma_wait3A_162 = arith.constant 0 : i32
      %dma_wait3A_163 = arith.constant 0 : i32
      %dma_wait3A_164 = tpu.memref_slice %arg2[%add3A, %dma_wait3A_161, %dma_wait3A_162, %dma_wait3A_163] : memref<32x26x1x128xi32, #tpu.memory_space<hbm>> -> memref<1x26x1x128xi32, #tpu.memory_space<hbm>>
      %dma_wait3A_165 = tpu.memref_squeeze %dma_wait3A_164 : memref<1x26x1x128xi32, #tpu.memory_space<hbm>> -> memref<26x1x128xi32, #tpu.memory_space<hbm>>
      tpu.wait_dma2 semaphore(%run_scoped3A : memref<!tpu.dma_semaphore, #tpu.memory_space<semaphore_mem>>) src(%dma_wait3A_165 : memref<26x1x128xi32, #tpu.memory_space<hbm>>) dst(%arg7 : memref<26x1x128xi32, #tpu.memory_space<vmem>>)
      tpu.yield
    }) : () -> ()
    %mul3A_1 = arith.constant 128 : i32
    %mul3A_2 = arith.muli %add3A, %mul3A_1 : i32
    %scan3A = arith.constant 0 : i32
    %scan3A_3 = arith.constant 0 : i32
    %scan3A_4 = arith.constant 8 : i32
    %scan3A_5 = arith.addi %scan3A_3, %scan3A_4 : i32
    %scan3A_6 = arith.constant 1 : i32
    scf.for %scan3A_146 = %scan3A_3 to %scan3A_5 step %scan3A_6  : i32 {
      %broadcast_in_dim3A = arith.constant 0.000000e+00 : f32
      %broadcast_in_dim3A_147 = vector.broadcast %broadcast_in_dim3A : f32 to vector<16xf32>
      %mul3A_148 = arith.constant 16 : i32
      %mul3A_149 = arith.muli %scan3A_146, %mul3A_148 : i32
      %swap3A = arith.index_cast %mul3A_149 : i32 to index
      %swap3A_150 = tpu.vector_load %arg10[%swap3A] {strides = array<i32>} : memref<128xf32, #tpu.memory_space<vmem>>, vector<16xf32>,
      %swap3A_151 = vector.shape_cast %swap3A_150 : vector<16xf32> to vector<16xf32>
      %swap3A_152 = vector.shape_cast %broadcast_in_dim3A_147 : vector<16xf32> to vector<16xf32>
      tpu.vector_store %arg10[%swap3A], %swap3A_152 {strides = array<i32>} : memref<128xf32, #tpu.memory_space<vmem>>, vector<16xf32>,
    }
    %scan3A_7 = arith.constant 8 : i32
    %rem3A = arith.constant 0 : i32
    %rem3A_8 = arith.constant 1 : i32
    %rem3A_9 = arith.remsi %rem3A, %rem3A_8 : i32
    %mul3A_10 = arith.constant 1 : i32
    %mul3A_11 = arith.muli %rem3A_9, %mul3A_10 : i32
    %add3A_12 = arith.constant 0 : i32
    %add3A_13 = arith.addi %mul3A_11, %add3A_12 : i32
    %dma_start3A = arith.constant 0 : i32
    %dma_start3A_14 = arith.constant 0 : i32
    %dma_start3A_15 = arith.constant 0 : i32
    %dma_start3A_16 = arith.constant 0 : i32
    %dma_start3A_17 = arith.constant 0 : i32
    %dma_start3A_18 = tpu.memref_slice %arg8[%dma_start3A_14, %dma_start3A_16, %dma_start3A_17] : memref<3x128x128xf32, #tpu.memory_space<vmem>> -> memref<1x128x128xf32, #tpu.memory_space<vmem>>
    %dma_start3A_19 = tpu.memref_squeeze %dma_start3A_18 : memref<1x128x128xf32, #tpu.memory_space<vmem>> -> memref<128x128xf32, #tpu.memory_space<vmem>>
    %dma_start3A_20 = arith.constant 0 : i32
    %dma_start3A_21 = tpu.memref_slice %arg7[%dma_start3A, %add3A_13, %dma_start3A_20] : memref<26x1x128xi32, #tpu.memory_space<vmem>> -> memref<1x1x128xi32, #tpu.memory_space<vmem>>
    %dma_start3A_22 = tpu.memref_squeeze %dma_start3A_21 : memref<1x1x128xi32, #tpu.memory_space<vmem>> -> memref<128xi32, #tpu.memory_space<vmem>>
    %dma_start3A_23 = arith.constant 0 : i32
    %dma_start3A_24 = arith.constant 0 : i32
    %dma_start3A_25 = tpu.memref_slice %arg4[%dma_start3A_23, %dma_start3A_24] : memref<26026x128xf32, #tpu.memory_space<hbm>> -> memref<26026x128xf32, #tpu.memory_space<hbm>>
    %dma_start3A_26 = tpu.memref_slice %arg11[%dma_start3A_15] : memref<3x!tpu.dma_semaphore, #tpu.memory_space<semaphore_mem>> -> memref<1x!tpu.dma_semaphore, #tpu.memory_space<semaphore_mem>>
    %dma_start3A_27 = tpu.memref_squeeze %dma_start3A_26 : memref<1x!tpu.dma_semaphore, #tpu.memory_space<semaphore_mem>> -> memref<!tpu.dma_semaphore, #tpu.memory_space<semaphore_mem>>
    tpu.enqueue_indirect_dma source(%dma_start3A_25 : memref<26026x128xf32, #tpu.memory_space<hbm>>) target(%dma_start3A_19 : memref<128x128xf32, #tpu.memory_space<vmem>>) offsets(%dma_start3A_22 : memref<128xi32, #tpu.memory_space<vmem>>) semaphore(%dma_start3A_27 : memref<!tpu.dma_semaphore, #tpu.memory_space<semaphore_mem>>)
    %dma_start3A_28 = arith.constant 0 : i32
    %dma_start3A_29 = arith.constant 0 : i32
    %dma_start3A_30 = arith.constant 0 : i32
    %dma_start3A_31 = arith.constant 0 : i32
    %dma_start3A_32 = arith.constant 0 : i32
    %dma_start3A_33 = tpu.memref_slice %arg9[%dma_start3A_29, %dma_start3A_30, %dma_start3A_32] : memref<3x1x128xf32, #tpu.memory_space<vmem>> -> memref<1x1x128xf32, #tpu.memory_space<vmem>>
    %dma_start3A_34 = tpu.memref_squeeze %dma_start3A_33 : memref<1x1x128xf32, #tpu.memory_space<vmem>> -> memref<128xf32, #tpu.memory_space<vmem>>
    %dma_start3A_35 = arith.constant 0 : i32
    %dma_start3A_36 = tpu.memref_slice %arg7[%dma_start3A_28, %add3A_13, %dma_start3A_35] : memref<26x1x128xi32, #tpu.memory_space<vmem>> -> memref<1x1x128xi32, #tpu.memory_space<vmem>>
    %dma_start3A_37 = tpu.memref_squeeze %dma_start3A_36 : memref<1x1x128xi32, #tpu.memory_space<vmem>> -> memref<128xi32, #tpu.memory_space<vmem>>
    %dma_start3A_38 = arith.constant 0 : i32
    %dma_start3A_39 = tpu.memref_slice %arg3[%dma_start3A_38] : memref<26032xf32, #tpu.memory_space<hbm>> -> memref<26032xf32, #tpu.memory_space<hbm>>
    %dma_start3A_40 = tpu.memref_slice %arg12[%dma_start3A_31] : memref<3x!tpu.dma_semaphore, #tpu.memory_space<semaphore_mem>> -> memref<1x!tpu.dma_semaphore, #tpu.memory_space<semaphore_mem>>
    %dma_start3A_41 = tpu.memref_squeeze %dma_start3A_40 : memref<1x!tpu.dma_semaphore, #tpu.memory_space<semaphore_mem>> -> memref<!tpu.dma_semaphore, #tpu.memory_space<semaphore_mem>>
    tpu.enqueue_indirect_dma source(%dma_start3A_39 : memref<26032xf32, #tpu.memory_space<hbm>>) target(%dma_start3A_34 : memref<128xf32, #tpu.memory_space<vmem>>) offsets(%dma_start3A_37 : memref<128xi32, #tpu.memory_space<vmem>>) semaphore(%dma_start3A_41 : memref<!tpu.dma_semaphore, #tpu.memory_space<semaphore_mem>>)
    %rem3A_42 = arith.constant 1 : i32
    %rem3A_43 = arith.constant 1 : i32
    %rem3A_44 = arith.remsi %rem3A_42, %rem3A_43 : i32
    %mul3A_45 = arith.constant 1 : i32
    %mul3A_46 = arith.muli %rem3A_44, %mul3A_45 : i32
    %add3A_47 = arith.constant 0 : i32
    %add3A_48 = arith.addi %mul3A_46, %add3A_47 : i32
    %dma_start3A_49 = arith.constant 1 : i32
    %dma_start3A_50 = arith.constant 1 : i32
    %dma_start3A_51 = arith.constant 1 : i32
    %dma_start3A_52 = arith.constant 0 : i32
    %dma_start3A_53 = arith.constant 0 : i32
    %dma_start3A_54 = tpu.memref_slice %arg8[%dma_start3A_50, %dma_start3A_52, %dma_start3A_53] : memref<3x128x128xf32, #tpu.memory_space<vmem>> -> memref<1x128x128xf32, #tpu.memory_space<vmem>>
    %dma_start3A_55 = tpu.memref_squeeze %dma_start3A_54 : memref<1x128x128xf32, #tpu.memory_space<vmem>> -> memref<128x128xf32, #tpu.memory_space<vmem>>
    %dma_start3A_56 = arith.constant 0 : i32
    %dma_start3A_57 = tpu.memref_slice %arg7[%dma_start3A_49, %add3A_48, %dma_start3A_56] : memref<26x1x128xi32, #tpu.memory_space<vmem>> -> memref<1x1x128xi32, #tpu.memory_space<vmem>>
    %dma_start3A_58 = tpu.memref_squeeze %dma_start3A_57 : memref<1x1x128xi32, #tpu.memory_space<vmem>> -> memref<128xi32, #tpu.memory_space<vmem>>
    %dma_start3A_59 = arith.constant 0 : i32
    %dma_start3A_60 = arith.constant 0 : i32
    %dma_start3A_61 = tpu.memref_slice %arg4[%dma_start3A_59, %dma_start3A_60] : memref<26026x128xf32, #tpu.memory_space<hbm>> -> memref<26026x128xf32, #tpu.memory_space<hbm>>
    %dma_start3A_62 = tpu.memref_slice %arg11[%dma_start3A_51] : memref<3x!tpu.dma_semaphore, #tpu.memory_space<semaphore_mem>> -> memref<1x!tpu.dma_semaphore, #tpu.memory_space<semaphore_mem>>
    %dma_start3A_63 = tpu.memref_squeeze %dma_start3A_62 : memref<1x!tpu.dma_semaphore, #tpu.memory_space<semaphore_mem>> -> memref<!tpu.dma_semaphore, #tpu.memory_space<semaphore_mem>>
    tpu.enqueue_indirect_dma source(%dma_start3A_61 : memref<26026x128xf32, #tpu.memory_space<hbm>>) target(%dma_start3A_55 : memref<128x128xf32, #tpu.memory_space<vmem>>) offsets(%dma_start3A_58 : memref<128xi32, #tpu.memory_space<vmem>>) semaphore(%dma_start3A_63 : memref<!tpu.dma_semaphore, #tpu.memory_space<semaphore_mem>>)
    %dma_start3A_64 = arith.constant 1 : i32
    %dma_start3A_65 = arith.constant 1 : i32
    %dma_start3A_66 = arith.constant 0 : i32
    %dma_start3A_67 = arith.constant 1 : i32
    %dma_start3A_68 = arith.constant 0 : i32
    %dma_start3A_69 = tpu.memref_slice %arg9[%dma_start3A_65, %dma_start3A_66, %dma_start3A_68] : memref<3x1x128xf32, #tpu.memory_space<vmem>> -> memref<1x1x128xf32, #tpu.memory_space<vmem>>
    %dma_start3A_70 = tpu.memref_squeeze %dma_start3A_69 : memref<1x1x128xf32, #tpu.memory_space<vmem>> -> memref<128xf32, #tpu.memory_space<vmem>>
    %dma_start3A_71 = arith.constant 0 : i32
    %dma_start3A_72 = tpu.memref_slice %arg7[%dma_start3A_64, %add3A_48, %dma_start3A_71] : memref<26x1x128xi32, #tpu.memory_space<vmem>> -> memref<1x1x128xi32, #tpu.memory_space<vmem>>
    %dma_start3A_73 = tpu.memref_squeeze %dma_start3A_72 : memref<1x1x128xi32, #tpu.memory_space<vmem>> -> memref<128xi32, #tpu.memory_space<vmem>>
    %dma_start3A_74 = arith.constant 0 : i32
    %dma_start3A_75 = tpu.memref_slice %arg3[%dma_start3A_74] : memref<26032xf32, #tpu.memory_space<hbm>> -> memref<26032xf32, #tpu.memory_space<hbm>>
    %dma_start3A_76 = tpu.memref_slice %arg12[%dma_start3A_67] : memref<3x!tpu.dma_semaphore, #tpu.memory_space<semaphore_mem>> -> memref<1x!tpu.dma_semaphore, #tpu.memory_space<semaphore_mem>>
    %dma_start3A_77 = tpu.memref_squeeze %dma_start3A_76 : memref<1x!tpu.dma_semaphore, #tpu.memory_space<semaphore_mem>> -> memref<!tpu.dma_semaphore, #tpu.memory_space<semaphore_mem>>
    tpu.enqueue_indirect_dma source(%dma_start3A_75 : memref<26032xf32, #tpu.memory_space<hbm>>) target(%dma_start3A_70 : memref<128xf32, #tpu.memory_space<vmem>>) offsets(%dma_start3A_73 : memref<128xi32, #tpu.memory_space<vmem>>) semaphore(%dma_start3A_77 : memref<!tpu.dma_semaphore, #tpu.memory_space<semaphore_mem>>)
    %scan3A_78 = arith.constant 0 : i32
    %scan3A_79 = arith.constant 0 : i32
    %scan3A_80 = arith.constant 26 : i32
    %scan3A_81 = arith.addi %scan3A_79, %scan3A_80 : i32
    %scan3A_82 = arith.constant 1 : i32
    scf.for %scan3A_146 = %scan3A_79 to %scan3A_81 step %scan3A_82  : i32 {
      %rem3A_147 = arith.constant 3 : i32
      %rem3A_148 = arith.remsi %scan3A_146, %rem3A_147 : i32
      %jit3A = arith.constant 1 : i32
      %div3A = arith.divsi %scan3A_146, %jit3A : i32
      %sign3A = arith.constant 0 : i32
      %sign3A_149 = arith.cmpi sgt, %scan3A_146, %sign3A : i32
      %sign3A_150 = arith.extui %sign3A_149 : i1 to i32
      %sign3A_151 = arith.constant 0 : i32
      %sign3A_152 = arith.cmpi slt, %scan3A_146, %sign3A_151 : i32
      %sign3A_153 = arith.extui %sign3A_152 : i1 to i32
      %sign3A_154 = arith.subi %sign3A_150, %sign3A_153 : i32
      %sign3A_155 = arith.constant 0 : i32
      %sign3A_156 = arith.cmpi sgt, %jit3A, %sign3A_155 : i32
      %sign3A_157 = arith.extui %sign3A_156 : i1 to i32
      %sign3A_158 = arith.constant 0 : i32
      %sign3A_159 = arith.cmpi slt, %jit3A, %sign3A_158 : i32
      %sign3A_160 = arith.extui %sign3A_159 : i1 to i32
      %sign3A_161 = arith.subi %sign3A_157, %sign3A_160 : i32
      %ne3A = arith.cmpi ne, %sign3A_154, %sign3A_161 : i32
      %rem3A_162 = arith.remsi %scan3A_146, %jit3A : i32
      %ne3A_163 = arith.constant 0 : i32
      %ne3A_164 = arith.cmpi ne, %rem3A_162, %ne3A_163 : i32
      %and3A = arith.andi %ne3A, %ne3A_164 : i1
      %sub3A = arith.constant 1 : i32
      %sub3A_165 = arith.subi %div3A, %sub3A : i32
      %select_n3A = arith.select %and3A, %sub3A_165, %div3A : i32
      %rem3A_166 = arith.constant 1 : i32
      %rem3A_167 = arith.remsi %scan3A_146, %rem3A_166 : i32
      %dma_wait3A_168 = arith.constant 0 : i32
      %dma_wait3A_169 = arith.constant 0 : i32
      %dma_wait3A_170 = tpu.memref_slice %arg8[%rem3A_148, %dma_wait3A_168, %dma_wait3A_169] : memref<3x128x128xf32, #tpu.memory_space<vmem>> -> memref<1x128x128xf32, #tpu.memory_space<vmem>>
      %dma_wait3A_171 = tpu.memref_squeeze %dma_wait3A_170 : memref<1x128x128xf32, #tpu.memory_space<vmem>> -> memref<128x128xf32, #tpu.memory_space<vmem>>
      %dma_wait3A_172 = arith.constant 0 : i32
      %dma_wait3A_173 = arith.constant 0 : i32
      %dma_wait3A_174 = tpu.memref_slice %arg4[%dma_wait3A_172, %dma_wait3A_173] : memref<26026x128xf32, #tpu.memory_space<hbm>> -> memref<128x128xf32, #tpu.memory_space<hbm>>
      %dma_wait3A_175 = tpu.memref_slice %arg11[%rem3A_148] : memref<3x!tpu.dma_semaphore, #tpu.memory_space<semaphore_mem>> -> memref<1x!tpu.dma_semaphore, #tpu.memory_space<semaphore_mem>>
      %dma_wait3A_176 = tpu.memref_squeeze %dma_wait3A_175 : memref<1x!tpu.dma_semaphore, #tpu.memory_space<semaphore_mem>> -> memref<!tpu.dma_semaphore, #tpu.memory_space<semaphore_mem>>
      %dma_wait3A_177 = arith.constant 0 : i32
      %dma_wait3A_178 = arith.constant 0 : i32
      %dma_wait3A_179 = tpu.memref_slice %arg8[%rem3A_148, %dma_wait3A_177, %dma_wait3A_178] : memref<3x128x128xf32, #tpu.memory_space<vmem>> -> memref<1x128x128xf32, #tpu.memory_space<vmem>>
      %dma_wait3A_180 = tpu.memref_squeeze %dma_wait3A_179 : memref<1x128x128xf32, #tpu.memory_space<vmem>> -> memref<128x128xf32, #tpu.memory_space<vmem>>
      %dma_wait3A_181 = arith.constant 0 : i32
      %dma_wait3A_182 = arith.constant 0 : i32
      %dma_wait3A_183 = tpu.memref_slice %arg4[%dma_wait3A_181, %dma_wait3A_182] : memref<26026x128xf32, #tpu.memory_space<hbm>> -> memref<128x128xf32, #tpu.memory_space<hbm>>
      tpu.wait_dma2 semaphore(%dma_wait3A_176 : memref<!tpu.dma_semaphore, #tpu.memory_space<semaphore_mem>>) src(%dma_wait3A_183 : memref<128x128xf32, #tpu.memory_space<hbm>>) dst(%dma_wait3A_180 : memref<128x128xf32, #tpu.memory_space<vmem>>)
      %mul3A_184 = arith.constant 128 : i32
      %mul3A_185 = arith.muli %rem3A_167, %mul3A_184 : i32
      %add3A_186 = arith.addi %mul3A_2, %mul3A_185 : i32
      %dma_start3A_187 = arith.constant 0 : i32
      %dma_start3A_188 = arith.constant 0 : i32
      %dma_start3A_189 = tpu.memref_slice %arg8[%rem3A_148, %dma_start3A_187, %dma_start3A_188] : memref<3x128x128xf32, #tpu.memory_space<vmem>> -> memref<1x128x128xf32, #tpu.memory_space<vmem>>
      %dma_start3A_190 = tpu.memref_squeeze %dma_start3A_189 : memref<1x128x128xf32, #tpu.memory_space<vmem>> -> memref<128x128xf32, #tpu.memory_space<vmem>>
      %dma_start3A_191 = arith.constant 0 : i32
      %dma_start3A_192 = tpu.memref_slice %arg5[%select_n3A, %add3A_186, %dma_start3A_191] : memref<26x4096x128xf32, #tpu.memory_space<hbm>> -> memref<1x128x128xf32, #tpu.memory_space<hbm>>
      %dma_start3A_193 = tpu.memref_squeeze %dma_start3A_192 : memref<1x128x128xf32, #tpu.memory_space<hbm>> -> memref<128x128xf32, #tpu.memory_space<hbm>>
      %dma_start3A_194 = tpu.memref_slice %arg13[%rem3A_148] : memref<3x!tpu.dma_semaphore, #tpu.memory_space<semaphore_mem>> -> memref<1x!tpu.dma_semaphore, #tpu.memory_space<semaphore_mem>>
      %dma_start3A_195 = tpu.memref_squeeze %dma_start3A_194 : memref<1x!tpu.dma_semaphore, #tpu.memory_space<semaphore_mem>> -> memref<!tpu.dma_semaphore, #tpu.memory_space<semaphore_mem>>
      %dma_start3A_196 = arith.constant 0 : i32
      %dma_start3A_197 = tpu.memref_slice %arg5[%select_n3A, %add3A_186, %dma_start3A_196] : memref<26x4096x128xf32, #tpu.memory_space<hbm>> -> memref<1x128x128xf32, #tpu.memory_space<hbm>>
      %dma_start3A_198 = tpu.memref_squeeze %dma_start3A_197 : memref<1x128x128xf32, #tpu.memory_space<hbm>> -> memref<128x128xf32, #tpu.memory_space<hbm>>
      %dma_start3A_199 = arith.constant 0 : i32
      %dma_start3A_200 = arith.constant 0 : i32
      %dma_start3A_201 = tpu.memref_slice %arg8[%rem3A_148, %dma_start3A_199, %dma_start3A_200] : memref<3x128x128xf32, #tpu.memory_space<vmem>> -> memref<1x128x128xf32, #tpu.memory_space<vmem>>
      %dma_start3A_202 = tpu.memref_squeeze %dma_start3A_201 : memref<1x128x128xf32, #tpu.memory_space<vmem>> -> memref<128x128xf32, #tpu.memory_space<vmem>>
      tpu.enqueue_dma source(%dma_start3A_202 : memref<128x128xf32, #tpu.memory_space<vmem>>) target(%dma_start3A_198 : memref<128x128xf32, #tpu.memory_space<hbm>>) target_semaphore(%dma_start3A_195 : memref<!tpu.dma_semaphore, #tpu.memory_space<semaphore_mem>>)
      %add3A_203 = arith.constant 2 : i32
      %add3A_204 = arith.addi %scan3A_146, %add3A_203 : i32
      %lt3A = arith.constant 26 : i32
      %lt3A_205 = arith.cmpi slt, %add3A_204, %lt3A : i32
      %convert_element_type3A = arith.extui %lt3A_205 : i1 to i32
      %cond3A = arith.constant 0 : i32
      %cond3A_206 = arith.cmpi ne, %convert_element_type3A, %cond3A : i32
      scf.if %cond3A_206 {
        %add3A_378 = arith.constant 2 : i32
        %add3A_379 = arith.addi %scan3A_146, %add3A_378 : i32
        %rem3A_380 = arith.constant 3 : i32
        %rem3A_381 = arith.remsi %add3A_379, %rem3A_380 : i32
        %ge3A = arith.constant 1 : i32
        %ge3A_382 = arith.cmpi sge, %scan3A_146, %ge3A : i32
        %convert_element_type3A_383 = arith.extui %ge3A_382 : i1 to i32
        %cond3A_384 = arith.constant 0 : i32
        %cond3A_385 = arith.cmpi ne, %convert_element_type3A_383, %cond3A_384 : i32
        scf.if %cond3A_385 {
          %dma_wait3A_441 = arith.constant 0 : i32
          %dma_wait3A_442 = arith.constant 0 : i32
          %dma_wait3A_443 = arith.constant 0 : i32
          %dma_wait3A_444 = tpu.memref_slice %arg8[%rem3A_381, %dma_wait3A_442, %dma_wait3A_443] : memref<3x128x128xf32, #tpu.memory_space<vmem>> -> memref<1x128x128xf32, #tpu.memory_space<vmem>>
          %dma_wait3A_445 = tpu.memref_squeeze %dma_wait3A_444 : memref<1x128x128xf32, #tpu.memory_space<vmem>> -> memref<128x128xf32, #tpu.memory_space<vmem>>
          %dma_wait3A_446 = arith.constant 0 : i32
          %dma_wait3A_447 = arith.constant 0 : i32
          %dma_wait3A_448 = tpu.memref_slice %arg5[%dma_wait3A_441, %dma_wait3A_446, %dma_wait3A_447] : memref<26x4096x128xf32, #tpu.memory_space<hbm>> -> memref<1x128x128xf32, #tpu.memory_space<hbm>>
          %dma_wait3A_449 = tpu.memref_squeeze %dma_wait3A_448 : memref<1x128x128xf32, #tpu.memory_space<hbm>> -> memref<128x128xf32, #tpu.memory_space<hbm>>
          %dma_wait3A_450 = tpu.memref_slice %arg13[%rem3A_381] : memref<3x!tpu.dma_semaphore, #tpu.memory_space<semaphore_mem>> -> memref<1x!tpu.dma_semaphore, #tpu.memory_space<semaphore_mem>>
          %dma_wait3A_451 = tpu.memref_squeeze %dma_wait3A_450 : memref<1x!tpu.dma_semaphore, #tpu.memory_space<semaphore_mem>> -> memref<!tpu.dma_semaphore, #tpu.memory_space<semaphore_mem>>
          %dma_wait3A_452 = arith.constant 0 : i32
          %dma_wait3A_453 = arith.constant 0 : i32
          %dma_wait3A_454 = tpu.memref_slice %arg5[%dma_wait3A_441, %dma_wait3A_452, %dma_wait3A_453] : memref<26x4096x128xf32, #tpu.memory_space<hbm>> -> memref<1x128x128xf32, #tpu.memory_space<hbm>>
          %dma_wait3A_455 = tpu.memref_squeeze %dma_wait3A_454 : memref<1x128x128xf32, #tpu.memory_space<hbm>> -> memref<128x128xf32, #tpu.memory_space<hbm>>
          %dma_wait3A_456 = arith.constant 0 : i32
          %dma_wait3A_457 = arith.constant 0 : i32
          %dma_wait3A_458 = tpu.memref_slice %arg8[%rem3A_381, %dma_wait3A_456, %dma_wait3A_457] : memref<3x128x128xf32, #tpu.memory_space<vmem>> -> memref<1x128x128xf32, #tpu.memory_space<vmem>>
          %dma_wait3A_459 = tpu.memref_squeeze %dma_wait3A_458 : memref<1x128x128xf32, #tpu.memory_space<vmem>> -> memref<128x128xf32, #tpu.memory_space<vmem>>
          tpu.wait_dma2 semaphore(%dma_wait3A_451 : memref<!tpu.dma_semaphore, #tpu.memory_space<semaphore_mem>>) src(%dma_wait3A_459 : memref<128x128xf32, #tpu.memory_space<vmem>>) dst(%dma_wait3A_455 : memref<128x128xf32, #tpu.memory_space<hbm>>)
        } else {
        }
        %add3A_386 = arith.constant 2 : i32
        %add3A_387 = arith.addi %scan3A_146, %add3A_386 : i32
        %jit3A_388 = arith.constant 1 : i32
        %div3A_389 = arith.divsi %add3A_387, %jit3A_388 : i32
        %sign3A_390 = arith.constant 0 : i32
        %sign3A_391 = arith.cmpi sgt, %add3A_387, %sign3A_390 : i32
        %sign3A_392 = arith.extui %sign3A_391 : i1 to i32
        %sign3A_393 = arith.constant 0 : i32
        %sign3A_394 = arith.cmpi slt, %add3A_387, %sign3A_393 : i32
        %sign3A_395 = arith.extui %sign3A_394 : i1 to i32
        %sign3A_396 = arith.subi %sign3A_392, %sign3A_395 : i32
        %sign3A_397 = arith.constant 0 : i32
        %sign3A_398 = arith.cmpi sgt, %jit3A_388, %sign3A_397 : i32
        %sign3A_399 = arith.extui %sign3A_398 : i1 to i32
        %sign3A_400 = arith.constant 0 : i32
        %sign3A_401 = arith.cmpi slt, %jit3A_388, %sign3A_400 : i32
        %sign3A_402 = arith.extui %sign3A_401 : i1 to i32
        %sign3A_403 = arith.subi %sign3A_399, %sign3A_402 : i32
        %ne3A_404 = arith.cmpi ne, %sign3A_396, %sign3A_403 : i32
        %rem3A_405 = arith.remsi %add3A_387, %jit3A_388 : i32
        %ne3A_406 = arith.constant 0 : i32
        %ne3A_407 = arith.cmpi ne, %rem3A_405, %ne3A_406 : i32
        %and3A_408 = arith.andi %ne3A_404, %ne3A_407 : i1
        %sub3A_409 = arith.constant 1 : i32
        %sub3A_410 = arith.subi %div3A_389, %sub3A_409 : i32
        %select_n3A_411 = arith.select %and3A_408, %sub3A_410, %div3A_389 : i32
        %rem3A_412 = arith.constant 1 : i32
        %rem3A_413 = arith.remsi %add3A_387, %rem3A_412 : i32
        %mul3A_414 = arith.constant 1 : i32
        %mul3A_415 = arith.muli %rem3A_413, %mul3A_414 : i32
        %add3A_416 = arith.constant 0 : i32
        %add3A_417 = arith.addi %mul3A_415, %add3A_416 : i32
        %dma_start3A_418 = arith.constant 0 : i32
        %dma_start3A_419 = arith.constant 0 : i32
        %dma_start3A_420 = tpu.memref_slice %arg8[%rem3A_381, %dma_start3A_418, %dma_start3A_419] : memref<3x128x128xf32, #tpu.memory_space<vmem>> -> memref<1x128x128xf32, #tpu.memory_space<vmem>>
        %dma_start3A_421 = tpu.memref_squeeze %dma_start3A_420 : memref<1x128x128xf32, #tpu.memory_space<vmem>> -> memref<128x128xf32, #tpu.memory_space<vmem>>
        %dma_start3A_422 = arith.constant 0 : i32
        %dma_start3A_423 = tpu.memref_slice %arg7[%select_n3A_411, %add3A_417, %dma_start3A_422] : memref<26x1x128xi32, #tpu.memory_space<vmem>> -> memref<1x1x128xi32, #tpu.memory_space<vmem>>
        %dma_start3A_424 = tpu.memref_squeeze %dma_start3A_423 : memref<1x1x128xi32, #tpu.memory_space<vmem>> -> memref<128xi32, #tpu.memory_space<vmem>>
        %dma_start3A_425 = arith.constant 0 : i32
        %dma_start3A_426 = arith.constant 0 : i32
        %dma_start3A_427 = tpu.memref_slice %arg4[%dma_start3A_425, %dma_start3A_426] : memref<26026x128xf32, #tpu.memory_space<hbm>> -> memref<26026x128xf32, #tpu.memory_space<hbm>>
        %dma_start3A_428 = tpu.memref_slice %arg11[%rem3A_381] : memref<3x!tpu.dma_semaphore, #tpu.memory_space<semaphore_mem>> -> memref<1x!tpu.dma_semaphore, #tpu.memory_space<semaphore_mem>>
        %dma_start3A_429 = tpu.memref_squeeze %dma_start3A_428 : memref<1x!tpu.dma_semaphore, #tpu.memory_space<semaphore_mem>> -> memref<!tpu.dma_semaphore, #tpu.memory_space<semaphore_mem>>
        tpu.enqueue_indirect_dma source(%dma_start3A_427 : memref<26026x128xf32, #tpu.memory_space<hbm>>) target(%dma_start3A_421 : memref<128x128xf32, #tpu.memory_space<vmem>>) offsets(%dma_start3A_424 : memref<128xi32, #tpu.memory_space<vmem>>) semaphore(%dma_start3A_429 : memref<!tpu.dma_semaphore, #tpu.memory_space<semaphore_mem>>)
        %dma_start3A_430 = arith.constant 0 : i32
        %dma_start3A_431 = arith.constant 0 : i32
        %dma_start3A_432 = tpu.memref_slice %arg9[%rem3A_381, %dma_start3A_430, %dma_start3A_431] : memref<3x1x128xf32, #tpu.memory_space<vmem>> -> memref<1x1x128xf32, #tpu.memory_space<vmem>>
        %dma_start3A_433 = tpu.memref_squeeze %dma_start3A_432 : memref<1x1x128xf32, #tpu.memory_space<vmem>> -> memref<128xf32, #tpu.memory_space<vmem>>
        %dma_start3A_434 = arith.constant 0 : i32
        %dma_start3A_435 = tpu.memref_slice %arg7[%select_n3A_411, %add3A_417, %dma_start3A_434] : memref<26x1x128xi32, #tpu.memory_space<vmem>> -> memref<1x1x128xi32, #tpu.memory_space<vmem>>
        %dma_start3A_436 = tpu.memref_squeeze %dma_start3A_435 : memref<1x1x128xi32, #tpu.memory_space<vmem>> -> memref<128xi32, #tpu.memory_space<vmem>>
        %dma_start3A_437 = arith.constant 0 : i32
        %dma_start3A_438 = tpu.memref_slice %arg3[%dma_start3A_437] : memref<26032xf32, #tpu.memory_space<hbm>> -> memref<26032xf32, #tpu.memory_space<hbm>>
        %dma_start3A_439 = tpu.memref_slice %arg12[%rem3A_381] : memref<3x!tpu.dma_semaphore, #tpu.memory_space<semaphore_mem>> -> memref<1x!tpu.dma_semaphore, #tpu.memory_space<semaphore_mem>>
        %dma_start3A_440 = tpu.memref_squeeze %dma_start3A_439 : memref<1x!tpu.dma_semaphore, #tpu.memory_space<semaphore_mem>> -> memref<!tpu.dma_semaphore, #tpu.memory_space<semaphore_mem>>
        tpu.enqueue_indirect_dma source(%dma_start3A_438 : memref<26032xf32, #tpu.memory_space<hbm>>) target(%dma_start3A_433 : memref<128xf32, #tpu.memory_space<vmem>>) offsets(%dma_start3A_436 : memref<128xi32, #tpu.memory_space<vmem>>) semaphore(%dma_start3A_440 : memref<!tpu.dma_semaphore, #tpu.memory_space<semaphore_mem>>)
      } else {
      }
      %dma_wait3A_207 = arith.constant 0 : i32
      %dma_wait3A_208 = arith.constant 0 : i32
      %dma_wait3A_209 = tpu.memref_slice %arg9[%rem3A_148, %dma_wait3A_207, %dma_wait3A_208] : memref<3x1x128xf32, #tpu.memory_space<vmem>> -> memref<1x1x128xf32, #tpu.memory_space<vmem>>
      %dma_wait3A_210 = tpu.memref_squeeze %dma_wait3A_209 : memref<1x1x128xf32, #tpu.memory_space<vmem>> -> memref<128xf32, #tpu.memory_space<vmem>>
      %dma_wait3A_211 = arith.constant 0 : i32
      %dma_wait3A_212 = tpu.memref_slice %arg3[%dma_wait3A_211] : memref<26032xf32, #tpu.memory_space<hbm>> -> memref<128xf32, #tpu.memory_space<hbm>>
      %dma_wait3A_213 = tpu.memref_slice %arg12[%rem3A_148] : memref<3x!tpu.dma_semaphore, #tpu.memory_space<semaphore_mem>> -> memref<1x!tpu.dma_semaphore, #tpu.memory_space<semaphore_mem>>
      %dma_wait3A_214 = tpu.memref_squeeze %dma_wait3A_213 : memref<1x!tpu.dma_semaphore, #tpu.memory_space<semaphore_mem>> -> memref<!tpu.dma_semaphore, #tpu.memory_space<semaphore_mem>>
      %dma_wait3A_215 = arith.constant 0 : i32
      %dma_wait3A_216 = tpu.memref_slice %arg9[%rem3A_148, %dma_wait3A_207, %dma_wait3A_215] : memref<3x1x128xf32, #tpu.memory_space<vmem>> -> memref<1x1x128xf32, #tpu.memory_space<vmem>>
      %dma_wait3A_217 = tpu.memref_squeeze %dma_wait3A_216 : memref<1x1x128xf32, #tpu.memory_space<vmem>> -> memref<128xf32, #tpu.memory_space<vmem>>
      %dma_wait3A_218 = arith.constant 0 : i32
      %dma_wait3A_219 = tpu.memref_slice %arg3[%dma_wait3A_218] : memref<26032xf32, #tpu.memory_space<hbm>> -> memref<128xf32, #tpu.memory_space<hbm>>
      tpu.wait_dma2 semaphore(%dma_wait3A_214 : memref<!tpu.dma_semaphore, #tpu.memory_space<semaphore_mem>>) src(%dma_wait3A_219 : memref<128xf32, #tpu.memory_space<hbm>>) dst(%dma_wait3A_217 : memref<128xf32, #tpu.memory_space<vmem>>)
      %mul3A_220 = arith.constant 128 : i32
      %mul3A_221 = arith.muli %rem3A_167, %mul3A_220 : i32
      %add3A_222 = arith.constant 0 : i32
      %add3A_223 = arith.addi %mul3A_221, %add3A_222 : i32
      %add3A_224 = arith.constant 0 : i32
      %add3A_225 = arith.addi %add3A_223, %add3A_224 : i32
      %get3A = arith.index_cast %add3A_225 : i32 to index
      %get3A_226 = tpu.vector_load %arg10[%get3A] {strides = array<i32>} : memref<128xf32, #tpu.memory_space<vmem>>, vector<16xf32>,
      %get3A_227 = vector.shape_cast %get3A_226 : vector<16xf32> to vector<16xf32>
      %get3A_228 = arith.constant 0 : i32
      %get3A_229 = arith.index_cast %rem3A_148 : i32 to index
      %get3A_230 = arith.index_cast %get3A_228 : i32 to index
      %get3A_231 = arith.constant 0 : index
      %get3A_232 = tpu.vector_load %arg9[%get3A_229, %get3A_230, %get3A_231] {strides = array<i32>} : memref<3x1x128xf32, #tpu.memory_space<vmem>>, vector<1x1x16xf32>,
      %get3A_233 = vector.shape_cast %get3A_232 : vector<1x1x16xf32> to vector<16xf32>
      %add3A_234 = arith.addf %get3A_227, %get3A_233 : vector<16xf32>
      %swap3A = arith.index_cast %add3A_225 : i32 to index
      %swap3A_235 = tpu.vector_load %arg10[%swap3A] {strides = array<i32>} : memref<128xf32, #tpu.memory_space<vmem>>, vector<16xf32>,
      %swap3A_236 = vector.shape_cast %swap3A_235 : vector<16xf32> to vector<16xf32>
      %swap3A_237 = vector.shape_cast %add3A_234 : vector<16xf32> to vector<16xf32>
      tpu.vector_store %arg10[%swap3A], %swap3A_237 {strides = array<i32>} : memref<128xf32, #tpu.memory_space<vmem>>, vector<16xf32>,
      %mul3A_238 = arith.constant 128 : i32
      %mul3A_239 = arith.muli %rem3A_167, %mul3A_238 : i32
      %add3A_240 = arith.constant 0 : i32
      %add3A_241 = arith.addi %mul3A_239, %add3A_240 : i32
      %add3A_242 = arith.constant 16 : i32
      %add3A_243 = arith.addi %add3A_241, %add3A_242 : i32
      %get3A_244 = arith.index_cast %add3A_243 : i32 to index
      %get3A_245 = tpu.vector_load %arg10[%get3A_244] {strides = array<i32>} : memref<128xf32, #tpu.memory_space<vmem>>, vector<16xf32>,
      %get3A_246 = vector.shape_cast %get3A_245 : vector<16xf32> to vector<16xf32>
      %get3A_247 = arith.constant 0 : i32
      %get3A_248 = arith.index_cast %rem3A_148 : i32 to index
      %get3A_249 = arith.index_cast %get3A_247 : i32 to index
      %get3A_250 = arith.constant 16 : index
      %get3A_251 = tpu.vector_load %arg9[%get3A_248, %get3A_249, %get3A_250] {strides = array<i32>} : memref<3x1x128xf32, #tpu.memory_space<vmem>>, vector<1x1x16xf32>,
      %get3A_252 = vector.shape_cast %get3A_251 : vector<1x1x16xf32> to vector<16xf32>
      %add3A_253 = arith.addf %get3A_246, %get3A_252 : vector<16xf32>
      %swap3A_254 = arith.index_cast %add3A_243 : i32 to index
      %swap3A_255 = tpu.vector_load %arg10[%swap3A_254] {strides = array<i32>} : memref<128xf32, #tpu.memory_space<vmem>>, vector<16xf32>,
      %swap3A_256 = vector.shape_cast %swap3A_255 : vector<16xf32> to vector<16xf32>
      %swap3A_257 = vector.shape_cast %add3A_253 : vector<16xf32> to vector<16xf32>
      tpu.vector_store %arg10[%swap3A_254], %swap3A_257 {strides = array<i32>} : memref<128xf32, #tpu.memory_space<vmem>>, vector<16xf32>,
      %mul3A_258 = arith.constant 128 : i32
      %mul3A_259 = arith.muli %rem3A_167, %mul3A_258 : i32
      %add3A_260 = arith.constant 0 : i32
      %add3A_261 = arith.addi %mul3A_259, %add3A_260 : i32
      %add3A_262 = arith.constant 32 : i32
      %add3A_263 = arith.addi %add3A_261, %add3A_262 : i32
      %get3A_264 = arith.index_cast %add3A_263 : i32 to index
      %get3A_265 = tpu.vector_load %arg10[%get3A_264] {strides = array<i32>} : memref<128xf32, #tpu.memory_space<vmem>>, vector<16xf32>,
      %get3A_266 = vector.shape_cast %get3A_265 : vector<16xf32> to vector<16xf32>
      %get3A_267 = arith.constant 0 : i32
      %get3A_268 = arith.index_cast %rem3A_148 : i32 to index
      %get3A_269 = arith.index_cast %get3A_267 : i32 to index
      %get3A_270 = arith.constant 32 : index
      %get3A_271 = tpu.vector_load %arg9[%get3A_268, %get3A_269, %get3A_270] {strides = array<i32>} : memref<3x1x128xf32, #tpu.memory_space<vmem>>, vector<1x1x16xf32>,
      %get3A_272 = vector.shape_cast %get3A_271 : vector<1x1x16xf32> to vector<16xf32>
      %add3A_273 = arith.addf %get3A_266, %get3A_272 : vector<16xf32>
      %swap3A_274 = arith.index_cast %add3A_263 : i32 to index
      %swap3A_275 = tpu.vector_load %arg10[%swap3A_274] {strides = array<i32>} : memref<128xf32, #tpu.memory_space<vmem>>, vector<16xf32>,
      %swap3A_276 = vector.shape_cast %swap3A_275 : vector<16xf32> to vector<16xf32>
      %swap3A_277 = vector.shape_cast %add3A_273 : vector<16xf32> to vector<16xf32>
      tpu.vector_store %arg10[%swap3A_274], %swap3A_277 {strides = array<i32>} : memref<128xf32, #tpu.memory_space<vmem>>, vector<16xf32>,
      %mul3A_278 = arith.constant 128 : i32
      %mul3A_279 = arith.muli %rem3A_167, %mul3A_278 : i32
      %add3A_280 = arith.constant 0 : i32
      %add3A_281 = arith.addi %mul3A_279, %add3A_280 : i32
      %add3A_282 = arith.constant 48 : i32
      %add3A_283 = arith.addi %add3A_281, %add3A_282 : i32
      %get3A_284 = arith.index_cast %add3A_283 : i32 to index
      %get3A_285 = tpu.vector_load %arg10[%get3A_284] {strides = array<i32>} : memref<128xf32, #tpu.memory_space<vmem>>, vector<16xf32>,
      %get3A_286 = vector.shape_cast %get3A_285 : vector<16xf32> to vector<16xf32>
      %get3A_287 = arith.constant 0 : i32
      %get3A_288 = arith.index_cast %rem3A_148 : i32 to index
      %get3A_289 = arith.index_cast %get3A_287 : i32 to index
      %get3A_290 = arith.constant 48 : index
      %get3A_291 = tpu.vector_load %arg9[%get3A_288, %get3A_289, %get3A_290] {strides = array<i32>} : memref<3x1x128xf32, #tpu.memory_space<vmem>>, vector<1x1x16xf32>,
      %get3A_292 = vector.shape_cast %get3A_291 : vector<1x1x16xf32> to vector<16xf32>
      %add3A_293 = arith.addf %get3A_286, %get3A_292 : vector<16xf32>
      %swap3A_294 = arith.index_cast %add3A_283 : i32 to index
      %swap3A_295 = tpu.vector_load %arg10[%swap3A_294] {strides = array<i32>} : memref<128xf32, #tpu.memory_space<vmem>>, vector<16xf32>,
      %swap3A_296 = vector.shape_cast %swap3A_295 : vector<16xf32> to vector<16xf32>
      %swap3A_297 = vector.shape_cast %add3A_293 : vector<16xf32> to vector<16xf32>
      tpu.vector_store %arg10[%swap3A_294], %swap3A_297 {strides = array<i32>} : memref<128xf32, #tpu.memory_space<vmem>>, vector<16xf32>,
      %mul3A_298 = arith.constant 128 : i32
      %mul3A_299 = arith.muli %rem3A_167, %mul3A_298 : i32
      %add3A_300 = arith.constant 0 : i32
      %add3A_301 = arith.addi %mul3A_299, %add3A_300 : i32
      %add3A_302 = arith.constant 64 : i32
      %add3A_303 = arith.addi %add3A_301, %add3A_302 : i32
      %get3A_304 = arith.index_cast %add3A_303 : i32 to index
      %get3A_305 = tpu.vector_load %arg10[%get3A_304] {strides = array<i32>} : memref<128xf32, #tpu.memory_space<vmem>>, vector<16xf32>,
      %get3A_306 = vector.shape_cast %get3A_305 : vector<16xf32> to vector<16xf32>
      %get3A_307 = arith.constant 0 : i32
      %get3A_308 = arith.index_cast %rem3A_148 : i32 to index
      %get3A_309 = arith.index_cast %get3A_307 : i32 to index
      %get3A_310 = arith.constant 64 : index
      %get3A_311 = tpu.vector_load %arg9[%get3A_308, %get3A_309, %get3A_310] {strides = array<i32>} : memref<3x1x128xf32, #tpu.memory_space<vmem>>, vector<1x1x16xf32>,
      %get3A_312 = vector.shape_cast %get3A_311 : vector<1x1x16xf32> to vector<16xf32>
      %add3A_313 = arith.addf %get3A_306, %get3A_312 : vector<16xf32>
      %swap3A_314 = arith.index_cast %add3A_303 : i32 to index
      %swap3A_315 = tpu.vector_load %arg10[%swap3A_314] {strides = array<i32>} : memref<128xf32, #tpu.memory_space<vmem>>, vector<16xf32>,
      %swap3A_316 = vector.shape_cast %swap3A_315 : vector<16xf32> to vector<16xf32>
      %swap3A_317 = vector.shape_cast %add3A_313 : vector<16xf32> to vector<16xf32>
      tpu.vector_store %arg10[%swap3A_314], %swap3A_317 {strides = array<i32>} : memref<128xf32, #tpu.memory_space<vmem>>, vector<16xf32>,
      %mul3A_318 = arith.constant 128 : i32
      %mul3A_319 = arith.muli %rem3A_167, %mul3A_318 : i32
      %add3A_320 = arith.constant 0 : i32
      %add3A_321 = arith.addi %mul3A_319, %add3A_320 : i32
      %add3A_322 = arith.constant 80 : i32
      %add3A_323 = arith.addi %add3A_321, %add3A_322 : i32
      %get3A_324 = arith.index_cast %add3A_323 : i32 to index
      %get3A_325 = tpu.vector_load %arg10[%get3A_324] {strides = array<i32>} : memref<128xf32, #tpu.memory_space<vmem>>, vector<16xf32>,
      %get3A_326 = vector.shape_cast %get3A_325 : vector<16xf32> to vector<16xf32>
      %get3A_327 = arith.constant 0 : i32
      %get3A_328 = arith.index_cast %rem3A_148 : i32 to index
      %get3A_329 = arith.index_cast %get3A_327 : i32 to index
      %get3A_330 = arith.constant 80 : index
      %get3A_331 = tpu.vector_load %arg9[%get3A_328, %get3A_329, %get3A_330] {strides = array<i32>} : memref<3x1x128xf32, #tpu.memory_space<vmem>>, vector<1x1x16xf32>,
      %get3A_332 = vector.shape_cast %get3A_331 : vector<1x1x16xf32> to vector<16xf32>
      %add3A_333 = arith.addf %get3A_326, %get3A_332 : vector<16xf32>
      %swap3A_334 = arith.index_cast %add3A_323 : i32 to index
      %swap3A_335 = tpu.vector_load %arg10[%swap3A_334] {strides = array<i32>} : memref<128xf32, #tpu.memory_space<vmem>>, vector<16xf32>,
      %swap3A_336 = vector.shape_cast %swap3A_335 : vector<16xf32> to vector<16xf32>
      %swap3A_337 = vector.shape_cast %add3A_333 : vector<16xf32> to vector<16xf32>
      tpu.vector_store %arg10[%swap3A_334], %swap3A_337 {strides = array<i32>} : memref<128xf32, #tpu.memory_space<vmem>>, vector<16xf32>,
      %mul3A_338 = arith.constant 128 : i32
      %mul3A_339 = arith.muli %rem3A_167, %mul3A_338 : i32
      %add3A_340 = arith.constant 0 : i32
      %add3A_341 = arith.addi %mul3A_339, %add3A_340 : i32
      %add3A_342 = arith.constant 96 : i32
      %add3A_343 = arith.addi %add3A_341, %add3A_342 : i32
      %get3A_344 = arith.index_cast %add3A_343 : i32 to index
      %get3A_345 = tpu.vector_load %arg10[%get3A_344] {strides = array<i32>} : memref<128xf32, #tpu.memory_space<vmem>>, vector<16xf32>,
      %get3A_346 = vector.shape_cast %get3A_345 : vector<16xf32> to vector<16xf32>
      %get3A_347 = arith.constant 0 : i32
      %get3A_348 = arith.index_cast %rem3A_148 : i32 to index
      %get3A_349 = arith.index_cast %get3A_347 : i32 to index
      %get3A_350 = arith.constant 96 : index
      %get3A_351 = tpu.vector_load %arg9[%get3A_348, %get3A_349, %get3A_350] {strides = array<i32>} : memref<3x1x128xf32, #tpu.memory_space<vmem>>, vector<1x1x16xf32>,
      %get3A_352 = vector.shape_cast %get3A_351 : vector<1x1x16xf32> to vector<16xf32>
      %add3A_353 = arith.addf %get3A_346, %get3A_352 : vector<16xf32>
      %swap3A_354 = arith.index_cast %add3A_343 : i32 to index
      %swap3A_355 = tpu.vector_load %arg10[%swap3A_354] {strides = array<i32>} : memref<128xf32, #tpu.memory_space<vmem>>, vector<16xf32>,
      %swap3A_356 = vector.shape_cast %swap3A_355 : vector<16xf32> to vector<16xf32>
      %swap3A_357 = vector.shape_cast %add3A_353 : vector<16xf32> to vector<16xf32>
      tpu.vector_store %arg10[%swap3A_354], %swap3A_357 {strides = array<i32>} : memref<128xf32, #tpu.memory_space<vmem>>, vector<16xf32>,
      %mul3A_358 = arith.constant 128 : i32
      %mul3A_359 = arith.muli %rem3A_167, %mul3A_358 : i32
      %add3A_360 = arith.constant 0 : i32
      %add3A_361 = arith.addi %mul3A_359, %add3A_360 : i32
      %add3A_362 = arith.constant 112 : i32
      %add3A_363 = arith.addi %add3A_361, %add3A_362 : i32
      %get3A_364 = arith.index_cast %add3A_363 : i32 to index
      %get3A_365 = tpu.vector_load %arg10[%get3A_364] {strides = array<i32>} : memref<128xf32, #tpu.memory_space<vmem>>, vector<16xf32>,
      %get3A_366 = vector.shape_cast %get3A_365 : vector<16xf32> to vector<16xf32>
      %get3A_367 = arith.constant 0 : i32
      %get3A_368 = arith.index_cast %rem3A_148 : i32 to index
      %get3A_369 = arith.index_cast %get3A_367 : i32 to index
      %get3A_370 = arith.constant 112 : index
      %get3A_371 = tpu.vector_load %arg9[%get3A_368, %get3A_369, %get3A_370] {strides = array<i32>} : memref<3x1x128xf32, #tpu.memory_space<vmem>>, vector<1x1x16xf32>,
      %get3A_372 = vector.shape_cast %get3A_371 : vector<1x1x16xf32> to vector<16xf32>
      %add3A_373 = arith.addf %get3A_366, %get3A_372 : vector<16xf32>
      %swap3A_374 = arith.index_cast %add3A_363 : i32 to index
      %swap3A_375 = tpu.vector_load %arg10[%swap3A_374] {strides = array<i32>} : memref<128xf32, #tpu.memory_space<vmem>>, vector<16xf32>,
      %swap3A_376 = vector.shape_cast %swap3A_375 : vector<16xf32> to vector<16xf32>
      %swap3A_377 = vector.shape_cast %add3A_373 : vector<16xf32> to vector<16xf32>
      tpu.vector_store %arg10[%swap3A_374], %swap3A_377 {strides = array<i32>} : memref<128xf32, #tpu.memory_space<vmem>>, vector<16xf32>,
    }
    %scan3A_83 = arith.constant 26 : i32
    %dma_wait3A = arith.constant 2 : i32
    %dma_wait3A_84 = arith.constant 0 : i32
    %dma_wait3A_85 = arith.constant 2 : i32
    %dma_wait3A_86 = arith.constant 0 : i32
    %dma_wait3A_87 = arith.constant 0 : i32
    %dma_wait3A_88 = tpu.memref_slice %arg8[%dma_wait3A, %dma_wait3A_86, %dma_wait3A_87] : memref<3x128x128xf32, #tpu.memory_space<vmem>> -> memref<1x128x128xf32, #tpu.memory_space<vmem>>
    %dma_wait3A_89 = tpu.memref_squeeze %dma_wait3A_88 : memref<1x128x128xf32, #tpu.memory_space<vmem>> -> memref<128x128xf32, #tpu.memory_space<vmem>>
    %dma_wait3A_90 = arith.constant 0 : i32
    %dma_wait3A_91 = arith.constant 0 : i32
    %dma_wait3A_92 = tpu.memref_slice %arg5[%dma_wait3A_84, %dma_wait3A_90, %dma_wait3A_91] : memref<26x4096x128xf32, #tpu.memory_space<hbm>> -> memref<1x128x128xf32, #tpu.memory_space<hbm>>
    %dma_wait3A_93 = tpu.memref_squeeze %dma_wait3A_92 : memref<1x128x128xf32, #tpu.memory_space<hbm>> -> memref<128x128xf32, #tpu.memory_space<hbm>>
    %dma_wait3A_94 = tpu.memref_slice %arg13[%dma_wait3A_85] : memref<3x!tpu.dma_semaphore, #tpu.memory_space<semaphore_mem>> -> memref<1x!tpu.dma_semaphore, #tpu.memory_space<semaphore_mem>>
    %dma_wait3A_95 = tpu.memref_squeeze %dma_wait3A_94 : memref<1x!tpu.dma_semaphore, #tpu.memory_space<semaphore_mem>> -> memref<!tpu.dma_semaphore, #tpu.memory_space<semaphore_mem>>
    %dma_wait3A_96 = arith.constant 0 : i32
    %dma_wait3A_97 = arith.constant 0 : i32
    %dma_wait3A_98 = tpu.memref_slice %arg5[%dma_wait3A_84, %dma_wait3A_96, %dma_wait3A_97] : memref<26x4096x128xf32, #tpu.memory_space<hbm>> -> memref<1x128x128xf32, #tpu.memory_space<hbm>>
    %dma_wait3A_99 = tpu.memref_squeeze %dma_wait3A_98 : memref<1x128x128xf32, #tpu.memory_space<hbm>> -> memref<128x128xf32, #tpu.memory_space<hbm>>
    %dma_wait3A_100 = arith.constant 0 : i32
    %dma_wait3A_101 = arith.constant 0 : i32
    %dma_wait3A_102 = tpu.memref_slice %arg8[%dma_wait3A, %dma_wait3A_100, %dma_wait3A_101] : memref<3x128x128xf32, #tpu.memory_space<vmem>> -> memref<1x128x128xf32, #tpu.memory_space<vmem>>
    %dma_wait3A_103 = tpu.memref_squeeze %dma_wait3A_102 : memref<1x128x128xf32, #tpu.memory_space<vmem>> -> memref<128x128xf32, #tpu.memory_space<vmem>>
    tpu.wait_dma2 semaphore(%dma_wait3A_95 : memref<!tpu.dma_semaphore, #tpu.memory_space<semaphore_mem>>) src(%dma_wait3A_103 : memref<128x128xf32, #tpu.memory_space<vmem>>) dst(%dma_wait3A_99 : memref<128x128xf32, #tpu.memory_space<hbm>>)
    %dma_wait3A_104 = arith.constant 0 : i32
    %dma_wait3A_105 = arith.constant 0 : i32
    %dma_wait3A_106 = arith.constant 0 : i32
    %dma_wait3A_107 = arith.constant 0 : i32
    %dma_wait3A_108 = arith.constant 0 : i32
    %dma_wait3A_109 = tpu.memref_slice %arg8[%dma_wait3A_104, %dma_wait3A_107, %dma_wait3A_108] : memref<3x128x128xf32, #tpu.memory_space<vmem>> -> memref<1x128x128xf32, #tpu.memory_space<vmem>>
    %dma_wait3A_110 = tpu.memref_squeeze %dma_wait3A_109 : memref<1x128x128xf32, #tpu.memory_space<vmem>> -> memref<128x128xf32, #tpu.memory_space<vmem>>
    %dma_wait3A_111 = arith.constant 0 : i32
    %dma_wait3A_112 = arith.constant 0 : i32
    %dma_wait3A_113 = tpu.memref_slice %arg5[%dma_wait3A_105, %dma_wait3A_111, %dma_wait3A_112] : memref<26x4096x128xf32, #tpu.memory_space<hbm>> -> memref<1x128x128xf32, #tpu.memory_space<hbm>>
    %dma_wait3A_114 = tpu.memref_squeeze %dma_wait3A_113 : memref<1x128x128xf32, #tpu.memory_space<hbm>> -> memref<128x128xf32, #tpu.memory_space<hbm>>
    %dma_wait3A_115 = tpu.memref_slice %arg13[%dma_wait3A_106] : memref<3x!tpu.dma_semaphore, #tpu.memory_space<semaphore_mem>> -> memref<1x!tpu.dma_semaphore, #tpu.memory_space<semaphore_mem>>
    %dma_wait3A_116 = tpu.memref_squeeze %dma_wait3A_115 : memref<1x!tpu.dma_semaphore, #tpu.memory_space<semaphore_mem>> -> memref<!tpu.dma_semaphore, #tpu.memory_space<semaphore_mem>>
    %dma_wait3A_117 = arith.constant 0 : i32
    %dma_wait3A_118 = arith.constant 0 : i32
    %dma_wait3A_119 = tpu.memref_slice %arg5[%dma_wait3A_105, %dma_wait3A_117, %dma_wait3A_118] : memref<26x4096x128xf32, #tpu.memory_space<hbm>> -> memref<1x128x128xf32, #tpu.memory_space<hbm>>
    %dma_wait3A_120 = tpu.memref_squeeze %dma_wait3A_119 : memref<1x128x128xf32, #tpu.memory_space<hbm>> -> memref<128x128xf32, #tpu.memory_space<hbm>>
    %dma_wait3A_121 = arith.constant 0 : i32
    %dma_wait3A_122 = arith.constant 0 : i32
    %dma_wait3A_123 = tpu.memref_slice %arg8[%dma_wait3A_104, %dma_wait3A_121, %dma_wait3A_122] : memref<3x128x128xf32, #tpu.memory_space<vmem>> -> memref<1x128x128xf32, #tpu.memory_space<vmem>>
    %dma_wait3A_124 = tpu.memref_squeeze %dma_wait3A_123 : memref<1x128x128xf32, #tpu.memory_space<vmem>> -> memref<128x128xf32, #tpu.memory_space<vmem>>
    tpu.wait_dma2 semaphore(%dma_wait3A_116 : memref<!tpu.dma_semaphore, #tpu.memory_space<semaphore_mem>>) src(%dma_wait3A_124 : memref<128x128xf32, #tpu.memory_space<vmem>>) dst(%dma_wait3A_120 : memref<128x128xf32, #tpu.memory_space<hbm>>)
    %dma_wait3A_125 = arith.constant 1 : i32
    %dma_wait3A_126 = arith.constant 0 : i32
    %dma_wait3A_127 = arith.constant 1 : i32
    %dma_wait3A_128 = arith.constant 0 : i32
    %dma_wait3A_129 = arith.constant 0 : i32
    %dma_wait3A_130 = tpu.memref_slice %arg8[%dma_wait3A_125, %dma_wait3A_128, %dma_wait3A_129] : memref<3x128x128xf32, #tpu.memory_space<vmem>> -> memref<1x128x128xf32, #tpu.memory_space<vmem>>
    %dma_wait3A_131 = tpu.memref_squeeze %dma_wait3A_130 : memref<1x128x128xf32, #tpu.memory_space<vmem>> -> memref<128x128xf32, #tpu.memory_space<vmem>>
    %dma_wait3A_132 = arith.constant 0 : i32
    %dma_wait3A_133 = arith.constant 0 : i32
    %dma_wait3A_134 = tpu.memref_slice %arg5[%dma_wait3A_126, %dma_wait3A_132, %dma_wait3A_133] : memref<26x4096x128xf32, #tpu.memory_space<hbm>> -> memref<1x128x128xf32, #tpu.memory_space<hbm>>
    %dma_wait3A_135 = tpu.memref_squeeze %dma_wait3A_134 : memref<1x128x128xf32, #tpu.memory_space<hbm>> -> memref<128x128xf32, #tpu.memory_space<hbm>>
    %dma_wait3A_136 = tpu.memref_slice %arg13[%dma_wait3A_127] : memref<3x!tpu.dma_semaphore, #tpu.memory_space<semaphore_mem>> -> memref<1x!tpu.dma_semaphore, #tpu.memory_space<semaphore_mem>>
    %dma_wait3A_137 = tpu.memref_squeeze %dma_wait3A_136 : memref<1x!tpu.dma_semaphore, #tpu.memory_space<semaphore_mem>> -> memref<!tpu.dma_semaphore, #tpu.memory_space<semaphore_mem>>
    %dma_wait3A_138 = arith.constant 0 : i32
    %dma_wait3A_139 = arith.constant 0 : i32
    %dma_wait3A_140 = tpu.memref_slice %arg5[%dma_wait3A_126, %dma_wait3A_138, %dma_wait3A_139] : memref<26x4096x128xf32, #tpu.memory_space<hbm>> -> memref<1x128x128xf32, #tpu.memory_space<hbm>>
    %dma_wait3A_141 = tpu.memref_squeeze %dma_wait3A_140 : memref<1x128x128xf32, #tpu.memory_space<hbm>> -> memref<128x128xf32, #tpu.memory_space<hbm>>
    %dma_wait3A_142 = arith.constant 0 : i32
    %dma_wait3A_143 = arith.constant 0 : i32
    %dma_wait3A_144 = tpu.memref_slice %arg8[%dma_wait3A_125, %dma_wait3A_142, %dma_wait3A_143] : memref<3x128x128xf32, #tpu.memory_space<vmem>> -> memref<1x128x128xf32, #tpu.memory_space<vmem>>
    %dma_wait3A_145 = tpu.memref_squeeze %dma_wait3A_144 : memref<1x128x128xf32, #tpu.memory_space<vmem>> -> memref<128x128xf32, #tpu.memory_space<vmem>>
    tpu.wait_dma2 semaphore(%dma_wait3A_137 : memref<!tpu.dma_semaphore, #tpu.memory_space<semaphore_mem>>) src(%dma_wait3A_145 : memref<128x128xf32, #tpu.memory_space<vmem>>) dst(%dma_wait3A_141 : memref<128x128xf32, #tpu.memory_space<hbm>>)
    "tpu.region"() ({
      %run_scoped3A = tpu.sem_alloc : memref<!tpu.dma_semaphore, #tpu.memory_space<semaphore_mem>>
      %dma_start3A_146 = tpu.memref_slice %arg6[%mul3A_2] : memref<4096xf32, #tpu.memory_space<hbm>> -> memref<128xf32, #tpu.memory_space<hbm>>
      %dma_start3A_147 = tpu.memref_slice %arg6[%mul3A_2] : memref<4096xf32, #tpu.memory_space<hbm>> -> memref<128xf32, #tpu.memory_space<hbm>>
      tpu.enqueue_dma source(%arg10 : memref<128xf32, #tpu.memory_space<vmem>>) target(%dma_start3A_147 : memref<128xf32, #tpu.memory_space<hbm>>) target_semaphore(%run_scoped3A : memref<!tpu.dma_semaphore, #tpu.memory_space<semaphore_mem>>)
      %dma_wait3A_148 = tpu.memref_slice %arg6[%mul3A_2] : memref<4096xf32, #tpu.memory_space<hbm>> -> memref<128xf32, #tpu.memory_space<hbm>>
      %dma_wait3A_149 = tpu.memref_slice %arg6[%mul3A_2] : memref<4096xf32, #tpu.memory_space<hbm>> -> memref<128xf32, #tpu.memory_space<hbm>>
      tpu.wait_dma2 semaphore(%run_scoped3A : memref<!tpu.dma_semaphore, #tpu.memory_space<semaphore_mem>>) src(%arg10 : memref<128xf32, #tpu.memory_space<vmem>>) dst(%dma_wait3A_149 : memref<128xf32, #tpu.memory_space<hbm>>)
      tpu.yield
    }) : () -> ()
    return
  }
}

#map = affine_map<(d0, d1) -> (0, 0, 0, 0)>
#map1 = affine_map<(d0, d1) -> (0)>
#map2 = affine_map<(d0, d1) -> (0, 0)>
#map3 = affine_map<(d0, d1) -> (0, 0, 0)>
module attributes {stable_mosaic.version = 14 : i64} {
  func.func @body(%arg0: i32, %arg1: i32, %arg2: memref<32x26x1x128xi32, #tpu.memory_space<hbm>>, %arg3: memref<26032xf32, #tpu.memory_space<hbm>>, %arg4: memref<26026x128xf32, #tpu.memory_space<hbm>>, %arg5: memref<26x4096x128xf32, #tpu.memory_space<hbm>>, %arg6: memref<4096xf32, #tpu.memory_space<hbm>>, %arg7: memref<26x1x128xi32, #tpu.memory_space<vmem>>, %arg8: memref<3x128x128xf32, #tpu.memory_space<vmem>>, %arg9: memref<3x1x128xf32, #tpu.memory_space<vmem>>, %arg10: memref<128xf32, #tpu.memory_space<vmem>>, %arg11: memref<3x!tpu.dma_semaphore, #tpu.memory_space<semaphore_mem>>, %arg12: memref<3x!tpu.dma_semaphore, #tpu.memory_space<semaphore_mem>>, %arg13: memref<3x!tpu.dma_semaphore, #tpu.memory_space<semaphore_mem>>) attributes {dimension_semantics = [#tpu.dimension_semantics<core_parallel>, #tpu.dimension_semantics<subcore_parallel>], iteration_bounds = array<i64: 2, 16>, scalar_prefetch = 0 : i64, scratch_operands = 7 : i64, tpu.core_type = #tpu.core_type<sc_vector_subcore>, window_params = [{transform_indices = #map}, {transform_indices = #map1}, {transform_indices = #map2}, {transform_indices = #map3}, {transform_indices = #map1}]} {
    %mul3A = arith.constant 2 : i32
    %mul3A_0 = arith.muli %arg1, %mul3A : i32
    %add3A = arith.addi %mul3A_0, %arg0 : i32
    "tpu.region"() ({
      %run_scoped3A = tpu.sem_alloc : memref<!tpu.dma_semaphore, #tpu.memory_space<semaphore_mem>>
      %dma_start3A_146 = arith.constant 0 : i32
      %dma_start3A_147 = arith.constant 0 : i32
      %dma_start3A_148 = arith.constant 0 : i32
      %dma_start3A_149 = tpu.memref_slice %arg2[%add3A, %dma_start3A_146, %dma_start3A_147, %dma_start3A_148] : memref<32x26x1x128xi32, #tpu.memory_space<hbm>> -> memref<1x26x1x128xi32, #tpu.memory_space<hbm>>
      %dma_start3A_150 = tpu.memref_squeeze %dma_start3A_149 : memref<1x26x1x128xi32, #tpu.memory_space<hbm>> -> memref<26x1x128xi32, #tpu.memory_space<hbm>>
      %dma_start3A_151 = arith.constant 0 : i32
      %dma_start3A_152 = arith.constant 0 : i32
      %dma_start3A_153 = arith.constant 0 : i32
      %dma_start3A_154 = tpu.memref_slice %arg2[%add3A, %dma_start3A_151, %dma_start3A_152, %dma_start3A_153] : memref<32x26x1x128xi32, #tpu.memory_space<hbm>> -> memref<1x26x1x128xi32, #tpu.memory_space<hbm>>
      %dma_start3A_155 = tpu.memref_squeeze %dma_start3A_154 : memref<1x26x1x128xi32, #tpu.memory_space<hbm>> -> memref<26x1x128xi32, #tpu.memory_space<hbm>>
      tpu.enqueue_dma source(%dma_start3A_155 : memref<26x1x128xi32, #tpu.memory_space<hbm>>) target(%arg7 : memref<26x1x128xi32, #tpu.memory_space<vmem>>) target_semaphore(%run_scoped3A : memref<!tpu.dma_semaphore, #tpu.memory_space<semaphore_mem>>)
      %dma_wait3A_156 = arith.constant 0 : i32
      %dma_wait3A_157 = arith.constant 0 : i32
      %dma_wait3A_158 = arith.constant 0 : i32
      %dma_wait3A_159 = tpu.memref_slice %arg2[%add3A, %dma_wait3A_156, %dma_wait3A_157, %dma_wait3A_158] : memref<32x26x1x128xi32, #tpu.memory_space<hbm>> -> memref<1x26x1x128xi32, #tpu.memory_space<hbm>>
      %dma_wait3A_160 = tpu.memref_squeeze %dma_wait3A_159 : memref<1x26x1x128xi32, #tpu.memory_space<hbm>> -> memref<26x1x128xi32, #tpu.memory_space<hbm>>
      %dma_wait3A_161 = arith.constant 0 : i32
      %dma_wait3A_162 = arith.constant 0 : i32
      %dma_wait3A_163 = arith.constant 0 : i32
      %dma_wait3A_164 = tpu.memref_slice %arg2[%add3A, %dma_wait3A_161, %dma_wait3A_162, %dma_wait3A_163] : memref<32x26x1x128xi32, #tpu.memory_space<hbm>> -> memref<1x26x1x128xi32, #tpu.memory_space<hbm>>
      %dma_wait3A_165 = tpu.memref_squeeze %dma_wait3A_164 : memref<1x26x1x128xi32, #tpu.memory_space<hbm>> -> memref<26x1x128xi32, #tpu.memory_space<hbm>>
      tpu.wait_dma2 semaphore(%run_scoped3A : memref<!tpu.dma_semaphore, #tpu.memory_space<semaphore_mem>>) src(%dma_wait3A_165 : memref<26x1x128xi32, #tpu.memory_space<hbm>>) dst(%arg7 : memref<26x1x128xi32, #tpu.memory_space<vmem>>)
      tpu.yield
    }) : () -> ()
    %mul3A_1 = arith.constant 128 : i32
    %mul3A_2 = arith.muli %add3A, %mul3A_1 : i32
    %scan3A = arith.constant 0 : i32
    %scan3A_3 = arith.constant 0 : i32
    %scan3A_4 = arith.constant 8 : i32
    %scan3A_5 = arith.addi %scan3A_3, %scan3A_4 : i32
    %scan3A_6 = arith.constant 1 : i32
    scf.for %scan3A_146 = %scan3A_3 to %scan3A_5 step %scan3A_6  : i32 {
      %broadcast_in_dim3A = arith.constant 0.000000e+00 : f32
      %broadcast_in_dim3A_147 = vector.broadcast %broadcast_in_dim3A : f32 to vector<16xf32>
      %mul3A_148 = arith.constant 16 : i32
      %mul3A_149 = arith.muli %scan3A_146, %mul3A_148 : i32
      %swap3A = arith.index_cast %mul3A_149 : i32 to index
      %swap3A_150 = tpu.vector_load %arg10[%swap3A] {strides = array<i32>} : memref<128xf32, #tpu.memory_space<vmem>>, vector<16xf32>,
      %swap3A_151 = vector.shape_cast %swap3A_150 : vector<16xf32> to vector<16xf32>
      %swap3A_152 = vector.shape_cast %broadcast_in_dim3A_147 : vector<16xf32> to vector<16xf32>
      tpu.vector_store %arg10[%swap3A], %swap3A_152 {strides = array<i32>} : memref<128xf32, #tpu.memory_space<vmem>>, vector<16xf32>,
    }
    %scan3A_7 = arith.constant 8 : i32
    %rem3A = arith.constant 0 : i32
    %rem3A_8 = arith.constant 1 : i32
    %rem3A_9 = arith.remsi %rem3A, %rem3A_8 : i32
    %mul3A_10 = arith.constant 1 : i32
    %mul3A_11 = arith.muli %rem3A_9, %mul3A_10 : i32
    %add3A_12 = arith.constant 0 : i32
    %add3A_13 = arith.addi %mul3A_11, %add3A_12 : i32
    %dma_start3A = arith.constant 0 : i32
    %dma_start3A_14 = arith.constant 0 : i32
    %dma_start3A_15 = arith.constant 0 : i32
    %dma_start3A_16 = arith.constant 0 : i32
    %dma_start3A_17 = arith.constant 0 : i32
    %dma_start3A_18 = tpu.memref_slice %arg8[%dma_start3A_14, %dma_start3A_16, %dma_start3A_17] : memref<3x128x128xf32, #tpu.memory_space<vmem>> -> memref<1x128x128xf32, #tpu.memory_space<vmem>>
    %dma_start3A_19 = tpu.memref_squeeze %dma_start3A_18 : memref<1x128x128xf32, #tpu.memory_space<vmem>> -> memref<128x128xf32, #tpu.memory_space<vmem>>
    %dma_start3A_20 = arith.constant 0 : i32
    %dma_start3A_21 = tpu.memref_slice %arg7[%dma_start3A, %add3A_13, %dma_start3A_20] : memref<26x1x128xi32, #tpu.memory_space<vmem>> -> memref<1x1x128xi32, #tpu.memory_space<vmem>>
    %dma_start3A_22 = tpu.memref_squeeze %dma_start3A_21 : memref<1x1x128xi32, #tpu.memory_space<vmem>> -> memref<128xi32, #tpu.memory_space<vmem>>
    %dma_start3A_23 = arith.constant 0 : i32
    %dma_start3A_24 = arith.constant 0 : i32
    %dma_start3A_25 = tpu.memref_slice %arg4[%dma_start3A_23, %dma_start3A_24] : memref<26026x128xf32, #tpu.memory_space<hbm>> -> memref<26026x128xf32, #tpu.memory_space<hbm>>
    %dma_start3A_26 = tpu.memref_slice %arg11[%dma_start3A_15] : memref<3x!tpu.dma_semaphore, #tpu.memory_space<semaphore_mem>> -> memref<1x!tpu.dma_semaphore, #tpu.memory_space<semaphore_mem>>
    %dma_start3A_27 = tpu.memref_squeeze %dma_start3A_26 : memref<1x!tpu.dma_semaphore, #tpu.memory_space<semaphore_mem>> -> memref<!tpu.dma_semaphore, #tpu.memory_space<semaphore_mem>>
    tpu.enqueue_indirect_dma source(%dma_start3A_25 : memref<26026x128xf32, #tpu.memory_space<hbm>>) target(%dma_start3A_19 : memref<128x128xf32, #tpu.memory_space<vmem>>) offsets(%dma_start3A_22 : memref<128xi32, #tpu.memory_space<vmem>>) semaphore(%dma_start3A_27 : memref<!tpu.dma_semaphore, #tpu.memory_space<semaphore_mem>>)
    %dma_start3A_28 = arith.constant 0 : i32
    %dma_start3A_29 = arith.constant 0 : i32
    %dma_start3A_30 = arith.constant 0 : i32
    %dma_start3A_31 = arith.constant 0 : i32
    %dma_start3A_32 = arith.constant 0 : i32
    %dma_start3A_33 = tpu.memref_slice %arg9[%dma_start3A_29, %dma_start3A_30, %dma_start3A_32] : memref<3x1x128xf32, #tpu.memory_space<vmem>> -> memref<1x1x128xf32, #tpu.memory_space<vmem>>
    %dma_start3A_34 = tpu.memref_squeeze %dma_start3A_33 : memref<1x1x128xf32, #tpu.memory_space<vmem>> -> memref<128xf32, #tpu.memory_space<vmem>>
    %dma_start3A_35 = arith.constant 0 : i32
    %dma_start3A_36 = tpu.memref_slice %arg7[%dma_start3A_28, %add3A_13, %dma_start3A_35] : memref<26x1x128xi32, #tpu.memory_space<vmem>> -> memref<1x1x128xi32, #tpu.memory_space<vmem>>
    %dma_start3A_37 = tpu.memref_squeeze %dma_start3A_36 : memref<1x1x128xi32, #tpu.memory_space<vmem>> -> memref<128xi32, #tpu.memory_space<vmem>>
    %dma_start3A_38 = arith.constant 0 : i32
    %dma_start3A_39 = tpu.memref_slice %arg3[%dma_start3A_38] : memref<26032xf32, #tpu.memory_space<hbm>> -> memref<26032xf32, #tpu.memory_space<hbm>>
    %dma_start3A_40 = tpu.memref_slice %arg12[%dma_start3A_31] : memref<3x!tpu.dma_semaphore, #tpu.memory_space<semaphore_mem>> -> memref<1x!tpu.dma_semaphore, #tpu.memory_space<semaphore_mem>>
    %dma_start3A_41 = tpu.memref_squeeze %dma_start3A_40 : memref<1x!tpu.dma_semaphore, #tpu.memory_space<semaphore_mem>> -> memref<!tpu.dma_semaphore, #tpu.memory_space<semaphore_mem>>
    tpu.enqueue_indirect_dma source(%dma_start3A_39 : memref<26032xf32, #tpu.memory_space<hbm>>) target(%dma_start3A_34 : memref<128xf32, #tpu.memory_space<vmem>>) offsets(%dma_start3A_37 : memref<128xi32, #tpu.memory_space<vmem>>) semaphore(%dma_start3A_41 : memref<!tpu.dma_semaphore, #tpu.memory_space<semaphore_mem>>)
    %rem3A_42 = arith.constant 1 : i32
    %rem3A_43 = arith.constant 1 : i32
    %rem3A_44 = arith.remsi %rem3A_42, %rem3A_43 : i32
    %mul3A_45 = arith.constant 1 : i32
    %mul3A_46 = arith.muli %rem3A_44, %mul3A_45 : i32
    %add3A_47 = arith.constant 0 : i32
    %add3A_48 = arith.addi %mul3A_46, %add3A_47 : i32
    %dma_start3A_49 = arith.constant 1 : i32
    %dma_start3A_50 = arith.constant 1 : i32
    %dma_start3A_51 = arith.constant 1 : i32
    %dma_start3A_52 = arith.constant 0 : i32
    %dma_start3A_53 = arith.constant 0 : i32
    %dma_start3A_54 = tpu.memref_slice %arg8[%dma_start3A_50, %dma_start3A_52, %dma_start3A_53] : memref<3x128x128xf32, #tpu.memory_space<vmem>> -> memref<1x128x128xf32, #tpu.memory_space<vmem>>
    %dma_start3A_55 = tpu.memref_squeeze %dma_start3A_54 : memref<1x128x128xf32, #tpu.memory_space<vmem>> -> memref<128x128xf32, #tpu.memory_space<vmem>>
    %dma_start3A_56 = arith.constant 0 : i32
    %dma_start3A_57 = tpu.memref_slice %arg7[%dma_start3A_49, %add3A_48, %dma_start3A_56] : memref<26x1x128xi32, #tpu.memory_space<vmem>> -> memref<1x1x128xi32, #tpu.memory_space<vmem>>
    %dma_start3A_58 = tpu.memref_squeeze %dma_start3A_57 : memref<1x1x128xi32, #tpu.memory_space<vmem>> -> memref<128xi32, #tpu.memory_space<vmem>>
    %dma_start3A_59 = arith.constant 0 : i32
    %dma_start3A_60 = arith.constant 0 : i32
    %dma_start3A_61 = tpu.memref_slice %arg4[%dma_start3A_59, %dma_start3A_60] : memref<26026x128xf32, #tpu.memory_space<hbm>> -> memref<26026x128xf32, #tpu.memory_space<hbm>>
    %dma_start3A_62 = tpu.memref_slice %arg11[%dma_start3A_51] : memref<3x!tpu.dma_semaphore, #tpu.memory_space<semaphore_mem>> -> memref<1x!tpu.dma_semaphore, #tpu.memory_space<semaphore_mem>>
    %dma_start3A_63 = tpu.memref_squeeze %dma_start3A_62 : memref<1x!tpu.dma_semaphore, #tpu.memory_space<semaphore_mem>> -> memref<!tpu.dma_semaphore, #tpu.memory_space<semaphore_mem>>
    tpu.enqueue_indirect_dma source(%dma_start3A_61 : memref<26026x128xf32, #tpu.memory_space<hbm>>) target(%dma_start3A_55 : memref<128x128xf32, #tpu.memory_space<vmem>>) offsets(%dma_start3A_58 : memref<128xi32, #tpu.memory_space<vmem>>) semaphore(%dma_start3A_63 : memref<!tpu.dma_semaphore, #tpu.memory_space<semaphore_mem>>)
    %dma_start3A_64 = arith.constant 1 : i32
    %dma_start3A_65 = arith.constant 1 : i32
    %dma_start3A_66 = arith.constant 0 : i32
    %dma_start3A_67 = arith.constant 1 : i32
    %dma_start3A_68 = arith.constant 0 : i32
    %dma_start3A_69 = tpu.memref_slice %arg9[%dma_start3A_65, %dma_start3A_66, %dma_start3A_68] : memref<3x1x128xf32, #tpu.memory_space<vmem>> -> memref<1x1x128xf32, #tpu.memory_space<vmem>>
    %dma_start3A_70 = tpu.memref_squeeze %dma_start3A_69 : memref<1x1x128xf32, #tpu.memory_space<vmem>> -> memref<128xf32, #tpu.memory_space<vmem>>
    %dma_start3A_71 = arith.constant 0 : i32
    %dma_start3A_72 = tpu.memref_slice %arg7[%dma_start3A_64, %add3A_48, %dma_start3A_71] : memref<26x1x128xi32, #tpu.memory_space<vmem>> -> memref<1x1x128xi32, #tpu.memory_space<vmem>>
    %dma_start3A_73 = tpu.memref_squeeze %dma_start3A_72 : memref<1x1x128xi32, #tpu.memory_space<vmem>> -> memref<128xi32, #tpu.memory_space<vmem>>
    %dma_start3A_74 = arith.constant 0 : i32
    %dma_start3A_75 = tpu.memref_slice %arg3[%dma_start3A_74] : memref<26032xf32, #tpu.memory_space<hbm>> -> memref<26032xf32, #tpu.memory_space<hbm>>
    %dma_start3A_76 = tpu.memref_slice %arg12[%dma_start3A_67] : memref<3x!tpu.dma_semaphore, #tpu.memory_space<semaphore_mem>> -> memref<1x!tpu.dma_semaphore, #tpu.memory_space<semaphore_mem>>
    %dma_start3A_77 = tpu.memref_squeeze %dma_start3A_76 : memref<1x!tpu.dma_semaphore, #tpu.memory_space<semaphore_mem>> -> memref<!tpu.dma_semaphore, #tpu.memory_space<semaphore_mem>>
    tpu.enqueue_indirect_dma source(%dma_start3A_75 : memref<26032xf32, #tpu.memory_space<hbm>>) target(%dma_start3A_70 : memref<128xf32, #tpu.memory_space<vmem>>) offsets(%dma_start3A_73 : memref<128xi32, #tpu.memory_space<vmem>>) semaphore(%dma_start3A_77 : memref<!tpu.dma_semaphore, #tpu.memory_space<semaphore_mem>>)
    %scan3A_78 = arith.constant 0 : i32
    %scan3A_79 = arith.constant 0 : i32
    %scan3A_80 = arith.constant 26 : i32
    %scan3A_81 = arith.addi %scan3A_79, %scan3A_80 : i32
    %scan3A_82 = arith.constant 1 : i32
    scf.for %scan3A_146 = %scan3A_79 to %scan3A_81 step %scan3A_82  : i32 {
      %rem3A_147 = arith.constant 3 : i32
      %rem3A_148 = arith.remsi %scan3A_146, %rem3A_147 : i32
      %jit3A = arith.constant 1 : i32
      %div3A = arith.divsi %scan3A_146, %jit3A : i32
      %sign3A = arith.constant 0 : i32
      %sign3A_149 = arith.cmpi sgt, %scan3A_146, %sign3A : i32
      %sign3A_150 = arith.extui %sign3A_149 : i1 to i32
      %sign3A_151 = arith.constant 0 : i32
      %sign3A_152 = arith.cmpi slt, %scan3A_146, %sign3A_151 : i32
      %sign3A_153 = arith.extui %sign3A_152 : i1 to i32
      %sign3A_154 = arith.subi %sign3A_150, %sign3A_153 : i32
      %sign3A_155 = arith.constant 0 : i32
      %sign3A_156 = arith.cmpi sgt, %jit3A, %sign3A_155 : i32
      %sign3A_157 = arith.extui %sign3A_156 : i1 to i32
      %sign3A_158 = arith.constant 0 : i32
      %sign3A_159 = arith.cmpi slt, %jit3A, %sign3A_158 : i32
      %sign3A_160 = arith.extui %sign3A_159 : i1 to i32
      %sign3A_161 = arith.subi %sign3A_157, %sign3A_160 : i32
      %ne3A = arith.cmpi ne, %sign3A_154, %sign3A_161 : i32
      %rem3A_162 = arith.remsi %scan3A_146, %jit3A : i32
      %ne3A_163 = arith.constant 0 : i32
      %ne3A_164 = arith.cmpi ne, %rem3A_162, %ne3A_163 : i32
      %and3A = arith.andi %ne3A, %ne3A_164 : i1
      %sub3A = arith.constant 1 : i32
      %sub3A_165 = arith.subi %div3A, %sub3A : i32
      %select_n3A = arith.select %and3A, %sub3A_165, %div3A : i32
      %rem3A_166 = arith.constant 1 : i32
      %rem3A_167 = arith.remsi %scan3A_146, %rem3A_166 : i32
      %dma_wait3A_168 = arith.constant 0 : i32
      %dma_wait3A_169 = arith.constant 0 : i32
      %dma_wait3A_170 = tpu.memref_slice %arg8[%rem3A_148, %dma_wait3A_168, %dma_wait3A_169] : memref<3x128x128xf32, #tpu.memory_space<vmem>> -> memref<1x128x128xf32, #tpu.memory_space<vmem>>
      %dma_wait3A_171 = tpu.memref_squeeze %dma_wait3A_170 : memref<1x128x128xf32, #tpu.memory_space<vmem>> -> memref<128x128xf32, #tpu.memory_space<vmem>>
      %dma_wait3A_172 = arith.constant 0 : i32
      %dma_wait3A_173 = arith.constant 0 : i32
      %dma_wait3A_174 = tpu.memref_slice %arg4[%dma_wait3A_172, %dma_wait3A_173] : memref<26026x128xf32, #tpu.memory_space<hbm>> -> memref<128x128xf32, #tpu.memory_space<hbm>>
      %dma_wait3A_175 = tpu.memref_slice %arg11[%rem3A_148] : memref<3x!tpu.dma_semaphore, #tpu.memory_space<semaphore_mem>> -> memref<1x!tpu.dma_semaphore, #tpu.memory_space<semaphore_mem>>
      %dma_wait3A_176 = tpu.memref_squeeze %dma_wait3A_175 : memref<1x!tpu.dma_semaphore, #tpu.memory_space<semaphore_mem>> -> memref<!tpu.dma_semaphore, #tpu.memory_space<semaphore_mem>>
      %dma_wait3A_177 = arith.constant 0 : i32
      %dma_wait3A_178 = arith.constant 0 : i32
      %dma_wait3A_179 = tpu.memref_slice %arg8[%rem3A_148, %dma_wait3A_177, %dma_wait3A_178] : memref<3x128x128xf32, #tpu.memory_space<vmem>> -> memref<1x128x128xf32, #tpu.memory_space<vmem>>
      %dma_wait3A_180 = tpu.memref_squeeze %dma_wait3A_179 : memref<1x128x128xf32, #tpu.memory_space<vmem>> -> memref<128x128xf32, #tpu.memory_space<vmem>>
      %dma_wait3A_181 = arith.constant 0 : i32
      %dma_wait3A_182 = arith.constant 0 : i32
      %dma_wait3A_183 = tpu.memref_slice %arg4[%dma_wait3A_181, %dma_wait3A_182] : memref<26026x128xf32, #tpu.memory_space<hbm>> -> memref<128x128xf32, #tpu.memory_space<hbm>>
      tpu.wait_dma2 semaphore(%dma_wait3A_176 : memref<!tpu.dma_semaphore, #tpu.memory_space<semaphore_mem>>) src(%dma_wait3A_183 : memref<128x128xf32, #tpu.memory_space<hbm>>) dst(%dma_wait3A_180 : memref<128x128xf32, #tpu.memory_space<vmem>>)
      %mul3A_184 = arith.constant 128 : i32
      %mul3A_185 = arith.muli %rem3A_167, %mul3A_184 : i32
      %add3A_186 = arith.addi %mul3A_2, %mul3A_185 : i32
      %dma_start3A_187 = arith.constant 0 : i32
      %dma_start3A_188 = arith.constant 0 : i32
      %dma_start3A_189 = tpu.memref_slice %arg8[%rem3A_148, %dma_start3A_187, %dma_start3A_188] : memref<3x128x128xf32, #tpu.memory_space<vmem>> -> memref<1x128x128xf32, #tpu.memory_space<vmem>>
      %dma_start3A_190 = tpu.memref_squeeze %dma_start3A_189 : memref<1x128x128xf32, #tpu.memory_space<vmem>> -> memref<128x128xf32, #tpu.memory_space<vmem>>
      %dma_start3A_191 = arith.constant 0 : i32
      %dma_start3A_192 = tpu.memref_slice %arg5[%select_n3A, %add3A_186, %dma_start3A_191] : memref<26x4096x128xf32, #tpu.memory_space<hbm>> -> memref<1x128x128xf32, #tpu.memory_space<hbm>>
      %dma_start3A_193 = tpu.memref_squeeze %dma_start3A_192 : memref<1x128x128xf32, #tpu.memory_space<hbm>> -> memref<128x128xf32, #tpu.memory_space<hbm>>
      %dma_start3A_194 = tpu.memref_slice %arg13[%rem3A_148] : memref<3x!tpu.dma_semaphore, #tpu.memory_space<semaphore_mem>> -> memref<1x!tpu.dma_semaphore, #tpu.memory_space<semaphore_mem>>
      %dma_start3A_195 = tpu.memref_squeeze %dma_start3A_194 : memref<1x!tpu.dma_semaphore, #tpu.memory_space<semaphore_mem>> -> memref<!tpu.dma_semaphore, #tpu.memory_space<semaphore_mem>>
      %dma_start3A_196 = arith.constant 0 : i32
      %dma_start3A_197 = tpu.memref_slice %arg5[%select_n3A, %add3A_186, %dma_start3A_196] : memref<26x4096x128xf32, #tpu.memory_space<hbm>> -> memref<1x128x128xf32, #tpu.memory_space<hbm>>
      %dma_start3A_198 = tpu.memref_squeeze %dma_start3A_197 : memref<1x128x128xf32, #tpu.memory_space<hbm>> -> memref<128x128xf32, #tpu.memory_space<hbm>>
      %dma_start3A_199 = arith.constant 0 : i32
      %dma_start3A_200 = arith.constant 0 : i32
      %dma_start3A_201 = tpu.memref_slice %arg8[%rem3A_148, %dma_start3A_199, %dma_start3A_200] : memref<3x128x128xf32, #tpu.memory_space<vmem>> -> memref<1x128x128xf32, #tpu.memory_space<vmem>>
      %dma_start3A_202 = tpu.memref_squeeze %dma_start3A_201 : memref<1x128x128xf32, #tpu.memory_space<vmem>> -> memref<128x128xf32, #tpu.memory_space<vmem>>
      tpu.enqueue_dma source(%dma_start3A_202 : memref<128x128xf32, #tpu.memory_space<vmem>>) target(%dma_start3A_198 : memref<128x128xf32, #tpu.memory_space<hbm>>) target_semaphore(%dma_start3A_195 : memref<!tpu.dma_semaphore, #tpu.memory_space<semaphore_mem>>)
      %add3A_203 = arith.constant 2 : i32
      %add3A_204 = arith.addi %scan3A_146, %add3A_203 : i32
      %lt3A = arith.constant 26 : i32
      %lt3A_205 = arith.cmpi slt, %add3A_204, %lt3A : i32
      %convert_element_type3A = arith.extui %lt3A_205 : i1 to i32
      %cond3A = arith.constant 0 : i32
      %cond3A_206 = arith.cmpi ne, %convert_element_type3A, %cond3A : i32
      scf.if %cond3A_206 {
        %add3A_378 = arith.constant 2 : i32
        %add3A_379 = arith.addi %scan3A_146, %add3A_378 : i32
        %rem3A_380 = arith.constant 3 : i32
        %rem3A_381 = arith.remsi %add3A_379, %rem3A_380 : i32
        %ge3A = arith.constant 1 : i32
        %ge3A_382 = arith.cmpi sge, %scan3A_146, %ge3A : i32
        %convert_element_type3A_383 = arith.extui %ge3A_382 : i1 to i32
        %cond3A_384 = arith.constant 0 : i32
        %cond3A_385 = arith.cmpi ne, %convert_element_type3A_383, %cond3A_384 : i32
        scf.if %cond3A_385 {
          %dma_wait3A_441 = arith.constant 0 : i32
          %dma_wait3A_442 = arith.constant 0 : i32
          %dma_wait3A_443 = arith.constant 0 : i32
          %dma_wait3A_444 = tpu.memref_slice %arg8[%rem3A_381, %dma_wait3A_442, %dma_wait3A_443] : memref<3x128x128xf32, #tpu.memory_space<vmem>> -> memref<1x128x128xf32, #tpu.memory_space<vmem>>
          %dma_wait3A_445 = tpu.memref_squeeze %dma_wait3A_444 : memref<1x128x128xf32, #tpu.memory_space<vmem>> -> memref<128x128xf32, #tpu.memory_space<vmem>>
          %dma_wait3A_446 = arith.constant 0 : i32
          %dma_wait3A_447 = arith.constant 0 : i32
          %dma_wait3A_448 = tpu.memref_slice %arg5[%dma_wait3A_441, %dma_wait3A_446, %dma_wait3A_447] : memref<26x4096x128xf32, #tpu.memory_space<hbm>> -> memref<1x128x128xf32, #tpu.memory_space<hbm>>
          %dma_wait3A_449 = tpu.memref_squeeze %dma_wait3A_448 : memref<1x128x128xf32, #tpu.memory_space<hbm>> -> memref<128x128xf32, #tpu.memory_space<hbm>>
          %dma_wait3A_450 = tpu.memref_slice %arg13[%rem3A_381] : memref<3x!tpu.dma_semaphore, #tpu.memory_space<semaphore_mem>> -> memref<1x!tpu.dma_semaphore, #tpu.memory_space<semaphore_mem>>
          %dma_wait3A_451 = tpu.memref_squeeze %dma_wait3A_450 : memref<1x!tpu.dma_semaphore, #tpu.memory_space<semaphore_mem>> -> memref<!tpu.dma_semaphore, #tpu.memory_space<semaphore_mem>>
          %dma_wait3A_452 = arith.constant 0 : i32
          %dma_wait3A_453 = arith.constant 0 : i32
          %dma_wait3A_454 = tpu.memref_slice %arg5[%dma_wait3A_441, %dma_wait3A_452, %dma_wait3A_453] : memref<26x4096x128xf32, #tpu.memory_space<hbm>> -> memref<1x128x128xf32, #tpu.memory_space<hbm>>
          %dma_wait3A_455 = tpu.memref_squeeze %dma_wait3A_454 : memref<1x128x128xf32, #tpu.memory_space<hbm>> -> memref<128x128xf32, #tpu.memory_space<hbm>>
          %dma_wait3A_456 = arith.constant 0 : i32
          %dma_wait3A_457 = arith.constant 0 : i32
          %dma_wait3A_458 = tpu.memref_slice %arg8[%rem3A_381, %dma_wait3A_456, %dma_wait3A_457] : memref<3x128x128xf32, #tpu.memory_space<vmem>> -> memref<1x128x128xf32, #tpu.memory_space<vmem>>
          %dma_wait3A_459 = tpu.memref_squeeze %dma_wait3A_458 : memref<1x128x128xf32, #tpu.memory_space<vmem>> -> memref<128x128xf32, #tpu.memory_space<vmem>>
          tpu.wait_dma2 semaphore(%dma_wait3A_451 : memref<!tpu.dma_semaphore, #tpu.memory_space<semaphore_mem>>) src(%dma_wait3A_459 : memref<128x128xf32, #tpu.memory_space<vmem>>) dst(%dma_wait3A_455 : memref<128x128xf32, #tpu.memory_space<hbm>>)
        } else {
        }
        %add3A_386 = arith.constant 2 : i32
        %add3A_387 = arith.addi %scan3A_146, %add3A_386 : i32
        %jit3A_388 = arith.constant 1 : i32
        %div3A_389 = arith.divsi %add3A_387, %jit3A_388 : i32
        %sign3A_390 = arith.constant 0 : i32
        %sign3A_391 = arith.cmpi sgt, %add3A_387, %sign3A_390 : i32
        %sign3A_392 = arith.extui %sign3A_391 : i1 to i32
        %sign3A_393 = arith.constant 0 : i32
        %sign3A_394 = arith.cmpi slt, %add3A_387, %sign3A_393 : i32
        %sign3A_395 = arith.extui %sign3A_394 : i1 to i32
        %sign3A_396 = arith.subi %sign3A_392, %sign3A_395 : i32
        %sign3A_397 = arith.constant 0 : i32
        %sign3A_398 = arith.cmpi sgt, %jit3A_388, %sign3A_397 : i32
        %sign3A_399 = arith.extui %sign3A_398 : i1 to i32
        %sign3A_400 = arith.constant 0 : i32
        %sign3A_401 = arith.cmpi slt, %jit3A_388, %sign3A_400 : i32
        %sign3A_402 = arith.extui %sign3A_401 : i1 to i32
        %sign3A_403 = arith.subi %sign3A_399, %sign3A_402 : i32
        %ne3A_404 = arith.cmpi ne, %sign3A_396, %sign3A_403 : i32
        %rem3A_405 = arith.remsi %add3A_387, %jit3A_388 : i32
        %ne3A_406 = arith.constant 0 : i32
        %ne3A_407 = arith.cmpi ne, %rem3A_405, %ne3A_406 : i32
        %and3A_408 = arith.andi %ne3A_404, %ne3A_407 : i1
        %sub3A_409 = arith.constant 1 : i32
        %sub3A_410 = arith.subi %div3A_389, %sub3A_409 : i32
        %select_n3A_411 = arith.select %and3A_408, %sub3A_410, %div3A_389 : i32
        %rem3A_412 = arith.constant 1 : i32
        %rem3A_413 = arith.remsi %add3A_387, %rem3A_412 : i32
        %mul3A_414 = arith.constant 1 : i32
        %mul3A_415 = arith.muli %rem3A_413, %mul3A_414 : i32
        %add3A_416 = arith.constant 0 : i32
        %add3A_417 = arith.addi %mul3A_415, %add3A_416 : i32
        %dma_start3A_418 = arith.constant 0 : i32
        %dma_start3A_419 = arith.constant 0 : i32
        %dma_start3A_420 = tpu.memref_slice %arg8[%rem3A_381, %dma_start3A_418, %dma_start3A_419] : memref<3x128x128xf32, #tpu.memory_space<vmem>> -> memref<1x128x128xf32, #tpu.memory_space<vmem>>
        %dma_start3A_421 = tpu.memref_squeeze %dma_start3A_420 : memref<1x128x128xf32, #tpu.memory_space<vmem>> -> memref<128x128xf32, #tpu.memory_space<vmem>>
        %dma_start3A_422 = arith.constant 0 : i32
        %dma_start3A_423 = tpu.memref_slice %arg7[%select_n3A_411, %add3A_417, %dma_start3A_422] : memref<26x1x128xi32, #tpu.memory_space<vmem>> -> memref<1x1x128xi32, #tpu.memory_space<vmem>>
        %dma_start3A_424 = tpu.memref_squeeze %dma_start3A_423 : memref<1x1x128xi32, #tpu.memory_space<vmem>> -> memref<128xi32, #tpu.memory_space<vmem>>
        %dma_start3A_425 = arith.constant 0 : i32
        %dma_start3A_426 = arith.constant 0 : i32
        %dma_start3A_427 = tpu.memref_slice %arg4[%dma_start3A_425, %dma_start3A_426] : memref<26026x128xf32, #tpu.memory_space<hbm>> -> memref<26026x128xf32, #tpu.memory_space<hbm>>
        %dma_start3A_428 = tpu.memref_slice %arg11[%rem3A_381] : memref<3x!tpu.dma_semaphore, #tpu.memory_space<semaphore_mem>> -> memref<1x!tpu.dma_semaphore, #tpu.memory_space<semaphore_mem>>
        %dma_start3A_429 = tpu.memref_squeeze %dma_start3A_428 : memref<1x!tpu.dma_semaphore, #tpu.memory_space<semaphore_mem>> -> memref<!tpu.dma_semaphore, #tpu.memory_space<semaphore_mem>>
        tpu.enqueue_indirect_dma source(%dma_start3A_427 : memref<26026x128xf32, #tpu.memory_space<hbm>>) target(%dma_start3A_421 : memref<128x128xf32, #tpu.memory_space<vmem>>) offsets(%dma_start3A_424 : memref<128xi32, #tpu.memory_space<vmem>>) semaphore(%dma_start3A_429 : memref<!tpu.dma_semaphore, #tpu.memory_space<semaphore_mem>>)
        %dma_start3A_430 = arith.constant 0 : i32
        %dma_start3A_431 = arith.constant 0 : i32
        %dma_start3A_432 = tpu.memref_slice %arg9[%rem3A_381, %dma_start3A_430, %dma_start3A_431] : memref<3x1x128xf32, #tpu.memory_space<vmem>> -> memref<1x1x128xf32, #tpu.memory_space<vmem>>
        %dma_start3A_433 = tpu.memref_squeeze %dma_start3A_432 : memref<1x1x128xf32, #tpu.memory_space<vmem>> -> memref<128xf32, #tpu.memory_space<vmem>>
        %dma_start3A_434 = arith.constant 0 : i32
        %dma_start3A_435 = tpu.memref_slice %arg7[%select_n3A_411, %add3A_417, %dma_start3A_434] : memref<26x1x128xi32, #tpu.memory_space<vmem>> -> memref<1x1x128xi32, #tpu.memory_space<vmem>>
        %dma_start3A_436 = tpu.memref_squeeze %dma_start3A_435 : memref<1x1x128xi32, #tpu.memory_space<vmem>> -> memref<128xi32, #tpu.memory_space<vmem>>
        %dma_start3A_437 = arith.constant 0 : i32
        %dma_start3A_438 = tpu.memref_slice %arg3[%dma_start3A_437] : memref<26032xf32, #tpu.memory_space<hbm>> -> memref<26032xf32, #tpu.memory_space<hbm>>
        %dma_start3A_439 = tpu.memref_slice %arg12[%rem3A_381] : memref<3x!tpu.dma_semaphore, #tpu.memory_space<semaphore_mem>> -> memref<1x!tpu.dma_semaphore, #tpu.memory_space<semaphore_mem>>
        %dma_start3A_440 = tpu.memref_squeeze %dma_start3A_439 : memref<1x!tpu.dma_semaphore, #tpu.memory_space<semaphore_mem>> -> memref<!tpu.dma_semaphore, #tpu.memory_space<semaphore_mem>>
        tpu.enqueue_indirect_dma source(%dma_start3A_438 : memref<26032xf32, #tpu.memory_space<hbm>>) target(%dma_start3A_433 : memref<128xf32, #tpu.memory_space<vmem>>) offsets(%dma_start3A_436 : memref<128xi32, #tpu.memory_space<vmem>>) semaphore(%dma_start3A_440 : memref<!tpu.dma_semaphore, #tpu.memory_space<semaphore_mem>>)
      } else {
      }
      %dma_wait3A_207 = arith.constant 0 : i32
      %dma_wait3A_208 = arith.constant 0 : i32
      %dma_wait3A_209 = tpu.memref_slice %arg9[%rem3A_148, %dma_wait3A_207, %dma_wait3A_208] : memref<3x1x128xf32, #tpu.memory_space<vmem>> -> memref<1x1x128xf32, #tpu.memory_space<vmem>>
      %dma_wait3A_210 = tpu.memref_squeeze %dma_wait3A_209 : memref<1x1x128xf32, #tpu.memory_space<vmem>> -> memref<128xf32, #tpu.memory_space<vmem>>
      %dma_wait3A_211 = arith.constant 0 : i32
      %dma_wait3A_212 = tpu.memref_slice %arg3[%dma_wait3A_211] : memref<26032xf32, #tpu.memory_space<hbm>> -> memref<128xf32, #tpu.memory_space<hbm>>
      %dma_wait3A_213 = tpu.memref_slice %arg12[%rem3A_148] : memref<3x!tpu.dma_semaphore, #tpu.memory_space<semaphore_mem>> -> memref<1x!tpu.dma_semaphore, #tpu.memory_space<semaphore_mem>>
      %dma_wait3A_214 = tpu.memref_squeeze %dma_wait3A_213 : memref<1x!tpu.dma_semaphore, #tpu.memory_space<semaphore_mem>> -> memref<!tpu.dma_semaphore, #tpu.memory_space<semaphore_mem>>
      %dma_wait3A_215 = arith.constant 0 : i32
      %dma_wait3A_216 = tpu.memref_slice %arg9[%rem3A_148, %dma_wait3A_207, %dma_wait3A_215] : memref<3x1x128xf32, #tpu.memory_space<vmem>> -> memref<1x1x128xf32, #tpu.memory_space<vmem>>
      %dma_wait3A_217 = tpu.memref_squeeze %dma_wait3A_216 : memref<1x1x128xf32, #tpu.memory_space<vmem>> -> memref<128xf32, #tpu.memory_space<vmem>>
      %dma_wait3A_218 = arith.constant 0 : i32
      %dma_wait3A_219 = tpu.memref_slice %arg3[%dma_wait3A_218] : memref<26032xf32, #tpu.memory_space<hbm>> -> memref<128xf32, #tpu.memory_space<hbm>>
      tpu.wait_dma2 semaphore(%dma_wait3A_214 : memref<!tpu.dma_semaphore, #tpu.memory_space<semaphore_mem>>) src(%dma_wait3A_219 : memref<128xf32, #tpu.memory_space<hbm>>) dst(%dma_wait3A_217 : memref<128xf32, #tpu.memory_space<vmem>>)
      %mul3A_220 = arith.constant 128 : i32
      %mul3A_221 = arith.muli %rem3A_167, %mul3A_220 : i32
      %add3A_222 = arith.constant 0 : i32
      %add3A_223 = arith.addi %mul3A_221, %add3A_222 : i32
      %add3A_224 = arith.constant 0 : i32
      %add3A_225 = arith.addi %add3A_223, %add3A_224 : i32
      %get3A = arith.index_cast %add3A_225 : i32 to index
      %get3A_226 = tpu.vector_load %arg10[%get3A] {strides = array<i32>} : memref<128xf32, #tpu.memory_space<vmem>>, vector<16xf32>,
      %get3A_227 = vector.shape_cast %get3A_226 : vector<16xf32> to vector<16xf32>
      %get3A_228 = arith.constant 0 : i32
      %get3A_229 = arith.index_cast %rem3A_148 : i32 to index
      %get3A_230 = arith.index_cast %get3A_228 : i32 to index
      %get3A_231 = arith.constant 0 : index
      %get3A_232 = tpu.vector_load %arg9[%get3A_229, %get3A_230, %get3A_231] {strides = array<i32>} : memref<3x1x128xf32, #tpu.memory_space<vmem>>, vector<1x1x16xf32>,
      %get3A_233 = vector.shape_cast %get3A_232 : vector<1x1x16xf32> to vector<16xf32>
      %add3A_234 = arith.addf %get3A_227, %get3A_233 : vector<16xf32>
      %swap3A = arith.index_cast %add3A_225 : i32 to index
      %swap3A_235 = tpu.vector_load %arg10[%swap3A] {strides = array<i32>} : memref<128xf32, #tpu.memory_space<vmem>>, vector<16xf32>,
      %swap3A_236 = vector.shape_cast %swap3A_235 : vector<16xf32> to vector<16xf32>
      %swap3A_237 = vector.shape_cast %add3A_234 : vector<16xf32> to vector<16xf32>
      tpu.vector_store %arg10[%swap3A], %swap3A_237 {strides = array<i32>} : memref<128xf32, #tpu.memory_space<vmem>>, vector<16xf32>,
      %mul3A_238 = arith.constant 128 : i32
      %mul3A_239 = arith.muli %rem3A_167, %mul3A_238 : i32
      %add3A_240 = arith.constant 0 : i32
      %add3A_241 = arith.addi %mul3A_239, %add3A_240 : i32
      %add3A_242 = arith.constant 16 : i32
      %add3A_243 = arith.addi %add3A_241, %add3A_242 : i32
      %get3A_244 = arith.index_cast %add3A_243 : i32 to index
      %get3A_245 = tpu.vector_load %arg10[%get3A_244] {strides = array<i32>} : memref<128xf32, #tpu.memory_space<vmem>>, vector<16xf32>,
      %get3A_246 = vector.shape_cast %get3A_245 : vector<16xf32> to vector<16xf32>
      %get3A_247 = arith.constant 0 : i32
      %get3A_248 = arith.index_cast %rem3A_148 : i32 to index
      %get3A_249 = arith.index_cast %get3A_247 : i32 to index
      %get3A_250 = arith.constant 16 : index
      %get3A_251 = tpu.vector_load %arg9[%get3A_248, %get3A_249, %get3A_250] {strides = array<i32>} : memref<3x1x128xf32, #tpu.memory_space<vmem>>, vector<1x1x16xf32>,
      %get3A_252 = vector.shape_cast %get3A_251 : vector<1x1x16xf32> to vector<16xf32>
      %add3A_253 = arith.addf %get3A_246, %get3A_252 : vector<16xf32>
      %swap3A_254 = arith.index_cast %add3A_243 : i32 to index
      %swap3A_255 = tpu.vector_load %arg10[%swap3A_254] {strides = array<i32>} : memref<128xf32, #tpu.memory_space<vmem>>, vector<16xf32>,
      %swap3A_256 = vector.shape_cast %swap3A_255 : vector<16xf32> to vector<16xf32>
      %swap3A_257 = vector.shape_cast %add3A_253 : vector<16xf32> to vector<16xf32>
      tpu.vector_store %arg10[%swap3A_254], %swap3A_257 {strides = array<i32>} : memref<128xf32, #tpu.memory_space<vmem>>, vector<16xf32>,
      %mul3A_258 = arith.constant 128 : i32
      %mul3A_259 = arith.muli %rem3A_167, %mul3A_258 : i32
      %add3A_260 = arith.constant 0 : i32
      %add3A_261 = arith.addi %mul3A_259, %add3A_260 : i32
      %add3A_262 = arith.constant 32 : i32
      %add3A_263 = arith.addi %add3A_261, %add3A_262 : i32
      %get3A_264 = arith.index_cast %add3A_263 : i32 to index
      %get3A_265 = tpu.vector_load %arg10[%get3A_264] {strides = array<i32>} : memref<128xf32, #tpu.memory_space<vmem>>, vector<16xf32>,
      %get3A_266 = vector.shape_cast %get3A_265 : vector<16xf32> to vector<16xf32>
      %get3A_267 = arith.constant 0 : i32
      %get3A_268 = arith.index_cast %rem3A_148 : i32 to index
      %get3A_269 = arith.index_cast %get3A_267 : i32 to index
      %get3A_270 = arith.constant 32 : index
      %get3A_271 = tpu.vector_load %arg9[%get3A_268, %get3A_269, %get3A_270] {strides = array<i32>} : memref<3x1x128xf32, #tpu.memory_space<vmem>>, vector<1x1x16xf32>,
      %get3A_272 = vector.shape_cast %get3A_271 : vector<1x1x16xf32> to vector<16xf32>
      %add3A_273 = arith.addf %get3A_266, %get3A_272 : vector<16xf32>
      %swap3A_274 = arith.index_cast %add3A_263 : i32 to index
      %swap3A_275 = tpu.vector_load %arg10[%swap3A_274] {strides = array<i32>} : memref<128xf32, #tpu.memory_space<vmem>>, vector<16xf32>,
      %swap3A_276 = vector.shape_cast %swap3A_275 : vector<16xf32> to vector<16xf32>
      %swap3A_277 = vector.shape_cast %add3A_273 : vector<16xf32> to vector<16xf32>
      tpu.vector_store %arg10[%swap3A_274], %swap3A_277 {strides = array<i32>} : memref<128xf32, #tpu.memory_space<vmem>>, vector<16xf32>,
      %mul3A_278 = arith.constant 128 : i32
      %mul3A_279 = arith.muli %rem3A_167, %mul3A_278 : i32
      %add3A_280 = arith.constant 0 : i32
      %add3A_281 = arith.addi %mul3A_279, %add3A_280 : i32
      %add3A_282 = arith.constant 48 : i32
      %add3A_283 = arith.addi %add3A_281, %add3A_282 : i32
      %get3A_284 = arith.index_cast %add3A_283 : i32 to index
      %get3A_285 = tpu.vector_load %arg10[%get3A_284] {strides = array<i32>} : memref<128xf32, #tpu.memory_space<vmem>>, vector<16xf32>,
      %get3A_286 = vector.shape_cast %get3A_285 : vector<16xf32> to vector<16xf32>
      %get3A_287 = arith.constant 0 : i32
      %get3A_288 = arith.index_cast %rem3A_148 : i32 to index
      %get3A_289 = arith.index_cast %get3A_287 : i32 to index
      %get3A_290 = arith.constant 48 : index
      %get3A_291 = tpu.vector_load %arg9[%get3A_288, %get3A_289, %get3A_290] {strides = array<i32>} : memref<3x1x128xf32, #tpu.memory_space<vmem>>, vector<1x1x16xf32>,
      %get3A_292 = vector.shape_cast %get3A_291 : vector<1x1x16xf32> to vector<16xf32>
      %add3A_293 = arith.addf %get3A_286, %get3A_292 : vector<16xf32>
      %swap3A_294 = arith.index_cast %add3A_283 : i32 to index
      %swap3A_295 = tpu.vector_load %arg10[%swap3A_294] {strides = array<i32>} : memref<128xf32, #tpu.memory_space<vmem>>, vector<16xf32>,
      %swap3A_296 = vector.shape_cast %swap3A_295 : vector<16xf32> to vector<16xf32>
      %swap3A_297 = vector.shape_cast %add3A_293 : vector<16xf32> to vector<16xf32>
      tpu.vector_store %arg10[%swap3A_294], %swap3A_297 {strides = array<i32>} : memref<128xf32, #tpu.memory_space<vmem>>, vector<16xf32>,
      %mul3A_298 = arith.constant 128 : i32
      %mul3A_299 = arith.muli %rem3A_167, %mul3A_298 : i32
      %add3A_300 = arith.constant 0 : i32
      %add3A_301 = arith.addi %mul3A_299, %add3A_300 : i32
      %add3A_302 = arith.constant 64 : i32
      %add3A_303 = arith.addi %add3A_301, %add3A_302 : i32
      %get3A_304 = arith.index_cast %add3A_303 : i32 to index
      %get3A_305 = tpu.vector_load %arg10[%get3A_304] {strides = array<i32>} : memref<128xf32, #tpu.memory_space<vmem>>, vector<16xf32>,
      %get3A_306 = vector.shape_cast %get3A_305 : vector<16xf32> to vector<16xf32>
      %get3A_307 = arith.constant 0 : i32
      %get3A_308 = arith.index_cast %rem3A_148 : i32 to index
      %get3A_309 = arith.index_cast %get3A_307 : i32 to index
      %get3A_310 = arith.constant 64 : index
      %get3A_311 = tpu.vector_load %arg9[%get3A_308, %get3A_309, %get3A_310] {strides = array<i32>} : memref<3x1x128xf32, #tpu.memory_space<vmem>>, vector<1x1x16xf32>,
      %get3A_312 = vector.shape_cast %get3A_311 : vector<1x1x16xf32> to vector<16xf32>
      %add3A_313 = arith.addf %get3A_306, %get3A_312 : vector<16xf32>
      %swap3A_314 = arith.index_cast %add3A_303 : i32 to index
      %swap3A_315 = tpu.vector_load %arg10[%swap3A_314] {strides = array<i32>} : memref<128xf32, #tpu.memory_space<vmem>>, vector<16xf32>,
      %swap3A_316 = vector.shape_cast %swap3A_315 : vector<16xf32> to vector<16xf32>
      %swap3A_317 = vector.shape_cast %add3A_313 : vector<16xf32> to vector<16xf32>
      tpu.vector_store %arg10[%swap3A_314], %swap3A_317 {strides = array<i32>} : memref<128xf32, #tpu.memory_space<vmem>>, vector<16xf32>,
      %mul3A_318 = arith.constant 128 : i32
      %mul3A_319 = arith.muli %rem3A_167, %mul3A_318 : i32
      %add3A_320 = arith.constant 0 : i32
      %add3A_321 = arith.addi %mul3A_319, %add3A_320 : i32
      %add3A_322 = arith.constant 80 : i32
      %add3A_323 = arith.addi %add3A_321, %add3A_322 : i32
      %get3A_324 = arith.index_cast %add3A_323 : i32 to index
      %get3A_325 = tpu.vector_load %arg10[%get3A_324] {strides = array<i32>} : memref<128xf32, #tpu.memory_space<vmem>>, vector<16xf32>,
      %get3A_326 = vector.shape_cast %get3A_325 : vector<16xf32> to vector<16xf32>
      %get3A_327 = arith.constant 0 : i32
      %get3A_328 = arith.index_cast %rem3A_148 : i32 to index
      %get3A_329 = arith.index_cast %get3A_327 : i32 to index
      %get3A_330 = arith.constant 80 : index
      %get3A_331 = tpu.vector_load %arg9[%get3A_328, %get3A_329, %get3A_330] {strides = array<i32>} : memref<3x1x128xf32, #tpu.memory_space<vmem>>, vector<1x1x16xf32>,
      %get3A_332 = vector.shape_cast %get3A_331 : vector<1x1x16xf32> to vector<16xf32>
      %add3A_333 = arith.addf %get3A_326, %get3A_332 : vector<16xf32>
      %swap3A_334 = arith.index_cast %add3A_323 : i32 to index
      %swap3A_335 = tpu.vector_load %arg10[%swap3A_334] {strides = array<i32>} : memref<128xf32, #tpu.memory_space<vmem>>, vector<16xf32>,
      %swap3A_336 = vector.shape_cast %swap3A_335 : vector<16xf32> to vector<16xf32>
      %swap3A_337 = vector.shape_cast %add3A_333 : vector<16xf32> to vector<16xf32>
      tpu.vector_store %arg10[%swap3A_334], %swap3A_337 {strides = array<i32>} : memref<128xf32, #tpu.memory_space<vmem>>, vector<16xf32>,
      %mul3A_338 = arith.constant 128 : i32
      %mul3A_339 = arith.muli %rem3A_167, %mul3A_338 : i32
      %add3A_340 = arith.constant 0 : i32
      %add3A_341 = arith.addi %mul3A_339, %add3A_340 : i32
      %add3A_342 = arith.constant 96 : i32
      %add3A_343 = arith.addi %add3A_341, %add3A_342 : i32
      %get3A_344 = arith.index_cast %add3A_343 : i32 to index
      %get3A_345 = tpu.vector_load %arg10[%get3A_344] {strides = array<i32>} : memref<128xf32, #tpu.memory_space<vmem>>, vector<16xf32>,
      %get3A_346 = vector.shape_cast %get3A_345 : vector<16xf32> to vector<16xf32>
      %get3A_347 = arith.constant 0 : i32
      %get3A_348 = arith.index_cast %rem3A_148 : i32 to index
      %get3A_349 = arith.index_cast %get3A_347 : i32 to index
      %get3A_350 = arith.constant 96 : index
      %get3A_351 = tpu.vector_load %arg9[%get3A_348, %get3A_349, %get3A_350] {strides = array<i32>} : memref<3x1x128xf32, #tpu.memory_space<vmem>>, vector<1x1x16xf32>,
      %get3A_352 = vector.shape_cast %get3A_351 : vector<1x1x16xf32> to vector<16xf32>
      %add3A_353 = arith.addf %get3A_346, %get3A_352 : vector<16xf32>
      %swap3A_354 = arith.index_cast %add3A_343 : i32 to index
      %swap3A_355 = tpu.vector_load %arg10[%swap3A_354] {strides = array<i32>} : memref<128xf32, #tpu.memory_space<vmem>>, vector<16xf32>,
      %swap3A_356 = vector.shape_cast %swap3A_355 : vector<16xf32> to vector<16xf32>
      %swap3A_357 = vector.shape_cast %add3A_353 : vector<16xf32> to vector<16xf32>
      tpu.vector_store %arg10[%swap3A_354], %swap3A_357 {strides = array<i32>} : memref<128xf32, #tpu.memory_space<vmem>>, vector<16xf32>,
      %mul3A_358 = arith.constant 128 : i32
      %mul3A_359 = arith.muli %rem3A_167, %mul3A_358 : i32
      %add3A_360 = arith.constant 0 : i32
      %add3A_361 = arith.addi %mul3A_359, %add3A_360 : i32
      %add3A_362 = arith.constant 112 : i32
      %add3A_363 = arith.addi %add3A_361, %add3A_362 : i32
      %get3A_364 = arith.index_cast %add3A_363 : i32 to index
      %get3A_365 = tpu.vector_load %arg10[%get3A_364] {strides = array<i32>} : memref<128xf32, #tpu.memory_space<vmem>>, vector<16xf32>,
      %get3A_366 = vector.shape_cast %get3A_365 : vector<16xf32> to vector<16xf32>
      %get3A_367 = arith.constant 0 : i32
      %get3A_368 = arith.index_cast %rem3A_148 : i32 to index
      %get3A_369 = arith.index_cast %get3A_367 : i32 to index
      %get3A_370 = arith.constant 112 : index
      %get3A_371 = tpu.vector_load %arg9[%get3A_368, %get3A_369, %get3A_370] {strides = array<i32>} : memref<3x1x128xf32, #tpu.memory_space<vmem>>, vector<1x1x16xf32>,
      %get3A_372 = vector.shape_cast %get3A_371 : vector<1x1x16xf32> to vector<16xf32>
      %add3A_373 = arith.addf %get3A_366, %get3A_372 : vector<16xf32>
      %swap3A_374 = arith.index_cast %add3A_363 : i32 to index
      %swap3A_375 = tpu.vector_load %arg10[%swap3A_374] {strides = array<i32>} : memref<128xf32, #tpu.memory_space<vmem>>, vector<16xf32>,
      %swap3A_376 = vector.shape_cast %swap3A_375 : vector<16xf32> to vector<16xf32>
      %swap3A_377 = vector.shape_cast %add3A_373 : vector<16xf32> to vector<16xf32>
      tpu.vector_store %arg10[%swap3A_374], %swap3A_377 {strides = array<i32>} : memref<128xf32, #tpu.memory_space<vmem>>, vector<16xf32>,
    }
    %scan3A_83 = arith.constant 26 : i32
    %dma_wait3A = arith.constant 2 : i32
    %dma_wait3A_84 = arith.constant 0 : i32
    %dma_wait3A_85 = arith.constant 2 : i32
    %dma_wait3A_86 = arith.constant 0 : i32
    %dma_wait3A_87 = arith.constant 0 : i32
    %dma_wait3A_88 = tpu.memref_slice %arg8[%dma_wait3A, %dma_wait3A_86, %dma_wait3A_87] : memref<3x128x128xf32, #tpu.memory_space<vmem>> -> memref<1x128x128xf32, #tpu.memory_space<vmem>>
    %dma_wait3A_89 = tpu.memref_squeeze %dma_wait3A_88 : memref<1x128x128xf32, #tpu.memory_space<vmem>> -> memref<128x128xf32, #tpu.memory_space<vmem>>
    %dma_wait3A_90 = arith.constant 0 : i32
    %dma_wait3A_91 = arith.constant 0 : i32
    %dma_wait3A_92 = tpu.memref_slice %arg5[%dma_wait3A_84, %dma_wait3A_90, %dma_wait3A_91] : memref<26x4096x128xf32, #tpu.memory_space<hbm>> -> memref<1x128x128xf32, #tpu.memory_space<hbm>>
    %dma_wait3A_93 = tpu.memref_squeeze %dma_wait3A_92 : memref<1x128x128xf32, #tpu.memory_space<hbm>> -> memref<128x128xf32, #tpu.memory_space<hbm>>
    %dma_wait3A_94 = tpu.memref_slice %arg13[%dma_wait3A_85] : memref<3x!tpu.dma_semaphore, #tpu.memory_space<semaphore_mem>> -> memref<1x!tpu.dma_semaphore, #tpu.memory_space<semaphore_mem>>
    %dma_wait3A_95 = tpu.memref_squeeze %dma_wait3A_94 : memref<1x!tpu.dma_semaphore, #tpu.memory_space<semaphore_mem>> -> memref<!tpu.dma_semaphore, #tpu.memory_space<semaphore_mem>>
    %dma_wait3A_96 = arith.constant 0 : i32
    %dma_wait3A_97 = arith.constant 0 : i32
    %dma_wait3A_98 = tpu.memref_slice %arg5[%dma_wait3A_84, %dma_wait3A_96, %dma_wait3A_97] : memref<26x4096x128xf32, #tpu.memory_space<hbm>> -> memref<1x128x128xf32, #tpu.memory_space<hbm>>
    %dma_wait3A_99 = tpu.memref_squeeze %dma_wait3A_98 : memref<1x128x128xf32, #tpu.memory_space<hbm>> -> memref<128x128xf32, #tpu.memory_space<hbm>>
    %dma_wait3A_100 = arith.constant 0 : i32
    %dma_wait3A_101 = arith.constant 0 : i32
    %dma_wait3A_102 = tpu.memref_slice %arg8[%dma_wait3A, %dma_wait3A_100, %dma_wait3A_101] : memref<3x128x128xf32, #tpu.memory_space<vmem>> -> memref<1x128x128xf32, #tpu.memory_space<vmem>>
    %dma_wait3A_103 = tpu.memref_squeeze %dma_wait3A_102 : memref<1x128x128xf32, #tpu.memory_space<vmem>> -> memref<128x128xf32, #tpu.memory_space<vmem>>
    tpu.wait_dma2 semaphore(%dma_wait3A_95 : memref<!tpu.dma_semaphore, #tpu.memory_space<semaphore_mem>>) src(%dma_wait3A_103 : memref<128x128xf32, #tpu.memory_space<vmem>>) dst(%dma_wait3A_99 : memref<128x128xf32, #tpu.memory_space<hbm>>)
    %dma_wait3A_104 = arith.constant 0 : i32
    %dma_wait3A_105 = arith.constant 0 : i32
    %dma_wait3A_106 = arith.constant 0 : i32
    %dma_wait3A_107 = arith.constant 0 : i32
    %dma_wait3A_108 = arith.constant 0 : i32
    %dma_wait3A_109 = tpu.memref_slice %arg8[%dma_wait3A_104, %dma_wait3A_107, %dma_wait3A_108] : memref<3x128x128xf32, #tpu.memory_space<vmem>> -> memref<1x128x128xf32, #tpu.memory_space<vmem>>
    %dma_wait3A_110 = tpu.memref_squeeze %dma_wait3A_109 : memref<1x128x128xf32, #tpu.memory_space<vmem>> -> memref<128x128xf32, #tpu.memory_space<vmem>>
    %dma_wait3A_111 = arith.constant 0 : i32
    %dma_wait3A_112 = arith.constant 0 : i32
    %dma_wait3A_113 = tpu.memref_slice %arg5[%dma_wait3A_105, %dma_wait3A_111, %dma_wait3A_112] : memref<26x4096x128xf32, #tpu.memory_space<hbm>> -> memref<1x128x128xf32, #tpu.memory_space<hbm>>
    %dma_wait3A_114 = tpu.memref_squeeze %dma_wait3A_113 : memref<1x128x128xf32, #tpu.memory_space<hbm>> -> memref<128x128xf32, #tpu.memory_space<hbm>>
    %dma_wait3A_115 = tpu.memref_slice %arg13[%dma_wait3A_106] : memref<3x!tpu.dma_semaphore, #tpu.memory_space<semaphore_mem>> -> memref<1x!tpu.dma_semaphore, #tpu.memory_space<semaphore_mem>>
    %dma_wait3A_116 = tpu.memref_squeeze %dma_wait3A_115 : memref<1x!tpu.dma_semaphore, #tpu.memory_space<semaphore_mem>> -> memref<!tpu.dma_semaphore, #tpu.memory_space<semaphore_mem>>
    %dma_wait3A_117 = arith.constant 0 : i32
    %dma_wait3A_118 = arith.constant 0 : i32
    %dma_wait3A_119 = tpu.memref_slice %arg5[%dma_wait3A_105, %dma_wait3A_117, %dma_wait3A_118] : memref<26x4096x128xf32, #tpu.memory_space<hbm>> -> memref<1x128x128xf32, #tpu.memory_space<hbm>>
    %dma_wait3A_120 = tpu.memref_squeeze %dma_wait3A_119 : memref<1x128x128xf32, #tpu.memory_space<hbm>> -> memref<128x128xf32, #tpu.memory_space<hbm>>
    %dma_wait3A_121 = arith.constant 0 : i32
    %dma_wait3A_122 = arith.constant 0 : i32
    %dma_wait3A_123 = tpu.memref_slice %arg8[%dma_wait3A_104, %dma_wait3A_121, %dma_wait3A_122] : memref<3x128x128xf32, #tpu.memory_space<vmem>> -> memref<1x128x128xf32, #tpu.memory_space<vmem>>
    %dma_wait3A_124 = tpu.memref_squeeze %dma_wait3A_123 : memref<1x128x128xf32, #tpu.memory_space<vmem>> -> memref<128x128xf32, #tpu.memory_space<vmem>>
    tpu.wait_dma2 semaphore(%dma_wait3A_116 : memref<!tpu.dma_semaphore, #tpu.memory_space<semaphore_mem>>) src(%dma_wait3A_124 : memref<128x128xf32, #tpu.memory_space<vmem>>) dst(%dma_wait3A_120 : memref<128x128xf32, #tpu.memory_space<hbm>>)
    %dma_wait3A_125 = arith.constant 1 : i32
    %dma_wait3A_126 = arith.constant 0 : i32
    %dma_wait3A_127 = arith.constant 1 : i32
    %dma_wait3A_128 = arith.constant 0 : i32
    %dma_wait3A_129 = arith.constant 0 : i32
    %dma_wait3A_130 = tpu.memref_slice %arg8[%dma_wait3A_125, %dma_wait3A_128, %dma_wait3A_129] : memref<3x128x128xf32, #tpu.memory_space<vmem>> -> memref<1x128x128xf32, #tpu.memory_space<vmem>>
    %dma_wait3A_131 = tpu.memref_squeeze %dma_wait3A_130 : memref<1x128x128xf32, #tpu.memory_space<vmem>> -> memref<128x128xf32, #tpu.memory_space<vmem>>
    %dma_wait3A_132 = arith.constant 0 : i32
    %dma_wait3A_133 = arith.constant 0 : i32
    %dma_wait3A_134 = tpu.memref_slice %arg5[%dma_wait3A_126, %dma_wait3A_132, %dma_wait3A_133] : memref<26x4096x128xf32, #tpu.memory_space<hbm>> -> memref<1x128x128xf32, #tpu.memory_space<hbm>>
    %dma_wait3A_135 = tpu.memref_squeeze %dma_wait3A_134 : memref<1x128x128xf32, #tpu.memory_space<hbm>> -> memref<128x128xf32, #tpu.memory_space<hbm>>
    %dma_wait3A_136 = tpu.memref_slice %arg13[%dma_wait3A_127] : memref<3x!tpu.dma_semaphore, #tpu.memory_space<semaphore_mem>> -> memref<1x!tpu.dma_semaphore, #tpu.memory_space<semaphore_mem>>
    %dma_wait3A_137 = tpu.memref_squeeze %dma_wait3A_136 : memref<1x!tpu.dma_semaphore, #tpu.memory_space<semaphore_mem>> -> memref<!tpu.dma_semaphore, #tpu.memory_space<semaphore_mem>>
    %dma_wait3A_138 = arith.constant 0 : i32
    %dma_wait3A_139 = arith.constant 0 : i32
    %dma_wait3A_140 = tpu.memref_slice %arg5[%dma_wait3A_126, %dma_wait3A_138, %dma_wait3A_139] : memref<26x4096x128xf32, #tpu.memory_space<hbm>> -> memref<1x128x128xf32, #tpu.memory_space<hbm>>
    %dma_wait3A_141 = tpu.memref_squeeze %dma_wait3A_140 : memref<1x128x128xf32, #tpu.memory_space<hbm>> -> memref<128x128xf32, #tpu.memory_space<hbm>>
    %dma_wait3A_142 = arith.constant 0 : i32
    %dma_wait3A_143 = arith.constant 0 : i32
    %dma_wait3A_144 = tpu.memref_slice %arg8[%dma_wait3A_125, %dma_wait3A_142, %dma_wait3A_143] : memref<3x128x128xf32, #tpu.memory_space<vmem>> -> memref<1x128x128xf32, #tpu.memory_space<vmem>>
    %dma_wait3A_145 = tpu.memref_squeeze %dma_wait3A_144 : memref<1x128x128xf32, #tpu.memory_space<vmem>> -> memref<128x128xf32, #tpu.memory_space<vmem>>
    tpu.wait_dma2 semaphore(%dma_wait3A_137 : memref<!tpu.dma_semaphore, #tpu.memory_space<semaphore_mem>>) src(%dma_wait3A_145 : memref<128x128xf32, #tpu.memory_space<vmem>>) dst(%dma_wait3A_141 : memref<128x128xf32, #tpu.memory_space<hbm>>)
    "tpu.region"() ({
      %run_scoped3A = tpu.sem_alloc : memref<!tpu.dma_semaphore, #tpu.memory_space<semaphore_mem>>
      %dma_start3A_146 = tpu.memref_slice %arg6[%mul3A_2] : memref<4096xf32, #tpu.memory_space<hbm>> -> memref<128xf32, #tpu.memory_space<hbm>>
      %dma_start3A_147 = tpu.memref_slice %arg6[%mul3A_2] : memref<4096xf32, #tpu.memory_space<hbm>> -> memref<128xf32, #tpu.memory_space<hbm>>
      tpu.enqueue_dma source(%arg10 : memref<128xf32, #tpu.memory_space<vmem>>) target(%dma_start3A_147 : memref<128xf32, #tpu.memory_space<hbm>>) target_semaphore(%run_scoped3A : memref<!tpu.dma_semaphore, #tpu.memory_space<semaphore_mem>>)
      %dma_wait3A_148 = tpu.memref_slice %arg6[%mul3A_2] : memref<4096xf32, #tpu.memory_space<hbm>> -> memref<128xf32, #tpu.memory_space<hbm>>
      %dma_wait3A_149 = tpu.memref_slice %arg6[%mul3A_2] : memref<4096xf32, #tpu.memory_space<hbm>> -> memref<128xf32, #tpu.memory_space<hbm>>
      tpu.wait_dma2 semaphore(%run_scoped3A : memref<!tpu.dma_semaphore, #tpu.memory_space<semaphore_mem>>) src(%arg10 : memref<128xf32, #tpu.memory_space<vmem>>) dst(%dma_wait3A_149 : memref<128xf32, #tpu.memory_space<hbm>>)
      tpu.yield
    }) : () -> ()
    return
  }
}

module attributes {stable_mosaic.version = 14 : i64} {
  func.func @_tc_body(%arg0: i32, %arg1: memref<26x256x128xf32, #tpu.memory_space<vmem>>, %arg2: memref<256x1xf32, #tpu.memory_space<vmem>>, %arg3: memref<256x13xf32, #tpu.memory_space<vmem>>, %arg4: memref<13x1xf32, #tpu.memory_space<vmem>>, %arg5: memref<1x1xf32, #tpu.memory_space<vmem>>, %arg6: memref<3328x1024xbf16, #tpu.memory_space<vmem>>, %arg7: memref<13x1024xf32, #tpu.memory_space<vmem>>, %arg8: memref<1x1024xf32, #tpu.memory_space<vmem>>, %arg9: memref<1024x512xbf16, #tpu.memory_space<vmem>>, %arg10: memref<1x512xf32, #tpu.memory_space<vmem>>, %arg11: memref<512x256xbf16, #tpu.memory_space<vmem>>, %arg12: memref<1x256xf32, #tpu.memory_space<vmem>>, %arg13: memref<256x1xf32, #tpu.memory_space<vmem>>, %arg14: memref<1x1xf32, #tpu.memory_space<vmem>>, %arg15: memref<1x1xf32, #tpu.memory_space<vmem>>, %arg16: memref<256x1xf32, #tpu.memory_space<vmem>>) attributes {dimension_semantics = [#tpu.dimension_semantics<arbitrary>], iteration_bounds = array<i64: 16>, scalar_prefetch = 0 : i64, scratch_operands = 0 : i64, tpu.core_type = #tpu.core_type<tc>, window_params = [{transform_indices = @transform_0, window_bounds = array<i64: 26, 256, 128>}, {transform_indices = @transform_1, window_bounds = array<i64: 256, 1>}, {transform_indices = @transform_2, window_bounds = array<i64: 256, 13>}, {pipeline_mode = #tpu.pipeline_mode<synchronous>, transform_indices = @transform_3, window_bounds = array<i64: 13, 1>}, {pipeline_mode = #tpu.pipeline_mode<synchronous>, transform_indices = @transform_4, window_bounds = array<i64: 1, 1>}, {pipeline_mode = #tpu.pipeline_mode<synchronous>, transform_indices = @transform_5, window_bounds = array<i64: 3328, 1024>}, {pipeline_mode = #tpu.pipeline_mode<synchronous>, transform_indices = @transform_6, window_bounds = array<i64: 13, 1024>}, {pipeline_mode = #tpu.pipeline_mode<synchronous>, transform_indices = @transform_7, window_bounds = array<i64: 1, 1024>}, {pipeline_mode = #tpu.pipeline_mode<synchronous>, transform_indices = @transform_8, window_bounds = array<i64: 1024, 512>}, {pipeline_mode = #tpu.pipeline_mode<synchronous>, transform_indices = @transform_9, window_bounds = array<i64: 1, 512>}, {pipeline_mode = #tpu.pipeline_mode<synchronous>, transform_indices = @transform_10, window_bounds = array<i64: 512, 256>}, {pipeline_mode = #tpu.pipeline_mode<synchronous>, transform_indices = @transform_11, window_bounds = array<i64: 1, 256>}, {pipeline_mode = #tpu.pipeline_mode<synchronous>, transform_indices = @transform_12, window_bounds = array<i64: 256, 1>}, {pipeline_mode = #tpu.pipeline_mode<synchronous>, transform_indices = @transform_13, window_bounds = array<i64: 1, 1>}, {pipeline_mode = #tpu.pipeline_mode<synchronous>, transform_indices = @transform_14, window_bounds = array<i64: 1, 1>}, {transform_indices = @transform_15, window_bounds = array<i64: 256, 1>}]} {
    %get3A = arith.constant 0 : index
    %get3A_0 = arith.constant 0 : index
    %get3A_1 = arith.constant 0 : index
    %get3A_2 = vector.load %arg1[%get3A, %get3A_0, %get3A_1] : memref<26x256x128xf32, #tpu.memory_space<vmem>>, vector<26x256x128xf32>
    %slice3A = vector.extract_strided_slice %get3A_2 {offsets = [0, 0, 0], sizes = [1, 256, 128], strides = [1, 1, 1]} : vector<26x256x128xf32> to vector<1x256x128xf32>
    %squeeze3A = vector.shape_cast %slice3A : vector<1x256x128xf32> to vector<256x128xf32>
    %slice3A_3 = vector.extract_strided_slice %get3A_2 {offsets = [1, 0, 0], sizes = [1, 256, 128], strides = [1, 1, 1]} : vector<26x256x128xf32> to vector<1x256x128xf32>
    %squeeze3A_4 = vector.shape_cast %slice3A_3 : vector<1x256x128xf32> to vector<256x128xf32>
    %slice3A_5 = vector.extract_strided_slice %get3A_2 {offsets = [2, 0, 0], sizes = [1, 256, 128], strides = [1, 1, 1]} : vector<26x256x128xf32> to vector<1x256x128xf32>
    %squeeze3A_6 = vector.shape_cast %slice3A_5 : vector<1x256x128xf32> to vector<256x128xf32>
    %slice3A_7 = vector.extract_strided_slice %get3A_2 {offsets = [3, 0, 0], sizes = [1, 256, 128], strides = [1, 1, 1]} : vector<26x256x128xf32> to vector<1x256x128xf32>
    %squeeze3A_8 = vector.shape_cast %slice3A_7 : vector<1x256x128xf32> to vector<256x128xf32>
    %slice3A_9 = vector.extract_strided_slice %get3A_2 {offsets = [4, 0, 0], sizes = [1, 256, 128], strides = [1, 1, 1]} : vector<26x256x128xf32> to vector<1x256x128xf32>
    %squeeze3A_10 = vector.shape_cast %slice3A_9 : vector<1x256x128xf32> to vector<256x128xf32>
    %slice3A_11 = vector.extract_strided_slice %get3A_2 {offsets = [5, 0, 0], sizes = [1, 256, 128], strides = [1, 1, 1]} : vector<26x256x128xf32> to vector<1x256x128xf32>
    %squeeze3A_12 = vector.shape_cast %slice3A_11 : vector<1x256x128xf32> to vector<256x128xf32>
    %slice3A_13 = vector.extract_strided_slice %get3A_2 {offsets = [6, 0, 0], sizes = [1, 256, 128], strides = [1, 1, 1]} : vector<26x256x128xf32> to vector<1x256x128xf32>
    %squeeze3A_14 = vector.shape_cast %slice3A_13 : vector<1x256x128xf32> to vector<256x128xf32>
    %slice3A_15 = vector.extract_strided_slice %get3A_2 {offsets = [7, 0, 0], sizes = [1, 256, 128], strides = [1, 1, 1]} : vector<26x256x128xf32> to vector<1x256x128xf32>
    %squeeze3A_16 = vector.shape_cast %slice3A_15 : vector<1x256x128xf32> to vector<256x128xf32>
    %slice3A_17 = vector.extract_strided_slice %get3A_2 {offsets = [8, 0, 0], sizes = [1, 256, 128], strides = [1, 1, 1]} : vector<26x256x128xf32> to vector<1x256x128xf32>
    %squeeze3A_18 = vector.shape_cast %slice3A_17 : vector<1x256x128xf32> to vector<256x128xf32>
    %slice3A_19 = vector.extract_strided_slice %get3A_2 {offsets = [9, 0, 0], sizes = [1, 256, 128], strides = [1, 1, 1]} : vector<26x256x128xf32> to vector<1x256x128xf32>
    %squeeze3A_20 = vector.shape_cast %slice3A_19 : vector<1x256x128xf32> to vector<256x128xf32>
    %slice3A_21 = vector.extract_strided_slice %get3A_2 {offsets = [10, 0, 0], sizes = [1, 256, 128], strides = [1, 1, 1]} : vector<26x256x128xf32> to vector<1x256x128xf32>
    %squeeze3A_22 = vector.shape_cast %slice3A_21 : vector<1x256x128xf32> to vector<256x128xf32>
    %slice3A_23 = vector.extract_strided_slice %get3A_2 {offsets = [11, 0, 0], sizes = [1, 256, 128], strides = [1, 1, 1]} : vector<26x256x128xf32> to vector<1x256x128xf32>
    %squeeze3A_24 = vector.shape_cast %slice3A_23 : vector<1x256x128xf32> to vector<256x128xf32>
    %slice3A_25 = vector.extract_strided_slice %get3A_2 {offsets = [12, 0, 0], sizes = [1, 256, 128], strides = [1, 1, 1]} : vector<26x256x128xf32> to vector<1x256x128xf32>
    %squeeze3A_26 = vector.shape_cast %slice3A_25 : vector<1x256x128xf32> to vector<256x128xf32>
    %slice3A_27 = vector.extract_strided_slice %get3A_2 {offsets = [13, 0, 0], sizes = [1, 256, 128], strides = [1, 1, 1]} : vector<26x256x128xf32> to vector<1x256x128xf32>
    %squeeze3A_28 = vector.shape_cast %slice3A_27 : vector<1x256x128xf32> to vector<256x128xf32>
    %slice3A_29 = vector.extract_strided_slice %get3A_2 {offsets = [14, 0, 0], sizes = [1, 256, 128], strides = [1, 1, 1]} : vector<26x256x128xf32> to vector<1x256x128xf32>
    %squeeze3A_30 = vector.shape_cast %slice3A_29 : vector<1x256x128xf32> to vector<256x128xf32>
    %slice3A_31 = vector.extract_strided_slice %get3A_2 {offsets = [15, 0, 0], sizes = [1, 256, 128], strides = [1, 1, 1]} : vector<26x256x128xf32> to vector<1x256x128xf32>
    %squeeze3A_32 = vector.shape_cast %slice3A_31 : vector<1x256x128xf32> to vector<256x128xf32>
    %slice3A_33 = vector.extract_strided_slice %get3A_2 {offsets = [16, 0, 0], sizes = [1, 256, 128], strides = [1, 1, 1]} : vector<26x256x128xf32> to vector<1x256x128xf32>
    %squeeze3A_34 = vector.shape_cast %slice3A_33 : vector<1x256x128xf32> to vector<256x128xf32>
    %slice3A_35 = vector.extract_strided_slice %get3A_2 {offsets = [17, 0, 0], sizes = [1, 256, 128], strides = [1, 1, 1]} : vector<26x256x128xf32> to vector<1x256x128xf32>
    %squeeze3A_36 = vector.shape_cast %slice3A_35 : vector<1x256x128xf32> to vector<256x128xf32>
    %slice3A_37 = vector.extract_strided_slice %get3A_2 {offsets = [18, 0, 0], sizes = [1, 256, 128], strides = [1, 1, 1]} : vector<26x256x128xf32> to vector<1x256x128xf32>
    %squeeze3A_38 = vector.shape_cast %slice3A_37 : vector<1x256x128xf32> to vector<256x128xf32>
    %slice3A_39 = vector.extract_strided_slice %get3A_2 {offsets = [19, 0, 0], sizes = [1, 256, 128], strides = [1, 1, 1]} : vector<26x256x128xf32> to vector<1x256x128xf32>
    %squeeze3A_40 = vector.shape_cast %slice3A_39 : vector<1x256x128xf32> to vector<256x128xf32>
    %slice3A_41 = vector.extract_strided_slice %get3A_2 {offsets = [20, 0, 0], sizes = [1, 256, 128], strides = [1, 1, 1]} : vector<26x256x128xf32> to vector<1x256x128xf32>
    %squeeze3A_42 = vector.shape_cast %slice3A_41 : vector<1x256x128xf32> to vector<256x128xf32>
    %slice3A_43 = vector.extract_strided_slice %get3A_2 {offsets = [21, 0, 0], sizes = [1, 256, 128], strides = [1, 1, 1]} : vector<26x256x128xf32> to vector<1x256x128xf32>
    %squeeze3A_44 = vector.shape_cast %slice3A_43 : vector<1x256x128xf32> to vector<256x128xf32>
    %slice3A_45 = vector.extract_strided_slice %get3A_2 {offsets = [22, 0, 0], sizes = [1, 256, 128], strides = [1, 1, 1]} : vector<26x256x128xf32> to vector<1x256x128xf32>
    %squeeze3A_46 = vector.shape_cast %slice3A_45 : vector<1x256x128xf32> to vector<256x128xf32>
    %slice3A_47 = vector.extract_strided_slice %get3A_2 {offsets = [23, 0, 0], sizes = [1, 256, 128], strides = [1, 1, 1]} : vector<26x256x128xf32> to vector<1x256x128xf32>
    %squeeze3A_48 = vector.shape_cast %slice3A_47 : vector<1x256x128xf32> to vector<256x128xf32>
    %slice3A_49 = vector.extract_strided_slice %get3A_2 {offsets = [24, 0, 0], sizes = [1, 256, 128], strides = [1, 1, 1]} : vector<26x256x128xf32> to vector<1x256x128xf32>
    %squeeze3A_50 = vector.shape_cast %slice3A_49 : vector<1x256x128xf32> to vector<256x128xf32>
    %slice3A_51 = vector.extract_strided_slice %get3A_2 {offsets = [25, 0, 0], sizes = [1, 256, 128], strides = [1, 1, 1]} : vector<26x256x128xf32> to vector<1x256x128xf32>
    %squeeze3A_52 = vector.shape_cast %slice3A_51 : vector<1x256x128xf32> to vector<256x128xf32>
    %concatenate3A = tpu.concatenate %squeeze3A, %squeeze3A_4, %squeeze3A_6, %squeeze3A_8, %squeeze3A_10, %squeeze3A_12, %squeeze3A_14, %squeeze3A_16, %squeeze3A_18, %squeeze3A_20, %squeeze3A_22, %squeeze3A_24, %squeeze3A_26, %squeeze3A_28, %squeeze3A_30, %squeeze3A_32, %squeeze3A_34, %squeeze3A_36, %squeeze3A_38, %squeeze3A_40, %squeeze3A_42, %squeeze3A_44, %squeeze3A_46, %squeeze3A_48, %squeeze3A_50, %squeeze3A_52 in 1 : vector<256x128xf32>, vector<256x128xf32>, vector<256x128xf32>, vector<256x128xf32>, vector<256x128xf32>, vector<256x128xf32>, vector<256x128xf32>, vector<256x128xf32>, vector<256x128xf32>, vector<256x128xf32>, vector<256x128xf32>, vector<256x128xf32>, vector<256x128xf32>, vector<256x128xf32>, vector<256x128xf32>, vector<256x128xf32>, vector<256x128xf32>, vector<256x128xf32>, vector<256x128xf32>, vector<256x128xf32>, vector<256x128xf32>, vector<256x128xf32>, vector<256x128xf32>, vector<256x128xf32>, vector<256x128xf32>, vector<256x128xf32> -> vector<256x3328xf32>
    %mul3A = arith.mulf %squeeze3A, %squeeze3A : vector<256x128xf32>
    %add3A = arith.addf %squeeze3A, %squeeze3A_4 : vector<256x128xf32>
    %mul3A_53 = arith.mulf %squeeze3A_4, %squeeze3A_4 : vector<256x128xf32>
    %add3A_54 = arith.addf %mul3A, %mul3A_53 : vector<256x128xf32>
    %add3A_55 = arith.addf %add3A, %squeeze3A_6 : vector<256x128xf32>
    %mul3A_56 = arith.mulf %squeeze3A_6, %squeeze3A_6 : vector<256x128xf32>
    %add3A_57 = arith.addf %add3A_54, %mul3A_56 : vector<256x128xf32>
    %add3A_58 = arith.addf %add3A_55, %squeeze3A_8 : vector<256x128xf32>
    %mul3A_59 = arith.mulf %squeeze3A_8, %squeeze3A_8 : vector<256x128xf32>
    %add3A_60 = arith.addf %add3A_57, %mul3A_59 : vector<256x128xf32>
    %add3A_61 = arith.addf %add3A_58, %squeeze3A_10 : vector<256x128xf32>
    %mul3A_62 = arith.mulf %squeeze3A_10, %squeeze3A_10 : vector<256x128xf32>
    %add3A_63 = arith.addf %add3A_60, %mul3A_62 : vector<256x128xf32>
    %add3A_64 = arith.addf %add3A_61, %squeeze3A_12 : vector<256x128xf32>
    %mul3A_65 = arith.mulf %squeeze3A_12, %squeeze3A_12 : vector<256x128xf32>
    %add3A_66 = arith.addf %add3A_63, %mul3A_65 : vector<256x128xf32>
    %add3A_67 = arith.addf %add3A_64, %squeeze3A_14 : vector<256x128xf32>
    %mul3A_68 = arith.mulf %squeeze3A_14, %squeeze3A_14 : vector<256x128xf32>
    %add3A_69 = arith.addf %add3A_66, %mul3A_68 : vector<256x128xf32>
    %add3A_70 = arith.addf %add3A_67, %squeeze3A_16 : vector<256x128xf32>
    %mul3A_71 = arith.mulf %squeeze3A_16, %squeeze3A_16 : vector<256x128xf32>
    %add3A_72 = arith.addf %add3A_69, %mul3A_71 : vector<256x128xf32>
    %add3A_73 = arith.addf %add3A_70, %squeeze3A_18 : vector<256x128xf32>
    %mul3A_74 = arith.mulf %squeeze3A_18, %squeeze3A_18 : vector<256x128xf32>
    %add3A_75 = arith.addf %add3A_72, %mul3A_74 : vector<256x128xf32>
    %add3A_76 = arith.addf %add3A_73, %squeeze3A_20 : vector<256x128xf32>
    %mul3A_77 = arith.mulf %squeeze3A_20, %squeeze3A_20 : vector<256x128xf32>
    %add3A_78 = arith.addf %add3A_75, %mul3A_77 : vector<256x128xf32>
    %add3A_79 = arith.addf %add3A_76, %squeeze3A_22 : vector<256x128xf32>
    %mul3A_80 = arith.mulf %squeeze3A_22, %squeeze3A_22 : vector<256x128xf32>
    %add3A_81 = arith.addf %add3A_78, %mul3A_80 : vector<256x128xf32>
    %add3A_82 = arith.addf %add3A_79, %squeeze3A_24 : vector<256x128xf32>
    %mul3A_83 = arith.mulf %squeeze3A_24, %squeeze3A_24 : vector<256x128xf32>
    %add3A_84 = arith.addf %add3A_81, %mul3A_83 : vector<256x128xf32>
    %add3A_85 = arith.addf %add3A_82, %squeeze3A_26 : vector<256x128xf32>
    %mul3A_86 = arith.mulf %squeeze3A_26, %squeeze3A_26 : vector<256x128xf32>
    %add3A_87 = arith.addf %add3A_84, %mul3A_86 : vector<256x128xf32>
    %add3A_88 = arith.addf %add3A_85, %squeeze3A_28 : vector<256x128xf32>
    %mul3A_89 = arith.mulf %squeeze3A_28, %squeeze3A_28 : vector<256x128xf32>
    %add3A_90 = arith.addf %add3A_87, %mul3A_89 : vector<256x128xf32>
    %add3A_91 = arith.addf %add3A_88, %squeeze3A_30 : vector<256x128xf32>
    %mul3A_92 = arith.mulf %squeeze3A_30, %squeeze3A_30 : vector<256x128xf32>
    %add3A_93 = arith.addf %add3A_90, %mul3A_92 : vector<256x128xf32>
    %add3A_94 = arith.addf %add3A_91, %squeeze3A_32 : vector<256x128xf32>
    %mul3A_95 = arith.mulf %squeeze3A_32, %squeeze3A_32 : vector<256x128xf32>
    %add3A_96 = arith.addf %add3A_93, %mul3A_95 : vector<256x128xf32>
    %add3A_97 = arith.addf %add3A_94, %squeeze3A_34 : vector<256x128xf32>
    %mul3A_98 = arith.mulf %squeeze3A_34, %squeeze3A_34 : vector<256x128xf32>
    %add3A_99 = arith.addf %add3A_96, %mul3A_98 : vector<256x128xf32>
    %add3A_100 = arith.addf %add3A_97, %squeeze3A_36 : vector<256x128xf32>
    %mul3A_101 = arith.mulf %squeeze3A_36, %squeeze3A_36 : vector<256x128xf32>
    %add3A_102 = arith.addf %add3A_99, %mul3A_101 : vector<256x128xf32>
    %add3A_103 = arith.addf %add3A_100, %squeeze3A_38 : vector<256x128xf32>
    %mul3A_104 = arith.mulf %squeeze3A_38, %squeeze3A_38 : vector<256x128xf32>
    %add3A_105 = arith.addf %add3A_102, %mul3A_104 : vector<256x128xf32>
    %add3A_106 = arith.addf %add3A_103, %squeeze3A_40 : vector<256x128xf32>
    %mul3A_107 = arith.mulf %squeeze3A_40, %squeeze3A_40 : vector<256x128xf32>
    %add3A_108 = arith.addf %add3A_105, %mul3A_107 : vector<256x128xf32>
    %add3A_109 = arith.addf %add3A_106, %squeeze3A_42 : vector<256x128xf32>
    %mul3A_110 = arith.mulf %squeeze3A_42, %squeeze3A_42 : vector<256x128xf32>
    %add3A_111 = arith.addf %add3A_108, %mul3A_110 : vector<256x128xf32>
    %add3A_112 = arith.addf %add3A_109, %squeeze3A_44 : vector<256x128xf32>
    %mul3A_113 = arith.mulf %squeeze3A_44, %squeeze3A_44 : vector<256x128xf32>
    %add3A_114 = arith.addf %add3A_111, %mul3A_113 : vector<256x128xf32>
    %add3A_115 = arith.addf %add3A_112, %squeeze3A_46 : vector<256x128xf32>
    %mul3A_116 = arith.mulf %squeeze3A_46, %squeeze3A_46 : vector<256x128xf32>
    %add3A_117 = arith.addf %add3A_114, %mul3A_116 : vector<256x128xf32>
    %add3A_118 = arith.addf %add3A_115, %squeeze3A_48 : vector<256x128xf32>
    %mul3A_119 = arith.mulf %squeeze3A_48, %squeeze3A_48 : vector<256x128xf32>
    %add3A_120 = arith.addf %add3A_117, %mul3A_119 : vector<256x128xf32>
    %add3A_121 = arith.addf %add3A_118, %squeeze3A_50 : vector<256x128xf32>
    %mul3A_122 = arith.mulf %squeeze3A_50, %squeeze3A_50 : vector<256x128xf32>
    %add3A_123 = arith.addf %add3A_120, %mul3A_122 : vector<256x128xf32>
    %add3A_124 = arith.addf %add3A_121, %squeeze3A_52 : vector<256x128xf32>
    %mul3A_125 = arith.mulf %squeeze3A_52, %squeeze3A_52 : vector<256x128xf32>
    %add3A_126 = arith.addf %add3A_123, %mul3A_125 : vector<256x128xf32>
    %mul3A_127 = arith.mulf %add3A_124, %add3A_124 : vector<256x128xf32>
    %sub3A = arith.subf %mul3A_127, %add3A_126 : vector<256x128xf32>
    %reduce_sum3A = arith.constant dense<0.000000e+00> : vector<256xf32>
    %reduce_sum3A_128 = vector.multi_reduction <add>, %sub3A, %reduce_sum3A [1] : vector<256x128xf32> to vector<256xf32>
    %broadcast_in_dim3A = vector.shape_cast %reduce_sum3A_128 : vector<256xf32> to vector<256x1xf32>
    %mul3A_129 = arith.constant 5.000000e-01 : f32
    %mul3A_130 = vector.broadcast %mul3A_129 : f32 to vector<256x1xf32>
    %mul3A_131 = arith.mulf %mul3A_130, %broadcast_in_dim3A : vector<256x1xf32>
    %get3A_132 = arith.constant 0 : index
    %get3A_133 = arith.constant 0 : index
    %get3A_134 = vector.load %arg3[%get3A_132, %get3A_133] : memref<256x13xf32, #tpu.memory_space<vmem>>, vector<256x13xf32>
    %get3A_135 = arith.constant 0 : index
    %get3A_136 = arith.constant 0 : index
    %get3A_137 = vector.load %arg4[%get3A_135, %get3A_136] : memref<13x1xf32, #tpu.memory_space<vmem>>, vector<13x1xf32>
    %dot_general3A = arith.constant dense<0.000000e+00> : vector<256x1xf32>
    %dot_general3A_138 = tpu.matmul %get3A_134, %get3A_137, %dot_general3A {dimension_numbers = #tpu.dot_dimension_numbers<[1], [0], [0], [1], [0, 0, 1, 1], [], []>, transpose_lhs_hint = false} : vector<256x13xf32>, vector<13x1xf32>, vector<256x1xf32> -> vector<256x1xf32>
    %get3A_139 = arith.constant 0 : index
    %get3A_140 = arith.constant 0 : index
    %get3A_141 = vector.load %arg5[%get3A_139, %get3A_140] : memref<1x1xf32, #tpu.memory_space<vmem>>, vector<1x1xf32>
    %add3A_142 = vector.broadcast %get3A_141 : vector<1x1xf32> to vector<256x1xf32>
    %add3A_143 = arith.addf %dot_general3A_138, %add3A_142 : vector<256x1xf32>
    %get3A_144 = arith.constant 0 : index
    %get3A_145 = arith.constant 0 : index
    %get3A_146 = vector.load %arg2[%get3A_144, %get3A_145] : memref<256x1xf32, #tpu.memory_space<vmem>>, vector<256x1xf32>
    %add3A_147 = arith.addf %add3A_143, %get3A_146 : vector<256x1xf32>
    %add3A_148 = arith.addf %add3A_147, %mul3A_131 : vector<256x1xf32>
    %get3A_149 = arith.constant 0 : index
    %get3A_150 = arith.constant 0 : index
    %get3A_151 = vector.load %arg6[%get3A_149, %get3A_150] : memref<3328x1024xbf16, #tpu.memory_space<vmem>>, vector<3328x1024xbf16>
    %convert_element_type3A = arith.truncf %concatenate3A : vector<256x3328xf32> to vector<256x3328xbf16>
    %dot_general3A_152 = arith.constant dense<0.000000e+00> : vector<256x1024xf32>
    %dot_general3A_153 = tpu.matmul %convert_element_type3A, %get3A_151, %dot_general3A_152 {dimension_numbers = #tpu.dot_dimension_numbers<[1], [0], [0], [1], [0, 0, 1, 1], [], []>, transpose_lhs_hint = false} : vector<256x3328xbf16>, vector<3328x1024xbf16>, vector<256x1024xf32> -> vector<256x1024xf32>
    %get3A_154 = arith.constant 0 : index
    %get3A_155 = arith.constant 0 : index
    %get3A_156 = vector.load %arg7[%get3A_154, %get3A_155] : memref<13x1024xf32, #tpu.memory_space<vmem>>, vector<13x1024xf32>
    %dot_general3A_157 = arith.constant dense<0.000000e+00> : vector<256x1024xf32>
    %dot_general3A_158 = tpu.matmul %get3A_134, %get3A_156, %dot_general3A_157 {dimension_numbers = #tpu.dot_dimension_numbers<[1], [0], [0], [1], [0, 0, 1, 1], [], []>, transpose_lhs_hint = false} : vector<256x13xf32>, vector<13x1024xf32>, vector<256x1024xf32> -> vector<256x1024xf32>
    %add3A_159 = arith.addf %dot_general3A_153, %dot_general3A_158 : vector<256x1024xf32>
    %get3A_160 = arith.constant 0 : index
    %get3A_161 = arith.constant 0 : index
    %get3A_162 = vector.load %arg8[%get3A_160, %get3A_161] : memref<1x1024xf32, #tpu.memory_space<vmem>>, vector<1x1024xf32>
    %add3A_163 = vector.broadcast %get3A_162 : vector<1x1024xf32> to vector<256x1024xf32>
    %add3A_164 = arith.addf %add3A_159, %add3A_163 : vector<256x1024xf32>
    %max3A = arith.constant 0.000000e+00 : f32
    %max3A_165 = vector.broadcast %max3A : f32 to vector<256x1024xf32>
    %max3A_166 = arith.maximumf %add3A_164, %max3A_165 : vector<256x1024xf32>
    %get3A_167 = arith.constant 0 : index
    %get3A_168 = arith.constant 0 : index
    %get3A_169 = vector.load %arg9[%get3A_167, %get3A_168] : memref<1024x512xbf16, #tpu.memory_space<vmem>>, vector<1024x512xbf16>
    %convert_element_type3A_170 = arith.truncf %max3A_166 : vector<256x1024xf32> to vector<256x1024xbf16>
    %dot_general3A_171 = arith.constant dense<0.000000e+00> : vector<256x512xf32>
    %dot_general3A_172 = tpu.matmul %convert_element_type3A_170, %get3A_169, %dot_general3A_171 {dimension_numbers = #tpu.dot_dimension_numbers<[1], [0], [0], [1], [0, 0, 1, 1], [], []>, transpose_lhs_hint = false} : vector<256x1024xbf16>, vector<1024x512xbf16>, vector<256x512xf32> -> vector<256x512xf32>
    %get3A_173 = arith.constant 0 : index
    %get3A_174 = arith.constant 0 : index
    %get3A_175 = vector.load %arg10[%get3A_173, %get3A_174] : memref<1x512xf32, #tpu.memory_space<vmem>>, vector<1x512xf32>
    %add3A_176 = vector.broadcast %get3A_175 : vector<1x512xf32> to vector<256x512xf32>
    %add3A_177 = arith.addf %dot_general3A_172, %add3A_176 : vector<256x512xf32>
    %max3A_178 = arith.constant 0.000000e+00 : f32
    %max3A_179 = vector.broadcast %max3A_178 : f32 to vector<256x512xf32>
    %max3A_180 = arith.maximumf %add3A_177, %max3A_179 : vector<256x512xf32>
    %get3A_181 = arith.constant 0 : index
    %get3A_182 = arith.constant 0 : index
    %get3A_183 = vector.load %arg11[%get3A_181, %get3A_182] : memref<512x256xbf16, #tpu.memory_space<vmem>>, vector<512x256xbf16>
    %convert_element_type3A_184 = arith.truncf %max3A_180 : vector<256x512xf32> to vector<256x512xbf16>
    %dot_general3A_185 = arith.constant dense<0.000000e+00> : vector<256x256xf32>
    %dot_general3A_186 = tpu.matmul %convert_element_type3A_184, %get3A_183, %dot_general3A_185 {dimension_numbers = #tpu.dot_dimension_numbers<[1], [0], [0], [1], [0, 0, 1, 1], [], []>, transpose_lhs_hint = false} : vector<256x512xbf16>, vector<512x256xbf16>, vector<256x256xf32> -> vector<256x256xf32>
    %get3A_187 = arith.constant 0 : index
    %get3A_188 = arith.constant 0 : index
    %get3A_189 = vector.load %arg12[%get3A_187, %get3A_188] : memref<1x256xf32, #tpu.memory_space<vmem>>, vector<1x256xf32>
    %add3A_190 = vector.broadcast %get3A_189 : vector<1x256xf32> to vector<256x256xf32>
    %add3A_191 = arith.addf %dot_general3A_186, %add3A_190 : vector<256x256xf32>
    %max3A_192 = arith.constant 0.000000e+00 : f32
    %max3A_193 = vector.broadcast %max3A_192 : f32 to vector<256x256xf32>
    %max3A_194 = arith.maximumf %add3A_191, %max3A_193 : vector<256x256xf32>
    %get3A_195 = arith.constant 0 : index
    %get3A_196 = arith.constant 0 : index
    %get3A_197 = vector.load %arg14[%get3A_195, %get3A_196] : memref<1x1xf32, #tpu.memory_space<vmem>>, vector<1x1xf32>
    %mul3A_198 = vector.broadcast %get3A_197 : vector<1x1xf32> to vector<256x1xf32>
    %mul3A_199 = arith.mulf %add3A_148, %mul3A_198 : vector<256x1xf32>
    %get3A_200 = arith.constant 0 : index
    %get3A_201 = arith.constant 0 : index
    %get3A_202 = vector.load %arg13[%get3A_200, %get3A_201] : memref<256x1xf32, #tpu.memory_space<vmem>>, vector<256x1xf32>
    %dot_general3A_203 = arith.constant dense<0.000000e+00> : vector<256x1xf32>
    %dot_general3A_204 = tpu.matmul %max3A_194, %get3A_202, %dot_general3A_203 {dimension_numbers = #tpu.dot_dimension_numbers<[1], [0], [0], [1], [0, 0, 1, 1], [], []>, transpose_lhs_hint = false} : vector<256x256xf32>, vector<256x1xf32>, vector<256x1xf32> -> vector<256x1xf32>
    %add3A_205 = arith.addf %mul3A_199, %dot_general3A_204 : vector<256x1xf32>
    %get3A_206 = arith.constant 0 : index
    %get3A_207 = arith.constant 0 : index
    %get3A_208 = vector.load %arg15[%get3A_206, %get3A_207] : memref<1x1xf32, #tpu.memory_space<vmem>>, vector<1x1xf32>
    %add3A_209 = vector.broadcast %get3A_208 : vector<1x1xf32> to vector<256x1xf32>
    %add3A_210 = arith.addf %add3A_205, %add3A_209 : vector<256x1xf32>
    %neg3A = arith.constant 0.000000e+00 : f32
    %neg3A_211 = vector.broadcast %neg3A : f32 to vector<256x1xf32>
    %neg3A_212 = arith.subf %neg3A_211, %add3A_210 : vector<256x1xf32>
    %exp3A = math.exp %neg3A_212 : vector<256x1xf32>
    %add3A_213 = arith.constant 1.000000e+00 : f32
    %add3A_214 = vector.broadcast %add3A_213 : f32 to vector<256x1xf32>
    %add3A_215 = arith.addf %add3A_214, %exp3A : vector<256x1xf32>
    %div3A = arith.constant 1.000000e+00 : f32
    %div3A_216 = vector.broadcast %div3A : f32 to vector<256x1xf32>
    %div3A_217 = arith.divf %div3A_216, %add3A_215 : vector<256x1xf32>
    %swap3A = arith.constant 0 : index
    %swap3A_218 = arith.constant 0 : index
    %swap3A_219 = vector.load %arg16[%swap3A, %swap3A_218] : memref<256x1xf32, #tpu.memory_space<vmem>>, vector<256x1xf32>
    tpu.vector_store %arg16[%swap3A, %swap3A_218], %div3A_217 {strides = array<i32>} : memref<256x1xf32, #tpu.memory_space<vmem>>, vector<256x1xf32>,
    return
  }
  func.func @transform_0(%arg0: i32) -> (i32, i32, i32) {
    %c0_i32 = arith.constant 0 : i32
    %c0_i32_0 = arith.constant 0 : i32
    %c0_i32_1 = arith.constant 0 : i32
    return %c0_i32, %arg0, %c0_i32_0 : i32, i32, i32
  }
  func.func @transform_1(%arg0: i32) -> (i32, i32) {
    %c0_i32 = arith.constant 0 : i32
    %c0_i32_0 = arith.constant 0 : i32
    return %arg0, %c0_i32 : i32, i32
  }
  func.func @transform_2(%arg0: i32) -> (i32, i32) {
    %c0_i32 = arith.constant 0 : i32
    %c0_i32_0 = arith.constant 0 : i32
    return %arg0, %c0_i32 : i32, i32
  }
  func.func @transform_3(%arg0: i32) -> (i32, i32) {
    %c0_i32 = arith.constant 0 : i32
    %c0_i32_0 = arith.constant 0 : i32
    %c0_i32_1 = arith.constant 0 : i32
    return %c0_i32, %c0_i32_0 : i32, i32
  }
  func.func @transform_4(%arg0: i32) -> (i32, i32) {
    %c0_i32 = arith.constant 0 : i32
    %c0_i32_0 = arith.constant 0 : i32
    %c0_i32_1 = arith.constant 0 : i32
    return %c0_i32, %c0_i32_0 : i32, i32
  }
  func.func @transform_5(%arg0: i32) -> (i32, i32) {
    %c0_i32 = arith.constant 0 : i32
    %c0_i32_0 = arith.constant 0 : i32
    %c0_i32_1 = arith.constant 0 : i32
    return %c0_i32, %c0_i32_0 : i32, i32
  }
  func.func @transform_6(%arg0: i32) -> (i32, i32) {
    %c0_i32 = arith.constant 0 : i32
    %c0_i32_0 = arith.constant 0 : i32
    %c0_i32_1 = arith.constant 0 : i32
    return %c0_i32, %c0_i32_0 : i32, i32
  }
  func.func @transform_7(%arg0: i32) -> (i32, i32) {
    %c0_i32 = arith.constant 0 : i32
    %c0_i32_0 = arith.constant 0 : i32
    %c0_i32_1 = arith.constant 0 : i32
    return %c0_i32, %c0_i32_0 : i32, i32
  }
  func.func @transform_8(%arg0: i32) -> (i32, i32) {
    %c0_i32 = arith.constant 0 : i32
    %c0_i32_0 = arith.constant 0 : i32
    %c0_i32_1 = arith.constant 0 : i32
    return %c0_i32, %c0_i32_0 : i32, i32
  }
  func.func @transform_9(%arg0: i32) -> (i32, i32) {
    %c0_i32 = arith.constant 0 : i32
    %c0_i32_0 = arith.constant 0 : i32
    %c0_i32_1 = arith.constant 0 : i32
    return %c0_i32, %c0_i32_0 : i32, i32
  }
  func.func @transform_10(%arg0: i32) -> (i32, i32) {
    %c0_i32 = arith.constant 0 : i32
    %c0_i32_0 = arith.constant 0 : i32
    %c0_i32_1 = arith.constant 0 : i32
    return %c0_i32, %c0_i32_0 : i32, i32
  }
  func.func @transform_11(%arg0: i32) -> (i32, i32) {
    %c0_i32 = arith.constant 0 : i32
    %c0_i32_0 = arith.constant 0 : i32
    %c0_i32_1 = arith.constant 0 : i32
    return %c0_i32, %c0_i32_0 : i32, i32
  }
  func.func @transform_12(%arg0: i32) -> (i32, i32) {
    %c0_i32 = arith.constant 0 : i32
    %c0_i32_0 = arith.constant 0 : i32
    %c0_i32_1 = arith.constant 0 : i32
    return %c0_i32, %c0_i32_0 : i32, i32
  }
  func.func @transform_13(%arg0: i32) -> (i32, i32) {
    %c0_i32 = arith.constant 0 : i32
    %c0_i32_0 = arith.constant 0 : i32
    %c0_i32_1 = arith.constant 0 : i32
    return %c0_i32, %c0_i32_0 : i32, i32
  }
  func.func @transform_14(%arg0: i32) -> (i32, i32) {
    %c0_i32 = arith.constant 0 : i32
    %c0_i32_0 = arith.constant 0 : i32
    %c0_i32_1 = arith.constant 0 : i32
    return %c0_i32, %c0_i32_0 : i32, i32
  }
  func.func @transform_15(%arg0: i32) -> (i32, i32) {
    %c0_i32 = arith.constant 0 : i32
    %c0_i32_0 = arith.constant 0 : i32
    return %arg0, %c0_i32 : i32, i32
  }
}

</mosaic_0001>

<sc_bundles>
// kernel: kernel.10.cloned.1.call-start
scs
__scs_entry_jumppad:
0x0: {  	(pc) =	sbr.rel $0x88, $3  }
0x1: {  	(tag) =	ssettag $0x0;
	lr =	simm.s32 $0x1  }
0x2: {  	[smem:$0x3F93] =	sst lr;
	_ =	strace $0xD0000000  }
0x3: {  	_ = 	snop  }
0x4: {  	_ = 	snop  }
0x5: {  	_ = 	snop  }
0x6: {  	_ = 	snop  }
0x7: {  	_ = 	snop  }
__scs_overlays_trampoline_lowered:
0x8: {  	[smem:$0x3FA2] =	sst s0  }
0x9: {  	[smem:$0x3FA3] =	sst s1  }
0xa: {  	[smem:$0x3FA4] =	sst s2  }
0xb: {  	[smem:$0x3FA5] =	sst s3  }
0xc: {  	[smem:$0x3FA6] =	sst s4  }
0xd: {  	[smem:$0x3FA7] =	sst s5  }
0xe: {  	[smem:$0x3FA8] =	sst s6  }
0xf: {  	[smem:$0x3FA9] =	sst s7  }
0x10: {  	[smem:$0x3FAA] =	sst s8  }
0x11: {  	[smem:$0x3FAB] =	sst s9;
	s0 =	simm.s32 @!p0 $0x0  }
0x12: {  	s1 =	sld [smem:$0x3F91];
	s0 =	simm.s32 @p0 $0x1  }
0x13: {  	[smem:$0x3FAC] =	sst s0;
	s0 =	simm.s32 @!p1 $0x0  }
0x14: {  	s2 =	sld [smem:$0x3F90];
	s0 =	simm.s32 @p1 $0x1  }
0x15: {  	[smem:$0x3FAD] =	sst s0;
	s0 =	simm.s32 @!p2 $0x0  }
0x16: {  	s3 =	sld [smem:$0x3FDB];
	s0 =	simm.s32 @p2 $0x1  }
0x17: {  	s4 =	simm.s32 $0x1BF5;
	[smem:$0x3FAF] =	sst s0  }
0x18: {  	s0 =	sld [smem:$0x3F92];
	_ =	swait.ge [sflag:s4], $0x0  }
0x19: {  	s7 =	sld [smem:$0x3F93]  }
0x1a: {  	s8 =	sadd.s32 $0xFFFFE003, lr  }
0x1b: {  	s9 =	sadd.s32 $0xFFFFFEF7, lr;
	s5 =	simm.s32 $0xFFFFFFFF;
	p2 =	slt.u32 s8, $0xFFFFF086  }
0x1c: {  	p1 =	slt.u32 s9, $0xF7A;
	s5 =	simm.s32 @!p2 $0x0  }
0x1d: {  	s5 =	simm.s32 @p1 $0x1;
	p0 =	seq.s32 s7, s2  }
0x1e: {  	s7 =	smul.u32 @!p0 $0xF7A, s2;
	p2 =	seq.s32 @!p0 s5, $0x0  }
0x1f: {  	s9 =	smul.u32 $0xF7A, s1;
	s8 =	simm.s32 @!p0 $0x1BF5;
	p2 =	por !p2, p0  }
0x20: {  	[sflag:s8] =	ssyncset.s32 @!p0 $0xFFFFF086;
	s6 =	sadd.s32 @!p0 s3, s7;
	s7 =	simm.s32 @!p0 $0x108  }
0x21: {  	s3 =	sadd.s32 s3, s9;
	s6 =	sadd.s32 @!p0 $0x88, s6;
	s7 =	simm.s32 @p2 $0x1082  }
0x22: {  	[simem:s7], [sflag:s8] =	dma.local @!p0 [hbm:s6], $0xF7A  }
0x23: {  	s9 =	sor.u32 $0xD0000000, s2;
	s6 =	simm.s32 $0x108;
	_ =	swait.ge @!p0 [sflag:s8], $0x0  }
0x24: {  	s3 =	sadd.s32 $0x88, s3;
	s6 =	simm.s32 @!p1 $0x1082;
	[sflag:s4] =	ssyncset.s32 $0xFFFFF086  }
0x25: {  	[simem:s6], [sflag:s4] =	dma.local [hbm:s3], $0xF7A  }
0x26: {  	[smem:$0x3F93] =	sst s1;
	(tag) =	ssettag s2;
	_ =	strace s9  }
0x27: {  	s1 =	sld [smem:$0x3FA3]  }
0x28: {  	s2 =	sld [smem:$0x3FA4]  }
0x29: {  	s4 =	sld [smem:$0x3FA6]  }
0x2a: {  	p0 =	seq.s32 s5, $0x0;
	s5 =	sld [smem:$0x3FA7]  }
0x2b: {  	s6 =	sld [smem:$0x3FA8]  }
0x2c: {  	s7 =	sld [smem:$0x3FA9]  }
0x2d: {  	s3 =	simm.s32 $0x108;
	s8 =	sld [smem:$0x3FAA]  }
0x2e: {  	s3 =	simm.s32 @!p0 $0x1082;
	s9 =	sld [smem:$0x3FAB]  }
0x2f: {  	lr =	sadd.s32 s0, s3;
	s0 =	sld [smem:$0x3FA2]  }
0x30: {  	s3 =	sld [smem:$0x3FA5]  }
0x31: {  	[smem:$0x3FAE] =	sst s10  }
0x32: {  	s10 =	sld [smem:$0x3FAC];
	_ =	sdelay $0x3  }
0x33: {  	p0 =	seq.s32 s10, $0x1;
	s10 =	sld [smem:$0x3FAE];
	_ =	sdelay $0x3  }
0x34: {  	[smem:$0x3FAE] =	sst s10  }
0x35: {  	s10 =	sld [smem:$0x3FAD];
	_ =	sdelay $0x3  }
0x36: {  	p1 =	seq.s32 s10, $0x1;
	s10 =	sld [smem:$0x3FAE];
	_ =	sdelay $0x3  }
0x37: {  	[smem:$0x3FAE] =	sst s10  }
0x38: {  	s10 =	sld [smem:$0x3FAF]  }
0x39: {  	_ = 	snop;
	(pc) =	sbr.ind lr, $3  }
0x3a: {  	_ = 	snop  }
0x3b: {  	_ = 	snop  }
0x3c: {  	p2 =	seq.s32 s10, $0x1;
	s10 =	sld [smem:$0x3FAE]  }
0x3d: {  	_ =	shalt  }
0x3e: {  	_ =	shalt  }
0x3f: {  	_ =	shalt  }
0x40: {  	_ =	shalt  }
0x41: {  	_ =	shalt  }
0x42: {  	_ =	shalt  }
0x43: {  	_ =	shalt  }
0x44: {  	_ =	shalt  }
0x45: {  	_ =	shalt  }
0x46: {  	_ =	shalt  }
0x47: {  	_ =	shalt  }
0x48: {  	_ =	shalt  }
0x49: {  	_ =	shalt  }
0x4a: {  	_ =	shalt  }
0x4b: {  	_ =	shalt  }
0x4c: {  	_ =	shalt  }
0x4d: {  	_ =	shalt  }
0x4e: {  	_ =	shalt  }
0x4f: {  	_ =	shalt  }
0x50: {  	_ =	shalt  }
0x51: {  	_ =	shalt  }
0x52: {  	_ =	shalt  }
0x53: {  	_ =	shalt  }
0x54: {  	_ =	shalt  }
0x55: {  	_ =	shalt  }
0x56: {  	_ =	shalt  }
0x57: {  	_ =	shalt  }
0x58: {  	_ =	shalt  }
0x59: {  	_ =	shalt  }
0x5a: {  	_ =	shalt  }
0x5b: {  	_ =	shalt  }
0x5c: {  	_ =	shalt  }
0x5d: {  	_ =	shalt  }
0x5e: {  	_ =	shalt  }
0x5f: {  	_ =	shalt  }
0x60: {  	_ =	shalt  }
0x61: {  	_ =	shalt  }
0x62: {  	_ =	shalt  }
0x63: {  	_ =	shalt  }
0x64: {  	_ =	shalt  }
0x65: {  	_ =	shalt  }
0x66: {  	_ =	shalt  }
0x67: {  	_ =	shalt  }
0x68: {  	_ =	shalt  }
0x69: {  	_ =	shalt  }
0x6a: {  	_ =	shalt  }
0x6b: {  	_ =	shalt  }
0x6c: {  	_ =	shalt  }
0x6d: {  	_ =	shalt  }
0x6e: {  	_ =	shalt  }
0x6f: {  	_ =	shalt  }
0x70: {  	_ =	shalt  }
0x71: {  	_ =	shalt  }
0x72: {  	_ =	shalt  }
0x73: {  	_ =	shalt  }
0x74: {  	_ =	shalt  }
0x75: {  	_ =	shalt  }
0x76: {  	_ =	shalt  }
0x77: {  	_ =	shalt  }
0x78: {  	_ =	shalt  }
0x79: {  	_ =	shalt  }
0x7a: {  	_ =	shalt  }
0x7b: {  	_ =	shalt  }
0x7c: {  	_ =	shalt  }
0x7d: {  	_ =	shalt  }
0x7e: {  	_ =	shalt  }
0x7f: {  	_ =	shalt  }
0x80: {  	_ =	shalt  }
0x81: {  	_ =	shalt  }
0x82: {  	_ =	shalt  }
0x83: {  	_ =	shalt  }
0x84: {  	_ =	shalt  }
0x85: {  	_ =	shalt  }
0x86: {  	_ =	shalt  }
0x87: {  	_ =	shalt  }
.Lfunc_end0:
.L_simem_size_0:
called_computation_lowered:
.L_overlay_start_0:
0x88: {  	s2 =	sld [smem:$0x3FD9]  }
0x89: {  	s3 =	sld [smem:$0x3FFE];
	_ =	sdelay $0x1  }
0x8a: {  	s1 =	srdreg.scid  }
0x8b: {  	s0 =	sand.u32 $0x1, s1  }
0x8c: {  	s16 =	sshll.u32 s0, $0xA;
	s2 =	sadd.s32 s3, s2  }
0x8d: {  	s2 =	sadd.s32 s2, s16  }
0x8e: {  	[smem:$0x3FBA] =	sst s2  }
0x8f: {  	_ = 	snop  }
0x90: {  	(tm) =	ssettm $0x1  }
0x91: {  	s17 =	sld [smem:$0x3FFB];
	_ =	sdelay $0x3  }
0x92: {  	_ =	strace s17  }
0x93: {  	s2 =	sld [smem:$0x3FFC];
	_ =	sdelay $0x3  }
0x94: {  	_ =	strace s2  }
0x95: {  	s2 =	sld [smem:$0x3FFD];
	_ =	sdelay $0x3  }
0x96: {  	_ =	strace s2  }
0x97: {  	_ =	strace $0x8FFFFFFF  }
0x98: {  	s18 =	sld [smem:$0x3FDB];
	_ =	sdelay $0x1  }
0x99: {  	s19 =	simm.s32 $_scs_section_size  }
0x9a: {  	s4 =	simm.s32 $_size__tile_overlayer_lowered;
	s5 =	simm.s32 $_tile_overlayer_lowered  }
0x9b: {  	s22 =	simm.s32 $0x1BFF;
	s21 =	sshll.u32 s5, $0x1;
	s2 =	sadd.s32 s19, s18  }
0x9c: {  	s6 =	simm.s32 $0x0;
	s20 =	sshll.u32 s4, $0x1;
	s4 =	sadd.s32 s21, s2  }
0x9d: {  	[timem:s6], [sflag:s22] =	dma.local [hbm:s4], s20  }
0x9e: {  	_ =	swait.ge [sflag:s22], s20  }
0x9f: {  	s3 =	ssub.s32 $0x0, s20;
	[sflag:s22] =	ssyncset.done $0x0  }
0xa0: {  	[sflag:s22] =	ssyncadd.s32 s3;
	_ =	sdelay $0x1  }
0xa1: {  	s23 =	simm.s32 $0x1B8B  }
0xa2: {  	_ =	swait.ge [sflag:s23], $0x1  }
0xa3: {  	[sflag:s23] =	ssyncset.done $0x0  }
0xa4: {  	s25 =	simm.s32 $0x1B8E;
	s24 =	sld [smem:$0x3FFE];
	[sflag:s23] =	ssyncadd.s32 $0xFFFFFFFF  }
0xa5: {  	s26 =	simm.s32 $execute0_lowered;
	[smem:$0x3FD2] =	sst s25  }
0xa6: {  	s4 =	sshll.u32 s26, $0x1;
	_ =	strace $0x80000046;
	[dreg:$0x1] =	wrdreg $0xFFFFFFFF  }
0xa7: {  	s28 =	simm.s32 $_size_execute0_lowered;
	s2 =	sadd.s32 s2, s4;
	[dreg:$0x0] =	wrdreg $0x0  }
0xa8: {  	s4 =	sshll.u32 s28, $0x1;
	[dreg:$0x2] =	wrdreg s2  }
0xa9: {  	[dreg:$0x3] =	wrdreg s4  }
0xaa: {  	[dreg:$0x4] =	wrdreg $0xC0  }
0xab: {  	_ =	task [dreg:s6], $0x5FFFF  }
0xac: {  	[dreg:$0x1] =	wrdreg $0xFFFFFFFF  }
0xad: {  	[dreg:$0x0] =	wrdreg $0x60  }
0xae: {  	[dreg:$0x2] =	wrdreg s24  }
0xaf: {  	[dreg:$0x3] =	wrdreg $0x9  }
0xb0: {  	_ =	task.clear_ibuf [dreg:s6], $0x4FFFF;
	_ =	strace $0x90000046  }
0xb1: {  	s29 =	simm.s32 $0x9;
	_ =	strace $0x80000048  }
0xb2: {  	_ =	swait.ge [sflag:s29], $0x1  }
0xb3: {  	[sflag:s29] =	ssyncadd.s32 $0xFFFFFFFF  }
0xb4: {  	_ =	strace $0x90000048  }
0xb5: {  	_ =	sfence  }
0xb6: {  	s30 =	sld [smem:$0x0];
	_ =	sdelay $0x2  }
0xb7: {  	s31 =	sshll.u32 s1, $0xD;
	s1 =	sshrl.u32 s1, $0x2  }
0xb8: {  	s3 =	sand.u32 $0x4000, s31;
	s1 =	sadd.s32 s1, s30  }
0xb9: {  	s0 =	sor.u32 s3, s0;
	s1 =	sshll.u32 s1, $0x11  }
0xba: {  	s0 =	sor.u32 s1, s0  }
0xbb: {  	s0 =	sadd.s32 $0x8F2B, s0  }
0xbc: {  	[sflag:s0] =	ssyncadd.remote.s32 $0x1  }
0xbd: {  	_ =	sfence.sel $0xFFFF  }
0xbe: {  	[dreg:$0x0] =	wrdreg $0xFFFFFFFF;
	(pc) =	sbr.abs _section_cstart, $3  }
0xbf: {  	[dreg:$0x1] =	wrdreg $0xFFFFFFFF  }
0xc0: {  	_ =	task.clear_ibuf [dreg:s6], $0x2FFFF;
	_ =	strace $0x9FFFFFFF  }
0xc1: {  	(tm) =	ssettm $0x7FFFFFFF  }
tec
execute0_lowered:
.L_overlay_start_1:
0x0: {  	(tag) =	ssettag $0x1  }
0x1: {  	s1 =	srdreg.scid;
	s0 =	stileid.u32  }
0x2: {  	s5 =	rddreg [dreg:$0x0];
	s2 =	simm.s32 $0x0;
	s11 =	simm.s32 $0xD00  }
0x3: {  	s12 =	simm.s32 $0xCD00;
	s13 =	simm.s32 $0x4D00;
	s14 =	simm.s32 $0xCD80  }
0x4: {  	s15 =	simm.s32 $0x9;
	s16 =	simm.s32 $0x7;
	s17 =	simm.s32 $0x8  }
0x5: {  	s18 =	simm.s32 $0xCE80;
	s6 =	sand.u32 $0x1, s1;
	s1 =	rddreg [dreg:$0x1]  }
0x6: {  	s19 =	simm.s32 $0x0;
	s3 =	sshll.u32 s0, $0x1;
	[smem:$0x7FF] =	sst s2  }
0x7: {  	s4 =	sadd.s32 $0x4400, s5;
	s9 =	sshll.u32 s0, $0xC;
	s7 =	sor.u32 s6, s3  }
0x8: {  	_ =	strace $0x80000047;
	s10 =	ssub.s32 $0x2, s6;
	s9 =	sadd.s32 s9, s5  }
0x9: {  	s3 =	smul.u32 $0x1A0, s7;
	s7 =	sshll.u32 s7, $0x4;
	s30 =	sshrl.u32 s10, $0x1  }
0xa: {  	s31 =	sshll.u32 s6, $0xB;
	s7 =	sadd.s32 s7, s5;
	s10 =	ssub.s32 s10, s30  }
0xb: {  	s8 =	sadd.s32 s3, s5;
	s3 =	sadd.s32 $0x77000, s5;
	s6 =	sadd.s32 $0x77E00, s7  }
0xc: {  	s7 =	smax.u32 s10, $0x1;
	s5 =	sadd.s32 $0x6A000, s8;
	s8 =	sadd.s32 s31, s9  }
0xd: {  	v0 =	vimm.f32 $0.0e+00;
	s10 =	simm.s32 $0x80;
	s9 =	simm.s32 $0xA;
	s8 =	sadd.s32 $0x78000, s8  }
.LBB2_1:
0xe: {  	[tilespmem:s2], [sflag:$0xA] =	stream.linear.gather [hbm4b:s5+s2], $0xD00, $0x38;
	[tilespmem:$0xCF00] =	vst v63  }
0xf: {  	_ =	swait.ge [sflag:s9], $0xD00  }
0x10: {  	[sflag:s9] =	ssyncset.done $0x0  }
0x11: {  	[sflag:s9] =	ssyncadd.s32 $0xFFFFF300  }
0x12: {  	[tilespmem:$0xCE80] =	vst v0  }
0x13: {  	[tilespmem:$0xCE90] =	vst v0  }
0x14: {  	[tilespmem:$0xCEA0] =	vst v0  }
0x15: {  	s20 =	smul.u32 $0xAB, s2;
	[tilespmem:$0xCEB0] =	vst v0  }
0x16: {  	[tilespmem:$0xCEC0] =	vst v0  }
0x17: {  	s21 =	simm.s32 $0x2;
	p0 =	por $0x0, $0x0;
	s20 =	sshrl.u32 s20, $0x9;
	[tilespmem:$0xCED0] =	vst v0  }
0x18: {  	s21 =	smul.u32 @!p0 $0xAB, s21;
	s20 =	sand.u32 $0x7F, s20;
	[tilespmem:$0xCEE0] =	vst v0  }
0x19: {  	[tilespmem:$0xCEF0] =	vst v0;
	s20 =	smul.u32 $0x3, s20  }
0x1a: {  	[tilespmem:s11], [sflag:$0x1] =	stream.indirect.gather [hbm4b:s4+s10], $0x80, s2, s10, $0xb8;
	[tilespmem:$0xCF00] =	vst v63  }
0x1b: {  	s21 =	sshrl.u32 @!p0 s21, $0x9;
	s20 =	ssub.s32 $0x0, s20  }
0x1c: {  	[tilespmem:s12], [sflag:$0x4] =	stream.indirect.gather [hbm4b:s3+s10], $0x1, s2, s10, $0xb8;
	[tilespmem:$0xCF00] =	vst v63  }
0x1d: {  	p1 =	por @!p0 $0x1, $0x1;
	s21 =	sand.u32 @!p0 $0x7F, s21;
	s20 =	sand.u32 $0xFF, s20  }
0x1e: {  	[tilespmem:s13], [sflag:$0x2] =	stream.indirect.gather [hbm4b:s4+s10], $0x80, s10, s10, $0xb8;
	[tilespmem:$0xCF00] =	vst v63  }
0x1f: {  	p1 =	por p1, p0;
	s21 =	smul.u32 @!p0 $0x3, s21;
	s22 =	sadd.s32 $0x1, s20  }
0x20: {  	[tilespmem:s14], [sflag:$0x5] =	stream.indirect.gather [hbm4b:s3+s10], $0x1, s10, s10, $0xb8;
	[tilespmem:$0xCF00] =	vst v63  }
0x21: {  	s21 =	ssub.s32 @!p0 $0x2, s21;
	s23 =	sshll.u32 s20, $0xE;
	_ =	swait.ge [sflag:s22], $0x4000  }
0x22: {  	s24 =	sadd.s32 $0x7, s20;
	s21 =	sand.u32 @!p0 $0xFF, s21;
	[sflag:s22] =	ssyncset.done $0x0  }
0x23: {  	s23 =	sor.u32 $0xD00, s23;
	[sflag:s22] =	ssyncadd.s32 $0xFFFFC000;
	s22 =	sadd.s32 @!p1 $0x7, s21  }
0x24: {  	[hbm4b:s8+s2] =	stream.linear.scatter [tilespmem:s23], [sflag:s24], $0x4000, $0x38;
	[tilespmem:$0xCF00] =	vst v63  }
0x25: {  	s26 =	simm.s32 @!p0 $0x80;
	s25 =	sshll.u32 @!p0 s21, $0x7;
	_ =	swait.ge @!p1 [sflag:s22], $0x4000  }
0x26: {  	s23 =	simm.s32 $0x100;
	s24 =	sshll.u32 @!p0 s21, $0xE;
	[sflag:s22] =	ssyncset.done @!p1 $0x0  }
0x27: {  	[sflag:s22] =	ssyncadd.s32 @!p1 $0xFFFFC000;
	s22 =	sor.u32 @!p0 $0xD00, s24;
	s24 =	sadd.s32 @!p0 $0x1, s21  }
0x28: {  	[tilespmem:s22], [sflag:s24] =	stream.indirect.gather @!p0 [hbm4b:s4+s26], $0x80, s23, s26, $0xb8;
	[tilespmem:$0xCF00] =	vst v63  }
0x29: {  	s30 =	sadd.s32 $0x4, s20;
	s21 =	sadd.s32 @!p0 $0x4, s21;
	s22 =	sadd.s32 @!p0 $0xCD00, s25  }
0x2a: {  	[tilespmem:s22], [sflag:s21] =	stream.indirect.gather @!p0 [hbm4b:s3+s26], $0x1, s23, s26, $0xb8;
	[tilespmem:$0xCF00] =	vst v63  }
0x2b: {  	_ =	swait.ge [sflag:s30], $0x80  }
0x2c: {  	[sflag:s30] =	ssyncset.done $0x0  }
0x2d: {  	[sflag:s30] =	ssyncadd.s32 $0xFFFFFF80  }
0x2e: {  	s20 =	sshll.u32 s20, $0x7;
	v1 =	vld [tilespmem:$0xCE80]  }
0x2f: {  	v2 =	vld [tilespmem:s20+$0xCD00];
	_ =	sdelay $0x4  }
0x30: {  	v1 =	vadd.f32 v2, v1;
	_ =	sdelay $0x1  }
0x31: {  	v2 =	vld [tilespmem:$0xCE90];
	[tilespmem:$0xCE80] =	vst v1  }
0x32: {  	v1 =	vld [tilespmem:s20+$0xCD10];
	_ =	sdelay $0x4  }
0x33: {  	v1 =	vadd.f32 v1, v2;
	_ =	sdelay $0x1  }
0x34: {  	v2 =	vld [tilespmem:$0xCEA0];
	[tilespmem:$0xCE90] =	vst v1  }
0x35: {  	v1 =	vld [tilespmem:s20+$0xCD20];
	_ =	sdelay $0x4  }
0x36: {  	v1 =	vadd.f32 v1, v2;
	_ =	sdelay $0x1  }
0x37: {  	v2 =	vld [tilespmem:$0xCEB0];
	[tilespmem:$0xCEA0] =	vst v1  }
0x38: {  	v1 =	vld [tilespmem:s20+$0xCD30];
	_ =	sdelay $0x4  }
0x39: {  	v1 =	vadd.f32 v1, v2;
	_ =	sdelay $0x1  }
0x3a: {  	v2 =	vld [tilespmem:$0xCEC0];
	[tilespmem:$0xCEB0] =	vst v1  }
0x3b: {  	v1 =	vld [tilespmem:s20+$0xCD40];
	_ =	sdelay $0x4  }
0x3c: {  	v1 =	vadd.f32 v1, v2;
	_ =	sdelay $0x1  }
0x3d: {  	v2 =	vld [tilespmem:$0xCED0];
	[tilespmem:$0xCEC0] =	vst v1  }
0x3e: {  	v1 =	vld [tilespmem:s20+$0xCD50];
	_ =	sdelay $0x4  }
0x3f: {  	v1 =	vadd.f32 v1, v2;
	_ =	sdelay $0x1  }
0x40: {  	v2 =	vld [tilespmem:$0xCEE0];
	[tilespmem:$0xCED0] =	vst v1  }
0x41: {  	v1 =	vld [tilespmem:s20+$0xCD60];
	_ =	sdelay $0x1  }
0x42: {  	s31 =	simm.s32 $0x1  }
0x43: {  	s21 =	smul.u32 $0xAB, s31;
	_ =	sdelay $0x1  }
0x44: {  	s21 =	sshrl.u32 s21, $0x9;
	v2 =	vadd.f32 v1, v2  }
0x45: {  	s21 =	sand.u32 $0x7F, s21  }
0x46: {  	p1 =	por $0x0, $0x0;
	s25 =	simm.s32 $0x3;
	s21 =	smul.u32 $0x3, s21;
	v1 =	vld [tilespmem:$0xCEF0];
	[tilespmem:$0xCEE0] =	vst v2  }
0x47: {  	p2 =	por @!p1 $0x0, $0x0;
	s24 =	smul.u32 @!p1 $0xAB, s25;
	s22 =	simm.s32 $0x2;
	v2 =	vld [tilespmem:s20+$0xCD70]  }
0x48: {  	s23 =	ssub.s32 $0x1, s21;
	s21 =	sadd.s32 $0x10000, s8;
	s20 =	simm.s32 $0x180  }
.LBB2_2:
0x49: {  	s26 =	sand.u32 $0xFF, s23  }
0x4a: {  	s24 =	sshrl.u32 @!p1 s24, $0x9;
	s23 =	smov.u32 s22;
	s22 =	sadd.s32 $0x1, s22  }
0x4b: {  	s28 =	sadd.s32 $0x1, s26;
	s29 =	sshll.u32 s26, $0xE;
	s24 =	sand.u32 @!p1 $0x7F, s24  }
0x4c: {  	p0 =	sne.s32 s22, $0x1A;
	s24 =	smul.u32 @!p1 $0x3, s24;
	v1 =	vadd.f32 v2, v1;
	_ =	sdelay $0x1  }
0x4d: {  	s30 =	sadd.s32 $0x7, s26;
	s29 =	sor.u32 $0xD00, s29;
	[tilespmem:$0xCEF0] =	vst v1  }
0x4e: {  	s24 =	ssub.s32 @!p1 s25, s24;
	_ =	swait.ge [sflag:s28], $0x4000  }
0x4f: {  	p2 =	por p2, p1;
	s24 =	sand.u32 @!p1 $0xFF, s24;
	[sflag:s28] =	ssyncset.done $0x0  }
0x50: {  	s25 =	sadd.s32 @!p2 $0x7, s24;
	[sflag:s28] =	ssyncadd.s32 $0xFFFFC000;
	s28 =	sshll.u32 @!p1 s24, $0xE  }
0x51: {  	[hbm4b:s21+s2] =	stream.linear.scatter [tilespmem:s29], [sflag:s30], $0x4000, $0x38;
	[tilespmem:$0xCF00] =	vst v63  }
0x52: {  	s29 =	sshll.u32 @!p1 s24, $0x7;
	_ =	swait.ge @!p2 [sflag:s25], $0x4000  }
0x53: {  	s30 =	simm.s32 @!p1 $0x80;
	[sflag:s25] =	ssyncset.done @!p2 $0x0  }
0x54: {  	[sflag:s25] =	ssyncadd.s32 @!p2 $0xFFFFC000;
	s25 =	sor.u32 @!p1 $0xD00, s28;
	s28 =	sadd.s32 @!p1 $0x1, s24  }
0x55: {  	[tilespmem:s25], [sflag:s28] =	stream.indirect.gather @!p1 [hbm4b:s4+s30], $0x80, s20, s30, $0xb8;
	[tilespmem:$0xCF00] =	vst v63  }
0x56: {  	s24 =	sadd.s32 @!p1 $0x4, s24;
	s25 =	sadd.s32 @!p1 $0xCD00, s29;
	s28 =	sadd.s32 $0x4, s26  }
0x57: {  	[tilespmem:s25], [sflag:s24] =	stream.indirect.gather @!p1 [hbm4b:s3+s30], $0x1, s20, s30, $0xb8;
	[tilespmem:$0xCF00] =	vst v63  }
0x58: {  	_ =	swait.ge [sflag:s28], $0x80  }
0x59: {  	[sflag:s28] =	ssyncset.done $0x0  }
0x5a: {  	s24 =	sshll.u32 s26, $0x7;
	[sflag:s28] =	ssyncadd.s32 $0xFFFFFF80  }
0x5b: {  	v1 =	vld [tilespmem:$0xCE80]  }
0x5c: {  	v2 =	vld [tilespmem:s24+$0xCD00]  }
0x5d: {  	v3 =	vld [tilespmem:$0xCE90]  }
0x5e: {  	v4 =	vld [tilespmem:$0xCEA0]  }
0x5f: {  	v5 =	vld [tilespmem:$0xCEB0]  }
0x60: {  	v6 =	vld [tilespmem:$0xCEC0]  }
0x61: {  	v1 =	vadd.f32 v2, v1;
	v2 =	vld [tilespmem:$0xCED0]  }
0x62: {  	v7 =	vld [tilespmem:$0xCEE0]  }
0x63: {  	[tilespmem:$0xCE80] =	vst v1;
	v1 =	vld [tilespmem:$0xCEF0]  }
0x64: {  	v8 =	vld [tilespmem:s24+$0xCD10];
	_ =	sdelay $0x4  }
0x65: {  	v3 =	vadd.f32 v8, v3;
	_ =	sdelay $0x1  }
0x66: {  	[tilespmem:$0xCE90] =	vst v3  }
0x67: {  	v3 =	vld [tilespmem:s24+$0xCD20];
	_ =	sdelay $0x4  }
0x68: {  	v3 =	vadd.f32 v3, v4;
	_ =	sdelay $0x1  }
0x69: {  	[tilespmem:$0xCEA0] =	vst v3  }
0x6a: {  	v3 =	vld [tilespmem:s24+$0xCD30];
	_ =	sdelay $0x4  }
0x6b: {  	v3 =	vadd.f32 v3, v5;
	_ =	sdelay $0x1  }
0x6c: {  	[tilespmem:$0xCEB0] =	vst v3  }
0x6d: {  	v3 =	vld [tilespmem:s24+$0xCD40];
	_ =	sdelay $0x4  }
0x6e: {  	v3 =	vadd.f32 v3, v6;
	_ =	sdelay $0x1  }
0x6f: {  	[tilespmem:$0xCEC0] =	vst v3  }
0x70: {  	v3 =	vld [tilespmem:s24+$0xCD50];
	_ =	sdelay $0x4  }
0x71: {  	v2 =	vadd.f32 v3, v2;
	_ =	sdelay $0x1  }
0x72: {  	[tilespmem:$0xCED0] =	vst v2  }
0x73: {  	v2 =	vld [tilespmem:s24+$0xCD60];
	_ =	sdelay $0x3  }
0x74: {  	s25 =	smul.u32 $0xAB, s23  }
0x75: {  	v2 =	vadd.f32 v2, v7  }
.Ltmp0:
0x76: {  	s25 =	sshrl.u32 s25, $0x9;
	(pc) =	sbr.rel @p0 .LBB2_2-.Ltmp0, $4  }
0x77: {  	s26 =	sand.u32 $0x7F, s25;
	s25 =	sadd.s32 $0x2, s23;
	[tilespmem:$0xCEE0] =	vst v2  }
0x78: {  	p1 =	sgt.u32 s23, $0x17;
	s26 =	smul.u32 $0x3, s26;
	v2 =	vld [tilespmem:s24+$0xCD70]  }
0x79: {  	p2 =	seq.s32 @!p1 s23, $0x0;
	s24 =	smul.u32 @!p1 $0xAB, s25  }
0x7a: {  	s21 =	sadd.s32 $0x10000, s21;
	s20 =	sadd.s32 $0x80, s20;
	s23 =	ssub.s32 s23, s26  }
0x7b: {  	_ = 	snop  }
0x7c: {  	s22 =	sshrl.u32 @!p1 s24, $0x9  }
0x7d: {  	s22 =	sand.u32 @!p1 $0x7F, s22;
	v1 =	vadd.f32 v2, v1  }
0x7e: {  	s23 =	sand.u32 $0xFF, s23;
	s22 =	smul.u32 @!p1 $0x3, s22  }
0x7f: {  	p0 =	por p2, p1;
	s31 =	sadd.s32 $0x1, s23;
	[tilespmem:$0xCEF0] =	vst v1  }
0x80: {  	s26 =	sshll.u32 s23, $0xE;
	s22 =	ssub.s32 @!p1 s25, s22;
	_ =	swait.ge [sflag:s31], $0x4000  }
0x81: {  	s28 =	sadd.s32 $0x7, s23;
	s22 =	sand.u32 @!p1 $0xFF, s22;
	[sflag:s31] =	ssyncset.done $0x0  }
0x82: {  	s29 =	sor.u32 $0xD00, s26;
	s24 =	sadd.s32 @!p0 $0x7, s22;
	[sflag:s31] =	ssyncadd.s32 $0xFFFFC000  }
0x83: {  	[hbm4b:s21+s2] =	stream.linear.scatter [tilespmem:s29], [sflag:s28], $0x4000, $0x38;
	[tilespmem:$0xCF00] =	vst v63  }
0x84: {  	s26 =	simm.s32 @!p1 $0x80;
	_ =	swait.ge @!p0 [sflag:s24], $0x4000  }
0x85: {  	s25 =	sshll.u32 @!p1 s22, $0x7;
	s21 =	sshll.u32 @!p1 s22, $0xE;
	[sflag:s24] =	ssyncset.done @!p0 $0x0  }
0x86: {  	s21 =	sor.u32 @!p1 $0xD00, s21;
	[sflag:s24] =	ssyncadd.s32 @!p0 $0xFFFFC000;
	s24 =	sadd.s32 @!p1 $0x1, s22  }
0x87: {  	[tilespmem:s21], [sflag:s24] =	stream.indirect.gather @!p1 [hbm4b:s4+s26], $0x80, s20, s26, $0xb8;
	[tilespmem:$0xCF00] =	vst v63  }
0x88: {  	s30 =	sadd.s32 $0x4, s23;
	s22 =	sadd.s32 @!p1 $0x4, s22;
	s21 =	sadd.s32 @!p1 $0xCD00, s25  }
0x89: {  	[tilespmem:s21], [sflag:s22] =	stream.indirect.gather @!p1 [hbm4b:s3+s26], $0x1, s20, s26, $0xb8;
	[tilespmem:$0xCF00] =	vst v63  }
0x8a: {  	_ =	swait.ge [sflag:s30], $0x80  }
0x8b: {  	[sflag:s30] =	ssyncset.done $0x0  }
0x8c: {  	[sflag:s30] =	ssyncadd.s32 $0xFFFFFF80  }
0x8d: {  	s31 =	sshll.u32 s23, $0x7;
	v1 =	vld [tilespmem:$0xCE80]  }
0x8e: {  	v2 =	vld [tilespmem:s31+$0xCD00];
	_ =	sdelay $0x4  }
0x8f: {  	v1 =	vadd.f32 v2, v1;
	_ =	sdelay $0x1  }
0x90: {  	v2 =	vld [tilespmem:$0xCE90];
	[tilespmem:$0xCE80] =	vst v1  }
0x91: {  	v1 =	vld [tilespmem:s31+$0xCD10];
	_ =	sdelay $0x4  }
0x92: {  	v1 =	vadd.f32 v1, v2;
	_ =	sdelay $0x1  }
0x93: {  	v2 =	vld [tilespmem:$0xCEA0];
	[tilespmem:$0xCE90] =	vst v1  }
0x94: {  	v1 =	vld [tilespmem:s31+$0xCD20];
	_ =	sdelay $0x4  }
0x95: {  	v1 =	vadd.f32 v1, v2;
	_ =	sdelay $0x1  }
0x96: {  	v2 =	vld [tilespmem:$0xCEB0];
	[tilespmem:$0xCEA0] =	vst v1  }
0x97: {  	v1 =	vld [tilespmem:s31+$0xCD30];
	_ =	sdelay $0x4  }
0x98: {  	v1 =	vadd.f32 v1, v2;
	_ =	sdelay $0x1  }
0x99: {  	v2 =	vld [tilespmem:$0xCEC0];
	[tilespmem:$0xCEB0] =	vst v1  }
0x9a: {  	v1 =	vld [tilespmem:s31+$0xCD40];
	_ =	sdelay $0x4  }
0x9b: {  	v1 =	vadd.f32 v1, v2;
	_ =	sdelay $0x1  }
0x9c: {  	v2 =	vld [tilespmem:$0xCED0];
	[tilespmem:$0xCEC0] =	vst v1  }
0x9d: {  	v1 =	vld [tilespmem:s31+$0xCD50];
	_ =	sdelay $0x4  }
0x9e: {  	v1 =	vadd.f32 v1, v2;
	_ =	sdelay $0x1  }
0x9f: {  	v2 =	vld [tilespmem:$0xCEE0];
	[tilespmem:$0xCED0] =	vst v1  }
0xa0: {  	v1 =	vld [tilespmem:s31+$0xCD60];
	_ =	sdelay $0x4  }
0xa1: {  	v1 =	vadd.f32 v1, v2;
	_ =	sdelay $0x1  }
0xa2: {  	v2 =	vld [tilespmem:$0xCEF0];
	[tilespmem:$0xCEE0] =	vst v1  }
0xa3: {  	v1 =	vld [tilespmem:s31+$0xCD70];
	_ =	sdelay $0x4  }
0xa4: {  	v1 =	vadd.f32 v1, v2;
	_ =	sdelay $0x1  }
0xa5: {  	[tilespmem:$0xCEF0] =	vst v1  }
0xa6: {  	_ =	swait.ge [sflag:s15], $0x4000  }
0xa7: {  	[sflag:s15] =	ssyncset.done $0x0  }
0xa8: {  	[sflag:s15] =	ssyncadd.s32 $0xFFFFC000  }
0xa9: {  	_ =	swait.ge [sflag:s16], $0x4000  }
0xaa: {  	[sflag:s16] =	ssyncset.done $0x0  }
0xab: {  	[sflag:s16] =	ssyncadd.s32 $0xFFFFC000  }
0xac: {  	s19 =	sadd.s32 $0x1, s19;
	_ =	swait.ge [sflag:s17], $0x4000  }
0xad: {  	p0 =	sne.s32 s19, s7;
	[sflag:s17] =	ssyncset.done $0x0  }
.Ltmp1:
0xae: {  	[sflag:s17] =	ssyncadd.s32 $0xFFFFC000;
	(pc) =	sbr.rel @p0 .LBB2_1-.Ltmp1, $4  }
0xaf: {  	[hbm4b:s6+s2] =	stream.linear.scatter [tilespmem:s18], [sflag:$0xA], $0x80, $0x38;
	[tilespmem:$0xCF00] =	vst v63  }
0xb0: {  	_ =	swait.ge [sflag:s9], $0x80  }
0xb1: {  	[sflag:s9] =	ssyncset.done $0x0  }
0xb2: {  	[sflag:s9] =	ssyncadd.s32 $0xFFFFFF80  }
0xb3: {  	_ =	sfence.sel $0x180000  }
0xb4: {  	[bflag:$0x0] =	sbarrier.arrive $0xFFFF  }
0xb5: {  	p0 =	sne.s32 s0, $0x0;
	_ =	strace $0x90000047  }
0xb6: {  	s0 =	sadd.s32 @!p0 $0x100000, s1;
	[bflag:$0x2] =	sbarrier.arrive $0xFFFF  }
0xb7: {  	[sflag:s0] =	ssyncadd.tile.s32 @!p0 $0x1;
	_ =	shalt  }
.Lfunc_end2:
_tile_overlayer_lowered:
.L_overlay_start_2:
0xb8: {  	(tag) =	ssettag $0x2  }
0xb9: {  	s0 =	rddreg [dreg:$0x0];
	s2 =	stileid.u32  }
0xba: {  	s1 =	rddreg [dreg:$0x1];
	p0 =	sne.s32 s2, $0x0  }
0xbb: {  	s3 =	rddreg [dreg:$0x2];
	[bflag:$0x3] =	sbarrier.arrive $0xFFFF;
	s2 =	simm.s32 @!p0 $0x1C0A  }
0xbc: {  	[timem:s3], [sflag:s2] =	dma.local @!p0 [hbm:s0], s1  }
0xbd: {  	s0 =	simm.s32 @!p0 $0xA  }
0xbe: {  	_ =	swait.ge @!p0 [sflag:s0], s1  }
0xbf: {  	s1 =	ssub.s32 @!p0 $0x0, s1;
	[sflag:s0] =	ssyncset.done @!p0 $0x0  }
0xc0: {  	[sflag:s0] =	ssyncadd.s32 @!p0 s1  }
0xc1: {  	[bflag:$0x3] =	sbarrier.arrive $0xFFFF  }
0xc2: {  	_ =	shalt  }

// kernel: kernel.13.cloned.1.call-start
scs
__scs_entry_jumppad:
0x0: {  	(pc) =	sbr.rel $0x88, $3  }
0x1: {  	(tag) =	ssettag $0x0;
	lr =	simm.s32 $0x1  }
0x2: {  	[smem:$0x3F93] =	sst lr;
	_ =	strace $0xD0000000  }
0x3: {  	_ = 	snop  }
0x4: {  	_ = 	snop  }
0x5: {  	_ = 	snop  }
0x6: {  	_ = 	snop  }
0x7: {  	_ = 	snop  }
__scs_overlays_trampoline_lowered:
0x8: {  	[smem:$0x3FA2] =	sst s0  }
0x9: {  	[smem:$0x3FA3] =	sst s1  }
0xa: {  	[smem:$0x3FA4] =	sst s2  }
0xb: {  	[smem:$0x3FA5] =	sst s3  }
0xc: {  	[smem:$0x3FA6] =	sst s4  }
0xd: {  	[smem:$0x3FA7] =	sst s5  }
0xe: {  	[smem:$0x3FA8] =	sst s6  }
0xf: {  	[smem:$0x3FA9] =	sst s7  }
0x10: {  	[smem:$0x3FAA] =	sst s8  }
0x11: {  	[smem:$0x3FAB] =	sst s9;
	s0 =	simm.s32 @!p0 $0x0  }
0x12: {  	s1 =	sld [smem:$0x3F91];
	s0 =	simm.s32 @p0 $0x1  }
0x13: {  	[smem:$0x3FAC] =	sst s0;
	s0 =	simm.s32 @!p1 $0x0  }
0x14: {  	s2 =	sld [smem:$0x3F90];
	s0 =	simm.s32 @p1 $0x1  }
0x15: {  	[smem:$0x3FAD] =	sst s0;
	s0 =	simm.s32 @!p2 $0x0  }
0x16: {  	s3 =	sld [smem:$0x3FDB];
	s0 =	simm.s32 @p2 $0x1  }
0x17: {  	s4 =	simm.s32 $0x1BF5;
	[smem:$0x3FAF] =	sst s0  }
0x18: {  	s0 =	sld [smem:$0x3F92];
	_ =	swait.ge [sflag:s4], $0x0  }
0x19: {  	s7 =	sld [smem:$0x3F93]  }
0x1a: {  	s8 =	sadd.s32 $0xFFFFE003, lr  }
0x1b: {  	s9 =	sadd.s32 $0xFFFFFEF7, lr;
	s5 =	simm.s32 $0xFFFFFFFF;
	p2 =	slt.u32 s8, $0xFFFFF086  }
0x1c: {  	p1 =	slt.u32 s9, $0xF7A;
	s5 =	simm.s32 @!p2 $0x0  }
0x1d: {  	s5 =	simm.s32 @p1 $0x1;
	p0 =	seq.s32 s7, s2  }
0x1e: {  	s7 =	smul.u32 @!p0 $0xF7A, s2;
	p2 =	seq.s32 @!p0 s5, $0x0  }
0x1f: {  	s9 =	smul.u32 $0xF7A, s1;
	s8 =	simm.s32 @!p0 $0x1BF5;
	p2 =	por !p2, p0  }
0x20: {  	[sflag:s8] =	ssyncset.s32 @!p0 $0xFFFFF086;
	s6 =	sadd.s32 @!p0 s3, s7;
	s7 =	simm.s32 @!p0 $0x108  }
0x21: {  	s3 =	sadd.s32 s3, s9;
	s6 =	sadd.s32 @!p0 $0x88, s6;
	s7 =	simm.s32 @p2 $0x1082  }
0x22: {  	[simem:s7], [sflag:s8] =	dma.local @!p0 [hbm:s6], $0xF7A  }
0x23: {  	s9 =	sor.u32 $0xD0000000, s2;
	s6 =	simm.s32 $0x108;
	_ =	swait.ge @!p0 [sflag:s8], $0x0  }
0x24: {  	s3 =	sadd.s32 $0x88, s3;
	s6 =	simm.s32 @!p1 $0x1082;
	[sflag:s4] =	ssyncset.s32 $0xFFFFF086  }
0x25: {  	[simem:s6], [sflag:s4] =	dma.local [hbm:s3], $0xF7A  }
0x26: {  	[smem:$0x3F93] =	sst s1;
	(tag) =	ssettag s2;
	_ =	strace s9  }
0x27: {  	s1 =	sld [smem:$0x3FA3]  }
0x28: {  	s2 =	sld [smem:$0x3FA4]  }
0x29: {  	s4 =	sld [smem:$0x3FA6]  }
0x2a: {  	p0 =	seq.s32 s5, $0x0;
	s5 =	sld [smem:$0x3FA7]  }
0x2b: {  	s6 =	sld [smem:$0x3FA8]  }
0x2c: {  	s7 =	sld [smem:$0x3FA9]  }
0x2d: {  	s3 =	simm.s32 $0x108;
	s8 =	sld [smem:$0x3FAA]  }
0x2e: {  	s3 =	simm.s32 @!p0 $0x1082;
	s9 =	sld [smem:$0x3FAB]  }
0x2f: {  	lr =	sadd.s32 s0, s3;
	s0 =	sld [smem:$0x3FA2]  }
0x30: {  	s3 =	sld [smem:$0x3FA5]  }
0x31: {  	[smem:$0x3FAE] =	sst s10  }
0x32: {  	s10 =	sld [smem:$0x3FAC];
	_ =	sdelay $0x3  }
0x33: {  	p0 =	seq.s32 s10, $0x1;
	s10 =	sld [smem:$0x3FAE];
	_ =	sdelay $0x3  }
0x34: {  	[smem:$0x3FAE] =	sst s10  }
0x35: {  	s10 =	sld [smem:$0x3FAD];
	_ =	sdelay $0x3  }
0x36: {  	p1 =	seq.s32 s10, $0x1;
	s10 =	sld [smem:$0x3FAE];
	_ =	sdelay $0x3  }
0x37: {  	[smem:$0x3FAE] =	sst s10  }
0x38: {  	s10 =	sld [smem:$0x3FAF]  }
0x39: {  	_ = 	snop;
	(pc) =	sbr.ind lr, $3  }
0x3a: {  	_ = 	snop  }
0x3b: {  	_ = 	snop  }
0x3c: {  	p2 =	seq.s32 s10, $0x1;
	s10 =	sld [smem:$0x3FAE]  }
0x3d: {  	_ =	shalt  }
0x3e: {  	_ =	shalt  }
0x3f: {  	_ =	shalt  }
0x40: {  	_ =	shalt  }
0x41: {  	_ =	shalt  }
0x42: {  	_ =	shalt  }
0x43: {  	_ =	shalt  }
0x44: {  	_ =	shalt  }
0x45: {  	_ =	shalt  }
0x46: {  	_ =	shalt  }
0x47: {  	_ =	shalt  }
0x48: {  	_ =	shalt  }
0x49: {  	_ =	shalt  }
0x4a: {  	_ =	shalt  }
0x4b: {  	_ =	shalt  }
0x4c: {  	_ =	shalt  }
0x4d: {  	_ =	shalt  }
0x4e: {  	_ =	shalt  }
0x4f: {  	_ =	shalt  }
0x50: {  	_ =	shalt  }
0x51: {  	_ =	shalt  }
0x52: {  	_ =	shalt  }
0x53: {  	_ =	shalt  }
0x54: {  	_ =	shalt  }
0x55: {  	_ =	shalt  }
0x56: {  	_ =	shalt  }
0x57: {  	_ =	shalt  }
0x58: {  	_ =	shalt  }
0x59: {  	_ =	shalt  }
0x5a: {  	_ =	shalt  }
0x5b: {  	_ =	shalt  }
0x5c: {  	_ =	shalt  }
0x5d: {  	_ =	shalt  }
0x5e: {  	_ =	shalt  }
0x5f: {  	_ =	shalt  }
0x60: {  	_ =	shalt  }
0x61: {  	_ =	shalt  }
0x62: {  	_ =	shalt  }
0x63: {  	_ =	shalt  }
0x64: {  	_ =	shalt  }
0x65: {  	_ =	shalt  }
0x66: {  	_ =	shalt  }
0x67: {  	_ =	shalt  }
0x68: {  	_ =	shalt  }
0x69: {  	_ =	shalt  }
0x6a: {  	_ =	shalt  }
0x6b: {  	_ =	shalt  }
0x6c: {  	_ =	shalt  }
0x6d: {  	_ =	shalt  }
0x6e: {  	_ =	shalt  }
0x6f: {  	_ =	shalt  }
0x70: {  	_ =	shalt  }
0x71: {  	_ =	shalt  }
0x72: {  	_ =	shalt  }
0x73: {  	_ =	shalt  }
0x74: {  	_ =	shalt  }
0x75: {  	_ =	shalt  }
0x76: {  	_ =	shalt  }
0x77: {  	_ =	shalt  }
0x78: {  	_ =	shalt  }
0x79: {  	_ =	shalt  }
0x7a: {  	_ =	shalt  }
0x7b: {  	_ =	shalt  }
0x7c: {  	_ =	shalt  }
0x7d: {  	_ =	shalt  }
0x7e: {  	_ =	shalt  }
0x7f: {  	_ =	shalt  }
0x80: {  	_ =	shalt  }
0x81: {  	_ =	shalt  }
0x82: {  	_ =	shalt  }
0x83: {  	_ =	shalt  }
0x84: {  	_ =	shalt  }
0x85: {  	_ =	shalt  }
0x86: {  	_ =	shalt  }
0x87: {  	_ =	shalt  }
.Lfunc_end0:
.L_simem_size_0:
called_computation.1_lowered:
.L_overlay_start_0:
0x88: {  	s2 =	sld [smem:$0x3FD9]  }
0x89: {  	s3 =	sld [smem:$0x3FFE];
	_ =	sdelay $0x1  }
0x8a: {  	s1 =	srdreg.scid  }
0x8b: {  	s0 =	sand.u32 $0x1, s1  }
0x8c: {  	s17 =	sshll.u32 s0, $0xA;
	s2 =	sadd.s32 s3, s2  }
0x8d: {  	s2 =	sadd.s32 s2, s17  }
0x8e: {  	[smem:$0x3FBA] =	sst s2  }
0x8f: {  	_ = 	snop  }
0x90: {  	(tm) =	ssettm $0x1  }
0x91: {  	s18 =	sld [smem:$0x3FFB];
	_ =	sdelay $0x3  }
0x92: {  	_ =	strace s18  }
0x93: {  	s2 =	sld [smem:$0x3FFC];
	_ =	sdelay $0x3  }
0x94: {  	_ =	strace s2  }
0x95: {  	s2 =	sld [smem:$0x3FFD];
	_ =	sdelay $0x3  }
0x96: {  	_ =	strace s2  }
0x97: {  	_ =	strace $0x8FFFFFFF  }
0x98: {  	s19 =	sld [smem:$0x3FDB];
	_ =	sdelay $0x1  }
0x99: {  	s20 =	simm.s32 $_scs_section_size  }
0x9a: {  	s4 =	simm.s32 $_size__tile_overlayer_lowered;
	s5 =	simm.s32 $_tile_overlayer_lowered  }
0x9b: {  	s6 =	simm.s32 $0x1BFF;
	s21 =	sshll.u32 s5, $0x1;
	s3 =	sadd.s32 s20, s19  }
0x9c: {  	s22 =	simm.s32 $0x0;
	s4 =	sshll.u32 s4, $0x1;
	s5 =	sadd.s32 s21, s3  }
0x9d: {  	[timem:s22], [sflag:s6] =	dma.local [hbm:s5], s4  }
0x9e: {  	_ =	swait.ge [sflag:s6], s4  }
0x9f: {  	s4 =	ssub.s32 $0x0, s4;
	[sflag:s6] =	ssyncset.done $0x0  }
0xa0: {  	[sflag:s6] =	ssyncadd.s32 s4;
	_ =	sdelay $0x1  }
0xa1: {  	s23 =	simm.s32 $0x1B8B  }
0xa2: {  	_ =	swait.ge [sflag:s23], $0x1  }
0xa3: {  	[sflag:s23] =	ssyncset.done $0x0  }
0xa4: {  	[sflag:s23] =	ssyncadd.s32 $0xFFFFFFFF  }
0xa5: {  	s4 =	sld [smem:$0x0]  }
0xa6: {  	s5 =	sand.u32 $0xFFFFFFFE, s1  }
0xa7: {  	p0 =	sne.s32 s1, s5  }
0xa8: {  	s5 =	sshll.u32 @p0 s5, $0xE  }
0xa9: {  	s5 =	sadd.s32 @p0 $0x11B8D, s5;
	s6 =	sshll.u32 @p0 s4, $0x11  }
0xaa: {  	s5 =	sor.u32 @p0 s6, s5  }
0xab: {  	[sflag:s5] =	ssyncadd.remote.s32 @p0 $0x1;
	_ =	sdelay $0x1  }
0xac: {  	s5 =	simm.s32 @p0 $0x1B8D  }
0xad: {  	_ =	swait.eq @p0 [sflag:s5], $0x1  }
0xae: {  	[sflag:s5] =	ssyncadd.s32 @p0 $0xFFFFFFFF  }
0xaf: {  	s6 =	sshll.u32 @!p0 s1, $0xE  }
0xb0: {  	s6 =	sor.u32 @!p0 $0x4000, s6;
	s5 =	simm.s32 @!p0 $0x1B8D  }
0xb1: {  	s4 =	sshll.u32 @!p0 s4, $0x11;
	s6 =	sadd.s32 @!p0 $0x11B8D, s6;
	_ =	swait.eq @!p0 [sflag:s5], $0x1  }
0xb2: {  	s4 =	sor.u32 @!p0 s4, s6;
	[sflag:s5] =	ssyncadd.s32 @!p0 $0xFFFFFFFF  }
0xb3: {  	s25 =	simm.s32 $0x1B8E;
	s24 =	sld [smem:$0x3FFE];
	[sflag:s4] =	ssyncadd.remote.s32 @!p0 $0x1  }
0xb4: {  	s26 =	simm.s32 $execute0_lowered;
	[smem:$0x3FD2] =	sst s25  }
0xb5: {  	s5 =	sshll.u32 s26, $0x1;
	_ =	strace $0x80000049;
	[dreg:$0x1] =	wrdreg $0xFFFFFFFF  }
0xb6: {  	s28 =	simm.s32 $_size_execute0_lowered;
	s3 =	sadd.s32 s3, s5;
	[dreg:$0x0] =	wrdreg $0x0  }
0xb7: {  	s5 =	sshll.u32 s28, $0x1;
	[dreg:$0x2] =	wrdreg s3  }
0xb8: {  	[dreg:$0x3] =	wrdreg s5  }
0xb9: {  	[dreg:$0x4] =	wrdreg $0xC0  }
0xba: {  	_ =	task [dreg:s22], $0x5FFFF  }
0xbb: {  	[dreg:$0x1] =	wrdreg $0xFFFFFFFF  }
0xbc: {  	[dreg:$0x0] =	wrdreg $0x60  }
0xbd: {  	[dreg:$0x2] =	wrdreg s24  }
0xbe: {  	[dreg:$0x3] =	wrdreg $0xA  }
0xbf: {  	_ =	task.clear_ibuf [dreg:s22], $0x4FFFF;
	_ =	strace $0x90000049  }
0xc0: {  	s29 =	simm.s32 $0xA;
	_ =	strace $0x8000004B  }
0xc1: {  	_ =	swait.ge [sflag:s29], $0x1  }
0xc2: {  	[sflag:s29] =	ssyncadd.s32 $0xFFFFFFFF  }
0xc3: {  	_ =	strace $0x9000004B  }
0xc4: {  	_ =	sfence  }
0xc5: {  	s30 =	sld [smem:$0x0];
	_ =	sdelay $0x2  }
0xc6: {  	s31 =	sshll.u32 s1, $0xD;
	s1 =	sshrl.u32 s1, $0x2  }
0xc7: {  	s4 =	sand.u32 $0x4000, s31;
	s1 =	sadd.s32 s1, s30  }
0xc8: {  	s0 =	sor.u32 s4, s0;
	s1 =	sshll.u32 s1, $0x11  }
0xc9: {  	s0 =	sor.u32 s1, s0  }
0xca: {  	s0 =	sadd.s32 $0x8F2B, s0  }
0xcb: {  	[sflag:s0] =	ssyncadd.remote.s32 $0x1  }
0xcc: {  	_ =	sfence.sel $0xFFFF  }
0xcd: {  	[dreg:$0x0] =	wrdreg $0xFFFFFFFF;
	(pc) =	sbr.abs _section_cstart, $3  }
0xce: {  	[dreg:$0x1] =	wrdreg $0xFFFFFFFF  }
0xcf: {  	_ =	task.clear_ibuf [dreg:s22], $0x2FFFF;
	_ =	strace $0x9FFFFFFF  }
0xd0: {  	(tm) =	ssettm $0x7FFFFFFF  }
0xd1: {  	_ =	shalt  }
tec
execute0_lowered:
.L_overlay_start_1:
0x0: {  	(tag) =	ssettag $0x1  }
0x1: {  	s1 =	srdreg.scid;
	s0 =	stileid.u32  }
0x2: {  	s5 =	rddreg [dreg:$0x0];
	s2 =	simm.s32 $0x0;
	s11 =	simm.s32 $0xD00  }
0x3: {  	s12 =	simm.s32 $0xCD00;
	s13 =	simm.s32 $0x4D00;
	s14 =	simm.s32 $0xCD80  }
0x4: {  	s15 =	simm.s32 $0x9;
	s16 =	simm.s32 $0x7;
	s17 =	simm.s32 $0x8  }
0x5: {  	s18 =	simm.s32 $0xCE80;
	s6 =	sand.u32 $0x1, s1;
	s1 =	rddreg [dreg:$0x1]  }
0x6: {  	s19 =	simm.s32 $0x0;
	s3 =	sshll.u32 s0, $0x1;
	[smem:$0x7FF] =	sst s2  }
0x7: {  	s4 =	sadd.s32 $0x4400, s5;
	s9 =	sshll.u32 s0, $0xC;
	s7 =	sor.u32 s6, s3  }
0x8: {  	_ =	strace $0x8000004A;
	s10 =	ssub.s32 $0x2, s6;
	s9 =	sadd.s32 s9, s5  }
0x9: {  	s3 =	smul.u32 $0x1A0, s7;
	s7 =	sshll.u32 s7, $0x4;
	s30 =	sshrl.u32 s10, $0x1  }
0xa: {  	s31 =	sshll.u32 s6, $0xB;
	s7 =	sadd.s32 s7, s5;
	s10 =	ssub.s32 s10, s30  }
0xb: {  	s8 =	sadd.s32 s3, s5;
	s3 =	sadd.s32 $0x77000, s5;
	s6 =	sadd.s32 $0x218000, s7  }
0xc: {  	s7 =	smax.u32 s10, $0x1;
	s5 =	sadd.s32 $0x6D400, s8;
	s8 =	sadd.s32 s31, s9  }
0xd: {  	v0 =	vimm.f32 $0.0e+00;
	s10 =	simm.s32 $0x80;
	s9 =	simm.s32 $0xA;
	s8 =	sadd.s32 $0x218200, s8  }
.LBB2_1:
0xe: {  	[tilespmem:s2], [sflag:$0xA] =	stream.linear.gather [hbm4b:s5+s2], $0xD00, $0x38;
	[tilespmem:$0xCF00] =	vst v63  }
0xf: {  	_ =	swait.ge [sflag:s9], $0xD00  }
0x10: {  	[sflag:s9] =	ssyncset.done $0x0  }
0x11: {  	[sflag:s9] =	ssyncadd.s32 $0xFFFFF300  }
0x12: {  	[tilespmem:$0xCE80] =	vst v0  }
0x13: {  	[tilespmem:$0xCE90] =	vst v0  }
0x14: {  	[tilespmem:$0xCEA0] =	vst v0  }
0x15: {  	s20 =	smul.u32 $0xAB, s2;
	[tilespmem:$0xCEB0] =	vst v0  }
0x16: {  	[tilespmem:$0xCEC0] =	vst v0  }
0x17: {  	s21 =	simm.s32 $0x2;
	p0 =	por $0x0, $0x0;
	s20 =	sshrl.u32 s20, $0x9;
	[tilespmem:$0xCED0] =	vst v0  }
0x18: {  	s21 =	smul.u32 @!p0 $0xAB, s21;
	s20 =	sand.u32 $0x7F, s20;
	[tilespmem:$0xCEE0] =	vst v0  }
0x19: {  	[tilespmem:$0xCEF0] =	vst v0;
	s20 =	smul.u32 $0x3, s20  }
0x1a: {  	[tilespmem:s11], [sflag:$0x1] =	stream.indirect.gather [hbm4b:s4+s10], $0x80, s2, s10, $0xb8;
	[tilespmem:$0xCF00] =	vst v63  }
0x1b: {  	s21 =	sshrl.u32 @!p0 s21, $0x9;
	s20 =	ssub.s32 $0x0, s20  }
0x1c: {  	[tilespmem:s12], [sflag:$0x4] =	stream.indirect.gather [hbm4b:s3+s10], $0x1, s2, s10, $0xb8;
	[tilespmem:$0xCF00] =	vst v63  }
0x1d: {  	p1 =	por @!p0 $0x1, $0x1;
	s21 =	sand.u32 @!p0 $0x7F, s21;
	s20 =	sand.u32 $0xFF, s20  }
0x1e: {  	[tilespmem:s13], [sflag:$0x2] =	stream.indirect.gather [hbm4b:s4+s10], $0x80, s10, s10, $0xb8;
	[tilespmem:$0xCF00] =	vst v63  }
0x1f: {  	p1 =	por p1, p0;
	s21 =	smul.u32 @!p0 $0x3, s21;
	s22 =	sadd.s32 $0x1, s20  }
0x20: {  	[tilespmem:s14], [sflag:$0x5] =	stream.indirect.gather [hbm4b:s3+s10], $0x1, s10, s10, $0xb8;
	[tilespmem:$0xCF00] =	vst v63  }
0x21: {  	s21 =	ssub.s32 @!p0 $0x2, s21;
	s23 =	sshll.u32 s20, $0xE;
	_ =	swait.ge [sflag:s22], $0x4000  }
0x22: {  	s24 =	sadd.s32 $0x7, s20;
	s21 =	sand.u32 @!p0 $0xFF, s21;
	[sflag:s22] =	ssyncset.done $0x0  }
0x23: {  	s23 =	sor.u32 $0xD00, s23;
	[sflag:s22] =	ssyncadd.s32 $0xFFFFC000;
	s22 =	sadd.s32 @!p1 $0x7, s21  }
0x24: {  	[hbm4b:s8+s2] =	stream.linear.scatter [tilespmem:s23], [sflag:s24], $0x4000, $0x38;
	[tilespmem:$0xCF00] =	vst v63  }
0x25: {  	s26 =	simm.s32 @!p0 $0x80;
	s25 =	sshll.u32 @!p0 s21, $0x7;
	_ =	swait.ge @!p1 [sflag:s22], $0x4000  }
0x26: {  	s23 =	simm.s32 $0x100;
	s24 =	sshll.u32 @!p0 s21, $0xE;
	[sflag:s22] =	ssyncset.done @!p1 $0x0  }
0x27: {  	[sflag:s22] =	ssyncadd.s32 @!p1 $0xFFFFC000;
	s22 =	sor.u32 @!p0 $0xD00, s24;
	s24 =	sadd.s32 @!p0 $0x1, s21  }
0x28: {  	[tilespmem:s22], [sflag:s24] =	stream.indirect.gather @!p0 [hbm4b:s4+s26], $0x80, s23, s26, $0xb8;
	[tilespmem:$0xCF00] =	vst v63  }
0x29: {  	s30 =	sadd.s32 $0x4, s20;
	s21 =	sadd.s32 @!p0 $0x4, s21;
	s22 =	sadd.s32 @!p0 $0xCD00, s25  }
0x2a: {  	[tilespmem:s22], [sflag:s21] =	stream.indirect.gather @!p0 [hbm4b:s3+s26], $0x1, s23, s26, $0xb8;
	[tilespmem:$0xCF00] =	vst v63  }
0x2b: {  	_ =	swait.ge [sflag:s30], $0x80  }
0x2c: {  	[sflag:s30] =	ssyncset.done $0x0  }
0x2d: {  	[sflag:s30] =	ssyncadd.s32 $0xFFFFFF80  }
0x2e: {  	s20 =	sshll.u32 s20, $0x7;
	v1 =	vld [tilespmem:$0xCE80]  }
0x2f: {  	v2 =	vld [tilespmem:s20+$0xCD00];
	_ =	sdelay $0x4  }
0x30: {  	v1 =	vadd.f32 v2, v1;
	_ =	sdelay $0x1  }
0x31: {  	v2 =	vld [tilespmem:$0xCE90];
	[tilespmem:$0xCE80] =	vst v1  }
0x32: {  	v1 =	vld [tilespmem:s20+$0xCD10];
	_ =	sdelay $0x4  }
0x33: {  	v1 =	vadd.f32 v1, v2;
	_ =	sdelay $0x1  }
0x34: {  	v2 =	vld [tilespmem:$0xCEA0];
	[tilespmem:$0xCE90] =	vst v1  }
0x35: {  	v1 =	vld [tilespmem:s20+$0xCD20];
	_ =	sdelay $0x4  }
0x36: {  	v1 =	vadd.f32 v1, v2;
	_ =	sdelay $0x1  }
0x37: {  	v2 =	vld [tilespmem:$0xCEB0];
	[tilespmem:$0xCEA0] =	vst v1  }
0x38: {  	v1 =	vld [tilespmem:s20+$0xCD30];
	_ =	sdelay $0x4  }
0x39: {  	v1 =	vadd.f32 v1, v2;
	_ =	sdelay $0x1  }
0x3a: {  	v2 =	vld [tilespmem:$0xCEC0];
	[tilespmem:$0xCEB0] =	vst v1  }
0x3b: {  	v1 =	vld [tilespmem:s20+$0xCD40];
	_ =	sdelay $0x4  }
0x3c: {  	v1 =	vadd.f32 v1, v2;
	_ =	sdelay $0x1  }
0x3d: {  	v2 =	vld [tilespmem:$0xCED0];
	[tilespmem:$0xCEC0] =	vst v1  }
0x3e: {  	v1 =	vld [tilespmem:s20+$0xCD50];
	_ =	sdelay $0x4  }
0x3f: {  	v1 =	vadd.f32 v1, v2;
	_ =	sdelay $0x1  }
0x40: {  	v2 =	vld [tilespmem:$0xCEE0];
	[tilespmem:$0xCED0] =	vst v1  }
0x41: {  	v1 =	vld [tilespmem:s20+$0xCD60];
	_ =	sdelay $0x1  }
0x42: {  	s31 =	simm.s32 $0x1  }
0x43: {  	s21 =	smul.u32 $0xAB, s31;
	_ =	sdelay $0x1  }
0x44: {  	s21 =	sshrl.u32 s21, $0x9;
	v2 =	vadd.f32 v1, v2  }
0x45: {  	s21 =	sand.u32 $0x7F, s21  }
0x46: {  	p1 =	por $0x0, $0x0;
	s25 =	simm.s32 $0x3;
	s21 =	smul.u32 $0x3, s21;
	v1 =	vld [tilespmem:$0xCEF0];
	[tilespmem:$0xCEE0] =	vst v2  }
0x47: {  	p2 =	por @!p1 $0x0, $0x0;
	s24 =	smul.u32 @!p1 $0xAB, s25;
	s22 =	simm.s32 $0x2;
	v2 =	vld [tilespmem:s20+$0xCD70]  }
0x48: {  	s23 =	ssub.s32 $0x1, s21;
	s21 =	sadd.s32 $0x10000, s8;
	s20 =	simm.s32 $0x180  }
.LBB2_2:
0x49: {  	s26 =	sand.u32 $0xFF, s23  }
0x4a: {  	s24 =	sshrl.u32 @!p1 s24, $0x9;
	s23 =	smov.u32 s22;
	s22 =	sadd.s32 $0x1, s22  }
0x4b: {  	s28 =	sadd.s32 $0x1, s26;
	s29 =	sshll.u32 s26, $0xE;
	s24 =	sand.u32 @!p1 $0x7F, s24  }
0x4c: {  	p0 =	sne.s32 s22, $0x1A;
	s24 =	smul.u32 @!p1 $0x3, s24;
	v1 =	vadd.f32 v2, v1;
	_ =	sdelay $0x1  }
0x4d: {  	s30 =	sadd.s32 $0x7, s26;
	s29 =	sor.u32 $0xD00, s29;
	[tilespmem:$0xCEF0] =	vst v1  }
0x4e: {  	s24 =	ssub.s32 @!p1 s25, s24;
	_ =	swait.ge [sflag:s28], $0x4000  }
0x4f: {  	p2 =	por p2, p1;
	s24 =	sand.u32 @!p1 $0xFF, s24;
	[sflag:s28] =	ssyncset.done $0x0  }
0x50: {  	s25 =	sadd.s32 @!p2 $0x7, s24;
	[sflag:s28] =	ssyncadd.s32 $0xFFFFC000;
	s28 =	sshll.u32 @!p1 s24, $0xE  }
0x51: {  	[hbm4b:s21+s2] =	stream.linear.scatter [tilespmem:s29], [sflag:s30], $0x4000, $0x38;
	[tilespmem:$0xCF00] =	vst v63  }
0x52: {  	s29 =	sshll.u32 @!p1 s24, $0x7;
	_ =	swait.ge @!p2 [sflag:s25], $0x4000  }
0x53: {  	s30 =	simm.s32 @!p1 $0x80;
	[sflag:s25] =	ssyncset.done @!p2 $0x0  }
0x54: {  	[sflag:s25] =	ssyncadd.s32 @!p2 $0xFFFFC000;
	s25 =	sor.u32 @!p1 $0xD00, s28;
	s28 =	sadd.s32 @!p1 $0x1, s24  }
0x55: {  	[tilespmem:s25], [sflag:s28] =	stream.indirect.gather @!p1 [hbm4b:s4+s30], $0x80, s20, s30, $0xb8;
	[tilespmem:$0xCF00] =	vst v63  }
0x56: {  	s24 =	sadd.s32 @!p1 $0x4, s24;
	s25 =	sadd.s32 @!p1 $0xCD00, s29;
	s28 =	sadd.s32 $0x4, s26  }
0x57: {  	[tilespmem:s25], [sflag:s24] =	stream.indirect.gather @!p1 [hbm4b:s3+s30], $0x1, s20, s30, $0xb8;
	[tilespmem:$0xCF00] =	vst v63  }
0x58: {  	_ =	swait.ge [sflag:s28], $0x80  }
0x59: {  	[sflag:s28] =	ssyncset.done $0x0  }
0x5a: {  	s24 =	sshll.u32 s26, $0x7;
	[sflag:s28] =	ssyncadd.s32 $0xFFFFFF80  }
0x5b: {  	v1 =	vld [tilespmem:$0xCE80]  }
0x5c: {  	v2 =	vld [tilespmem:s24+$0xCD00]  }
0x5d: {  	v3 =	vld [tilespmem:$0xCE90]  }
0x5e: {  	v4 =	vld [tilespmem:$0xCEA0]  }
0x5f: {  	v5 =	vld [tilespmem:$0xCEB0]  }
0x60: {  	v6 =	vld [tilespmem:$0xCEC0]  }
0x61: {  	v1 =	vadd.f32 v2, v1;
	v2 =	vld [tilespmem:$0xCED0]  }
0x62: {  	v7 =	vld [tilespmem:$0xCEE0]  }
0x63: {  	[tilespmem:$0xCE80] =	vst v1;
	v1 =	vld [tilespmem:$0xCEF0]  }
0x64: {  	v8 =	vld [tilespmem:s24+$0xCD10];
	_ =	sdelay $0x4  }
0x65: {  	v3 =	vadd.f32 v8, v3;
	_ =	sdelay $0x1  }
0x66: {  	[tilespmem:$0xCE90] =	vst v3  }
0x67: {  	v3 =	vld [tilespmem:s24+$0xCD20];
	_ =	sdelay $0x4  }
0x68: {  	v3 =	vadd.f32 v3, v4;
	_ =	sdelay $0x1  }
0x69: {  	[tilespmem:$0xCEA0] =	vst v3  }
0x6a: {  	v3 =	vld [tilespmem:s24+$0xCD30];
	_ =	sdelay $0x4  }
0x6b: {  	v3 =	vadd.f32 v3, v5;
	_ =	sdelay $0x1  }
0x6c: {  	[tilespmem:$0xCEB0] =	vst v3  }
0x6d: {  	v3 =	vld [tilespmem:s24+$0xCD40];
	_ =	sdelay $0x4  }
0x6e: {  	v3 =	vadd.f32 v3, v6;
	_ =	sdelay $0x1  }
0x6f: {  	[tilespmem:$0xCEC0] =	vst v3  }
0x70: {  	v3 =	vld [tilespmem:s24+$0xCD50];
	_ =	sdelay $0x4  }
0x71: {  	v2 =	vadd.f32 v3, v2;
	_ =	sdelay $0x1  }
0x72: {  	[tilespmem:$0xCED0] =	vst v2  }
0x73: {  	v2 =	vld [tilespmem:s24+$0xCD60];
	_ =	sdelay $0x3  }
0x74: {  	s25 =	smul.u32 $0xAB, s23  }
0x75: {  	v2 =	vadd.f32 v2, v7  }
.Ltmp0:
0x76: {  	s25 =	sshrl.u32 s25, $0x9;
	(pc) =	sbr.rel @p0 .LBB2_2-.Ltmp0, $4  }
0x77: {  	s26 =	sand.u32 $0x7F, s25;
	s25 =	sadd.s32 $0x2, s23;
	[tilespmem:$0xCEE0] =	vst v2  }
0x78: {  	p1 =	sgt.u32 s23, $0x17;
	s26 =	smul.u32 $0x3, s26;
	v2 =	vld [tilespmem:s24+$0xCD70]  }
0x79: {  	p2 =	seq.s32 @!p1 s23, $0x0;
	s24 =	smul.u32 @!p1 $0xAB, s25  }
0x7a: {  	s21 =	sadd.s32 $0x10000, s21;
	s20 =	sadd.s32 $0x80, s20;
	s23 =	ssub.s32 s23, s26  }
0x7b: {  	_ = 	snop  }
0x7c: {  	s22 =	sshrl.u32 @!p1 s24, $0x9  }
0x7d: {  	s22 =	sand.u32 @!p1 $0x7F, s22;
	v1 =	vadd.f32 v2, v1  }
0x7e: {  	s23 =	sand.u32 $0xFF, s23;
	s22 =	smul.u32 @!p1 $0x3, s22  }
0x7f: {  	p0 =	por p2, p1;
	s31 =	sadd.s32 $0x1, s23;
	[tilespmem:$0xCEF0] =	vst v1  }
0x80: {  	s26 =	sshll.u32 s23, $0xE;
	s22 =	ssub.s32 @!p1 s25, s22;
	_ =	swait.ge [sflag:s31], $0x4000  }
0x81: {  	s28 =	sadd.s32 $0x7, s23;
	s22 =	sand.u32 @!p1 $0xFF, s22;
	[sflag:s31] =	ssyncset.done $0x0  }
0x82: {  	s29 =	sor.u32 $0xD00, s26;
	s24 =	sadd.s32 @!p0 $0x7, s22;
	[sflag:s31] =	ssyncadd.s32 $0xFFFFC000  }
0x83: {  	[hbm4b:s21+s2] =	stream.linear.scatter [tilespmem:s29], [sflag:s28], $0x4000, $0x38;
	[tilespmem:$0xCF00] =	vst v63  }
0x84: {  	s26 =	simm.s32 @!p1 $0x80;
	_ =	swait.ge @!p0 [sflag:s24], $0x4000  }
0x85: {  	s25 =	sshll.u32 @!p1 s22, $0x7;
	s21 =	sshll.u32 @!p1 s22, $0xE;
	[sflag:s24] =	ssyncset.done @!p0 $0x0  }
0x86: {  	s21 =	sor.u32 @!p1 $0xD00, s21;
	[sflag:s24] =	ssyncadd.s32 @!p0 $0xFFFFC000;
	s24 =	sadd.s32 @!p1 $0x1, s22  }
0x87: {  	[tilespmem:s21], [sflag:s24] =	stream.indirect.gather @!p1 [hbm4b:s4+s26], $0x80, s20, s26, $0xb8;
	[tilespmem:$0xCF00] =	vst v63  }
0x88: {  	s30 =	sadd.s32 $0x4, s23;
	s22 =	sadd.s32 @!p1 $0x4, s22;
	s21 =	sadd.s32 @!p1 $0xCD00, s25  }
0x89: {  	[tilespmem:s21], [sflag:s22] =	stream.indirect.gather @!p1 [hbm4b:s3+s26], $0x1, s20, s26, $0xb8;
	[tilespmem:$0xCF00] =	vst v63  }
0x8a: {  	_ =	swait.ge [sflag:s30], $0x80  }
0x8b: {  	[sflag:s30] =	ssyncset.done $0x0  }
0x8c: {  	[sflag:s30] =	ssyncadd.s32 $0xFFFFFF80  }
0x8d: {  	s31 =	sshll.u32 s23, $0x7;
	v1 =	vld [tilespmem:$0xCE80]  }
0x8e: {  	v2 =	vld [tilespmem:s31+$0xCD00];
	_ =	sdelay $0x4  }
0x8f: {  	v1 =	vadd.f32 v2, v1;
	_ =	sdelay $0x1  }
0x90: {  	v2 =	vld [tilespmem:$0xCE90];
	[tilespmem:$0xCE80] =	vst v1  }
0x91: {  	v1 =	vld [tilespmem:s31+$0xCD10];
	_ =	sdelay $0x4  }
0x92: {  	v1 =	vadd.f32 v1, v2;
	_ =	sdelay $0x1  }
0x93: {  	v2 =	vld [tilespmem:$0xCEA0];
	[tilespmem:$0xCE90] =	vst v1  }
0x94: {  	v1 =	vld [tilespmem:s31+$0xCD20];
	_ =	sdelay $0x4  }
0x95: {  	v1 =	vadd.f32 v1, v2;
	_ =	sdelay $0x1  }
0x96: {  	v2 =	vld [tilespmem:$0xCEB0];
	[tilespmem:$0xCEA0] =	vst v1  }
0x97: {  	v1 =	vld [tilespmem:s31+$0xCD30];
	_ =	sdelay $0x4  }
0x98: {  	v1 =	vadd.f32 v1, v2;
	_ =	sdelay $0x1  }
0x99: {  	v2 =	vld [tilespmem:$0xCEC0];
	[tilespmem:$0xCEB0] =	vst v1  }
0x9a: {  	v1 =	vld [tilespmem:s31+$0xCD40];
	_ =	sdelay $0x4  }
0x9b: {  	v1 =	vadd.f32 v1, v2;
	_ =	sdelay $0x1  }
0x9c: {  	v2 =	vld [tilespmem:$0xCED0];
	[tilespmem:$0xCEC0] =	vst v1  }
0x9d: {  	v1 =	vld [tilespmem:s31+$0xCD50];
	_ =	sdelay $0x4  }
0x9e: {  	v1 =	vadd.f32 v1, v2;
	_ =	sdelay $0x1  }
0x9f: {  	v2 =	vld [tilespmem:$0xCEE0];
	[tilespmem:$0xCED0] =	vst v1  }
0xa0: {  	v1 =	vld [tilespmem:s31+$0xCD60];
	_ =	sdelay $0x4  }
0xa1: {  	v1 =	vadd.f32 v1, v2;
	_ =	sdelay $0x1  }
0xa2: {  	v2 =	vld [tilespmem:$0xCEF0];
	[tilespmem:$0xCEE0] =	vst v1  }
0xa3: {  	v1 =	vld [tilespmem:s31+$0xCD70];
	_ =	sdelay $0x4  }
0xa4: {  	v1 =	vadd.f32 v1, v2;
	_ =	sdelay $0x1  }
0xa5: {  	[tilespmem:$0xCEF0] =	vst v1  }
0xa6: {  	_ =	swait.ge [sflag:s15], $0x4000  }
0xa7: {  	[sflag:s15] =	ssyncset.done $0x0  }
0xa8: {  	[sflag:s15] =	ssyncadd.s32 $0xFFFFC000  }
0xa9: {  	_ =	swait.ge [sflag:s16], $0x4000  }
0xaa: {  	[sflag:s16] =	ssyncset.done $0x0  }
0xab: {  	[sflag:s16] =	ssyncadd.s32 $0xFFFFC000  }
0xac: {  	s19 =	sadd.s32 $0x1, s19;
	_ =	swait.ge [sflag:s17], $0x4000  }
0xad: {  	p0 =	sne.s32 s19, s7;
	[sflag:s17] =	ssyncset.done $0x0  }
.Ltmp1:
0xae: {  	[sflag:s17] =	ssyncadd.s32 $0xFFFFC000;
	(pc) =	sbr.rel @p0 .LBB2_1-.Ltmp1, $4  }
0xaf: {  	[hbm4b:s6+s2] =	stream.linear.scatter [tilespmem:s18], [sflag:$0xA], $0x80, $0x38;
	[tilespmem:$0xCF00] =	vst v63  }
0xb0: {  	_ =	swait.ge [sflag:s9], $0x80  }
0xb1: {  	[sflag:s9] =	ssyncset.done $0x0  }
0xb2: {  	[sflag:s9] =	ssyncadd.s32 $0xFFFFFF80  }
0xb3: {  	_ =	sfence.sel $0x180000  }
0xb4: {  	[bflag:$0x0] =	sbarrier.arrive $0xFFFF  }
0xb5: {  	p0 =	sne.s32 s0, $0x0;
	_ =	strace $0x9000004A  }
0xb6: {  	s0 =	sadd.s32 @!p0 $0x100000, s1;
	[bflag:$0x2] =	sbarrier.arrive $0xFFFF  }
0xb7: {  	[sflag:s0] =	ssyncadd.tile.s32 @!p0 $0x1;
	_ =	shalt  }
.Lfunc_end2:
_tile_overlayer_lowered:
.L_overlay_start_2:
0xb8: {  	(tag) =	ssettag $0x2  }
0xb9: {  	s0 =	rddreg [dreg:$0x0];
	s2 =	stileid.u32  }
0xba: {  	s1 =	rddreg [dreg:$0x1];
	p0 =	sne.s32 s2, $0x0  }
0xbb: {  	s3 =	rddreg [dreg:$0x2];
	[bflag:$0x3] =	sbarrier.arrive $0xFFFF;
	s2 =	simm.s32 @!p0 $0x1C0A  }
0xbc: {  	[timem:s3], [sflag:s2] =	dma.local @!p0 [hbm:s0], s1  }
0xbd: {  	s0 =	simm.s32 @!p0 $0xA  }
0xbe: {  	_ =	swait.ge @!p0 [sflag:s0], s1  }
0xbf: {  	s1 =	ssub.s32 @!p0 $0x0, s1;
	[sflag:s0] =	ssyncset.done @!p0 $0x0  }
0xc0: {  	[sflag:s0] =	ssyncadd.s32 @!p0 s1  }
0xc1: {  	[bflag:$0x3] =	sbarrier.arrive $0xFFFF  }
0xc2: {  	_ =	shalt  }

// kernel: kernel.16.cloned.1.call-start
scs
__scs_entry_jumppad:
0x0: {  	(pc) =	sbr.rel $0x88, $3  }
0x1: {  	(tag) =	ssettag $0x0;
	lr =	simm.s32 $0x1  }
0x2: {  	[smem:$0x3F93] =	sst lr;
	_ =	strace $0xD0000000  }
0x3: {  	_ = 	snop  }
0x4: {  	_ = 	snop  }
0x5: {  	_ = 	snop  }
0x6: {  	_ = 	snop  }
0x7: {  	_ = 	snop  }
__scs_overlays_trampoline_lowered:
0x8: {  	[smem:$0x3FA2] =	sst s0  }
0x9: {  	[smem:$0x3FA3] =	sst s1  }
0xa: {  	[smem:$0x3FA4] =	sst s2  }
0xb: {  	[smem:$0x3FA5] =	sst s3  }
0xc: {  	[smem:$0x3FA6] =	sst s4  }
0xd: {  	[smem:$0x3FA7] =	sst s5  }
0xe: {  	[smem:$0x3FA8] =	sst s6  }
0xf: {  	[smem:$0x3FA9] =	sst s7  }
0x10: {  	[smem:$0x3FAA] =	sst s8  }
0x11: {  	[smem:$0x3FAB] =	sst s9;
	s0 =	simm.s32 @!p0 $0x0  }
0x12: {  	s1 =	sld [smem:$0x3F91];
	s0 =	simm.s32 @p0 $0x1  }
0x13: {  	[smem:$0x3FAC] =	sst s0;
	s0 =	simm.s32 @!p1 $0x0  }
0x14: {  	s2 =	sld [smem:$0x3F90];
	s0 =	simm.s32 @p1 $0x1  }
0x15: {  	[smem:$0x3FAD] =	sst s0;
	s0 =	simm.s32 @!p2 $0x0  }
0x16: {  	s3 =	sld [smem:$0x3FDB];
	s0 =	simm.s32 @p2 $0x1  }
0x17: {  	s4 =	simm.s32 $0x1BF5;
	[smem:$0x3FAF] =	sst s0  }
0x18: {  	s0 =	sld [smem:$0x3F92];
	_ =	swait.ge [sflag:s4], $0x0  }
0x19: {  	s7 =	sld [smem:$0x3F93]  }
0x1a: {  	s8 =	sadd.s32 $0xFFFFE003, lr  }
0x1b: {  	s9 =	sadd.s32 $0xFFFFFEF7, lr;
	s5 =	simm.s32 $0xFFFFFFFF;
	p2 =	slt.u32 s8, $0xFFFFF086  }
0x1c: {  	p1 =	slt.u32 s9, $0xF7A;
	s5 =	simm.s32 @!p2 $0x0  }
0x1d: {  	s5 =	simm.s32 @p1 $0x1;
	p0 =	seq.s32 s7, s2  }
0x1e: {  	s7 =	smul.u32 @!p0 $0xF7A, s2;
	p2 =	seq.s32 @!p0 s5, $0x0  }
0x1f: {  	s9 =	smul.u32 $0xF7A, s1;
	s8 =	simm.s32 @!p0 $0x1BF5;
	p2 =	por !p2, p0  }
0x20: {  	[sflag:s8] =	ssyncset.s32 @!p0 $0xFFFFF086;
	s6 =	sadd.s32 @!p0 s3, s7;
	s7 =	simm.s32 @!p0 $0x108  }
0x21: {  	s3 =	sadd.s32 s3, s9;
	s6 =	sadd.s32 @!p0 $0x88, s6;
	s7 =	simm.s32 @p2 $0x1082  }
0x22: {  	[simem:s7], [sflag:s8] =	dma.local @!p0 [hbm:s6], $0xF7A  }
0x23: {  	s9 =	sor.u32 $0xD0000000, s2;
	s6 =	simm.s32 $0x108;
	_ =	swait.ge @!p0 [sflag:s8], $0x0  }
0x24: {  	s3 =	sadd.s32 $0x88, s3;
	s6 =	simm.s32 @!p1 $0x1082;
	[sflag:s4] =	ssyncset.s32 $0xFFFFF086  }
0x25: {  	[simem:s6], [sflag:s4] =	dma.local [hbm:s3], $0xF7A  }
0x26: {  	[smem:$0x3F93] =	sst s1;
	(tag) =	ssettag s2;
	_ =	strace s9  }
0x27: {  	s1 =	sld [smem:$0x3FA3]  }
0x28: {  	s2 =	sld [smem:$0x3FA4]  }
0x29: {  	s4 =	sld [smem:$0x3FA6]  }
0x2a: {  	p0 =	seq.s32 s5, $0x0;
	s5 =	sld [smem:$0x3FA7]  }
0x2b: {  	s6 =	sld [smem:$0x3FA8]  }
0x2c: {  	s7 =	sld [smem:$0x3FA9]  }
0x2d: {  	s3 =	simm.s32 $0x108;
	s8 =	sld [smem:$0x3FAA]  }
0x2e: {  	s3 =	simm.s32 @!p0 $0x1082;
	s9 =	sld [smem:$0x3FAB]  }
0x2f: {  	lr =	sadd.s32 s0, s3;
	s0 =	sld [smem:$0x3FA2]  }
0x30: {  	s3 =	sld [smem:$0x3FA5]  }
0x31: {  	[smem:$0x3FAE] =	sst s10  }
0x32: {  	s10 =	sld [smem:$0x3FAC];
	_ =	sdelay $0x3  }
0x33: {  	p0 =	seq.s32 s10, $0x1;
	s10 =	sld [smem:$0x3FAE];
	_ =	sdelay $0x3  }
0x34: {  	[smem:$0x3FAE] =	sst s10  }
0x35: {  	s10 =	sld [smem:$0x3FAD];
	_ =	sdelay $0x3  }
0x36: {  	p1 =	seq.s32 s10, $0x1;
	s10 =	sld [smem:$0x3FAE];
	_ =	sdelay $0x3  }
0x37: {  	[smem:$0x3FAE] =	sst s10  }
0x38: {  	s10 =	sld [smem:$0x3FAF]  }
0x39: {  	_ = 	snop;
	(pc) =	sbr.ind lr, $3  }
0x3a: {  	_ = 	snop  }
0x3b: {  	_ = 	snop  }
0x3c: {  	p2 =	seq.s32 s10, $0x1;
	s10 =	sld [smem:$0x3FAE]  }
0x3d: {  	_ =	shalt  }
0x3e: {  	_ =	shalt  }
0x3f: {  	_ =	shalt  }
0x40: {  	_ =	shalt  }
0x41: {  	_ =	shalt  }
0x42: {  	_ =	shalt  }
0x43: {  	_ =	shalt  }
0x44: {  	_ =	shalt  }
0x45: {  	_ =	shalt  }
0x46: {  	_ =	shalt  }
0x47: {  	_ =	shalt  }
0x48: {  	_ =	shalt  }
0x49: {  	_ =	shalt  }
0x4a: {  	_ =	shalt  }
0x4b: {  	_ =	shalt  }
0x4c: {  	_ =	shalt  }
0x4d: {  	_ =	shalt  }
0x4e: {  	_ =	shalt  }
0x4f: {  	_ =	shalt  }
0x50: {  	_ =	shalt  }
0x51: {  	_ =	shalt  }
0x52: {  	_ =	shalt  }
0x53: {  	_ =	shalt  }
0x54: {  	_ =	shalt  }
0x55: {  	_ =	shalt  }
0x56: {  	_ =	shalt  }
0x57: {  	_ =	shalt  }
0x58: {  	_ =	shalt  }
0x59: {  	_ =	shalt  }
0x5a: {  	_ =	shalt  }
0x5b: {  	_ =	shalt  }
0x5c: {  	_ =	shalt  }
0x5d: {  	_ =	shalt  }
0x5e: {  	_ =	shalt  }
0x5f: {  	_ =	shalt  }
0x60: {  	_ =	shalt  }
0x61: {  	_ =	shalt  }
0x62: {  	_ =	shalt  }
0x63: {  	_ =	shalt  }
0x64: {  	_ =	shalt  }
0x65: {  	_ =	shalt  }
0x66: {  	_ =	shalt  }
0x67: {  	_ =	shalt  }
0x68: {  	_ =	shalt  }
0x69: {  	_ =	shalt  }
0x6a: {  	_ =	shalt  }
0x6b: {  	_ =	shalt  }
0x6c: {  	_ =	shalt  }
0x6d: {  	_ =	shalt  }
0x6e: {  	_ =	shalt  }
0x6f: {  	_ =	shalt  }
0x70: {  	_ =	shalt  }
0x71: {  	_ =	shalt  }
0x72: {  	_ =	shalt  }
0x73: {  	_ =	shalt  }
0x74: {  	_ =	shalt  }
0x75: {  	_ =	shalt  }
0x76: {  	_ =	shalt  }
0x77: {  	_ =	shalt  }
0x78: {  	_ =	shalt  }
0x79: {  	_ =	shalt  }
0x7a: {  	_ =	shalt  }
0x7b: {  	_ =	shalt  }
0x7c: {  	_ =	shalt  }
0x7d: {  	_ =	shalt  }
0x7e: {  	_ =	shalt  }
0x7f: {  	_ =	shalt  }
0x80: {  	_ =	shalt  }
0x81: {  	_ =	shalt  }
0x82: {  	_ =	shalt  }
0x83: {  	_ =	shalt  }
0x84: {  	_ =	shalt  }
0x85: {  	_ =	shalt  }
0x86: {  	_ =	shalt  }
0x87: {  	_ =	shalt  }
.Lfunc_end0:
.L_simem_size_0:
called_computation.2_lowered:
.L_overlay_start_0:
0x88: {  	s2 =	sld [smem:$0x3FD9]  }
0x89: {  	s3 =	sld [smem:$0x3FFE];
	_ =	sdelay $0x1  }
0x8a: {  	s1 =	srdreg.scid  }
0x8b: {  	s0 =	sand.u32 $0x1, s1  }
0x8c: {  	s17 =	sshll.u32 s0, $0xA;
	s2 =	sadd.s32 s3, s2  }
0x8d: {  	s2 =	sadd.s32 s2, s17  }
0x8e: {  	[smem:$0x3FBA] =	sst s2  }
0x8f: {  	_ = 	snop  }
0x90: {  	(tm) =	ssettm $0x1  }
0x91: {  	s18 =	sld [smem:$0x3FFB];
	_ =	sdelay $0x3  }
0x92: {  	_ =	strace s18  }
0x93: {  	s2 =	sld [smem:$0x3FFC];
	_ =	sdelay $0x3  }
0x94: {  	_ =	strace s2  }
0x95: {  	s2 =	sld [smem:$0x3FFD];
	_ =	sdelay $0x3  }
0x96: {  	_ =	strace s2  }
0x97: {  	_ =	strace $0x8FFFFFFF  }
0x98: {  	s19 =	sld [smem:$0x3FDB];
	_ =	sdelay $0x1  }
0x99: {  	s20 =	simm.s32 $_scs_section_size  }
0x9a: {  	s4 =	simm.s32 $_size__tile_overlayer_lowered;
	s5 =	simm.s32 $_tile_overlayer_lowered  }
0x9b: {  	s6 =	simm.s32 $0x1BFF;
	s21 =	sshll.u32 s5, $0x1;
	s3 =	sadd.s32 s20, s19  }
0x9c: {  	s22 =	simm.s32 $0x0;
	s4 =	sshll.u32 s4, $0x1;
	s5 =	sadd.s32 s21, s3  }
0x9d: {  	[timem:s22], [sflag:s6] =	dma.local [hbm:s5], s4  }
0x9e: {  	_ =	swait.ge [sflag:s6], s4  }
0x9f: {  	s4 =	ssub.s32 $0x0, s4;
	[sflag:s6] =	ssyncset.done $0x0  }
0xa0: {  	[sflag:s6] =	ssyncadd.s32 s4;
	_ =	sdelay $0x1  }
0xa1: {  	s23 =	simm.s32 $0x1B8B  }
0xa2: {  	_ =	swait.ge [sflag:s23], $0x1  }
0xa3: {  	[sflag:s23] =	ssyncset.done $0x0  }
0xa4: {  	[sflag:s23] =	ssyncadd.s32 $0xFFFFFFFF  }
0xa5: {  	s4 =	sld [smem:$0x0]  }
0xa6: {  	s5 =	sand.u32 $0xFFFFFFFE, s1  }
0xa7: {  	p0 =	sne.s32 s1, s5  }
0xa8: {  	s5 =	sshll.u32 @p0 s5, $0xE  }
0xa9: {  	s5 =	sadd.s32 @p0 $0x11B8D, s5;
	s6 =	sshll.u32 @p0 s4, $0x11  }
0xaa: {  	s5 =	sor.u32 @p0 s6, s5  }
0xab: {  	[sflag:s5] =	ssyncadd.remote.s32 @p0 $0x1;
	_ =	sdelay $0x1  }
0xac: {  	s5 =	simm.s32 @p0 $0x1B8D  }
0xad: {  	_ =	swait.eq @p0 [sflag:s5], $0x1  }
0xae: {  	[sflag:s5] =	ssyncadd.s32 @p0 $0xFFFFFFFF  }
0xaf: {  	s6 =	sshll.u32 @!p0 s1, $0xE  }
0xb0: {  	s6 =	sor.u32 @!p0 $0x4000, s6;
	s5 =	simm.s32 @!p0 $0x1B8D  }
0xb1: {  	s4 =	sshll.u32 @!p0 s4, $0x11;
	s6 =	sadd.s32 @!p0 $0x11B8D, s6;
	_ =	swait.eq @!p0 [sflag:s5], $0x1  }
0xb2: {  	s4 =	sor.u32 @!p0 s4, s6;
	[sflag:s5] =	ssyncadd.s32 @!p0 $0xFFFFFFFF  }
0xb3: {  	s25 =	simm.s32 $0x1B8E;
	s24 =	sld [smem:$0x3FFE];
	[sflag:s4] =	ssyncadd.remote.s32 @!p0 $0x1  }
0xb4: {  	s26 =	simm.s32 $execute0_lowered;
	[smem:$0x3FD2] =	sst s25  }
0xb5: {  	s5 =	sshll.u32 s26, $0x1;
	_ =	strace $0x8000004C;
	[dreg:$0x1] =	wrdreg $0xFFFFFFFF  }
0xb6: {  	s28 =	simm.s32 $_size_execute0_lowered;
	s3 =	sadd.s32 s3, s5;
	[dreg:$0x0] =	wrdreg $0x0  }
0xb7: {  	s5 =	sshll.u32 s28, $0x1;
	[dreg:$0x2] =	wrdreg s3  }
0xb8: {  	[dreg:$0x3] =	wrdreg s5  }
0xb9: {  	[dreg:$0x4] =	wrdreg $0xC0  }
0xba: {  	_ =	task [dreg:s22], $0x5FFFF  }
0xbb: {  	[dreg:$0x1] =	wrdreg $0xFFFFFFFF  }
0xbc: {  	[dreg:$0x0] =	wrdreg $0x60  }
0xbd: {  	[dreg:$0x2] =	wrdreg s24  }
0xbe: {  	[dreg:$0x3] =	wrdreg $0xB  }
0xbf: {  	_ =	task.clear_ibuf [dreg:s22], $0x4FFFF;
	_ =	strace $0x9000004C  }
0xc0: {  	s29 =	simm.s32 $0xB;
	_ =	strace $0x8000004E  }
0xc1: {  	_ =	swait.ge [sflag:s29], $0x1  }
0xc2: {  	[sflag:s29] =	ssyncadd.s32 $0xFFFFFFFF  }
0xc3: {  	_ =	strace $0x9000004E  }
0xc4: {  	_ =	sfence  }
0xc5: {  	s30 =	sld [smem:$0x0];
	_ =	sdelay $0x2  }
0xc6: {  	s31 =	sshll.u32 s1, $0xD;
	s1 =	sshrl.u32 s1, $0x2  }
0xc7: {  	s4 =	sand.u32 $0x4000, s31;
	s1 =	sadd.s32 s1, s30  }
0xc8: {  	s0 =	sor.u32 s4, s0;
	s1 =	sshll.u32 s1, $0x11  }
0xc9: {  	s0 =	sor.u32 s1, s0  }
0xca: {  	s0 =	sadd.s32 $0x8F2B, s0  }
0xcb: {  	[sflag:s0] =	ssyncadd.remote.s32 $0x1  }
0xcc: {  	_ =	sfence.sel $0xFFFF  }
0xcd: {  	[dreg:$0x0] =	wrdreg $0xFFFFFFFF;
	(pc) =	sbr.abs _section_cstart, $3  }
0xce: {  	[dreg:$0x1] =	wrdreg $0xFFFFFFFF  }
0xcf: {  	_ =	task.clear_ibuf [dreg:s22], $0x2FFFF;
	_ =	strace $0x9FFFFFFF  }
0xd0: {  	(tm) =	ssettm $0x7FFFFFFF  }
0xd1: {  	_ =	shalt  }
tec
execute0_lowered:
.L_overlay_start_1:
0x0: {  	(tag) =	ssettag $0x1  }
0x1: {  	s1 =	srdreg.scid;
	s0 =	stileid.u32  }
0x2: {  	s5 =	rddreg [dreg:$0x0];
	s2 =	simm.s32 $0x0;
	s11 =	simm.s32 $0xD00  }
0x3: {  	s12 =	simm.s32 $0xCD00;
	s13 =	simm.s32 $0x4D00;
	s14 =	simm.s32 $0xCD80  }
0x4: {  	s15 =	simm.s32 $0x9;
	s16 =	simm.s32 $0x7;
	s17 =	simm.s32 $0x8  }
0x5: {  	s18 =	simm.s32 $0xCE80;
	s6 =	sand.u32 $0x1, s1;
	s1 =	rddreg [dreg:$0x1]  }
0x6: {  	s19 =	simm.s32 $0x0;
	s3 =	sshll.u32 s0, $0x1;
	[smem:$0x7FF] =	sst s2  }
0x7: {  	s4 =	sadd.s32 $0x4400, s5;
	s9 =	sshll.u32 s0, $0xC;
	s7 =	sor.u32 s6, s3  }
0x8: {  	_ =	strace $0x8000004D;
	s10 =	ssub.s32 $0x2, s6;
	s9 =	sadd.s32 s9, s5  }
0x9: {  	s3 =	smul.u32 $0x1A0, s7;
	s7 =	sshll.u32 s7, $0x4;
	s30 =	sshrl.u32 s10, $0x1  }
0xa: {  	s31 =	sshll.u32 s6, $0xB;
	s7 =	sadd.s32 s7, s5;
	s10 =	ssub.s32 s10, s30  }
0xb: {  	s8 =	sadd.s32 s3, s5;
	s3 =	sadd.s32 $0x77000, s5;
	s6 =	sadd.s32 $0x3B8200, s7  }
0xc: {  	s7 =	smax.u32 s10, $0x1;
	s5 =	sadd.s32 $0x70800, s8;
	s8 =	sadd.s32 s31, s9  }
0xd: {  	v0 =	vimm.f32 $0.0e+00;
	s10 =	simm.s32 $0x80;
	s9 =	simm.s32 $0xA;
	s8 =	sadd.s32 $0x3B8400, s8  }
.LBB2_1:
0xe: {  	[tilespmem:s2], [sflag:$0xA] =	stream.linear.gather [hbm4b:s5+s2], $0xD00, $0x38;
	[tilespmem:$0xCF00] =	vst v63  }
0xf: {  	_ =	swait.ge [sflag:s9], $0xD00  }
0x10: {  	[sflag:s9] =	ssyncset.done $0x0  }
0x11: {  	[sflag:s9] =	ssyncadd.s32 $0xFFFFF300  }
0x12: {  	[tilespmem:$0xCE80] =	vst v0  }
0x13: {  	[tilespmem:$0xCE90] =	vst v0  }
0x14: {  	[tilespmem:$0xCEA0] =	vst v0  }
0x15: {  	s20 =	smul.u32 $0xAB, s2;
	[tilespmem:$0xCEB0] =	vst v0  }
0x16: {  	[tilespmem:$0xCEC0] =	vst v0  }
0x17: {  	s21 =	simm.s32 $0x2;
	p0 =	por $0x0, $0x0;
	s20 =	sshrl.u32 s20, $0x9;
	[tilespmem:$0xCED0] =	vst v0  }
0x18: {  	s21 =	smul.u32 @!p0 $0xAB, s21;
	s20 =	sand.u32 $0x7F, s20;
	[tilespmem:$0xCEE0] =	vst v0  }
0x19: {  	[tilespmem:$0xCEF0] =	vst v0;
	s20 =	smul.u32 $0x3, s20  }
0x1a: {  	[tilespmem:s11], [sflag:$0x1] =	stream.indirect.gather [hbm4b:s4+s10], $0x80, s2, s10, $0xb8;
	[tilespmem:$0xCF00] =	vst v63  }
0x1b: {  	s21 =	sshrl.u32 @!p0 s21, $0x9;
	s20 =	ssub.s32 $0x0, s20  }
0x1c: {  	[tilespmem:s12], [sflag:$0x4] =	stream.indirect.gather [hbm4b:s3+s10], $0x1, s2, s10, $0xb8;
	[tilespmem:$0xCF00] =	vst v63  }
0x1d: {  	p1 =	por @!p0 $0x1, $0x1;
	s21 =	sand.u32 @!p0 $0x7F, s21;
	s20 =	sand.u32 $0xFF, s20  }
0x1e: {  	[tilespmem:s13], [sflag:$0x2] =	stream.indirect.gather [hbm4b:s4+s10], $0x80, s10, s10, $0xb8;
	[tilespmem:$0xCF00] =	vst v63  }
0x1f: {  	p1 =	por p1, p0;
	s21 =	smul.u32 @!p0 $0x3, s21;
	s22 =	sadd.s32 $0x1, s20  }
0x20: {  	[tilespmem:s14], [sflag:$0x5] =	stream.indirect.gather [hbm4b:s3+s10], $0x1, s10, s10, $0xb8;
	[tilespmem:$0xCF00] =	vst v63  }
0x21: {  	s21 =	ssub.s32 @!p0 $0x2, s21;
	s23 =	sshll.u32 s20, $0xE;
	_ =	swait.ge [sflag:s22], $0x4000  }
0x22: {  	s24 =	sadd.s32 $0x7, s20;
	s21 =	sand.u32 @!p0 $0xFF, s21;
	[sflag:s22] =	ssyncset.done $0x0  }
0x23: {  	s23 =	sor.u32 $0xD00, s23;
	[sflag:s22] =	ssyncadd.s32 $0xFFFFC000;
	s22 =	sadd.s32 @!p1 $0x7, s21  }
0x24: {  	[hbm4b:s8+s2] =	stream.linear.scatter [tilespmem:s23], [sflag:s24], $0x4000, $0x38;
	[tilespmem:$0xCF00] =	vst v63  }
0x25: {  	s26 =	simm.s32 @!p0 $0x80;
	s25 =	sshll.u32 @!p0 s21, $0x7;
	_ =	swait.ge @!p1 [sflag:s22], $0x4000  }
0x26: {  	s23 =	simm.s32 $0x100;
	s24 =	sshll.u32 @!p0 s21, $0xE;
	[sflag:s22] =	ssyncset.done @!p1 $0x0  }
0x27: {  	[sflag:s22] =	ssyncadd.s32 @!p1 $0xFFFFC000;
	s22 =	sor.u32 @!p0 $0xD00, s24;
	s24 =	sadd.s32 @!p0 $0x1, s21  }
0x28: {  	[tilespmem:s22], [sflag:s24] =	stream.indirect.gather @!p0 [hbm4b:s4+s26], $0x80, s23, s26, $0xb8;
	[tilespmem:$0xCF00] =	vst v63  }
0x29: {  	s30 =	sadd.s32 $0x4, s20;
	s21 =	sadd.s32 @!p0 $0x4, s21;
	s22 =	sadd.s32 @!p0 $0xCD00, s25  }
0x2a: {  	[tilespmem:s22], [sflag:s21] =	stream.indirect.gather @!p0 [hbm4b:s3+s26], $0x1, s23, s26, $0xb8;
	[tilespmem:$0xCF00] =	vst v63  }
0x2b: {  	_ =	swait.ge [sflag:s30], $0x80  }
0x2c: {  	[sflag:s30] =	ssyncset.done $0x0  }
0x2d: {  	[sflag:s30] =	ssyncadd.s32 $0xFFFFFF80  }
0x2e: {  	s20 =	sshll.u32 s20, $0x7;
	v1 =	vld [tilespmem:$0xCE80]  }
0x2f: {  	v2 =	vld [tilespmem:s20+$0xCD00];
	_ =	sdelay $0x4  }
0x30: {  	v1 =	vadd.f32 v2, v1;
	_ =	sdelay $0x1  }
0x31: {  	v2 =	vld [tilespmem:$0xCE90];
	[tilespmem:$0xCE80] =	vst v1  }
0x32: {  	v1 =	vld [tilespmem:s20+$0xCD10];
	_ =	sdelay $0x4  }
0x33: {  	v1 =	vadd.f32 v1, v2;
	_ =	sdelay $0x1  }
0x34: {  	v2 =	vld [tilespmem:$0xCEA0];
	[tilespmem:$0xCE90] =	vst v1  }
0x35: {  	v1 =	vld [tilespmem:s20+$0xCD20];
	_ =	sdelay $0x4  }
0x36: {  	v1 =	vadd.f32 v1, v2;
	_ =	sdelay $0x1  }
0x37: {  	v2 =	vld [tilespmem:$0xCEB0];
	[tilespmem:$0xCEA0] =	vst v1  }
0x38: {  	v1 =	vld [tilespmem:s20+$0xCD30];
	_ =	sdelay $0x4  }
0x39: {  	v1 =	vadd.f32 v1, v2;
	_ =	sdelay $0x1  }
0x3a: {  	v2 =	vld [tilespmem:$0xCEC0];
	[tilespmem:$0xCEB0] =	vst v1  }
0x3b: {  	v1 =	vld [tilespmem:s20+$0xCD40];
	_ =	sdelay $0x4  }
0x3c: {  	v1 =	vadd.f32 v1, v2;
	_ =	sdelay $0x1  }
0x3d: {  	v2 =	vld [tilespmem:$0xCED0];
	[tilespmem:$0xCEC0] =	vst v1  }
0x3e: {  	v1 =	vld [tilespmem:s20+$0xCD50];
	_ =	sdelay $0x4  }
0x3f: {  	v1 =	vadd.f32 v1, v2;
	_ =	sdelay $0x1  }
0x40: {  	v2 =	vld [tilespmem:$0xCEE0];
	[tilespmem:$0xCED0] =	vst v1  }
0x41: {  	v1 =	vld [tilespmem:s20+$0xCD60];
	_ =	sdelay $0x1  }
0x42: {  	s31 =	simm.s32 $0x1  }
0x43: {  	s21 =	smul.u32 $0xAB, s31;
	_ =	sdelay $0x1  }
0x44: {  	s21 =	sshrl.u32 s21, $0x9;
	v2 =	vadd.f32 v1, v2  }
0x45: {  	s21 =	sand.u32 $0x7F, s21  }
0x46: {  	p1 =	por $0x0, $0x0;
	s25 =	simm.s32 $0x3;
	s21 =	smul.u32 $0x3, s21;
	v1 =	vld [tilespmem:$0xCEF0];
	[tilespmem:$0xCEE0] =	vst v2  }
0x47: {  	p2 =	por @!p1 $0x0, $0x0;
	s24 =	smul.u32 @!p1 $0xAB, s25;
	s22 =	simm.s32 $0x2;
	v2 =	vld [tilespmem:s20+$0xCD70]  }
0x48: {  	s23 =	ssub.s32 $0x1, s21;
	s21 =	sadd.s32 $0x10000, s8;
	s20 =	simm.s32 $0x180  }
.LBB2_2:
0x49: {  	s26 =	sand.u32 $0xFF, s23  }
0x4a: {  	s24 =	sshrl.u32 @!p1 s24, $0x9;
	s23 =	smov.u32 s22;
	s22 =	sadd.s32 $0x1, s22  }
0x4b: {  	s28 =	sadd.s32 $0x1, s26;
	s29 =	sshll.u32 s26, $0xE;
	s24 =	sand.u32 @!p1 $0x7F, s24  }
0x4c: {  	p0 =	sne.s32 s22, $0x1A;
	s24 =	smul.u32 @!p1 $0x3, s24;
	v1 =	vadd.f32 v2, v1;
	_ =	sdelay $0x1  }
0x4d: {  	s30 =	sadd.s32 $0x7, s26;
	s29 =	sor.u32 $0xD00, s29;
	[tilespmem:$0xCEF0] =	vst v1  }
0x4e: {  	s24 =	ssub.s32 @!p1 s25, s24;
	_ =	swait.ge [sflag:s28], $0x4000  }
0x4f: {  	p2 =	por p2, p1;
	s24 =	sand.u32 @!p1 $0xFF, s24;
	[sflag:s28] =	ssyncset.done $0x0  }
0x50: {  	s25 =	sadd.s32 @!p2 $0x7, s24;
	[sflag:s28] =	ssyncadd.s32 $0xFFFFC000;
	s28 =	sshll.u32 @!p1 s24, $0xE  }
0x51: {  	[hbm4b:s21+s2] =	stream.linear.scatter [tilespmem:s29], [sflag:s30], $0x4000, $0x38;
	[tilespmem:$0xCF00] =	vst v63  }
0x52: {  	s29 =	sshll.u32 @!p1 s24, $0x7;
	_ =	swait.ge @!p2 [sflag:s25], $0x4000  }
0x53: {  	s30 =	simm.s32 @!p1 $0x80;
	[sflag:s25] =	ssyncset.done @!p2 $0x0  }
0x54: {  	[sflag:s25] =	ssyncadd.s32 @!p2 $0xFFFFC000;
	s25 =	sor.u32 @!p1 $0xD00, s28;
	s28 =	sadd.s32 @!p1 $0x1, s24  }
0x55: {  	[tilespmem:s25], [sflag:s28] =	stream.indirect.gather @!p1 [hbm4b:s4+s30], $0x80, s20, s30, $0xb8;
	[tilespmem:$0xCF00] =	vst v63  }
0x56: {  	s24 =	sadd.s32 @!p1 $0x4, s24;
	s25 =	sadd.s32 @!p1 $0xCD00, s29;
	s28 =	sadd.s32 $0x4, s26  }
0x57: {  	[tilespmem:s25], [sflag:s24] =	stream.indirect.gather @!p1 [hbm4b:s3+s30], $0x1, s20, s30, $0xb8;
	[tilespmem:$0xCF00] =	vst v63  }
0x58: {  	_ =	swait.ge [sflag:s28], $0x80  }
0x59: {  	[sflag:s28] =	ssyncset.done $0x0  }
0x5a: {  	s24 =	sshll.u32 s26, $0x7;
	[sflag:s28] =	ssyncadd.s32 $0xFFFFFF80  }
0x5b: {  	v1 =	vld [tilespmem:$0xCE80]  }
0x5c: {  	v2 =	vld [tilespmem:s24+$0xCD00]  }
0x5d: {  	v3 =	vld [tilespmem:$0xCE90]  }
0x5e: {  	v4 =	vld [tilespmem:$0xCEA0]  }
0x5f: {  	v5 =	vld [tilespmem:$0xCEB0]  }
0x60: {  	v6 =	vld [tilespmem:$0xCEC0]  }
0x61: {  	v1 =	vadd.f32 v2, v1;
	v2 =	vld [tilespmem:$0xCED0]  }
0x62: {  	v7 =	vld [tilespmem:$0xCEE0]  }
0x63: {  	[tilespmem:$0xCE80] =	vst v1;
	v1 =	vld [tilespmem:$0xCEF0]  }
0x64: {  	v8 =	vld [tilespmem:s24+$0xCD10];
	_ =	sdelay $0x4  }
0x65: {  	v3 =	vadd.f32 v8, v3;
	_ =	sdelay $0x1  }
0x66: {  	[tilespmem:$0xCE90] =	vst v3  }
0x67: {  	v3 =	vld [tilespmem:s24+$0xCD20];
	_ =	sdelay $0x4  }
0x68: {  	v3 =	vadd.f32 v3, v4;
	_ =	sdelay $0x1  }
0x69: {  	[tilespmem:$0xCEA0] =	vst v3  }
0x6a: {  	v3 =	vld [tilespmem:s24+$0xCD30];
	_ =	sdelay $0x4  }
0x6b: {  	v3 =	vadd.f32 v3, v5;
	_ =	sdelay $0x1  }
0x6c: {  	[tilespmem:$0xCEB0] =	vst v3  }
0x6d: {  	v3 =	vld [tilespmem:s24+$0xCD40];
	_ =	sdelay $0x4  }
0x6e: {  	v3 =	vadd.f32 v3, v6;
	_ =	sdelay $0x1  }
0x6f: {  	[tilespmem:$0xCEC0] =	vst v3  }
0x70: {  	v3 =	vld [tilespmem:s24+$0xCD50];
	_ =	sdelay $0x4  }
0x71: {  	v2 =	vadd.f32 v3, v2;
	_ =	sdelay $0x1  }
0x72: {  	[tilespmem:$0xCED0] =	vst v2  }
0x73: {  	v2 =	vld [tilespmem:s24+$0xCD60];
	_ =	sdelay $0x3  }
0x74: {  	s25 =	smul.u32 $0xAB, s23  }
0x75: {  	v2 =	vadd.f32 v2, v7  }
.Ltmp0:
0x76: {  	s25 =	sshrl.u32 s25, $0x9;
	(pc) =	sbr.rel @p0 .LBB2_2-.Ltmp0, $4  }
0x77: {  	s26 =	sand.u32 $0x7F, s25;
	s25 =	sadd.s32 $0x2, s23;
	[tilespmem:$0xCEE0] =	vst v2  }
0x78: {  	p1 =	sgt.u32 s23, $0x17;
	s26 =	smul.u32 $0x3, s26;
	v2 =	vld [tilespmem:s24+$0xCD70]  }
0x79: {  	p2 =	seq.s32 @!p1 s23, $0x0;
	s24 =	smul.u32 @!p1 $0xAB, s25  }
0x7a: {  	s21 =	sadd.s32 $0x10000, s21;
	s20 =	sadd.s32 $0x80, s20;
	s23 =	ssub.s32 s23, s26  }
0x7b: {  	_ = 	snop  }
0x7c: {  	s22 =	sshrl.u32 @!p1 s24, $0x9  }
0x7d: {  	s22 =	sand.u32 @!p1 $0x7F, s22;
	v1 =	vadd.f32 v2, v1  }
0x7e: {  	s23 =	sand.u32 $0xFF, s23;
	s22 =	smul.u32 @!p1 $0x3, s22  }
0x7f: {  	p0 =	por p2, p1;
	s31 =	sadd.s32 $0x1, s23;
	[tilespmem:$0xCEF0] =	vst v1  }
0x80: {  	s26 =	sshll.u32 s23, $0xE;
	s22 =	ssub.s32 @!p1 s25, s22;
	_ =	swait.ge [sflag:s31], $0x4000  }
0x81: {  	s28 =	sadd.s32 $0x7, s23;
	s22 =	sand.u32 @!p1 $0xFF, s22;
	[sflag:s31] =	ssyncset.done $0x0  }
0x82: {  	s29 =	sor.u32 $0xD00, s26;
	s24 =	sadd.s32 @!p0 $0x7, s22;
	[sflag:s31] =	ssyncadd.s32 $0xFFFFC000  }
0x83: {  	[hbm4b:s21+s2] =	stream.linear.scatter [tilespmem:s29], [sflag:s28], $0x4000, $0x38;
	[tilespmem:$0xCF00] =	vst v63  }
0x84: {  	s26 =	simm.s32 @!p1 $0x80;
	_ =	swait.ge @!p0 [sflag:s24], $0x4000  }
0x85: {  	s25 =	sshll.u32 @!p1 s22, $0x7;
	s21 =	sshll.u32 @!p1 s22, $0xE;
	[sflag:s24] =	ssyncset.done @!p0 $0x0  }
0x86: {  	s21 =	sor.u32 @!p1 $0xD00, s21;
	[sflag:s24] =	ssyncadd.s32 @!p0 $0xFFFFC000;
	s24 =	sadd.s32 @!p1 $0x1, s22  }
0x87: {  	[tilespmem:s21], [sflag:s24] =	stream.indirect.gather @!p1 [hbm4b:s4+s26], $0x80, s20, s26, $0xb8;
	[tilespmem:$0xCF00] =	vst v63  }
0x88: {  	s30 =	sadd.s32 $0x4, s23;
	s22 =	sadd.s32 @!p1 $0x4, s22;
	s21 =	sadd.s32 @!p1 $0xCD00, s25  }
0x89: {  	[tilespmem:s21], [sflag:s22] =	stream.indirect.gather @!p1 [hbm4b:s3+s26], $0x1, s20, s26, $0xb8;
	[tilespmem:$0xCF00] =	vst v63  }
0x8a: {  	_ =	swait.ge [sflag:s30], $0x80  }
0x8b: {  	[sflag:s30] =	ssyncset.done $0x0  }
0x8c: {  	[sflag:s30] =	ssyncadd.s32 $0xFFFFFF80  }
0x8d: {  	s31 =	sshll.u32 s23, $0x7;
	v1 =	vld [tilespmem:$0xCE80]  }
0x8e: {  	v2 =	vld [tilespmem:s31+$0xCD00];
	_ =	sdelay $0x4  }
0x8f: {  	v1 =	vadd.f32 v2, v1;
	_ =	sdelay $0x1  }
0x90: {  	v2 =	vld [tilespmem:$0xCE90];
	[tilespmem:$0xCE80] =	vst v1  }
0x91: {  	v1 =	vld [tilespmem:s31+$0xCD10];
	_ =	sdelay $0x4  }
0x92: {  	v1 =	vadd.f32 v1, v2;
	_ =	sdelay $0x1  }
0x93: {  	v2 =	vld [tilespmem:$0xCEA0];
	[tilespmem:$0xCE90] =	vst v1  }
0x94: {  	v1 =	vld [tilespmem:s31+$0xCD20];
	_ =	sdelay $0x4  }
0x95: {  	v1 =	vadd.f32 v1, v2;
	_ =	sdelay $0x1  }
0x96: {  	v2 =	vld [tilespmem:$0xCEB0];
	[tilespmem:$0xCEA0] =	vst v1  }
0x97: {  	v1 =	vld [tilespmem:s31+$0xCD30];
	_ =	sdelay $0x4  }
0x98: {  	v1 =	vadd.f32 v1, v2;
	_ =	sdelay $0x1  }
0x99: {  	v2 =	vld [tilespmem:$0xCEC0];
	[tilespmem:$0xCEB0] =	vst v1  }
0x9a: {  	v1 =	vld [tilespmem:s31+$0xCD40];
	_ =	sdelay $0x4  }
0x9b: {  	v1 =	vadd.f32 v1, v2;
	_ =	sdelay $0x1  }
0x9c: {  	v2 =	vld [tilespmem:$0xCED0];
	[tilespmem:$0xCEC0] =	vst v1  }
0x9d: {  	v1 =	vld [tilespmem:s31+$0xCD50];
	_ =	sdelay $0x4  }
0x9e: {  	v1 =	vadd.f32 v1, v2;
	_ =	sdelay $0x1  }
0x9f: {  	v2 =	vld [tilespmem:$0xCEE0];
	[tilespmem:$0xCED0] =	vst v1  }
0xa0: {  	v1 =	vld [tilespmem:s31+$0xCD60];
	_ =	sdelay $0x4  }
0xa1: {  	v1 =	vadd.f32 v1, v2;
	_ =	sdelay $0x1  }
0xa2: {  	v2 =	vld [tilespmem:$0xCEF0];
	[tilespmem:$0xCEE0] =	vst v1  }
0xa3: {  	v1 =	vld [tilespmem:s31+$0xCD70];
	_ =	sdelay $0x4  }
0xa4: {  	v1 =	vadd.f32 v1, v2;
	_ =	sdelay $0x1  }
0xa5: {  	[tilespmem:$0xCEF0] =	vst v1  }
0xa6: {  	_ =	swait.ge [sflag:s15], $0x4000  }
0xa7: {  	[sflag:s15] =	ssyncset.done $0x0  }
0xa8: {  	[sflag:s15] =	ssyncadd.s32 $0xFFFFC000  }
0xa9: {  	_ =	swait.ge [sflag:s16], $0x4000  }
0xaa: {  	[sflag:s16] =	ssyncset.done $0x0  }
0xab: {  	[sflag:s16] =	ssyncadd.s32 $0xFFFFC000  }
0xac: {  	s19 =	sadd.s32 $0x1, s19;
	_ =	swait.ge [sflag:s17], $0x4000  }
0xad: {  	p0 =	sne.s32 s19, s7;
	[sflag:s17] =	ssyncset.done $0x0  }
.Ltmp1:
0xae: {  	[sflag:s17] =	ssyncadd.s32 $0xFFFFC000;
	(pc) =	sbr.rel @p0 .LBB2_1-.Ltmp1, $4  }
0xaf: {  	[hbm4b:s6+s2] =	stream.linear.scatter [tilespmem:s18], [sflag:$0xA], $0x80, $0x38;
	[tilespmem:$0xCF00] =	vst v63  }
0xb0: {  	_ =	swait.ge [sflag:s9], $0x80  }
0xb1: {  	[sflag:s9] =	ssyncset.done $0x0  }
0xb2: {  	[sflag:s9] =	ssyncadd.s32 $0xFFFFFF80  }
0xb3: {  	_ =	sfence.sel $0x180000  }
0xb4: {  	[bflag:$0x0] =	sbarrier.arrive $0xFFFF  }
0xb5: {  	p0 =	sne.s32 s0, $0x0;
	_ =	strace $0x9000004D  }
0xb6: {  	s0 =	sadd.s32 @!p0 $0x100000, s1;
	[bflag:$0x2] =	sbarrier.arrive $0xFFFF  }
0xb7: {  	[sflag:s0] =	ssyncadd.tile.s32 @!p0 $0x1;
	_ =	shalt  }
.Lfunc_end2:
_tile_overlayer_lowered:
.L_overlay_start_2:
0xb8: {  	(tag) =	ssettag $0x2  }
0xb9: {  	s0 =	rddreg [dreg:$0x0];
	s2 =	stileid.u32  }
0xba: {  	s1 =	rddreg [dreg:$0x1];
	p0 =	sne.s32 s2, $0x0  }
0xbb: {  	s3 =	rddreg [dreg:$0x2];
	[bflag:$0x3] =	sbarrier.arrive $0xFFFF;
	s2 =	simm.s32 @!p0 $0x1C0A  }
0xbc: {  	[timem:s3], [sflag:s2] =	dma.local @!p0 [hbm:s0], s1  }
0xbd: {  	s0 =	simm.s32 @!p0 $0xA  }
0xbe: {  	_ =	swait.ge @!p0 [sflag:s0], s1  }
0xbf: {  	s1 =	ssub.s32 @!p0 $0x0, s1;
	[sflag:s0] =	ssyncset.done @!p0 $0x0  }
0xc0: {  	[sflag:s0] =	ssyncadd.s32 @!p0 s1  }
0xc1: {  	[bflag:$0x3] =	sbarrier.arrive $0xFFFF  }
0xc2: {  	_ =	shalt  }

// kernel: kernel.19.cloned.1.call-start
scs
__scs_entry_jumppad:
0x0: {  	(pc) =	sbr.rel $0x88, $3  }
0x1: {  	(tag) =	ssettag $0x0;
	lr =	simm.s32 $0x1  }
0x2: {  	[smem:$0x3F93] =	sst lr;
	_ =	strace $0xD0000000  }
0x3: {  	_ = 	snop  }
0x4: {  	_ = 	snop  }
0x5: {  	_ = 	snop  }
0x6: {  	_ = 	snop  }
0x7: {  	_ = 	snop  }
__scs_overlays_trampoline_lowered:
0x8: {  	[smem:$0x3FA2] =	sst s0  }
0x9: {  	[smem:$0x3FA3] =	sst s1  }
0xa: {  	[smem:$0x3FA4] =	sst s2  }
0xb: {  	[smem:$0x3FA5] =	sst s3  }
0xc: {  	[smem:$0x3FA6] =	sst s4  }
0xd: {  	[smem:$0x3FA7] =	sst s5  }
0xe: {  	[smem:$0x3FA8] =	sst s6  }
0xf: {  	[smem:$0x3FA9] =	sst s7  }
0x10: {  	[smem:$0x3FAA] =	sst s8  }
0x11: {  	[smem:$0x3FAB] =	sst s9;
	s0 =	simm.s32 @!p0 $0x0  }
0x12: {  	s1 =	sld [smem:$0x3F91];
	s0 =	simm.s32 @p0 $0x1  }
0x13: {  	[smem:$0x3FAC] =	sst s0;
	s0 =	simm.s32 @!p1 $0x0  }
0x14: {  	s2 =	sld [smem:$0x3F90];
	s0 =	simm.s32 @p1 $0x1  }
0x15: {  	[smem:$0x3FAD] =	sst s0;
	s0 =	simm.s32 @!p2 $0x0  }
0x16: {  	s3 =	sld [smem:$0x3FDB];
	s0 =	simm.s32 @p2 $0x1  }
0x17: {  	s4 =	simm.s32 $0x1BF5;
	[smem:$0x3FAF] =	sst s0  }
0x18: {  	s0 =	sld [smem:$0x3F92];
	_ =	swait.ge [sflag:s4], $0x0  }
0x19: {  	s7 =	sld [smem:$0x3F93]  }
0x1a: {  	s8 =	sadd.s32 $0xFFFFE003, lr  }
0x1b: {  	s9 =	sadd.s32 $0xFFFFFEF7, lr;
	s5 =	simm.s32 $0xFFFFFFFF;
	p2 =	slt.u32 s8, $0xFFFFF086  }
0x1c: {  	p1 =	slt.u32 s9, $0xF7A;
	s5 =	simm.s32 @!p2 $0x0  }
0x1d: {  	s5 =	simm.s32 @p1 $0x1;
	p0 =	seq.s32 s7, s2  }
0x1e: {  	s7 =	smul.u32 @!p0 $0xF7A, s2;
	p2 =	seq.s32 @!p0 s5, $0x0  }
0x1f: {  	s9 =	smul.u32 $0xF7A, s1;
	s8 =	simm.s32 @!p0 $0x1BF5;
	p2 =	por !p2, p0  }
0x20: {  	[sflag:s8] =	ssyncset.s32 @!p0 $0xFFFFF086;
	s6 =	sadd.s32 @!p0 s3, s7;
	s7 =	simm.s32 @!p0 $0x108  }
0x21: {  	s3 =	sadd.s32 s3, s9;
	s6 =	sadd.s32 @!p0 $0x88, s6;
	s7 =	simm.s32 @p2 $0x1082  }
0x22: {  	[simem:s7], [sflag:s8] =	dma.local @!p0 [hbm:s6], $0xF7A  }
0x23: {  	s9 =	sor.u32 $0xD0000000, s2;
	s6 =	simm.s32 $0x108;
	_ =	swait.ge @!p0 [sflag:s8], $0x0  }
0x24: {  	s3 =	sadd.s32 $0x88, s3;
	s6 =	simm.s32 @!p1 $0x1082;
	[sflag:s4] =	ssyncset.s32 $0xFFFFF086  }
0x25: {  	[simem:s6], [sflag:s4] =	dma.local [hbm:s3], $0xF7A  }
0x26: {  	[smem:$0x3F93] =	sst s1;
	(tag) =	ssettag s2;
	_ =	strace s9  }
0x27: {  	s1 =	sld [smem:$0x3FA3]  }
0x28: {  	s2 =	sld [smem:$0x3FA4]  }
0x29: {  	s4 =	sld [smem:$0x3FA6]  }
0x2a: {  	p0 =	seq.s32 s5, $0x0;
	s5 =	sld [smem:$0x3FA7]  }
0x2b: {  	s6 =	sld [smem:$0x3FA8]  }
0x2c: {  	s7 =	sld [smem:$0x3FA9]  }
0x2d: {  	s3 =	simm.s32 $0x108;
	s8 =	sld [smem:$0x3FAA]  }
0x2e: {  	s3 =	simm.s32 @!p0 $0x1082;
	s9 =	sld [smem:$0x3FAB]  }
0x2f: {  	lr =	sadd.s32 s0, s3;
	s0 =	sld [smem:$0x3FA2]  }
0x30: {  	s3 =	sld [smem:$0x3FA5]  }
0x31: {  	[smem:$0x3FAE] =	sst s10  }
0x32: {  	s10 =	sld [smem:$0x3FAC];
	_ =	sdelay $0x3  }
0x33: {  	p0 =	seq.s32 s10, $0x1;
	s10 =	sld [smem:$0x3FAE];
	_ =	sdelay $0x3  }
0x34: {  	[smem:$0x3FAE] =	sst s10  }
0x35: {  	s10 =	sld [smem:$0x3FAD];
	_ =	sdelay $0x3  }
0x36: {  	p1 =	seq.s32 s10, $0x1;
	s10 =	sld [smem:$0x3FAE];
	_ =	sdelay $0x3  }
0x37: {  	[smem:$0x3FAE] =	sst s10  }
0x38: {  	s10 =	sld [smem:$0x3FAF]  }
0x39: {  	_ = 	snop;
	(pc) =	sbr.ind lr, $3  }
0x3a: {  	_ = 	snop  }
0x3b: {  	_ = 	snop  }
0x3c: {  	p2 =	seq.s32 s10, $0x1;
	s10 =	sld [smem:$0x3FAE]  }
0x3d: {  	_ =	shalt  }
0x3e: {  	_ =	shalt  }
0x3f: {  	_ =	shalt  }
0x40: {  	_ =	shalt  }
0x41: {  	_ =	shalt  }
0x42: {  	_ =	shalt  }
0x43: {  	_ =	shalt  }
0x44: {  	_ =	shalt  }
0x45: {  	_ =	shalt  }
0x46: {  	_ =	shalt  }
0x47: {  	_ =	shalt  }
0x48: {  	_ =	shalt  }
0x49: {  	_ =	shalt  }
0x4a: {  	_ =	shalt  }
0x4b: {  	_ =	shalt  }
0x4c: {  	_ =	shalt  }
0x4d: {  	_ =	shalt  }
0x4e: {  	_ =	shalt  }
0x4f: {  	_ =	shalt  }
0x50: {  	_ =	shalt  }
0x51: {  	_ =	shalt  }
0x52: {  	_ =	shalt  }
0x53: {  	_ =	shalt  }
0x54: {  	_ =	shalt  }
0x55: {  	_ =	shalt  }
0x56: {  	_ =	shalt  }
0x57: {  	_ =	shalt  }
0x58: {  	_ =	shalt  }
0x59: {  	_ =	shalt  }
0x5a: {  	_ =	shalt  }
0x5b: {  	_ =	shalt  }
0x5c: {  	_ =	shalt  }
0x5d: {  	_ =	shalt  }
0x5e: {  	_ =	shalt  }
0x5f: {  	_ =	shalt  }
0x60: {  	_ =	shalt  }
0x61: {  	_ =	shalt  }
0x62: {  	_ =	shalt  }
0x63: {  	_ =	shalt  }
0x64: {  	_ =	shalt  }
0x65: {  	_ =	shalt  }
0x66: {  	_ =	shalt  }
0x67: {  	_ =	shalt  }
0x68: {  	_ =	shalt  }
0x69: {  	_ =	shalt  }
0x6a: {  	_ =	shalt  }
0x6b: {  	_ =	shalt  }
0x6c: {  	_ =	shalt  }
0x6d: {  	_ =	shalt  }
0x6e: {  	_ =	shalt  }
0x6f: {  	_ =	shalt  }
0x70: {  	_ =	shalt  }
0x71: {  	_ =	shalt  }
0x72: {  	_ =	shalt  }
0x73: {  	_ =	shalt  }
0x74: {  	_ =	shalt  }
0x75: {  	_ =	shalt  }
0x76: {  	_ =	shalt  }
0x77: {  	_ =	shalt  }
0x78: {  	_ =	shalt  }
0x79: {  	_ =	shalt  }
0x7a: {  	_ =	shalt  }
0x7b: {  	_ =	shalt  }
0x7c: {  	_ =	shalt  }
0x7d: {  	_ =	shalt  }
0x7e: {  	_ =	shalt  }
0x7f: {  	_ =	shalt  }
0x80: {  	_ =	shalt  }
0x81: {  	_ =	shalt  }
0x82: {  	_ =	shalt  }
0x83: {  	_ =	shalt  }
0x84: {  	_ =	shalt  }
0x85: {  	_ =	shalt  }
0x86: {  	_ =	shalt  }
0x87: {  	_ =	shalt  }
.Lfunc_end0:
.L_simem_size_0:
called_computation.3_lowered:
.L_overlay_start_0:
0x88: {  	s2 =	sld [smem:$0x3FD9]  }
0x89: {  	s3 =	sld [smem:$0x3FFE];
	_ =	sdelay $0x1  }
0x8a: {  	s1 =	srdreg.scid  }
0x8b: {  	s0 =	sand.u32 $0x1, s1  }
0x8c: {  	s17 =	sshll.u32 s0, $0xA;
	s2 =	sadd.s32 s3, s2  }
0x8d: {  	s2 =	sadd.s32 s2, s17  }
0x8e: {  	[smem:$0x3FBA] =	sst s2  }
0x8f: {  	_ = 	snop  }
0x90: {  	s18 =	sld [smem:$0x3FD0];
	(tm) =	ssettm $0x1  }
0x91: {  	s19 =	sld [smem:$0x3FFB];
	_ =	sdelay $0x3  }
0x92: {  	_ =	strace s19  }
0x93: {  	s2 =	sld [smem:$0x3FFC];
	_ =	sdelay $0x3  }
0x94: {  	_ =	strace s2  }
0x95: {  	s2 =	sld [smem:$0x3FFD];
	_ =	sdelay $0x3  }
0x96: {  	_ =	strace s2  }
0x97: {  	_ =	strace $0x8FFFFFFF  }
0x98: {  	s20 =	sld [smem:$0x3FDB];
	_ =	sdelay $0x1  }
0x99: {  	s4 =	simm.s32 $_scs_section_size  }
0x9a: {  	s5 =	simm.s32 $_size__tile_overlayer_lowered;
	s6 =	simm.s32 $_tile_overlayer_lowered  }
0x9b: {  	s7 =	simm.s32 $0x1BFF;
	s21 =	sshll.u32 s6, $0x1;
	s4 =	sadd.s32 s4, s20  }
0x9c: {  	s22 =	simm.s32 $0x0;
	s5 =	sshll.u32 s5, $0x1;
	s6 =	sadd.s32 s21, s4  }
0x9d: {  	[timem:s22], [sflag:s7] =	dma.local [hbm:s6], s5  }
0x9e: {  	_ =	swait.ge [sflag:s7], s5  }
0x9f: {  	s5 =	ssub.s32 $0x0, s5;
	[sflag:s7] =	ssyncset.done $0x0  }
0xa0: {  	[sflag:s7] =	ssyncadd.s32 s5;
	_ =	sdelay $0x1  }
0xa1: {  	s23 =	simm.s32 $0x1B8B  }
0xa2: {  	_ =	swait.ge [sflag:s23], $0x1  }
0xa3: {  	[sflag:s23] =	ssyncset.done $0x0  }
0xa4: {  	[sflag:s23] =	ssyncadd.s32 $0xFFFFFFFF  }
0xa5: {  	s5 =	sld [smem:$0x0]  }
0xa6: {  	s6 =	sand.u32 $0xFFFFFFFE, s1  }
0xa7: {  	p0 =	sne.s32 s1, s6  }
0xa8: {  	s6 =	sshll.u32 @p0 s6, $0xE  }
0xa9: {  	s6 =	sadd.s32 @p0 $0x11B8D, s6;
	s7 =	sshll.u32 @p0 s5, $0x11  }
0xaa: {  	s6 =	sor.u32 @p0 s7, s6  }
0xab: {  	[sflag:s6] =	ssyncadd.remote.s32 @p0 $0x1;
	_ =	sdelay $0x1  }
0xac: {  	s6 =	simm.s32 @p0 $0x1B8D  }
0xad: {  	_ =	swait.eq @p0 [sflag:s6], $0x1  }
0xae: {  	[sflag:s6] =	ssyncadd.s32 @p0 $0xFFFFFFFF  }
0xaf: {  	s7 =	sshll.u32 @!p0 s1, $0xE  }
0xb0: {  	s7 =	sor.u32 @!p0 $0x4000, s7;
	s6 =	simm.s32 @!p0 $0x1B8D  }
0xb1: {  	s5 =	sshll.u32 @!p0 s5, $0x11;
	s7 =	sadd.s32 @!p0 $0x11B8D, s7;
	_ =	swait.eq @!p0 [sflag:s6], $0x1  }
0xb2: {  	s5 =	sor.u32 @!p0 s5, s7;
	[sflag:s6] =	ssyncadd.s32 @!p0 $0xFFFFFFFF  }
0xb3: {  	s25 =	simm.s32 $0x1B8E;
	s24 =	sld [smem:$0x3FFE];
	[sflag:s5] =	ssyncadd.remote.s32 @!p0 $0x1  }
0xb4: {  	s26 =	simm.s32 $execute0_lowered;
	[smem:$0x3FD2] =	sst s25  }
0xb5: {  	s6 =	sshll.u32 s26, $0x1;
	_ =	strace $0x8000004F;
	[dreg:$0x1] =	wrdreg $0xFFFFFFFF  }
0xb6: {  	s28 =	simm.s32 $_size_execute0_lowered;
	s4 =	sadd.s32 s4, s6;
	[dreg:$0x0] =	wrdreg $0x0  }
0xb7: {  	s6 =	sshll.u32 s28, $0x1;
	[dreg:$0x2] =	wrdreg s4  }
0xb8: {  	[dreg:$0x3] =	wrdreg s6  }
0xb9: {  	[dreg:$0x4] =	wrdreg $0xC0  }
0xba: {  	_ =	task [dreg:s22], $0x5FFFF  }
0xbb: {  	[dreg:$0x1] =	wrdreg $0xFFFFFFFF  }
0xbc: {  	[dreg:$0x0] =	wrdreg $0x60  }
0xbd: {  	[dreg:$0x2] =	wrdreg s24  }
0xbe: {  	[dreg:$0x3] =	wrdreg s18  }
0xbf: {  	[dreg:$0x4] =	wrdreg $0xC  }
0xc0: {  	_ =	task.clear_ibuf [dreg:s22], $0x5FFFF;
	_ =	strace $0x9000004F  }
0xc1: {  	s29 =	simm.s32 $0xC;
	_ =	strace $0x80000051  }
0xc2: {  	_ =	swait.ge [sflag:s29], $0x1  }
0xc3: {  	[sflag:s29] =	ssyncadd.s32 $0xFFFFFFFF  }
0xc4: {  	_ =	strace $0x90000051  }
0xc5: {  	_ =	sfence  }
0xc6: {  	s30 =	sld [smem:$0x0];
	_ =	sdelay $0x2  }
0xc7: {  	s31 =	sshll.u32 s1, $0xD;
	s1 =	sshrl.u32 s1, $0x2  }
0xc8: {  	s4 =	sand.u32 $0x4000, s31;
	s1 =	sadd.s32 s1, s30  }
0xc9: {  	s0 =	sor.u32 s4, s0;
	s1 =	sshll.u32 s1, $0x11  }
0xca: {  	s0 =	sor.u32 s1, s0  }
0xcb: {  	s0 =	sadd.s32 $0x8F2B, s0  }
0xcc: {  	[sflag:s0] =	ssyncadd.remote.s32 $0x1  }
0xcd: {  	_ =	sfence.sel $0xFFFF  }
0xce: {  	[dreg:$0x0] =	wrdreg $0xFFFFFFFF;
	(pc) =	sbr.abs _section_cstart, $3  }
0xcf: {  	[dreg:$0x1] =	wrdreg $0xFFFFFFFF  }
0xd0: {  	_ =	task.clear_ibuf [dreg:s22], $0x2FFFF;
	_ =	strace $0x9FFFFFFF  }
0xd1: {  	(tm) =	ssettm $0x7FFFFFFF  }
tec
execute0_lowered:
.L_overlay_start_1:
0x0: {  	(tag) =	ssettag $0x1  }
0x1: {  	s1 =	srdreg.scid;
	s5 =	rddreg [dreg:$0x0]  }
0x2: {  	s0 =	stileid.u32;
	s7 =	rddreg [dreg:$0x1];
	s2 =	simm.s32 $0x0  }
0x3: {  	s13 =	simm.s32 $0x4D00;
	s14 =	simm.s32 $0xCD80;
	s15 =	simm.s32 $0x9  }
0x4: {  	s16 =	simm.s32 $0x7;
	s17 =	simm.s32 $0x8;
	s18 =	simm.s32 $0xCE80  }
0x5: {  	s19 =	simm.s32 $0x0;
	s6 =	sand.u32 $0x1, s1;
	s1 =	rddreg [dreg:$0x2]  }
0x6: {  	s29 =	sshll.u32 s0, $0x1;
	[smem:$0x7FF] =	sst s2;
	s11 =	sshll.u32 s0, $0xC  }
0x7: {  	s4 =	sadd.s32 $0x4400, s5;
	s8 =	sor.u32 s6, s29;
	_ =	strace $0x80000050  }
0x8: {  	s10 =	ssub.s32 $0x2, s6;
	s11 =	sadd.s32 s11, s5;
	s30 =	sshll.u32 s6, $0xB  }
0x9: {  	s3 =	smul.u32 $0x1A0, s8;
	s12 =	sshrl.u32 s10, $0x1;
	s8 =	sshll.u32 s8, $0x4  }
0xa: {  	s31 =	sadd.s32 s30, s11;
	s11 =	simm.s32 $0xD00;
	s10 =	ssub.s32 s10, s12  }
0xb: {  	s6 =	sadd.s32 s7, s8;
	s8 =	sadd.s32 $0x558400, s31;
	s12 =	simm.s32 $0xCD00  }
0xc: {  	s9 =	sadd.s32 s3, s5;
	s3 =	sadd.s32 $0x77000, s5;
	s7 =	smax.u32 s10, $0x1  }
0xd: {  	v0 =	vimm.f32 $0.0e+00;
	s10 =	simm.s32 $0x80;
	s5 =	sadd.s32 $0x73C00, s9;
	s9 =	simm.s32 $0xA  }
.LBB2_1:
0xe: {  	[tilespmem:s2], [sflag:$0xA] =	stream.linear.gather [hbm4b:s5+s2], $0xD00, $0x38;
	[tilespmem:$0xCF00] =	vst v63  }
0xf: {  	_ =	swait.ge [sflag:s9], $0xD00  }
0x10: {  	[sflag:s9] =	ssyncset.done $0x0  }
0x11: {  	[sflag:s9] =	ssyncadd.s32 $0xFFFFF300  }
0x12: {  	[tilespmem:$0xCE80] =	vst v0  }
0x13: {  	[tilespmem:$0xCE90] =	vst v0  }
0x14: {  	[tilespmem:$0xCEA0] =	vst v0  }
0x15: {  	s20 =	smul.u32 $0xAB, s2;
	[tilespmem:$0xCEB0] =	vst v0  }
0x16: {  	[tilespmem:$0xCEC0] =	vst v0  }
0x17: {  	s21 =	simm.s32 $0x2;
	p0 =	por $0x0, $0x0;
	s20 =	sshrl.u32 s20, $0x9;
	[tilespmem:$0xCED0] =	vst v0  }
0x18: {  	s21 =	smul.u32 @!p0 $0xAB, s21;
	s20 =	sand.u32 $0x7F, s20;
	[tilespmem:$0xCEE0] =	vst v0  }
0x19: {  	[tilespmem:$0xCEF0] =	vst v0;
	s20 =	smul.u32 $0x3, s20  }
0x1a: {  	[tilespmem:s11], [sflag:$0x1] =	stream.indirect.gather [hbm4b:s4+s10], $0x80, s2, s10, $0xb8;
	[tilespmem:$0xCF00] =	vst v63  }
0x1b: {  	s21 =	sshrl.u32 @!p0 s21, $0x9;
	s20 =	ssub.s32 $0x0, s20  }
0x1c: {  	[tilespmem:s12], [sflag:$0x4] =	stream.indirect.gather [hbm4b:s3+s10], $0x1, s2, s10, $0xb8;
	[tilespmem:$0xCF00] =	vst v63  }
0x1d: {  	p1 =	por @!p0 $0x1, $0x1;
	s21 =	sand.u32 @!p0 $0x7F, s21;
	s20 =	sand.u32 $0xFF, s20  }
0x1e: {  	[tilespmem:s13], [sflag:$0x2] =	stream.indirect.gather [hbm4b:s4+s10], $0x80, s10, s10, $0xb8;
	[tilespmem:$0xCF00] =	vst v63  }
0x1f: {  	p1 =	por p1, p0;
	s21 =	smul.u32 @!p0 $0x3, s21;
	s22 =	sadd.s32 $0x1, s20  }
0x20: {  	[tilespmem:s14], [sflag:$0x5] =	stream.indirect.gather [hbm4b:s3+s10], $0x1, s10, s10, $0xb8;
	[tilespmem:$0xCF00] =	vst v63  }
0x21: {  	s21 =	ssub.s32 @!p0 $0x2, s21;
	s23 =	sshll.u32 s20, $0xE;
	_ =	swait.ge [sflag:s22], $0x4000  }
0x22: {  	s24 =	sadd.s32 $0x7, s20;
	s21 =	sand.u32 @!p0 $0xFF, s21;
	[sflag:s22] =	ssyncset.done $0x0  }
0x23: {  	s23 =	sor.u32 $0xD00, s23;
	[sflag:s22] =	ssyncadd.s32 $0xFFFFC000;
	s22 =	sadd.s32 @!p1 $0x7, s21  }
0x24: {  	[hbm4b:s8+s2] =	stream.linear.scatter [tilespmem:s23], [sflag:s24], $0x4000, $0x38;
	[tilespmem:$0xCF00] =	vst v63  }
0x25: {  	s26 =	simm.s32 @!p0 $0x80;
	s25 =	sshll.u32 @!p0 s21, $0x7;
	_ =	swait.ge @!p1 [sflag:s22], $0x4000  }
0x26: {  	s23 =	simm.s32 $0x100;
	s24 =	sshll.u32 @!p0 s21, $0xE;
	[sflag:s22] =	ssyncset.done @!p1 $0x0  }
0x27: {  	[sflag:s22] =	ssyncadd.s32 @!p1 $0xFFFFC000;
	s22 =	sor.u32 @!p0 $0xD00, s24;
	s24 =	sadd.s32 @!p0 $0x1, s21  }
0x28: {  	[tilespmem:s22], [sflag:s24] =	stream.indirect.gather @!p0 [hbm4b:s4+s26], $0x80, s23, s26, $0xb8;
	[tilespmem:$0xCF00] =	vst v63  }
0x29: {  	s30 =	sadd.s32 $0x4, s20;
	s21 =	sadd.s32 @!p0 $0x4, s21;
	s22 =	sadd.s32 @!p0 $0xCD00, s25  }
0x2a: {  	[tilespmem:s22], [sflag:s21] =	stream.indirect.gather @!p0 [hbm4b:s3+s26], $0x1, s23, s26, $0xb8;
	[tilespmem:$0xCF00] =	vst v63  }
0x2b: {  	_ =	swait.ge [sflag:s30], $0x80  }
0x2c: {  	[sflag:s30] =	ssyncset.done $0x0  }
0x2d: {  	[sflag:s30] =	ssyncadd.s32 $0xFFFFFF80  }
0x2e: {  	s20 =	sshll.u32 s20, $0x7;
	v1 =	vld [tilespmem:$0xCE80]  }
0x2f: {  	v2 =	vld [tilespmem:s20+$0xCD00];
	_ =	sdelay $0x4  }
0x30: {  	v1 =	vadd.f32 v2, v1;
	_ =	sdelay $0x1  }
0x31: {  	v2 =	vld [tilespmem:$0xCE90];
	[tilespmem:$0xCE80] =	vst v1  }
0x32: {  	v1 =	vld [tilespmem:s20+$0xCD10];
	_ =	sdelay $0x4  }
0x33: {  	v1 =	vadd.f32 v1, v2;
	_ =	sdelay $0x1  }
0x34: {  	v2 =	vld [tilespmem:$0xCEA0];
	[tilespmem:$0xCE90] =	vst v1  }
0x35: {  	v1 =	vld [tilespmem:s20+$0xCD20];
	_ =	sdelay $0x4  }
0x36: {  	v1 =	vadd.f32 v1, v2;
	_ =	sdelay $0x1  }
0x37: {  	v2 =	vld [tilespmem:$0xCEB0];
	[tilespmem:$0xCEA0] =	vst v1  }
0x38: {  	v1 =	vld [tilespmem:s20+$0xCD30];
	_ =	sdelay $0x4  }
0x39: {  	v1 =	vadd.f32 v1, v2;
	_ =	sdelay $0x1  }
0x3a: {  	v2 =	vld [tilespmem:$0xCEC0];
	[tilespmem:$0xCEB0] =	vst v1  }
0x3b: {  	v1 =	vld [tilespmem:s20+$0xCD40];
	_ =	sdelay $0x4  }
0x3c: {  	v1 =	vadd.f32 v1, v2;
	_ =	sdelay $0x1  }
0x3d: {  	v2 =	vld [tilespmem:$0xCED0];
	[tilespmem:$0xCEC0] =	vst v1  }
0x3e: {  	v1 =	vld [tilespmem:s20+$0xCD50];
	_ =	sdelay $0x4  }
0x3f: {  	v1 =	vadd.f32 v1, v2;
	_ =	sdelay $0x1  }
0x40: {  	v2 =	vld [tilespmem:$0xCEE0];
	[tilespmem:$0xCED0] =	vst v1  }
0x41: {  	v1 =	vld [tilespmem:s20+$0xCD60];
	_ =	sdelay $0x1  }
0x42: {  	s31 =	simm.s32 $0x1  }
0x43: {  	s21 =	smul.u32 $0xAB, s31;
	_ =	sdelay $0x1  }
0x44: {  	s21 =	sshrl.u32 s21, $0x9;
	v2 =	vadd.f32 v1, v2  }
0x45: {  	s21 =	sand.u32 $0x7F, s21  }
0x46: {  	p1 =	por $0x0, $0x0;
	s25 =	simm.s32 $0x3;
	s21 =	smul.u32 $0x3, s21;
	v1 =	vld [tilespmem:$0xCEF0];
	[tilespmem:$0xCEE0] =	vst v2  }
0x47: {  	p2 =	por @!p1 $0x0, $0x0;
	s24 =	smul.u32 @!p1 $0xAB, s25;
	s22 =	simm.s32 $0x2;
	v2 =	vld [tilespmem:s20+$0xCD70]  }
0x48: {  	s23 =	ssub.s32 $0x1, s21;
	s21 =	sadd.s32 $0x10000, s8;
	s20 =	simm.s32 $0x180  }
.LBB2_2:
0x49: {  	s26 =	sand.u32 $0xFF, s23  }
0x4a: {  	s24 =	sshrl.u32 @!p1 s24, $0x9;
	s23 =	smov.u32 s22;
	s22 =	sadd.s32 $0x1, s22  }
0x4b: {  	s28 =	sadd.s32 $0x1, s26;
	s29 =	sshll.u32 s26, $0xE;
	s24 =	sand.u32 @!p1 $0x7F, s24  }
0x4c: {  	p0 =	sne.s32 s22, $0x1A;
	s24 =	smul.u32 @!p1 $0x3, s24;
	v1 =	vadd.f32 v2, v1;
	_ =	sdelay $0x1  }
0x4d: {  	s30 =	sadd.s32 $0x7, s26;
	s29 =	sor.u32 $0xD00, s29;
	[tilespmem:$0xCEF0] =	vst v1  }
0x4e: {  	s24 =	ssub.s32 @!p1 s25, s24;
	_ =	swait.ge [sflag:s28], $0x4000  }
0x4f: {  	p2 =	por p2, p1;
	s24 =	sand.u32 @!p1 $0xFF, s24;
	[sflag:s28] =	ssyncset.done $0x0  }
0x50: {  	s25 =	sadd.s32 @!p2 $0x7, s24;
	[sflag:s28] =	ssyncadd.s32 $0xFFFFC000;
	s28 =	sshll.u32 @!p1 s24, $0xE  }
0x51: {  	[hbm4b:s21+s2] =	stream.linear.scatter [tilespmem:s29], [sflag:s30], $0x4000, $0x38;
	[tilespmem:$0xCF00] =	vst v63  }
0x52: {  	s29 =	sshll.u32 @!p1 s24, $0x7;
	_ =	swait.ge @!p2 [sflag:s25], $0x4000  }
0x53: {  	s30 =	simm.s32 @!p1 $0x80;
	[sflag:s25] =	ssyncset.done @!p2 $0x0  }
0x54: {  	[sflag:s25] =	ssyncadd.s32 @!p2 $0xFFFFC000;
	s25 =	sor.u32 @!p1 $0xD00, s28;
	s28 =	sadd.s32 @!p1 $0x1, s24  }
0x55: {  	[tilespmem:s25], [sflag:s28] =	stream.indirect.gather @!p1 [hbm4b:s4+s30], $0x80, s20, s30, $0xb8;
	[tilespmem:$0xCF00] =	vst v63  }
0x56: {  	s24 =	sadd.s32 @!p1 $0x4, s24;
	s25 =	sadd.s32 @!p1 $0xCD00, s29;
	s28 =	sadd.s32 $0x4, s26  }
0x57: {  	[tilespmem:s25], [sflag:s24] =	stream.indirect.gather @!p1 [hbm4b:s3+s30], $0x1, s20, s30, $0xb8;
	[tilespmem:$0xCF00] =	vst v63  }
0x58: {  	_ =	swait.ge [sflag:s28], $0x80  }
0x59: {  	[sflag:s28] =	ssyncset.done $0x0  }
0x5a: {  	s24 =	sshll.u32 s26, $0x7;
	[sflag:s28] =	ssyncadd.s32 $0xFFFFFF80  }
0x5b: {  	v1 =	vld [tilespmem:$0xCE80]  }
0x5c: {  	v2 =	vld [tilespmem:s24+$0xCD00]  }
0x5d: {  	v3 =	vld [tilespmem:$0xCE90]  }
0x5e: {  	v4 =	vld [tilespmem:$0xCEA0]  }
0x5f: {  	v5 =	vld [tilespmem:$0xCEB0]  }
0x60: {  	v6 =	vld [tilespmem:$0xCEC0]  }
0x61: {  	v1 =	vadd.f32 v2, v1;
	v2 =	vld [tilespmem:$0xCED0]  }
0x62: {  	v7 =	vld [tilespmem:$0xCEE0]  }
0x63: {  	[tilespmem:$0xCE80] =	vst v1;
	v1 =	vld [tilespmem:$0xCEF0]  }
0x64: {  	v8 =	vld [tilespmem:s24+$0xCD10];
	_ =	sdelay $0x4  }
0x65: {  	v3 =	vadd.f32 v8, v3;
	_ =	sdelay $0x1  }
0x66: {  	[tilespmem:$0xCE90] =	vst v3  }
0x67: {  	v3 =	vld [tilespmem:s24+$0xCD20];
	_ =	sdelay $0x4  }
0x68: {  	v3 =	vadd.f32 v3, v4;
	_ =	sdelay $0x1  }
0x69: {  	[tilespmem:$0xCEA0] =	vst v3  }
0x6a: {  	v3 =	vld [tilespmem:s24+$0xCD30];
	_ =	sdelay $0x4  }
0x6b: {  	v3 =	vadd.f32 v3, v5;
	_ =	sdelay $0x1  }
0x6c: {  	[tilespmem:$0xCEB0] =	vst v3  }
0x6d: {  	v3 =	vld [tilespmem:s24+$0xCD40];
	_ =	sdelay $0x4  }
0x6e: {  	v3 =	vadd.f32 v3, v6;
	_ =	sdelay $0x1  }
0x6f: {  	[tilespmem:$0xCEC0] =	vst v3  }
0x70: {  	v3 =	vld [tilespmem:s24+$0xCD50];
	_ =	sdelay $0x4  }
0x71: {  	v2 =	vadd.f32 v3, v2;
	_ =	sdelay $0x1  }
0x72: {  	[tilespmem:$0xCED0] =	vst v2  }
0x73: {  	v2 =	vld [tilespmem:s24+$0xCD60];
	_ =	sdelay $0x3  }
0x74: {  	s25 =	smul.u32 $0xAB, s23  }
0x75: {  	v2 =	vadd.f32 v2, v7  }
.Ltmp0:
0x76: {  	s25 =	sshrl.u32 s25, $0x9;
	(pc) =	sbr.rel @p0 .LBB2_2-.Ltmp0, $4  }
0x77: {  	s26 =	sand.u32 $0x7F, s25;
	s25 =	sadd.s32 $0x2, s23;
	[tilespmem:$0xCEE0] =	vst v2  }
0x78: {  	p1 =	sgt.u32 s23, $0x17;
	s26 =	smul.u32 $0x3, s26;
	v2 =	vld [tilespmem:s24+$0xCD70]  }
0x79: {  	p2 =	seq.s32 @!p1 s23, $0x0;
	s24 =	smul.u32 @!p1 $0xAB, s25  }
0x7a: {  	s21 =	sadd.s32 $0x10000, s21;
	s20 =	sadd.s32 $0x80, s20;
	s23 =	ssub.s32 s23, s26  }
0x7b: {  	_ = 	snop  }
0x7c: {  	s22 =	sshrl.u32 @!p1 s24, $0x9  }
0x7d: {  	s22 =	sand.u32 @!p1 $0x7F, s22;
	v1 =	vadd.f32 v2, v1  }
0x7e: {  	s23 =	sand.u32 $0xFF, s23;
	s22 =	smul.u32 @!p1 $0x3, s22  }
0x7f: {  	p0 =	por p2, p1;
	s31 =	sadd.s32 $0x1, s23;
	[tilespmem:$0xCEF0] =	vst v1  }
0x80: {  	s26 =	sshll.u32 s23, $0xE;
	s22 =	ssub.s32 @!p1 s25, s22;
	_ =	swait.ge [sflag:s31], $0x4000  }
0x81: {  	s28 =	sadd.s32 $0x7, s23;
	s22 =	sand.u32 @!p1 $0xFF, s22;
	[sflag:s31] =	ssyncset.done $0x0  }
0x82: {  	s29 =	sor.u32 $0xD00, s26;
	s24 =	sadd.s32 @!p0 $0x7, s22;
	[sflag:s31] =	ssyncadd.s32 $0xFFFFC000  }
0x83: {  	[hbm4b:s21+s2] =	stream.linear.scatter [tilespmem:s29], [sflag:s28], $0x4000, $0x38;
	[tilespmem:$0xCF00] =	vst v63  }
0x84: {  	s26 =	simm.s32 @!p1 $0x80;
	_ =	swait.ge @!p0 [sflag:s24], $0x4000  }
0x85: {  	s25 =	sshll.u32 @!p1 s22, $0x7;
	s21 =	sshll.u32 @!p1 s22, $0xE;
	[sflag:s24] =	ssyncset.done @!p0 $0x0  }
0x86: {  	s21 =	sor.u32 @!p1 $0xD00, s21;
	[sflag:s24] =	ssyncadd.s32 @!p0 $0xFFFFC000;
	s24 =	sadd.s32 @!p1 $0x1, s22  }
0x87: {  	[tilespmem:s21], [sflag:s24] =	stream.indirect.gather @!p1 [hbm4b:s4+s26], $0x80, s20, s26, $0xb8;
	[tilespmem:$0xCF00] =	vst v63  }
0x88: {  	s30 =	sadd.s32 $0x4, s23;
	s22 =	sadd.s32 @!p1 $0x4, s22;
	s21 =	sadd.s32 @!p1 $0xCD00, s25  }
0x89: {  	[tilespmem:s21], [sflag:s22] =	stream.indirect.gather @!p1 [hbm4b:s3+s26], $0x1, s20, s26, $0xb8;
	[tilespmem:$0xCF00] =	vst v63  }
0x8a: {  	_ =	swait.ge [sflag:s30], $0x80  }
0x8b: {  	[sflag:s30] =	ssyncset.done $0x0  }
0x8c: {  	[sflag:s30] =	ssyncadd.s32 $0xFFFFFF80  }
0x8d: {  	s31 =	sshll.u32 s23, $0x7;
	v1 =	vld [tilespmem:$0xCE80]  }
0x8e: {  	v2 =	vld [tilespmem:s31+$0xCD00];
	_ =	sdelay $0x4  }
0x8f: {  	v1 =	vadd.f32 v2, v1;
	_ =	sdelay $0x1  }
0x90: {  	v2 =	vld [tilespmem:$0xCE90];
	[tilespmem:$0xCE80] =	vst v1  }
0x91: {  	v1 =	vld [tilespmem:s31+$0xCD10];
	_ =	sdelay $0x4  }
0x92: {  	v1 =	vadd.f32 v1, v2;
	_ =	sdelay $0x1  }
0x93: {  	v2 =	vld [tilespmem:$0xCEA0];
	[tilespmem:$0xCE90] =	vst v1  }
0x94: {  	v1 =	vld [tilespmem:s31+$0xCD20];
	_ =	sdelay $0x4  }
0x95: {  	v1 =	vadd.f32 v1, v2;
	_ =	sdelay $0x1  }
0x96: {  	v2 =	vld [tilespmem:$0xCEB0];
	[tilespmem:$0xCEA0] =	vst v1  }
0x97: {  	v1 =	vld [tilespmem:s31+$0xCD30];
	_ =	sdelay $0x4  }
0x98: {  	v1 =	vadd.f32 v1, v2;
	_ =	sdelay $0x1  }
0x99: {  	v2 =	vld [tilespmem:$0xCEC0];
	[tilespmem:$0xCEB0] =	vst v1  }
0x9a: {  	v1 =	vld [tilespmem:s31+$0xCD40];
	_ =	sdelay $0x4  }
0x9b: {  	v1 =	vadd.f32 v1, v2;
	_ =	sdelay $0x1  }
0x9c: {  	v2 =	vld [tilespmem:$0xCED0];
	[tilespmem:$0xCEC0] =	vst v1  }
0x9d: {  	v1 =	vld [tilespmem:s31+$0xCD50];
	_ =	sdelay $0x4  }
0x9e: {  	v1 =	vadd.f32 v1, v2;
	_ =	sdelay $0x1  }
0x9f: {  	v2 =	vld [tilespmem:$0xCEE0];
	[tilespmem:$0xCED0] =	vst v1  }
0xa0: {  	v1 =	vld [tilespmem:s31+$0xCD60];
	_ =	sdelay $0x4  }
0xa1: {  	v1 =	vadd.f32 v1, v2;
	_ =	sdelay $0x1  }
0xa2: {  	v2 =	vld [tilespmem:$0xCEF0];
	[tilespmem:$0xCEE0] =	vst v1  }
0xa3: {  	v1 =	vld [tilespmem:s31+$0xCD70];
	_ =	sdelay $0x4  }
0xa4: {  	v1 =	vadd.f32 v1, v2;
	_ =	sdelay $0x1  }
0xa5: {  	[tilespmem:$0xCEF0] =	vst v1  }
0xa6: {  	_ =	swait.ge [sflag:s15], $0x4000  }
0xa7: {  	[sflag:s15] =	ssyncset.done $0x0  }
0xa8: {  	[sflag:s15] =	ssyncadd.s32 $0xFFFFC000  }
0xa9: {  	_ =	swait.ge [sflag:s16], $0x4000  }
0xaa: {  	[sflag:s16] =	ssyncset.done $0x0  }
0xab: {  	[sflag:s16] =	ssyncadd.s32 $0xFFFFC000  }
0xac: {  	s19 =	sadd.s32 $0x1, s19;
	_ =	swait.ge [sflag:s17], $0x4000  }
0xad: {  	p0 =	sne.s32 s19, s7;
	[sflag:s17] =	ssyncset.done $0x0  }
.Ltmp1:
0xae: {  	[sflag:s17] =	ssyncadd.s32 $0xFFFFC000;
	(pc) =	sbr.rel @p0 .LBB2_1-.Ltmp1, $4  }
0xaf: {  	[hbm4b:s6+s2] =	stream.linear.scatter [tilespmem:s18], [sflag:$0xA], $0x80, $0x38;
	[tilespmem:$0xCF00] =	vst v63  }
0xb0: {  	_ =	swait.ge [sflag:s9], $0x80  }
0xb1: {  	[sflag:s9] =	ssyncset.done $0x0  }
0xb2: {  	[sflag:s9] =	ssyncadd.s32 $0xFFFFFF80  }
0xb3: {  	_ =	sfence.sel $0x180000  }
0xb4: {  	[bflag:$0x0] =	sbarrier.arrive $0xFFFF  }
0xb5: {  	p0 =	sne.s32 s0, $0x0;
	_ =	strace $0x90000050  }
0xb6: {  	s0 =	sadd.s32 @!p0 $0x100000, s1;
	[bflag:$0x2] =	sbarrier.arrive $0xFFFF  }
0xb7: {  	[sflag:s0] =	ssyncadd.tile.s32 @!p0 $0x1;
	_ =	shalt  }
.Lfunc_end2:
_tile_overlayer_lowered:
.L_overlay_start_2:
0xb8: {  	(tag) =	ssettag $0x2  }
0xb9: {  	s0 =	rddreg [dreg:$0x0];
	s2 =	stileid.u32  }
0xba: {  	s1 =	rddreg [dreg:$0x1];
	p0 =	sne.s32 s2, $0x0  }
0xbb: {  	s3 =	rddreg [dreg:$0x2];
	[bflag:$0x3] =	sbarrier.arrive $0xFFFF;
	s2 =	simm.s32 @!p0 $0x1C0A  }
0xbc: {  	[timem:s3], [sflag:s2] =	dma.local @!p0 [hbm:s0], s1  }
0xbd: {  	s0 =	simm.s32 @!p0 $0xA  }
0xbe: {  	_ =	swait.ge @!p0 [sflag:s0], s1  }
0xbf: {  	s1 =	ssub.s32 @!p0 $0x0, s1;
	[sflag:s0] =	ssyncset.done @!p0 $0x0  }
0xc0: {  	[sflag:s0] =	ssyncadd.s32 @!p0 s1  }
0xc1: {  	[bflag:$0x3] =	sbarrier.arrive $0xFFFF  }
0xc2: {  	_ =	shalt  }

</sc_bundles>
